<compile_context>
chip_gen: v7x
topology: tpu7x:2x2x1
jax: 0.10.2.dev20260603
libtpu: 0.0.44.dev20260713+nightly
codegen_flags: <defaults>
</compile_context>

<pallas_src>
import dataclasses

import jax
import jax.numpy as jnp
from jax import lax
from jax.experimental import pallas as pl
from jax.experimental.pallas import tpu as pltpu
from jax.experimental.pallas import tpu_sc as plsc

B, L = 1024, 200
N = B * L
WORD_D = 64
AUX_D = 32
AUXS_D = 4 * AUX_D
OUT_D = WORD_D + AUXS_D

POS_V, NER_V, DEPREL_V = 56, 24, 48
MAX_SRC = 200
AUX_BASE = (0, POS_V, POS_V + NER_V, POS_V + NER_V + DEPREL_V)
AUX_ROWS = POS_V + NER_V + DEPREL_V + MAX_SRC + 1
AUX_ROWS_PAD = 336

NUM_CORES = 2
NUM_SUBCORES = 16
NW = NUM_CORES * NUM_SUBCORES
PER_W = N // NW
CHUNK = 128
NCHUNK = PER_W // CHUNK

LANES = 16


def _emb_kernel(word_hbm, auxtab_hbm, idx_hbm, out_hbm,
                idx_v, aux_t, wbuf0, wbuf1, abuf0, abuf1, gsem, wsem):
    wid = lax.axis_index("s") * NUM_CORES + lax.axis_index("c")
    crow = wid * NCHUNK

    pltpu.sync_copy(idx_hbm.at[:, pl.ds(crow, NCHUNK)], idx_v)
    pltpu.sync_copy(auxtab_hbm, aux_t)

    wbufs = (wbuf0, wbuf1)
    abufs = (abuf0, abuf1)

    io0 = lax.iota(jnp.int32, LANES)
    io1 = io0 + LANES

    def aux_fill(i, abuf):
        @pl.loop(0, CHUNK // LANES)
        def _(g):
            t0 = g * LANES
            for k in range(4):
                vec = idx_v[k + 1, i, pl.ds(t0, LANES)] + AUX_BASE[k]
                for j in range(LANES):
                    v = jnp.broadcast_to(vec[j], (LANES,))
                    lo = plsc.load_gather(aux_t, [v, io0])
                    hi = plsc.load_gather(aux_t, [v, io1])
                    abuf[t0 + j, pl.ds(k * AUX_D, LANES)] = lo
                    abuf[t0 + j, pl.ds(k * AUX_D + LANES, LANES)] = hi

    def wb_drain(s):
        pltpu.make_async_copy(
            wbufs[s], out_hbm.at[pl.ds(0, CHUNK), pl.ds(0, WORD_D)],
            wsem).wait()
        pltpu.make_async_copy(
            abufs[s], out_hbm.at[pl.ds(0, CHUNK), pl.ds(WORD_D, AUXS_D)],
            wsem).wait()

    def do_chunk(i, s):
        gh = pltpu.async_copy(
            word_hbm.at[idx_v.at[0, i]], wbufs[s], gsem)
        aux_fill(i, abufs[s])
        gh.wait()
        row0 = (crow + i) * CHUNK
        pltpu.async_copy(
            wbufs[s], out_hbm.at[pl.ds(row0, CHUNK), pl.ds(0, WORD_D)], wsem)
        pltpu.async_copy(
            abufs[s], out_hbm.at[pl.ds(row0, CHUNK), pl.ds(WORD_D, AUXS_D)],
            wsem)

    @pl.loop(0, NCHUNK // 2)
    def _(m):
        for s in (0, 1):
            @pl.when(m > 0)
            def _():
                wb_drain(s)
            do_chunk(2 * m + s, s)

    wb_drain(0)
    wb_drain(1)


def _compiler_params():
    cp = pltpu.CompilerParams(use_tc_tiling_on_sc=False)
    if "needs_layout_passes" in pltpu.CompilerParams.__dataclass_fields__:
        cp = dataclasses.replace(cp, needs_layout_passes=False)
    return cp


@jax.jit
def kernel(word_table, pos_table, ner_table, deprel_table, position_table,
           word_rep, pos_rep, ner_rep, deprel_rep, position_rep):
    aux_tab = jnp.concatenate(
        [pos_table, ner_table, deprel_table, position_table,
         jnp.zeros((AUX_ROWS_PAD - AUX_ROWS, AUX_D), jnp.float32)], axis=0)
    idx = jnp.stack(
        [word_rep.reshape(N // CHUNK, CHUNK).astype(jnp.int32),
         pos_rep.reshape(N // CHUNK, CHUNK).astype(jnp.int32),
         ner_rep.reshape(N // CHUNK, CHUNK).astype(jnp.int32),
         deprel_rep.reshape(N // CHUNK, CHUNK).astype(jnp.int32),
         position_rep.reshape(N // CHUNK, CHUNK).astype(jnp.int32)], axis=0)

    mesh = plsc.VectorSubcoreMesh(core_axis_name="c", subcore_axis_name="s")
    run = pl.kernel(
        _emb_kernel,
        out_type=jax.ShapeDtypeStruct((N, OUT_D), jnp.float32),
        mesh=mesh,
        compiler_params=_compiler_params(),
        scratch_types=(
            [pltpu.VMEM((5, NCHUNK, CHUNK), jnp.int32),
             pltpu.VMEM((AUX_ROWS_PAD, AUX_D), jnp.float32)]
            + [pltpu.VMEM((CHUNK, WORD_D), jnp.float32) for _ in range(2)]
            + [pltpu.VMEM((CHUNK, AUXS_D), jnp.float32) for _ in range(2)]
            + [pltpu.SemaphoreType.DMA] * 2
        ),
    )
    out = run(word_table, aux_tab, idx)
    return out.reshape(B, L, OUT_D)

# --- scband reference (transcript-rebuilt; emitter-appended) ---
"""Pipeline reference for scband-embedder-48180943127300 (READ-ONLY COPY).

The authoritative reference and input builder live on the scoring server;
editing this copy changes nothing except your own understanding.
"""

import jax, jax.numpy as jnp
import numpy as np

B, L = 1024, 200
WORD_V, WORD_D = 1000000, 64
POS_V, NER_V, DEPREL_V = 56, 24, 48
AUX_D = 32
MAX_SRC = 200
PAD = 0


def setup_inputs(seed: int = 0):
    key = jax.random.key(seed)
    ks = jax.random.split(key, 10)
    word_rep = jax.random.randint(ks[0], (B, L), 0, WORD_V)
    pos_rep = jax.random.randint(ks[1], (B, L), 0, POS_V)
    ner_rep = jax.random.randint(ks[2], (B, L), 0, NER_V)
    deprel_rep = jax.random.randint(ks[3], (B, L), 0, DEPREL_V)
    position_rep = jax.random.randint(ks[4], (B, L), 0, MAX_SRC)
    word_table = jax.random.uniform(ks[5], (WORD_V, WORD_D), minval=-1.0, maxval=1.0, dtype=jnp.float32)
    word_table = word_table.at[PAD].set(0.0)
    pos_table = jax.random.normal(ks[6], (POS_V, AUX_D), dtype=jnp.float32).at[PAD].set(0.0)
    ner_table = jax.random.normal(ks[7], (NER_V, AUX_D), dtype=jnp.float32).at[PAD].set(0.0)
    deprel_table = jax.random.normal(ks[8], (DEPREL_V, AUX_D), dtype=jnp.float32).at[PAD].set(0.0)
    position_table = jax.random.normal(ks[9], (MAX_SRC + 1, AUX_D), dtype=jnp.float32).at[MAX_SRC].set(0.0)
    return {
        'word_table': word_table,
        'pos_table': pos_table,
        'ner_table': ner_table,
        'deprel_table': deprel_table,
        'position_table': position_table,
        'word_rep': word_rep,
        'pos_rep': pos_rep,
        'ner_rep': ner_rep,
        'deprel_rep': deprel_rep,
        'position_rep': position_rep,
    }


def reference(word_table, pos_table, ner_table, deprel_table, position_table, word_rep, pos_rep, ner_rep, deprel_rep, position_rep):
    # comb_emb_type == 'concat'; dropout is identity in eval mode
    embs = [
        jnp.take(word_table, word_rep, axis=0),
        jnp.take(pos_table, pos_rep, axis=0),
        jnp.take(ner_table, ner_rep, axis=0),
        jnp.take(deprel_table, deprel_rep, axis=0),
        jnp.take(position_table, position_rep, axis=0),
    ]
    return jnp.concatenate(embs, axis=-1)

if __name__ == "__main__":
    import jax
    _d = setup_inputs()
    print(jax.jit(kernel)(*tuple(_d.values())))

</pallas_src>

<mosaic_0001>
#map = affine_map<(d0, d1) -> (0, 0)>
#map1 = affine_map<(d0, d1) -> (0, 0, 0)>
module attributes {stable_mosaic.version = 14 : i64} {
  func.func @_emb_kernel(%arg0: i32, %arg1: i32, %arg2: memref<1000000x64xf32, #tpu.memory_space<hbm>>, %arg3: memref<336x32xf32, #tpu.memory_space<hbm>>, %arg4: memref<5x1600x128xi32, #tpu.memory_space<hbm>>, %arg5: memref<204800x192xf32, #tpu.memory_space<hbm>>, %arg6: memref<5x50x128xi32, #tpu.memory_space<vmem>>, %arg7: memref<336x32xf32, #tpu.memory_space<vmem>>, %arg8: memref<128x64xf32, #tpu.memory_space<vmem>>, %arg9: memref<128x64xf32, #tpu.memory_space<vmem>>, %arg10: memref<128x128xf32, #tpu.memory_space<vmem>>, %arg11: memref<128x128xf32, #tpu.memory_space<vmem>>, %arg12: memref<!tpu.dma_semaphore, #tpu.memory_space<semaphore_mem>>, %arg13: memref<!tpu.dma_semaphore, #tpu.memory_space<semaphore_mem>>) attributes {dimension_semantics = [#tpu.dimension_semantics<core_parallel>, #tpu.dimension_semantics<subcore_parallel>], iteration_bounds = array<i64: 2, 16>, scalar_prefetch = 0 : i64, scratch_operands = 8 : i64, tpu.core_type = #tpu.core_type<sc_vector_subcore>, window_params = [{transform_indices = #map}, {transform_indices = #map}, {transform_indices = #map1}, {transform_indices = #map}]} {
    %mul3A = arith.constant 2 : i32
    %mul3A_0 = arith.muli %arg1, %mul3A : i32
    %add3A = arith.addi %mul3A_0, %arg0 : i32
    %mul3A_1 = arith.constant 50 : i32
    %mul3A_2 = arith.muli %add3A, %mul3A_1 : i32
    "tpu.region"() ({
      %run_scoped3A = tpu.sem_alloc : memref<!tpu.dma_semaphore, #tpu.memory_space<semaphore_mem>>
      %dma_start3A = arith.constant 0 : i32
      %dma_start3A_33 = arith.constant 0 : i32
      %dma_start3A_34 = tpu.memref_slice %arg4[%dma_start3A, %mul3A_2, %dma_start3A_33] : memref<5x1600x128xi32, #tpu.memory_space<hbm>> -> memref<5x50x128xi32, #tpu.memory_space<hbm>>
      %dma_start3A_35 = arith.constant 0 : i32
      %dma_start3A_36 = arith.constant 0 : i32
      %dma_start3A_37 = tpu.memref_slice %arg4[%dma_start3A_35, %mul3A_2, %dma_start3A_36] : memref<5x1600x128xi32, #tpu.memory_space<hbm>> -> memref<5x50x128xi32, #tpu.memory_space<hbm>>
      tpu.enqueue_dma source(%dma_start3A_37 : memref<5x50x128xi32, #tpu.memory_space<hbm>>) target(%arg6 : memref<5x50x128xi32, #tpu.memory_space<vmem>>) target_semaphore(%run_scoped3A : memref<!tpu.dma_semaphore, #tpu.memory_space<semaphore_mem>>)
      %dma_wait3A_38 = arith.constant 0 : i32
      %dma_wait3A_39 = arith.constant 0 : i32
      %dma_wait3A_40 = tpu.memref_slice %arg4[%dma_wait3A_38, %mul3A_2, %dma_wait3A_39] : memref<5x1600x128xi32, #tpu.memory_space<hbm>> -> memref<5x50x128xi32, #tpu.memory_space<hbm>>
      %dma_wait3A_41 = arith.constant 0 : i32
      %dma_wait3A_42 = arith.constant 0 : i32
      %dma_wait3A_43 = tpu.memref_slice %arg4[%dma_wait3A_41, %mul3A_2, %dma_wait3A_42] : memref<5x1600x128xi32, #tpu.memory_space<hbm>> -> memref<5x50x128xi32, #tpu.memory_space<hbm>>
      tpu.wait_dma2 semaphore(%run_scoped3A : memref<!tpu.dma_semaphore, #tpu.memory_space<semaphore_mem>>) src(%dma_wait3A_43 : memref<5x50x128xi32, #tpu.memory_space<hbm>>) dst(%arg6 : memref<5x50x128xi32, #tpu.memory_space<vmem>>)
      tpu.yield
    }) : () -> ()
    "tpu.region"() ({
      %run_scoped3A = tpu.sem_alloc : memref<!tpu.dma_semaphore, #tpu.memory_space<semaphore_mem>>
      tpu.enqueue_dma source(%arg3 : memref<336x32xf32, #tpu.memory_space<hbm>>) target(%arg7 : memref<336x32xf32, #tpu.memory_space<vmem>>) target_semaphore(%run_scoped3A : memref<!tpu.dma_semaphore, #tpu.memory_space<semaphore_mem>>)
      tpu.wait_dma2 semaphore(%run_scoped3A : memref<!tpu.dma_semaphore, #tpu.memory_space<semaphore_mem>>) src(%arg3 : memref<336x32xf32, #tpu.memory_space<hbm>>) dst(%arg7 : memref<336x32xf32, #tpu.memory_space<vmem>>)
      tpu.yield
    }) : () -> ()
    %iota3A = tpu.iota {dimensions = array<i32: 0>} : vector<16xi32>
    %add3A_3 = arith.constant 16 : i32
    %add3A_4 = vector.broadcast %add3A_3 : i32 to vector<16xi32>
    %add3A_5 = arith.addi %iota3A, %add3A_4 : vector<16xi32>
    %scan3A = arith.constant 0 : i32
    %scan3A_6 = arith.constant 25 : i32
    %scan3A_7 = arith.addi %scan3A, %scan3A_6 : i32
    %scan3A_8 = arith.constant 1 : i32
    scf.for %scan3A_33 = %scan3A to %scan3A_7 step %scan3A_8  : i32 {
      %mul3A_34 = arith.constant 1 : i32
      %mul3A_35 = arith.muli %scan3A_33, %mul3A_34 : i32
      %add3A_36 = arith.constant 0 : i32
      %add3A_37 = arith.addi %add3A_36, %mul3A_35 : i32
      %gt3A = arith.constant 0 : i32
      %gt3A_38 = arith.cmpi sgt, %add3A_37, %gt3A : i32
      %convert_element_type3A = arith.extui %gt3A_38 : i1 to i32
      %cond3A = arith.constant 0 : i32
      %cond3A_39 = arith.cmpi ne, %convert_element_type3A, %cond3A : i32
      scf.if %cond3A_39 {
        %dma_wait3A_112 = arith.constant 0 : i32
        %dma_wait3A_113 = arith.constant 0 : i32
        %dma_wait3A_114 = tpu.memref_slice %arg5[%dma_wait3A_112, %dma_wait3A_113] : memref<204800x192xf32, #tpu.memory_space<hbm>> -> memref<128x64xf32, #tpu.memory_space<hbm>>
        %dma_wait3A_115 = arith.constant 0 : i32
        %dma_wait3A_116 = arith.constant 0 : i32
        %dma_wait3A_117 = tpu.memref_slice %arg5[%dma_wait3A_115, %dma_wait3A_116] : memref<204800x192xf32, #tpu.memory_space<hbm>> -> memref<128x64xf32, #tpu.memory_space<hbm>>
        tpu.wait_dma2 semaphore(%arg13 : memref<!tpu.dma_semaphore, #tpu.memory_space<semaphore_mem>>) src(%arg8 : memref<128x64xf32, #tpu.memory_space<vmem>>) dst(%dma_wait3A_117 : memref<128x64xf32, #tpu.memory_space<hbm>>)
        %dma_wait3A_118 = arith.constant 0 : i32
        %dma_wait3A_119 = arith.constant 64 : i32
        %dma_wait3A_120 = tpu.memref_slice %arg5[%dma_wait3A_118, %dma_wait3A_119] : memref<204800x192xf32, #tpu.memory_space<hbm>> -> memref<128x128xf32, #tpu.memory_space<hbm>>
        %dma_wait3A_121 = arith.constant 0 : i32
        %dma_wait3A_122 = arith.constant 64 : i32
        %dma_wait3A_123 = tpu.memref_slice %arg5[%dma_wait3A_121, %dma_wait3A_122] : memref<204800x192xf32, #tpu.memory_space<hbm>> -> memref<128x128xf32, #tpu.memory_space<hbm>>
        tpu.wait_dma2 semaphore(%arg13 : memref<!tpu.dma_semaphore, #tpu.memory_space<semaphore_mem>>) src(%arg10 : memref<128x128xf32, #tpu.memory_space<vmem>>) dst(%dma_wait3A_123 : memref<128x128xf32, #tpu.memory_space<hbm>>)
      } else {
      }
      %mul3A_40 = arith.constant 2 : i32
      %mul3A_41 = arith.muli %mul3A_40, %add3A_37 : i32
      %add3A_42 = arith.constant 0 : i32
      %add3A_43 = arith.addi %mul3A_41, %add3A_42 : i32
      %dma_start3A = arith.constant 0 : i32
      %dma_start3A_44 = arith.constant 0 : i32
      %dma_start3A_45 = tpu.memref_slice %arg6[%dma_start3A, %add3A_43, %dma_start3A_44] : memref<5x50x128xi32, #tpu.memory_space<vmem>> -> memref<1x1x128xi32, #tpu.memory_space<vmem>>
      %dma_start3A_46 = tpu.memref_squeeze %dma_start3A_45 : memref<1x1x128xi32, #tpu.memory_space<vmem>> -> memref<128xi32, #tpu.memory_space<vmem>>
      %dma_start3A_47 = arith.constant 0 : i32
      %dma_start3A_48 = arith.constant 0 : i32
      %dma_start3A_49 = tpu.memref_slice %arg2[%dma_start3A_47, %dma_start3A_48] : memref<1000000x64xf32, #tpu.memory_space<hbm>> -> memref<1000000x64xf32, #tpu.memory_space<hbm>>
      tpu.enqueue_indirect_dma source(%dma_start3A_49 : memref<1000000x64xf32, #tpu.memory_space<hbm>>) target(%arg8 : memref<128x64xf32, #tpu.memory_space<vmem>>) offsets(%dma_start3A_46 : memref<128xi32, #tpu.memory_space<vmem>>) semaphore(%arg12 : memref<!tpu.dma_semaphore, #tpu.memory_space<semaphore_mem>>)
      %scan3A_50 = arith.constant 0 : i32
      %scan3A_51 = arith.constant 8 : i32
      %scan3A_52 = arith.addi %scan3A_50, %scan3A_51 : i32
      %scan3A_53 = arith.constant 1 : i32
      scf.for %scan3A_112 = %scan3A_50 to %scan3A_52 step %scan3A_53  : i32 {
        %mul3A_113 = arith.constant 1 : i32
        %mul3A_114 = arith.muli %scan3A_112, %mul3A_113 : i32
        %add3A_115 = arith.constant 0 : i32
        %add3A_116 = arith.addi %add3A_115, %mul3A_114 : i32
        %mul3A_117 = arith.constant 16 : i32
        %mul3A_118 = arith.muli %add3A_116, %mul3A_117 : i32
        %get3A = arith.constant 1 : i32
        %get3A_119 = arith.index_cast %get3A : i32 to index
        %get3A_120 = arith.index_cast %add3A_43 : i32 to index
        %get3A_121 = arith.index_cast %mul3A_118 : i32 to index
        %get3A_122 = tpu.vector_load %arg6[%get3A_119, %get3A_120, %get3A_121] {strides = array<i32>} : memref<5x50x128xi32, #tpu.memory_space<vmem>>, vector<16xi32>,
        %add3A_123 = arith.constant 0 : i32
        %add3A_124 = vector.broadcast %add3A_123 : i32 to vector<16xi32>
        %add3A_125 = arith.addi %get3A_122, %add3A_124 : vector<16xi32>
        %slice3A = vector.extract_strided_slice %add3A_125 {offsets = [0], sizes = [1], strides = [1]} : vector<16xi32> to vector<1xi32>
        %squeeze3A = vector.extract %slice3A[0] : i32 from vector<1xi32>
        %broadcast_in_dim3A = vector.broadcast %squeeze3A : i32 to vector<16xi32>
        %gather3A = tpu.vector_load_idx %arg7[%broadcast_in_dim3A, %iota3A] : memref<336x32xf32, #tpu.memory_space<vmem>>[vector<16xi32>, vector<16xi32>], vector<16xf32>,
        %gather3A_126 = tpu.vector_load_idx %arg7[%broadcast_in_dim3A, %add3A_5] : memref<336x32xf32, #tpu.memory_space<vmem>>[vector<16xi32>, vector<16xi32>], vector<16xf32>,
        %add3A_127 = arith.constant 0 : i32
        %add3A_128 = arith.addi %mul3A_118, %add3A_127 : i32
        %swap3A = arith.index_cast %add3A_128 : i32 to index
        %swap3A_129 = arith.constant 0 : index
        %swap3A_130 = tpu.vector_load %arg10[%swap3A, %swap3A_129] {strides = array<i32>} : memref<128x128xf32, #tpu.memory_space<vmem>>, vector<16xf32>,
        tpu.vector_store %arg10[%swap3A, %swap3A_129], %gather3A {strides = array<i32>} : memref<128x128xf32, #tpu.memory_space<vmem>>, vector<16xf32>,
        %add3A_131 = arith.constant 0 : i32
        %add3A_132 = arith.addi %mul3A_118, %add3A_131 : i32
        %swap3A_133 = arith.index_cast %add3A_132 : i32 to index
        %swap3A_134 = arith.constant 16 : index
        %swap3A_135 = tpu.vector_load %arg10[%swap3A_133, %swap3A_134] {strides = array<i32>} : memref<128x128xf32, #tpu.memory_space<vmem>>, vector<16xf32>,
        tpu.vector_store %arg10[%swap3A_133, %swap3A_134], %gather3A_126 {strides = array<i32>} : memref<128x128xf32, #tpu.memory_space<vmem>>, vector<16xf32>,
        %slice3A_136 = vector.extract_strided_slice %add3A_125 {offsets = [1], sizes = [1], strides = [1]} : vector<16xi32> to vector<1xi32>
        %squeeze3A_137 = vector.extract %slice3A_136[0] : i32 from vector<1xi32>
        %broadcast_in_dim3A_138 = vector.broadcast %squeeze3A_137 : i32 to vector<16xi32>
        %gather3A_139 = tpu.vector_load_idx %arg7[%broadcast_in_dim3A_138, %iota3A] : memref<336x32xf32, #tpu.memory_space<vmem>>[vector<16xi32>, vector<16xi32>], vector<16xf32>,
        %gather3A_140 = tpu.vector_load_idx %arg7[%broadcast_in_dim3A_138, %add3A_5] : memref<336x32xf32, #tpu.memory_space<vmem>>[vector<16xi32>, vector<16xi32>], vector<16xf32>,
        %add3A_141 = arith.constant 1 : i32
        %add3A_142 = arith.addi %mul3A_118, %add3A_141 : i32
        %swap3A_143 = arith.index_cast %add3A_142 : i32 to index
        %swap3A_144 = arith.constant 0 : index
        %swap3A_145 = tpu.vector_load %arg10[%swap3A_143, %swap3A_144] {strides = array<i32>} : memref<128x128xf32, #tpu.memory_space<vmem>>, vector<16xf32>,
        tpu.vector_store %arg10[%swap3A_143, %swap3A_144], %gather3A_139 {strides = array<i32>} : memref<128x128xf32, #tpu.memory_space<vmem>>, vector<16xf32>,
        %add3A_146 = arith.constant 1 : i32
        %add3A_147 = arith.addi %mul3A_118, %add3A_146 : i32
        %swap3A_148 = arith.index_cast %add3A_147 : i32 to index
        %swap3A_149 = arith.constant 16 : index
        %swap3A_150 = tpu.vector_load %arg10[%swap3A_148, %swap3A_149] {strides = array<i32>} : memref<128x128xf32, #tpu.memory_space<vmem>>, vector<16xf32>,
        tpu.vector_store %arg10[%swap3A_148, %swap3A_149], %gather3A_140 {strides = array<i32>} : memref<128x128xf32, #tpu.memory_space<vmem>>, vector<16xf32>,
        %slice3A_151 = vector.extract_strided_slice %add3A_125 {offsets = [2], sizes = [1], strides = [1]} : vector<16xi32> to vector<1xi32>
        %squeeze3A_152 = vector.extract %slice3A_151[0] : i32 from vector<1xi32>
        %broadcast_in_dim3A_153 = vector.broadcast %squeeze3A_152 : i32 to vector<16xi32>
        %gather3A_154 = tpu.vector_load_idx %arg7[%broadcast_in_dim3A_153, %iota3A] : memref<336x32xf32, #tpu.memory_space<vmem>>[vector<16xi32>, vector<16xi32>], vector<16xf32>,
        %gather3A_155 = tpu.vector_load_idx %arg7[%broadcast_in_dim3A_153, %add3A_5] : memref<336x32xf32, #tpu.memory_space<vmem>>[vector<16xi32>, vector<16xi32>], vector<16xf32>,
        %add3A_156 = arith.constant 2 : i32
        %add3A_157 = arith.addi %mul3A_118, %add3A_156 : i32
        %swap3A_158 = arith.index_cast %add3A_157 : i32 to index
        %swap3A_159 = arith.constant 0 : index
        %swap3A_160 = tpu.vector_load %arg10[%swap3A_158, %swap3A_159] {strides = array<i32>} : memref<128x128xf32, #tpu.memory_space<vmem>>, vector<16xf32>,
        tpu.vector_store %arg10[%swap3A_158, %swap3A_159], %gather3A_154 {strides = array<i32>} : memref<128x128xf32, #tpu.memory_space<vmem>>, vector<16xf32>,
        %add3A_161 = arith.constant 2 : i32
        %add3A_162 = arith.addi %mul3A_118, %add3A_161 : i32
        %swap3A_163 = arith.index_cast %add3A_162 : i32 to index
        %swap3A_164 = arith.constant 16 : index
        %swap3A_165 = tpu.vector_load %arg10[%swap3A_163, %swap3A_164] {strides = array<i32>} : memref<128x128xf32, #tpu.memory_space<vmem>>, vector<16xf32>,
        tpu.vector_store %arg10[%swap3A_163, %swap3A_164], %gather3A_155 {strides = array<i32>} : memref<128x128xf32, #tpu.memory_space<vmem>>, vector<16xf32>,
        %slice3A_166 = vector.extract_strided_slice %add3A_125 {offsets = [3], sizes = [1], strides = [1]} : vector<16xi32> to vector<1xi32>
        %squeeze3A_167 = vector.extract %slice3A_166[0] : i32 from vector<1xi32>
        %broadcast_in_dim3A_168 = vector.broadcast %squeeze3A_167 : i32 to vector<16xi32>
        %gather3A_169 = tpu.vector_load_idx %arg7[%broadcast_in_dim3A_168, %iota3A] : memref<336x32xf32, #tpu.memory_space<vmem>>[vector<16xi32>, vector<16xi32>], vector<16xf32>,
        %gather3A_170 = tpu.vector_load_idx %arg7[%broadcast_in_dim3A_168, %add3A_5] : memref<336x32xf32, #tpu.memory_space<vmem>>[vector<16xi32>, vector<16xi32>], vector<16xf32>,
        %add3A_171 = arith.constant 3 : i32
        %add3A_172 = arith.addi %mul3A_118, %add3A_171 : i32
        %swap3A_173 = arith.index_cast %add3A_172 : i32 to index
        %swap3A_174 = arith.constant 0 : index
        %swap3A_175 = tpu.vector_load %arg10[%swap3A_173, %swap3A_174] {strides = array<i32>} : memref<128x128xf32, #tpu.memory_space<vmem>>, vector<16xf32>,
        tpu.vector_store %arg10[%swap3A_173, %swap3A_174], %gather3A_169 {strides = array<i32>} : memref<128x128xf32, #tpu.memory_space<vmem>>, vector<16xf32>,
        %add3A_176 = arith.constant 3 : i32
        %add3A_177 = arith.addi %mul3A_118, %add3A_176 : i32
        %swap3A_178 = arith.index_cast %add3A_177 : i32 to index
        %swap3A_179 = arith.constant 16 : index
        %swap3A_180 = tpu.vector_load %arg10[%swap3A_178, %swap3A_179] {strides = array<i32>} : memref<128x128xf32, #tpu.memory_space<vmem>>, vector<16xf32>,
        tpu.vector_store %arg10[%swap3A_178, %swap3A_179], %gather3A_170 {strides = array<i32>} : memref<128x128xf32, #tpu.memory_space<vmem>>, vector<16xf32>,
        %slice3A_181 = vector.extract_strided_slice %add3A_125 {offsets = [4], sizes = [1], strides = [1]} : vector<16xi32> to vector<1xi32>
        %squeeze3A_182 = vector.extract %slice3A_181[0] : i32 from vector<1xi32>
        %broadcast_in_dim3A_183 = vector.broadcast %squeeze3A_182 : i32 to vector<16xi32>
        %gather3A_184 = tpu.vector_load_idx %arg7[%broadcast_in_dim3A_183, %iota3A] : memref<336x32xf32, #tpu.memory_space<vmem>>[vector<16xi32>, vector<16xi32>], vector<16xf32>,
        %gather3A_185 = tpu.vector_load_idx %arg7[%broadcast_in_dim3A_183, %add3A_5] : memref<336x32xf32, #tpu.memory_space<vmem>>[vector<16xi32>, vector<16xi32>], vector<16xf32>,
        %add3A_186 = arith.constant 4 : i32
        %add3A_187 = arith.addi %mul3A_118, %add3A_186 : i32
        %swap3A_188 = arith.index_cast %add3A_187 : i32 to index
        %swap3A_189 = arith.constant 0 : index
        %swap3A_190 = tpu.vector_load %arg10[%swap3A_188, %swap3A_189] {strides = array<i32>} : memref<128x128xf32, #tpu.memory_space<vmem>>, vector<16xf32>,
        tpu.vector_store %arg10[%swap3A_188, %swap3A_189], %gather3A_184 {strides = array<i32>} : memref<128x128xf32, #tpu.memory_space<vmem>>, vector<16xf32>,
        %add3A_191 = arith.constant 4 : i32
        %add3A_192 = arith.addi %mul3A_118, %add3A_191 : i32
        %swap3A_193 = arith.index_cast %add3A_192 : i32 to index
        %swap3A_194 = arith.constant 16 : index
        %swap3A_195 = tpu.vector_load %arg10[%swap3A_193, %swap3A_194] {strides = array<i32>} : memref<128x128xf32, #tpu.memory_space<vmem>>, vector<16xf32>,
        tpu.vector_store %arg10[%swap3A_193, %swap3A_194], %gather3A_185 {strides = array<i32>} : memref<128x128xf32, #tpu.memory_space<vmem>>, vector<16xf32>,
        %slice3A_196 = vector.extract_strided_slice %add3A_125 {offsets = [5], sizes = [1], strides = [1]} : vector<16xi32> to vector<1xi32>
        %squeeze3A_197 = vector.extract %slice3A_196[0] : i32 from vector<1xi32>
        %broadcast_in_dim3A_198 = vector.broadcast %squeeze3A_197 : i32 to vector<16xi32>
        %gather3A_199 = tpu.vector_load_idx %arg7[%broadcast_in_dim3A_198, %iota3A] : memref<336x32xf32, #tpu.memory_space<vmem>>[vector<16xi32>, vector<16xi32>], vector<16xf32>,
        %gather3A_200 = tpu.vector_load_idx %arg7[%broadcast_in_dim3A_198, %add3A_5] : memref<336x32xf32, #tpu.memory_space<vmem>>[vector<16xi32>, vector<16xi32>], vector<16xf32>,
        %add3A_201 = arith.constant 5 : i32
        %add3A_202 = arith.addi %mul3A_118, %add3A_201 : i32
        %swap3A_203 = arith.index_cast %add3A_202 : i32 to index
        %swap3A_204 = arith.constant 0 : index
        %swap3A_205 = tpu.vector_load %arg10[%swap3A_203, %swap3A_204] {strides = array<i32>} : memref<128x128xf32, #tpu.memory_space<vmem>>, vector<16xf32>,
        tpu.vector_store %arg10[%swap3A_203, %swap3A_204], %gather3A_199 {strides = array<i32>} : memref<128x128xf32, #tpu.memory_space<vmem>>, vector<16xf32>,
        %add3A_206 = arith.constant 5 : i32
        %add3A_207 = arith.addi %mul3A_118, %add3A_206 : i32
        %swap3A_208 = arith.index_cast %add3A_207 : i32 to index
        %swap3A_209 = arith.constant 16 : index
        %swap3A_210 = tpu.vector_load %arg10[%swap3A_208, %swap3A_209] {strides = array<i32>} : memref<128x128xf32, #tpu.memory_space<vmem>>, vector<16xf32>,
        tpu.vector_store %arg10[%swap3A_208, %swap3A_209], %gather3A_200 {strides = array<i32>} : memref<128x128xf32, #tpu.memory_space<vmem>>, vector<16xf32>,
        %slice3A_211 = vector.extract_strided_slice %add3A_125 {offsets = [6], sizes = [1], strides = [1]} : vector<16xi32> to vector<1xi32>
        %squeeze3A_212 = vector.extract %slice3A_211[0] : i32 from vector<1xi32>
        %broadcast_in_dim3A_213 = vector.broadcast %squeeze3A_212 : i32 to vector<16xi32>
        %gather3A_214 = tpu.vector_load_idx %arg7[%broadcast_in_dim3A_213, %iota3A] : memref<336x32xf32, #tpu.memory_space<vmem>>[vector<16xi32>, vector<16xi32>], vector<16xf32>,
        %gather3A_215 = tpu.vector_load_idx %arg7[%broadcast_in_dim3A_213, %add3A_5] : memref<336x32xf32, #tpu.memory_space<vmem>>[vector<16xi32>, vector<16xi32>], vector<16xf32>,
        %add3A_216 = arith.constant 6 : i32
        %add3A_217 = arith.addi %mul3A_118, %add3A_216 : i32
        %swap3A_218 = arith.index_cast %add3A_217 : i32 to index
        %swap3A_219 = arith.constant 0 : index
        %swap3A_220 = tpu.vector_load %arg10[%swap3A_218, %swap3A_219] {strides = array<i32>} : memref<128x128xf32, #tpu.memory_space<vmem>>, vector<16xf32>,
        tpu.vector_store %arg10[%swap3A_218, %swap3A_219], %gather3A_214 {strides = array<i32>} : memref<128x128xf32, #tpu.memory_space<vmem>>, vector<16xf32>,
        %add3A_221 = arith.constant 6 : i32
        %add3A_222 = arith.addi %mul3A_118, %add3A_221 : i32
        %swap3A_223 = arith.index_cast %add3A_222 : i32 to index
        %swap3A_224 = arith.constant 16 : index
        %swap3A_225 = tpu.vector_load %arg10[%swap3A_223, %swap3A_224] {strides = array<i32>} : memref<128x128xf32, #tpu.memory_space<vmem>>, vector<16xf32>,
        tpu.vector_store %arg10[%swap3A_223, %swap3A_224], %gather3A_215 {strides = array<i32>} : memref<128x128xf32, #tpu.memory_space<vmem>>, vector<16xf32>,
        %slice3A_226 = vector.extract_strided_slice %add3A_125 {offsets = [7], sizes = [1], strides = [1]} : vector<16xi32> to vector<1xi32>
        %squeeze3A_227 = vector.extract %slice3A_226[0] : i32 from vector<1xi32>
        %broadcast_in_dim3A_228 = vector.broadcast %squeeze3A_227 : i32 to vector<16xi32>
        %gather3A_229 = tpu.vector_load_idx %arg7[%broadcast_in_dim3A_228, %iota3A] : memref<336x32xf32, #tpu.memory_space<vmem>>[vector<16xi32>, vector<16xi32>], vector<16xf32>,
        %gather3A_230 = tpu.vector_load_idx %arg7[%broadcast_in_dim3A_228, %add3A_5] : memref<336x32xf32, #tpu.memory_space<vmem>>[vector<16xi32>, vector<16xi32>], vector<16xf32>,
        %add3A_231 = arith.constant 7 : i32
        %add3A_232 = arith.addi %mul3A_118, %add3A_231 : i32
        %swap3A_233 = arith.index_cast %add3A_232 : i32 to index
        %swap3A_234 = arith.constant 0 : index
        %swap3A_235 = tpu.vector_load %arg10[%swap3A_233, %swap3A_234] {strides = array<i32>} : memref<128x128xf32, #tpu.memory_space<vmem>>, vector<16xf32>,
        tpu.vector_store %arg10[%swap3A_233, %swap3A_234], %gather3A_229 {strides = array<i32>} : memref<128x128xf32, #tpu.memory_space<vmem>>, vector<16xf32>,
        %add3A_236 = arith.constant 7 : i32
        %add3A_237 = arith.addi %mul3A_118, %add3A_236 : i32
        %swap3A_238 = arith.index_cast %add3A_237 : i32 to index
        %swap3A_239 = arith.constant 16 : index
        %swap3A_240 = tpu.vector_load %arg10[%swap3A_238, %swap3A_239] {strides = array<i32>} : memref<128x128xf32, #tpu.memory_space<vmem>>, vector<16xf32>,
        tpu.vector_store %arg10[%swap3A_238, %swap3A_239], %gather3A_230 {strides = array<i32>} : memref<128x128xf32, #tpu.memory_space<vmem>>, vector<16xf32>,
        %slice3A_241 = vector.extract_strided_slice %add3A_125 {offsets = [8], sizes = [1], strides = [1]} : vector<16xi32> to vector<1xi32>
        %squeeze3A_242 = vector.extract %slice3A_241[0] : i32 from vector<1xi32>
        %broadcast_in_dim3A_243 = vector.broadcast %squeeze3A_242 : i32 to vector<16xi32>
        %gather3A_244 = tpu.vector_load_idx %arg7[%broadcast_in_dim3A_243, %iota3A] : memref<336x32xf32, #tpu.memory_space<vmem>>[vector<16xi32>, vector<16xi32>], vector<16xf32>,
        %gather3A_245 = tpu.vector_load_idx %arg7[%broadcast_in_dim3A_243, %add3A_5] : memref<336x32xf32, #tpu.memory_space<vmem>>[vector<16xi32>, vector<16xi32>], vector<16xf32>,
        %add3A_246 = arith.constant 8 : i32
        %add3A_247 = arith.addi %mul3A_118, %add3A_246 : i32
        %swap3A_248 = arith.index_cast %add3A_247 : i32 to index
        %swap3A_249 = arith.constant 0 : index
        %swap3A_250 = tpu.vector_load %arg10[%swap3A_248, %swap3A_249] {strides = array<i32>} : memref<128x128xf32, #tpu.memory_space<vmem>>, vector<16xf32>,
        tpu.vector_store %arg10[%swap3A_248, %swap3A_249], %gather3A_244 {strides = array<i32>} : memref<128x128xf32, #tpu.memory_space<vmem>>, vector<16xf32>,
        %add3A_251 = arith.constant 8 : i32
        %add3A_252 = arith.addi %mul3A_118, %add3A_251 : i32
        %swap3A_253 = arith.index_cast %add3A_252 : i32 to index
        %swap3A_254 = arith.constant 16 : index
        %swap3A_255 = tpu.vector_load %arg10[%swap3A_253, %swap3A_254] {strides = array<i32>} : memref<128x128xf32, #tpu.memory_space<vmem>>, vector<16xf32>,
        tpu.vector_store %arg10[%swap3A_253, %swap3A_254], %gather3A_245 {strides = array<i32>} : memref<128x128xf32, #tpu.memory_space<vmem>>, vector<16xf32>,
        %slice3A_256 = vector.extract_strided_slice %add3A_125 {offsets = [9], sizes = [1], strides = [1]} : vector<16xi32> to vector<1xi32>
        %squeeze3A_257 = vector.extract %slice3A_256[0] : i32 from vector<1xi32>
        %broadcast_in_dim3A_258 = vector.broadcast %squeeze3A_257 : i32 to vector<16xi32>
        %gather3A_259 = tpu.vector_load_idx %arg7[%broadcast_in_dim3A_258, %iota3A] : memref<336x32xf32, #tpu.memory_space<vmem>>[vector<16xi32>, vector<16xi32>], vector<16xf32>,
        %gather3A_260 = tpu.vector_load_idx %arg7[%broadcast_in_dim3A_258, %add3A_5] : memref<336x32xf32, #tpu.memory_space<vmem>>[vector<16xi32>, vector<16xi32>], vector<16xf32>,
        %add3A_261 = arith.constant 9 : i32
        %add3A_262 = arith.addi %mul3A_118, %add3A_261 : i32
        %swap3A_263 = arith.index_cast %add3A_262 : i32 to index
        %swap3A_264 = arith.constant 0 : index
        %swap3A_265 = tpu.vector_load %arg10[%swap3A_263, %swap3A_264] {strides = array<i32>} : memref<128x128xf32, #tpu.memory_space<vmem>>, vector<16xf32>,
        tpu.vector_store %arg10[%swap3A_263, %swap3A_264], %gather3A_259 {strides = array<i32>} : memref<128x128xf32, #tpu.memory_space<vmem>>, vector<16xf32>,
        %add3A_266 = arith.constant 9 : i32
        %add3A_267 = arith.addi %mul3A_118, %add3A_266 : i32
        %swap3A_268 = arith.index_cast %add3A_267 : i32 to index
        %swap3A_269 = arith.constant 16 : index
        %swap3A_270 = tpu.vector_load %arg10[%swap3A_268, %swap3A_269] {strides = array<i32>} : memref<128x128xf32, #tpu.memory_space<vmem>>, vector<16xf32>,
        tpu.vector_store %arg10[%swap3A_268, %swap3A_269], %gather3A_260 {strides = array<i32>} : memref<128x128xf32, #tpu.memory_space<vmem>>, vector<16xf32>,
        %slice3A_271 = vector.extract_strided_slice %add3A_125 {offsets = [10], sizes = [1], strides = [1]} : vector<16xi32> to vector<1xi32>
        %squeeze3A_272 = vector.extract %slice3A_271[0] : i32 from vector<1xi32>
        %broadcast_in_dim3A_273 = vector.broadcast %squeeze3A_272 : i32 to vector<16xi32>
        %gather3A_274 = tpu.vector_load_idx %arg7[%broadcast_in_dim3A_273, %iota3A] : memref<336x32xf32, #tpu.memory_space<vmem>>[vector<16xi32>, vector<16xi32>], vector<16xf32>,
        %gather3A_275 = tpu.vector_load_idx %arg7[%broadcast_in_dim3A_273, %add3A_5] : memref<336x32xf32, #tpu.memory_space<vmem>>[vector<16xi32>, vector<16xi32>], vector<16xf32>,
        %add3A_276 = arith.constant 10 : i32
        %add3A_277 = arith.addi %mul3A_118, %add3A_276 : i32
        %swap3A_278 = arith.index_cast %add3A_277 : i32 to index
        %swap3A_279 = arith.constant 0 : index
        %swap3A_280 = tpu.vector_load %arg10[%swap3A_278, %swap3A_279] {strides = array<i32>} : memref<128x128xf32, #tpu.memory_space<vmem>>, vector<16xf32>,
        tpu.vector_store %arg10[%swap3A_278, %swap3A_279], %gather3A_274 {strides = array<i32>} : memref<128x128xf32, #tpu.memory_space<vmem>>, vector<16xf32>,
        %add3A_281 = arith.constant 10 : i32
        %add3A_282 = arith.addi %mul3A_118, %add3A_281 : i32
        %swap3A_283 = arith.index_cast %add3A_282 : i32 to index
        %swap3A_284 = arith.constant 16 : index
        %swap3A_285 = tpu.vector_load %arg10[%swap3A_283, %swap3A_284] {strides = array<i32>} : memref<128x128xf32, #tpu.memory_space<vmem>>, vector<16xf32>,
        tpu.vector_store %arg10[%swap3A_283, %swap3A_284], %gather3A_275 {strides = array<i32>} : memref<128x128xf32, #tpu.memory_space<vmem>>, vector<16xf32>,
        %slice3A_286 = vector.extract_strided_slice %add3A_125 {offsets = [11], sizes = [1], strides = [1]} : vector<16xi32> to vector<1xi32>
        %squeeze3A_287 = vector.extract %slice3A_286[0] : i32 from vector<1xi32>
        %broadcast_in_dim3A_288 = vector.broadcast %squeeze3A_287 : i32 to vector<16xi32>
        %gather3A_289 = tpu.vector_load_idx %arg7[%broadcast_in_dim3A_288, %iota3A] : memref<336x32xf32, #tpu.memory_space<vmem>>[vector<16xi32>, vector<16xi32>], vector<16xf32>,
        %gather3A_290 = tpu.vector_load_idx %arg7[%broadcast_in_dim3A_288, %add3A_5] : memref<336x32xf32, #tpu.memory_space<vmem>>[vector<16xi32>, vector<16xi32>], vector<16xf32>,
        %add3A_291 = arith.constant 11 : i32
        %add3A_292 = arith.addi %mul3A_118, %add3A_291 : i32
        %swap3A_293 = arith.index_cast %add3A_292 : i32 to index
        %swap3A_294 = arith.constant 0 : index
        %swap3A_295 = tpu.vector_load %arg10[%swap3A_293, %swap3A_294] {strides = array<i32>} : memref<128x128xf32, #tpu.memory_space<vmem>>, vector<16xf32>,
        tpu.vector_store %arg10[%swap3A_293, %swap3A_294], %gather3A_289 {strides = array<i32>} : memref<128x128xf32, #tpu.memory_space<vmem>>, vector<16xf32>,
        %add3A_296 = arith.constant 11 : i32
        %add3A_297 = arith.addi %mul3A_118, %add3A_296 : i32
        %swap3A_298 = arith.index_cast %add3A_297 : i32 to index
        %swap3A_299 = arith.constant 16 : index
        %swap3A_300 = tpu.vector_load %arg10[%swap3A_298, %swap3A_299] {strides = array<i32>} : memref<128x128xf32, #tpu.memory_space<vmem>>, vector<16xf32>,
        tpu.vector_store %arg10[%swap3A_298, %swap3A_299], %gather3A_290 {strides = array<i32>} : memref<128x128xf32, #tpu.memory_space<vmem>>, vector<16xf32>,
        %slice3A_301 = vector.extract_strided_slice %add3A_125 {offsets = [12], sizes = [1], strides = [1]} : vector<16xi32> to vector<1xi32>
        %squeeze3A_302 = vector.extract %slice3A_301[0] : i32 from vector<1xi32>
        %broadcast_in_dim3A_303 = vector.broadcast %squeeze3A_302 : i32 to vector<16xi32>
        %gather3A_304 = tpu.vector_load_idx %arg7[%broadcast_in_dim3A_303, %iota3A] : memref<336x32xf32, #tpu.memory_space<vmem>>[vector<16xi32>, vector<16xi32>], vector<16xf32>,
        %gather3A_305 = tpu.vector_load_idx %arg7[%broadcast_in_dim3A_303, %add3A_5] : memref<336x32xf32, #tpu.memory_space<vmem>>[vector<16xi32>, vector<16xi32>], vector<16xf32>,
        %add3A_306 = arith.constant 12 : i32
        %add3A_307 = arith.addi %mul3A_118, %add3A_306 : i32
        %swap3A_308 = arith.index_cast %add3A_307 : i32 to index
        %swap3A_309 = arith.constant 0 : index
        %swap3A_310 = tpu.vector_load %arg10[%swap3A_308, %swap3A_309] {strides = array<i32>} : memref<128x128xf32, #tpu.memory_space<vmem>>, vector<16xf32>,
        tpu.vector_store %arg10[%swap3A_308, %swap3A_309], %gather3A_304 {strides = array<i32>} : memref<128x128xf32, #tpu.memory_space<vmem>>, vector<16xf32>,
        %add3A_311 = arith.constant 12 : i32
        %add3A_312 = arith.addi %mul3A_118, %add3A_311 : i32
        %swap3A_313 = arith.index_cast %add3A_312 : i32 to index
        %swap3A_314 = arith.constant 16 : index
        %swap3A_315 = tpu.vector_load %arg10[%swap3A_313, %swap3A_314] {strides = array<i32>} : memref<128x128xf32, #tpu.memory_space<vmem>>, vector<16xf32>,
        tpu.vector_store %arg10[%swap3A_313, %swap3A_314], %gather3A_305 {strides = array<i32>} : memref<128x128xf32, #tpu.memory_space<vmem>>, vector<16xf32>,
        %slice3A_316 = vector.extract_strided_slice %add3A_125 {offsets = [13], sizes = [1], strides = [1]} : vector<16xi32> to vector<1xi32>
        %squeeze3A_317 = vector.extract %slice3A_316[0] : i32 from vector<1xi32>
        %broadcast_in_dim3A_318 = vector.broadcast %squeeze3A_317 : i32 to vector<16xi32>
        %gather3A_319 = tpu.vector_load_idx %arg7[%broadcast_in_dim3A_318, %iota3A] : memref<336x32xf32, #tpu.memory_space<vmem>>[vector<16xi32>, vector<16xi32>], vector<16xf32>,
        %gather3A_320 = tpu.vector_load_idx %arg7[%broadcast_in_dim3A_318, %add3A_5] : memref<336x32xf32, #tpu.memory_space<vmem>>[vector<16xi32>, vector<16xi32>], vector<16xf32>,
        %add3A_321 = arith.constant 13 : i32
        %add3A_322 = arith.addi %mul3A_118, %add3A_321 : i32
        %swap3A_323 = arith.index_cast %add3A_322 : i32 to index
        %swap3A_324 = arith.constant 0 : index
        %swap3A_325 = tpu.vector_load %arg10[%swap3A_323, %swap3A_324] {strides = array<i32>} : memref<128x128xf32, #tpu.memory_space<vmem>>, vector<16xf32>,
        tpu.vector_store %arg10[%swap3A_323, %swap3A_324], %gather3A_319 {strides = array<i32>} : memref<128x128xf32, #tpu.memory_space<vmem>>, vector<16xf32>,
        %add3A_326 = arith.constant 13 : i32
        %add3A_327 = arith.addi %mul3A_118, %add3A_326 : i32
        %swap3A_328 = arith.index_cast %add3A_327 : i32 to index
        %swap3A_329 = arith.constant 16 : index
        %swap3A_330 = tpu.vector_load %arg10[%swap3A_328, %swap3A_329] {strides = array<i32>} : memref<128x128xf32, #tpu.memory_space<vmem>>, vector<16xf32>,
        tpu.vector_store %arg10[%swap3A_328, %swap3A_329], %gather3A_320 {strides = array<i32>} : memref<128x128xf32, #tpu.memory_space<vmem>>, vector<16xf32>,
        %slice3A_331 = vector.extract_strided_slice %add3A_125 {offsets = [14], sizes = [1], strides = [1]} : vector<16xi32> to vector<1xi32>
        %squeeze3A_332 = vector.extract %slice3A_331[0] : i32 from vector<1xi32>
        %broadcast_in_dim3A_333 = vector.broadcast %squeeze3A_332 : i32 to vector<16xi32>
        %gather3A_334 = tpu.vector_load_idx %arg7[%broadcast_in_dim3A_333, %iota3A] : memref<336x32xf32, #tpu.memory_space<vmem>>[vector<16xi32>, vector<16xi32>], vector<16xf32>,
        %gather3A_335 = tpu.vector_load_idx %arg7[%broadcast_in_dim3A_333, %add3A_5] : memref<336x32xf32, #tpu.memory_space<vmem>>[vector<16xi32>, vector<16xi32>], vector<16xf32>,
        %add3A_336 = arith.constant 14 : i32
        %add3A_337 = arith.addi %mul3A_118, %add3A_336 : i32
        %swap3A_338 = arith.index_cast %add3A_337 : i32 to index
        %swap3A_339 = arith.constant 0 : index
        %swap3A_340 = tpu.vector_load %arg10[%swap3A_338, %swap3A_339] {strides = array<i32>} : memref<128x128xf32, #tpu.memory_space<vmem>>, vector<16xf32>,
        tpu.vector_store %arg10[%swap3A_338, %swap3A_339], %gather3A_334 {strides = array<i32>} : memref<128x128xf32, #tpu.memory_space<vmem>>, vector<16xf32>,
        %add3A_341 = arith.constant 14 : i32
        %add3A_342 = arith.addi %mul3A_118, %add3A_341 : i32
        %swap3A_343 = arith.index_cast %add3A_342 : i32 to index
        %swap3A_344 = arith.constant 16 : index
        %swap3A_345 = tpu.vector_load %arg10[%swap3A_343, %swap3A_344] {strides = array<i32>} : memref<128x128xf32, #tpu.memory_space<vmem>>, vector<16xf32>,
        tpu.vector_store %arg10[%swap3A_343, %swap3A_344], %gather3A_335 {strides = array<i32>} : memref<128x128xf32, #tpu.memory_space<vmem>>, vector<16xf32>,
        %slice3A_346 = vector.extract_strided_slice %add3A_125 {offsets = [15], sizes = [1], strides = [1]} : vector<16xi32> to vector<1xi32>
        %squeeze3A_347 = vector.extract %slice3A_346[0] : i32 from vector<1xi32>
        %broadcast_in_dim3A_348 = vector.broadcast %squeeze3A_347 : i32 to vector<16xi32>
        %gather3A_349 = tpu.vector_load_idx %arg7[%broadcast_in_dim3A_348, %iota3A] : memref<336x32xf32, #tpu.memory_space<vmem>>[vector<16xi32>, vector<16xi32>], vector<16xf32>,
        %gather3A_350 = tpu.vector_load_idx %arg7[%broadcast_in_dim3A_348, %add3A_5] : memref<336x32xf32, #tpu.memory_space<vmem>>[vector<16xi32>, vector<16xi32>], vector<16xf32>,
        %add3A_351 = arith.constant 15 : i32
        %add3A_352 = arith.addi %mul3A_118, %add3A_351 : i32
        %swap3A_353 = arith.index_cast %add3A_352 : i32 to index
        %swap3A_354 = arith.constant 0 : index
        %swap3A_355 = tpu.vector_load %arg10[%swap3A_353, %swap3A_354] {strides = array<i32>} : memref<128x128xf32, #tpu.memory_space<vmem>>, vector<16xf32>,
        tpu.vector_store %arg10[%swap3A_353, %swap3A_354], %gather3A_349 {strides = array<i32>} : memref<128x128xf32, #tpu.memory_space<vmem>>, vector<16xf32>,
        %add3A_356 = arith.constant 15 : i32
        %add3A_357 = arith.addi %mul3A_118, %add3A_356 : i32
        %swap3A_358 = arith.index_cast %add3A_357 : i32 to index
        %swap3A_359 = arith.constant 16 : index
        %swap3A_360 = tpu.vector_load %arg10[%swap3A_358, %swap3A_359] {strides = array<i32>} : memref<128x128xf32, #tpu.memory_space<vmem>>, vector<16xf32>,
        tpu.vector_store %arg10[%swap3A_358, %swap3A_359], %gather3A_350 {strides = array<i32>} : memref<128x128xf32, #tpu.memory_space<vmem>>, vector<16xf32>,
        %get3A_361 = arith.constant 2 : i32
        %get3A_362 = arith.index_cast %get3A_361 : i32 to index
        %get3A_363 = arith.index_cast %add3A_43 : i32 to index
        %get3A_364 = arith.index_cast %mul3A_118 : i32 to index
        %get3A_365 = tpu.vector_load %arg6[%get3A_362, %get3A_363, %get3A_364] {strides = array<i32>} : memref<5x50x128xi32, #tpu.memory_space<vmem>>, vector<16xi32>,
        %add3A_366 = arith.constant 56 : i32
        %add3A_367 = vector.broadcast %add3A_366 : i32 to vector<16xi32>
        %add3A_368 = arith.addi %get3A_365, %add3A_367 : vector<16xi32>
        %slice3A_369 = vector.extract_strided_slice %add3A_368 {offsets = [0], sizes = [1], strides = [1]} : vector<16xi32> to vector<1xi32>
        %squeeze3A_370 = vector.extract %slice3A_369[0] : i32 from vector<1xi32>
        %broadcast_in_dim3A_371 = vector.broadcast %squeeze3A_370 : i32 to vector<16xi32>
        %gather3A_372 = tpu.vector_load_idx %arg7[%broadcast_in_dim3A_371, %iota3A] : memref<336x32xf32, #tpu.memory_space<vmem>>[vector<16xi32>, vector<16xi32>], vector<16xf32>,
        %gather3A_373 = tpu.vector_load_idx %arg7[%broadcast_in_dim3A_371, %add3A_5] : memref<336x32xf32, #tpu.memory_space<vmem>>[vector<16xi32>, vector<16xi32>], vector<16xf32>,
        %add3A_374 = arith.constant 0 : i32
        %add3A_375 = arith.addi %mul3A_118, %add3A_374 : i32
        %swap3A_376 = arith.index_cast %add3A_375 : i32 to index
        %swap3A_377 = arith.constant 32 : index
        %swap3A_378 = tpu.vector_load %arg10[%swap3A_376, %swap3A_377] {strides = array<i32>} : memref<128x128xf32, #tpu.memory_space<vmem>>, vector<16xf32>,
        tpu.vector_store %arg10[%swap3A_376, %swap3A_377], %gather3A_372 {strides = array<i32>} : memref<128x128xf32, #tpu.memory_space<vmem>>, vector<16xf32>,
        %add3A_379 = arith.constant 0 : i32
        %add3A_380 = arith.addi %mul3A_118, %add3A_379 : i32
        %swap3A_381 = arith.index_cast %add3A_380 : i32 to index
        %swap3A_382 = arith.constant 48 : index
        %swap3A_383 = tpu.vector_load %arg10[%swap3A_381, %swap3A_382] {strides = array<i32>} : memref<128x128xf32, #tpu.memory_space<vmem>>, vector<16xf32>,
        tpu.vector_store %arg10[%swap3A_381, %swap3A_382], %gather3A_373 {strides = array<i32>} : memref<128x128xf32, #tpu.memory_space<vmem>>, vector<16xf32>,
        %slice3A_384 = vector.extract_strided_slice %add3A_368 {offsets = [1], sizes = [1], strides = [1]} : vector<16xi32> to vector<1xi32>
        %squeeze3A_385 = vector.extract %slice3A_384[0] : i32 from vector<1xi32>
        %broadcast_in_dim3A_386 = vector.broadcast %squeeze3A_385 : i32 to vector<16xi32>
        %gather3A_387 = tpu.vector_load_idx %arg7[%broadcast_in_dim3A_386, %iota3A] : memref<336x32xf32, #tpu.memory_space<vmem>>[vector<16xi32>, vector<16xi32>], vector<16xf32>,
        %gather3A_388 = tpu.vector_load_idx %arg7[%broadcast_in_dim3A_386, %add3A_5] : memref<336x32xf32, #tpu.memory_space<vmem>>[vector<16xi32>, vector<16xi32>], vector<16xf32>,
        %add3A_389 = arith.constant 1 : i32
        %add3A_390 = arith.addi %mul3A_118, %add3A_389 : i32
        %swap3A_391 = arith.index_cast %add3A_390 : i32 to index
        %swap3A_392 = arith.constant 32 : index
        %swap3A_393 = tpu.vector_load %arg10[%swap3A_391, %swap3A_392] {strides = array<i32>} : memref<128x128xf32, #tpu.memory_space<vmem>>, vector<16xf32>,
        tpu.vector_store %arg10[%swap3A_391, %swap3A_392], %gather3A_387 {strides = array<i32>} : memref<128x128xf32, #tpu.memory_space<vmem>>, vector<16xf32>,
        %add3A_394 = arith.constant 1 : i32
        %add3A_395 = arith.addi %mul3A_118, %add3A_394 : i32
        %swap3A_396 = arith.index_cast %add3A_395 : i32 to index
        %swap3A_397 = arith.constant 48 : index
        %swap3A_398 = tpu.vector_load %arg10[%swap3A_396, %swap3A_397] {strides = array<i32>} : memref<128x128xf32, #tpu.memory_space<vmem>>, vector<16xf32>,
        tpu.vector_store %arg10[%swap3A_396, %swap3A_397], %gather3A_388 {strides = array<i32>} : memref<128x128xf32, #tpu.memory_space<vmem>>, vector<16xf32>,
        %slice3A_399 = vector.extract_strided_slice %add3A_368 {offsets = [2], sizes = [1], strides = [1]} : vector<16xi32> to vector<1xi32>
        %squeeze3A_400 = vector.extract %slice3A_399[0] : i32 from vector<1xi32>
        %broadcast_in_dim3A_401 = vector.broadcast %squeeze3A_400 : i32 to vector<16xi32>
        %gather3A_402 = tpu.vector_load_idx %arg7[%broadcast_in_dim3A_401, %iota3A] : memref<336x32xf32, #tpu.memory_space<vmem>>[vector<16xi32>, vector<16xi32>], vector<16xf32>,
        %gather3A_403 = tpu.vector_load_idx %arg7[%broadcast_in_dim3A_401, %add3A_5] : memref<336x32xf32, #tpu.memory_space<vmem>>[vector<16xi32>, vector<16xi32>], vector<16xf32>,
        %add3A_404 = arith.constant 2 : i32
        %add3A_405 = arith.addi %mul3A_118, %add3A_404 : i32
        %swap3A_406 = arith.index_cast %add3A_405 : i32 to index
        %swap3A_407 = arith.constant 32 : index
        %swap3A_408 = tpu.vector_load %arg10[%swap3A_406, %swap3A_407] {strides = array<i32>} : memref<128x128xf32, #tpu.memory_space<vmem>>, vector<16xf32>,
        tpu.vector_store %arg10[%swap3A_406, %swap3A_407], %gather3A_402 {strides = array<i32>} : memref<128x128xf32, #tpu.memory_space<vmem>>, vector<16xf32>,
        %add3A_409 = arith.constant 2 : i32
        %add3A_410 = arith.addi %mul3A_118, %add3A_409 : i32
        %swap3A_411 = arith.index_cast %add3A_410 : i32 to index
        %swap3A_412 = arith.constant 48 : index
        %swap3A_413 = tpu.vector_load %arg10[%swap3A_411, %swap3A_412] {strides = array<i32>} : memref<128x128xf32, #tpu.memory_space<vmem>>, vector<16xf32>,
        tpu.vector_store %arg10[%swap3A_411, %swap3A_412], %gather3A_403 {strides = array<i32>} : memref<128x128xf32, #tpu.memory_space<vmem>>, vector<16xf32>,
        %slice3A_414 = vector.extract_strided_slice %add3A_368 {offsets = [3], sizes = [1], strides = [1]} : vector<16xi32> to vector<1xi32>
        %squeeze3A_415 = vector.extract %slice3A_414[0] : i32 from vector<1xi32>
        %broadcast_in_dim3A_416 = vector.broadcast %squeeze3A_415 : i32 to vector<16xi32>
        %gather3A_417 = tpu.vector_load_idx %arg7[%broadcast_in_dim3A_416, %iota3A] : memref<336x32xf32, #tpu.memory_space<vmem>>[vector<16xi32>, vector<16xi32>], vector<16xf32>,
        %gather3A_418 = tpu.vector_load_idx %arg7[%broadcast_in_dim3A_416, %add3A_5] : memref<336x32xf32, #tpu.memory_space<vmem>>[vector<16xi32>, vector<16xi32>], vector<16xf32>,
        %add3A_419 = arith.constant 3 : i32
        %add3A_420 = arith.addi %mul3A_118, %add3A_419 : i32
        %swap3A_421 = arith.index_cast %add3A_420 : i32 to index
        %swap3A_422 = arith.constant 32 : index
        %swap3A_423 = tpu.vector_load %arg10[%swap3A_421, %swap3A_422] {strides = array<i32>} : memref<128x128xf32, #tpu.memory_space<vmem>>, vector<16xf32>,
        tpu.vector_store %arg10[%swap3A_421, %swap3A_422], %gather3A_417 {strides = array<i32>} : memref<128x128xf32, #tpu.memory_space<vmem>>, vector<16xf32>,
        %add3A_424 = arith.constant 3 : i32
        %add3A_425 = arith.addi %mul3A_118, %add3A_424 : i32
        %swap3A_426 = arith.index_cast %add3A_425 : i32 to index
        %swap3A_427 = arith.constant 48 : index
        %swap3A_428 = tpu.vector_load %arg10[%swap3A_426, %swap3A_427] {strides = array<i32>} : memref<128x128xf32, #tpu.memory_space<vmem>>, vector<16xf32>,
        tpu.vector_store %arg10[%swap3A_426, %swap3A_427], %gather3A_418 {strides = array<i32>} : memref<128x128xf32, #tpu.memory_space<vmem>>, vector<16xf32>,
        %slice3A_429 = vector.extract_strided_slice %add3A_368 {offsets = [4], sizes = [1], strides = [1]} : vector<16xi32> to vector<1xi32>
        %squeeze3A_430 = vector.extract %slice3A_429[0] : i32 from vector<1xi32>
        %broadcast_in_dim3A_431 = vector.broadcast %squeeze3A_430 : i32 to vector<16xi32>
        %gather3A_432 = tpu.vector_load_idx %arg7[%broadcast_in_dim3A_431, %iota3A] : memref<336x32xf32, #tpu.memory_space<vmem>>[vector<16xi32>, vector<16xi32>], vector<16xf32>,
        %gather3A_433 = tpu.vector_load_idx %arg7[%broadcast_in_dim3A_431, %add3A_5] : memref<336x32xf32, #tpu.memory_space<vmem>>[vector<16xi32>, vector<16xi32>], vector<16xf32>,
        %add3A_434 = arith.constant 4 : i32
        %add3A_435 = arith.addi %mul3A_118, %add3A_434 : i32
        %swap3A_436 = arith.index_cast %add3A_435 : i32 to index
        %swap3A_437 = arith.constant 32 : index
        %swap3A_438 = tpu.vector_load %arg10[%swap3A_436, %swap3A_437] {strides = array<i32>} : memref<128x128xf32, #tpu.memory_space<vmem>>, vector<16xf32>,
        tpu.vector_store %arg10[%swap3A_436, %swap3A_437], %gather3A_432 {strides = array<i32>} : memref<128x128xf32, #tpu.memory_space<vmem>>, vector<16xf32>,
        %add3A_439 = arith.constant 4 : i32
        %add3A_440 = arith.addi %mul3A_118, %add3A_439 : i32
        %swap3A_441 = arith.index_cast %add3A_440 : i32 to index
        %swap3A_442 = arith.constant 48 : index
        %swap3A_443 = tpu.vector_load %arg10[%swap3A_441, %swap3A_442] {strides = array<i32>} : memref<128x128xf32, #tpu.memory_space<vmem>>, vector<16xf32>,
        tpu.vector_store %arg10[%swap3A_441, %swap3A_442], %gather3A_433 {strides = array<i32>} : memref<128x128xf32, #tpu.memory_space<vmem>>, vector<16xf32>,
        %slice3A_444 = vector.extract_strided_slice %add3A_368 {offsets = [5], sizes = [1], strides = [1]} : vector<16xi32> to vector<1xi32>
        %squeeze3A_445 = vector.extract %slice3A_444[0] : i32 from vector<1xi32>
        %broadcast_in_dim3A_446 = vector.broadcast %squeeze3A_445 : i32 to vector<16xi32>
        %gather3A_447 = tpu.vector_load_idx %arg7[%broadcast_in_dim3A_446, %iota3A] : memref<336x32xf32, #tpu.memory_space<vmem>>[vector<16xi32>, vector<16xi32>], vector<16xf32>,
        %gather3A_448 = tpu.vector_load_idx %arg7[%broadcast_in_dim3A_446, %add3A_5] : memref<336x32xf32, #tpu.memory_space<vmem>>[vector<16xi32>, vector<16xi32>], vector<16xf32>,
        %add3A_449 = arith.constant 5 : i32
        %add3A_450 = arith.addi %mul3A_118, %add3A_449 : i32
        %swap3A_451 = arith.index_cast %add3A_450 : i32 to index
        %swap3A_452 = arith.constant 32 : index
        %swap3A_453 = tpu.vector_load %arg10[%swap3A_451, %swap3A_452] {strides = array<i32>} : memref<128x128xf32, #tpu.memory_space<vmem>>, vector<16xf32>,
        tpu.vector_store %arg10[%swap3A_451, %swap3A_452], %gather3A_447 {strides = array<i32>} : memref<128x128xf32, #tpu.memory_space<vmem>>, vector<16xf32>,
        %add3A_454 = arith.constant 5 : i32
        %add3A_455 = arith.addi %mul3A_118, %add3A_454 : i32
        %swap3A_456 = arith.index_cast %add3A_455 : i32 to index
        %swap3A_457 = arith.constant 48 : index
        %swap3A_458 = tpu.vector_load %arg10[%swap3A_456, %swap3A_457] {strides = array<i32>} : memref<128x128xf32, #tpu.memory_space<vmem>>, vector<16xf32>,
        tpu.vector_store %arg10[%swap3A_456, %swap3A_457], %gather3A_448 {strides = array<i32>} : memref<128x128xf32, #tpu.memory_space<vmem>>, vector<16xf32>,
        %slice3A_459 = vector.extract_strided_slice %add3A_368 {offsets = [6], sizes = [1], strides = [1]} : vector<16xi32> to vector<1xi32>
        %squeeze3A_460 = vector.extract %slice3A_459[0] : i32 from vector<1xi32>
        %broadcast_in_dim3A_461 = vector.broadcast %squeeze3A_460 : i32 to vector<16xi32>
        %gather3A_462 = tpu.vector_load_idx %arg7[%broadcast_in_dim3A_461, %iota3A] : memref<336x32xf32, #tpu.memory_space<vmem>>[vector<16xi32>, vector<16xi32>], vector<16xf32>,
        %gather3A_463 = tpu.vector_load_idx %arg7[%broadcast_in_dim3A_461, %add3A_5] : memref<336x32xf32, #tpu.memory_space<vmem>>[vector<16xi32>, vector<16xi32>], vector<16xf32>,
        %add3A_464 = arith.constant 6 : i32
        %add3A_465 = arith.addi %mul3A_118, %add3A_464 : i32
        %swap3A_466 = arith.index_cast %add3A_465 : i32 to index
        %swap3A_467 = arith.constant 32 : index
        %swap3A_468 = tpu.vector_load %arg10[%swap3A_466, %swap3A_467] {strides = array<i32>} : memref<128x128xf32, #tpu.memory_space<vmem>>, vector<16xf32>,
        tpu.vector_store %arg10[%swap3A_466, %swap3A_467], %gather3A_462 {strides = array<i32>} : memref<128x128xf32, #tpu.memory_space<vmem>>, vector<16xf32>,
        %add3A_469 = arith.constant 6 : i32
        %add3A_470 = arith.addi %mul3A_118, %add3A_469 : i32
        %swap3A_471 = arith.index_cast %add3A_470 : i32 to index
        %swap3A_472 = arith.constant 48 : index
        %swap3A_473 = tpu.vector_load %arg10[%swap3A_471, %swap3A_472] {strides = array<i32>} : memref<128x128xf32, #tpu.memory_space<vmem>>, vector<16xf32>,
        tpu.vector_store %arg10[%swap3A_471, %swap3A_472], %gather3A_463 {strides = array<i32>} : memref<128x128xf32, #tpu.memory_space<vmem>>, vector<16xf32>,
        %slice3A_474 = vector.extract_strided_slice %add3A_368 {offsets = [7], sizes = [1], strides = [1]} : vector<16xi32> to vector<1xi32>
        %squeeze3A_475 = vector.extract %slice3A_474[0] : i32 from vector<1xi32>
        %broadcast_in_dim3A_476 = vector.broadcast %squeeze3A_475 : i32 to vector<16xi32>
        %gather3A_477 = tpu.vector_load_idx %arg7[%broadcast_in_dim3A_476, %iota3A] : memref<336x32xf32, #tpu.memory_space<vmem>>[vector<16xi32>, vector<16xi32>], vector<16xf32>,
        %gather3A_478 = tpu.vector_load_idx %arg7[%broadcast_in_dim3A_476, %add3A_5] : memref<336x32xf32, #tpu.memory_space<vmem>>[vector<16xi32>, vector<16xi32>], vector<16xf32>,
        %add3A_479 = arith.constant 7 : i32
        %add3A_480 = arith.addi %mul3A_118, %add3A_479 : i32
        %swap3A_481 = arith.index_cast %add3A_480 : i32 to index
        %swap3A_482 = arith.constant 32 : index
        %swap3A_483 = tpu.vector_load %arg10[%swap3A_481, %swap3A_482] {strides = array<i32>} : memref<128x128xf32, #tpu.memory_space<vmem>>, vector<16xf32>,
        tpu.vector_store %arg10[%swap3A_481, %swap3A_482], %gather3A_477 {strides = array<i32>} : memref<128x128xf32, #tpu.memory_space<vmem>>, vector<16xf32>,
        %add3A_484 = arith.constant 7 : i32
        %add3A_485 = arith.addi %mul3A_118, %add3A_484 : i32
        %swap3A_486 = arith.index_cast %add3A_485 : i32 to index
        %swap3A_487 = arith.constant 48 : index
        %swap3A_488 = tpu.vector_load %arg10[%swap3A_486, %swap3A_487] {strides = array<i32>} : memref<128x128xf32, #tpu.memory_space<vmem>>, vector<16xf32>,
        tpu.vector_store %arg10[%swap3A_486, %swap3A_487], %gather3A_478 {strides = array<i32>} : memref<128x128xf32, #tpu.memory_space<vmem>>, vector<16xf32>,
        %slice3A_489 = vector.extract_strided_slice %add3A_368 {offsets = [8], sizes = [1], strides = [1]} : vector<16xi32> to vector<1xi32>
        %squeeze3A_490 = vector.extract %slice3A_489[0] : i32 from vector<1xi32>
        %broadcast_in_dim3A_491 = vector.broadcast %squeeze3A_490 : i32 to vector<16xi32>
        %gather3A_492 = tpu.vector_load_idx %arg7[%broadcast_in_dim3A_491, %iota3A] : memref<336x32xf32, #tpu.memory_space<vmem>>[vector<16xi32>, vector<16xi32>], vector<16xf32>,
        %gather3A_493 = tpu.vector_load_idx %arg7[%broadcast_in_dim3A_491, %add3A_5] : memref<336x32xf32, #tpu.memory_space<vmem>>[vector<16xi32>, vector<16xi32>], vector<16xf32>,
        %add3A_494 = arith.constant 8 : i32
        %add3A_495 = arith.addi %mul3A_118, %add3A_494 : i32
        %swap3A_496 = arith.index_cast %add3A_495 : i32 to index
        %swap3A_497 = arith.constant 32 : index
        %swap3A_498 = tpu.vector_load %arg10[%swap3A_496, %swap3A_497] {strides = array<i32>} : memref<128x128xf32, #tpu.memory_space<vmem>>, vector<16xf32>,
        tpu.vector_store %arg10[%swap3A_496, %swap3A_497], %gather3A_492 {strides = array<i32>} : memref<128x128xf32, #tpu.memory_space<vmem>>, vector<16xf32>,
        %add3A_499 = arith.constant 8 : i32
        %add3A_500 = arith.addi %mul3A_118, %add3A_499 : i32
        %swap3A_501 = arith.index_cast %add3A_500 : i32 to index
        %swap3A_502 = arith.constant 48 : index
        %swap3A_503 = tpu.vector_load %arg10[%swap3A_501, %swap3A_502] {strides = array<i32>} : memref<128x128xf32, #tpu.memory_space<vmem>>, vector<16xf32>,
        tpu.vector_store %arg10[%swap3A_501, %swap3A_502], %gather3A_493 {strides = array<i32>} : memref<128x128xf32, #tpu.memory_space<vmem>>, vector<16xf32>,
        %slice3A_504 = vector.extract_strided_slice %add3A_368 {offsets = [9], sizes = [1], strides = [1]} : vector<16xi32> to vector<1xi32>
        %squeeze3A_505 = vector.extract %slice3A_504[0] : i32 from vector<1xi32>
        %broadcast_in_dim3A_506 = vector.broadcast %squeeze3A_505 : i32 to vector<16xi32>
        %gather3A_507 = tpu.vector_load_idx %arg7[%broadcast_in_dim3A_506, %iota3A] : memref<336x32xf32, #tpu.memory_space<vmem>>[vector<16xi32>, vector<16xi32>], vector<16xf32>,
        %gather3A_508 = tpu.vector_load_idx %arg7[%broadcast_in_dim3A_506, %add3A_5] : memref<336x32xf32, #tpu.memory_space<vmem>>[vector<16xi32>, vector<16xi32>], vector<16xf32>,
        %add3A_509 = arith.constant 9 : i32
        %add3A_510 = arith.addi %mul3A_118, %add3A_509 : i32
        %swap3A_511 = arith.index_cast %add3A_510 : i32 to index
        %swap3A_512 = arith.constant 32 : index
        %swap3A_513 = tpu.vector_load %arg10[%swap3A_511, %swap3A_512] {strides = array<i32>} : memref<128x128xf32, #tpu.memory_space<vmem>>, vector<16xf32>,
        tpu.vector_store %arg10[%swap3A_511, %swap3A_512], %gather3A_507 {strides = array<i32>} : memref<128x128xf32, #tpu.memory_space<vmem>>, vector<16xf32>,
        %add3A_514 = arith.constant 9 : i32
        %add3A_515 = arith.addi %mul3A_118, %add3A_514 : i32
        %swap3A_516 = arith.index_cast %add3A_515 : i32 to index
        %swap3A_517 = arith.constant 48 : index
        %swap3A_518 = tpu.vector_load %arg10[%swap3A_516, %swap3A_517] {strides = array<i32>} : memref<128x128xf32, #tpu.memory_space<vmem>>, vector<16xf32>,
        tpu.vector_store %arg10[%swap3A_516, %swap3A_517], %gather3A_508 {strides = array<i32>} : memref<128x128xf32, #tpu.memory_space<vmem>>, vector<16xf32>,
        %slice3A_519 = vector.extract_strided_slice %add3A_368 {offsets = [10], sizes = [1], strides = [1]} : vector<16xi32> to vector<1xi32>
        %squeeze3A_520 = vector.extract %slice3A_519[0] : i32 from vector<1xi32>
        %broadcast_in_dim3A_521 = vector.broadcast %squeeze3A_520 : i32 to vector<16xi32>
        %gather3A_522 = tpu.vector_load_idx %arg7[%broadcast_in_dim3A_521, %iota3A] : memref<336x32xf32, #tpu.memory_space<vmem>>[vector<16xi32>, vector<16xi32>], vector<16xf32>,
        %gather3A_523 = tpu.vector_load_idx %arg7[%broadcast_in_dim3A_521, %add3A_5] : memref<336x32xf32, #tpu.memory_space<vmem>>[vector<16xi32>, vector<16xi32>], vector<16xf32>,
        %add3A_524 = arith.constant 10 : i32
        %add3A_525 = arith.addi %mul3A_118, %add3A_524 : i32
        %swap3A_526 = arith.index_cast %add3A_525 : i32 to index
        %swap3A_527 = arith.constant 32 : index
        %swap3A_528 = tpu.vector_load %arg10[%swap3A_526, %swap3A_527] {strides = array<i32>} : memref<128x128xf32, #tpu.memory_space<vmem>>, vector<16xf32>,
        tpu.vector_store %arg10[%swap3A_526, %swap3A_527], %gather3A_522 {strides = array<i32>} : memref<128x128xf32, #tpu.memory_space<vmem>>, vector<16xf32>,
        %add3A_529 = arith.constant 10 : i32
        %add3A_530 = arith.addi %mul3A_118, %add3A_529 : i32
        %swap3A_531 = arith.index_cast %add3A_530 : i32 to index
        %swap3A_532 = arith.constant 48 : index
        %swap3A_533 = tpu.vector_load %arg10[%swap3A_531, %swap3A_532] {strides = array<i32>} : memref<128x128xf32, #tpu.memory_space<vmem>>, vector<16xf32>,
        tpu.vector_store %arg10[%swap3A_531, %swap3A_532], %gather3A_523 {strides = array<i32>} : memref<128x128xf32, #tpu.memory_space<vmem>>, vector<16xf32>,
        %slice3A_534 = vector.extract_strided_slice %add3A_368 {offsets = [11], sizes = [1], strides = [1]} : vector<16xi32> to vector<1xi32>
        %squeeze3A_535 = vector.extract %slice3A_534[0] : i32 from vector<1xi32>
        %broadcast_in_dim3A_536 = vector.broadcast %squeeze3A_535 : i32 to vector<16xi32>
        %gather3A_537 = tpu.vector_load_idx %arg7[%broadcast_in_dim3A_536, %iota3A] : memref<336x32xf32, #tpu.memory_space<vmem>>[vector<16xi32>, vector<16xi32>], vector<16xf32>,
        %gather3A_538 = tpu.vector_load_idx %arg7[%broadcast_in_dim3A_536, %add3A_5] : memref<336x32xf32, #tpu.memory_space<vmem>>[vector<16xi32>, vector<16xi32>], vector<16xf32>,
        %add3A_539 = arith.constant 11 : i32
        %add3A_540 = arith.addi %mul3A_118, %add3A_539 : i32
        %swap3A_541 = arith.index_cast %add3A_540 : i32 to index
        %swap3A_542 = arith.constant 32 : index
        %swap3A_543 = tpu.vector_load %arg10[%swap3A_541, %swap3A_542] {strides = array<i32>} : memref<128x128xf32, #tpu.memory_space<vmem>>, vector<16xf32>,
        tpu.vector_store %arg10[%swap3A_541, %swap3A_542], %gather3A_537 {strides = array<i32>} : memref<128x128xf32, #tpu.memory_space<vmem>>, vector<16xf32>,
        %add3A_544 = arith.constant 11 : i32
        %add3A_545 = arith.addi %mul3A_118, %add3A_544 : i32
        %swap3A_546 = arith.index_cast %add3A_545 : i32 to index
        %swap3A_547 = arith.constant 48 : index
        %swap3A_548 = tpu.vector_load %arg10[%swap3A_546, %swap3A_547] {strides = array<i32>} : memref<128x128xf32, #tpu.memory_space<vmem>>, vector<16xf32>,
        tpu.vector_store %arg10[%swap3A_546, %swap3A_547], %gather3A_538 {strides = array<i32>} : memref<128x128xf32, #tpu.memory_space<vmem>>, vector<16xf32>,
        %slice3A_549 = vector.extract_strided_slice %add3A_368 {offsets = [12], sizes = [1], strides = [1]} : vector<16xi32> to vector<1xi32>
        %squeeze3A_550 = vector.extract %slice3A_549[0] : i32 from vector<1xi32>
        %broadcast_in_dim3A_551 = vector.broadcast %squeeze3A_550 : i32 to vector<16xi32>
        %gather3A_552 = tpu.vector_load_idx %arg7[%broadcast_in_dim3A_551, %iota3A] : memref<336x32xf32, #tpu.memory_space<vmem>>[vector<16xi32>, vector<16xi32>], vector<16xf32>,
        %gather3A_553 = tpu.vector_load_idx %arg7[%broadcast_in_dim3A_551, %add3A_5] : memref<336x32xf32, #tpu.memory_space<vmem>>[vector<16xi32>, vector<16xi32>], vector<16xf32>,
        %add3A_554 = arith.constant 12 : i32
        %add3A_555 = arith.addi %mul3A_118, %add3A_554 : i32
        %swap3A_556 = arith.index_cast %add3A_555 : i32 to index
        %swap3A_557 = arith.constant 32 : index
        %swap3A_558 = tpu.vector_load %arg10[%swap3A_556, %swap3A_557] {strides = array<i32>} : memref<128x128xf32, #tpu.memory_space<vmem>>, vector<16xf32>,
        tpu.vector_store %arg10[%swap3A_556, %swap3A_557], %gather3A_552 {strides = array<i32>} : memref<128x128xf32, #tpu.memory_space<vmem>>, vector<16xf32>,
        %add3A_559 = arith.constant 12 : i32
        %add3A_560 = arith.addi %mul3A_118, %add3A_559 : i32
        %swap3A_561 = arith.index_cast %add3A_560 : i32 to index
        %swap3A_562 = arith.constant 48 : index
        %swap3A_563 = tpu.vector_load %arg10[%swap3A_561, %swap3A_562] {strides = array<i32>} : memref<128x128xf32, #tpu.memory_space<vmem>>, vector<16xf32>,
        tpu.vector_store %arg10[%swap3A_561, %swap3A_562], %gather3A_553 {strides = array<i32>} : memref<128x128xf32, #tpu.memory_space<vmem>>, vector<16xf32>,
        %slice3A_564 = vector.extract_strided_slice %add3A_368 {offsets = [13], sizes = [1], strides = [1]} : vector<16xi32> to vector<1xi32>
        %squeeze3A_565 = vector.extract %slice3A_564[0] : i32 from vector<1xi32>
        %broadcast_in_dim3A_566 = vector.broadcast %squeeze3A_565 : i32 to vector<16xi32>
        %gather3A_567 = tpu.vector_load_idx %arg7[%broadcast_in_dim3A_566, %iota3A] : memref<336x32xf32, #tpu.memory_space<vmem>>[vector<16xi32>, vector<16xi32>], vector<16xf32>,
        %gather3A_568 = tpu.vector_load_idx %arg7[%broadcast_in_dim3A_566, %add3A_5] : memref<336x32xf32, #tpu.memory_space<vmem>>[vector<16xi32>, vector<16xi32>], vector<16xf32>,
        %add3A_569 = arith.constant 13 : i32
        %add3A_570 = arith.addi %mul3A_118, %add3A_569 : i32
        %swap3A_571 = arith.index_cast %add3A_570 : i32 to index
        %swap3A_572 = arith.constant 32 : index
        %swap3A_573 = tpu.vector_load %arg10[%swap3A_571, %swap3A_572] {strides = array<i32>} : memref<128x128xf32, #tpu.memory_space<vmem>>, vector<16xf32>,
        tpu.vector_store %arg10[%swap3A_571, %swap3A_572], %gather3A_567 {strides = array<i32>} : memref<128x128xf32, #tpu.memory_space<vmem>>, vector<16xf32>,
        %add3A_574 = arith.constant 13 : i32
        %add3A_575 = arith.addi %mul3A_118, %add3A_574 : i32
        %swap3A_576 = arith.index_cast %add3A_575 : i32 to index
        %swap3A_577 = arith.constant 48 : index
        %swap3A_578 = tpu.vector_load %arg10[%swap3A_576, %swap3A_577] {strides = array<i32>} : memref<128x128xf32, #tpu.memory_space<vmem>>, vector<16xf32>,
        tpu.vector_store %arg10[%swap3A_576, %swap3A_577], %gather3A_568 {strides = array<i32>} : memref<128x128xf32, #tpu.memory_space<vmem>>, vector<16xf32>,
        %slice3A_579 = vector.extract_strided_slice %add3A_368 {offsets = [14], sizes = [1], strides = [1]} : vector<16xi32> to vector<1xi32>
        %squeeze3A_580 = vector.extract %slice3A_579[0] : i32 from vector<1xi32>
        %broadcast_in_dim3A_581 = vector.broadcast %squeeze3A_580 : i32 to vector<16xi32>
        %gather3A_582 = tpu.vector_load_idx %arg7[%broadcast_in_dim3A_581, %iota3A] : memref<336x32xf32, #tpu.memory_space<vmem>>[vector<16xi32>, vector<16xi32>], vector<16xf32>,
        %gather3A_583 = tpu.vector_load_idx %arg7[%broadcast_in_dim3A_581, %add3A_5] : memref<336x32xf32, #tpu.memory_space<vmem>>[vector<16xi32>, vector<16xi32>], vector<16xf32>,
        %add3A_584 = arith.constant 14 : i32
        %add3A_585 = arith.addi %mul3A_118, %add3A_584 : i32
        %swap3A_586 = arith.index_cast %add3A_585 : i32 to index
        %swap3A_587 = arith.constant 32 : index
        %swap3A_588 = tpu.vector_load %arg10[%swap3A_586, %swap3A_587] {strides = array<i32>} : memref<128x128xf32, #tpu.memory_space<vmem>>, vector<16xf32>,
        tpu.vector_store %arg10[%swap3A_586, %swap3A_587], %gather3A_582 {strides = array<i32>} : memref<128x128xf32, #tpu.memory_space<vmem>>, vector<16xf32>,
        %add3A_589 = arith.constant 14 : i32
        %add3A_590 = arith.addi %mul3A_118, %add3A_589 : i32
        %swap3A_591 = arith.index_cast %add3A_590 : i32 to index
        %swap3A_592 = arith.constant 48 : index
        %swap3A_593 = tpu.vector_load %arg10[%swap3A_591, %swap3A_592] {strides = array<i32>} : memref<128x128xf32, #tpu.memory_space<vmem>>, vector<16xf32>,
        tpu.vector_store %arg10[%swap3A_591, %swap3A_592], %gather3A_583 {strides = array<i32>} : memref<128x128xf32, #tpu.memory_space<vmem>>, vector<16xf32>,
        %slice3A_594 = vector.extract_strided_slice %add3A_368 {offsets = [15], sizes = [1], strides = [1]} : vector<16xi32> to vector<1xi32>
        %squeeze3A_595 = vector.extract %slice3A_594[0] : i32 from vector<1xi32>
        %broadcast_in_dim3A_596 = vector.broadcast %squeeze3A_595 : i32 to vector<16xi32>
        %gather3A_597 = tpu.vector_load_idx %arg7[%broadcast_in_dim3A_596, %iota3A] : memref<336x32xf32, #tpu.memory_space<vmem>>[vector<16xi32>, vector<16xi32>], vector<16xf32>,
        %gather3A_598 = tpu.vector_load_idx %arg7[%broadcast_in_dim3A_596, %add3A_5] : memref<336x32xf32, #tpu.memory_space<vmem>>[vector<16xi32>, vector<16xi32>], vector<16xf32>,
        %add3A_599 = arith.constant 15 : i32
        %add3A_600 = arith.addi %mul3A_118, %add3A_599 : i32
        %swap3A_601 = arith.index_cast %add3A_600 : i32 to index
        %swap3A_602 = arith.constant 32 : index
        %swap3A_603 = tpu.vector_load %arg10[%swap3A_601, %swap3A_602] {strides = array<i32>} : memref<128x128xf32, #tpu.memory_space<vmem>>, vector<16xf32>,
        tpu.vector_store %arg10[%swap3A_601, %swap3A_602], %gather3A_597 {strides = array<i32>} : memref<128x128xf32, #tpu.memory_space<vmem>>, vector<16xf32>,
        %add3A_604 = arith.constant 15 : i32
        %add3A_605 = arith.addi %mul3A_118, %add3A_604 : i32
        %swap3A_606 = arith.index_cast %add3A_605 : i32 to index
        %swap3A_607 = arith.constant 48 : index
        %swap3A_608 = tpu.vector_load %arg10[%swap3A_606, %swap3A_607] {strides = array<i32>} : memref<128x128xf32, #tpu.memory_space<vmem>>, vector<16xf32>,
        tpu.vector_store %arg10[%swap3A_606, %swap3A_607], %gather3A_598 {strides = array<i32>} : memref<128x128xf32, #tpu.memory_space<vmem>>, vector<16xf32>,
        %get3A_609 = arith.constant 3 : i32
        %get3A_610 = arith.index_cast %get3A_609 : i32 to index
        %get3A_611 = arith.index_cast %add3A_43 : i32 to index
        %get3A_612 = arith.index_cast %mul3A_118 : i32 to index
        %get3A_613 = tpu.vector_load %arg6[%get3A_610, %get3A_611, %get3A_612] {strides = array<i32>} : memref<5x50x128xi32, #tpu.memory_space<vmem>>, vector<16xi32>,
        %add3A_614 = arith.constant 80 : i32
        %add3A_615 = vector.broadcast %add3A_614 : i32 to vector<16xi32>
        %add3A_616 = arith.addi %get3A_613, %add3A_615 : vector<16xi32>
        %slice3A_617 = vector.extract_strided_slice %add3A_616 {offsets = [0], sizes = [1], strides = [1]} : vector<16xi32> to vector<1xi32>
        %squeeze3A_618 = vector.extract %slice3A_617[0] : i32 from vector<1xi32>
        %broadcast_in_dim3A_619 = vector.broadcast %squeeze3A_618 : i32 to vector<16xi32>
        %gather3A_620 = tpu.vector_load_idx %arg7[%broadcast_in_dim3A_619, %iota3A] : memref<336x32xf32, #tpu.memory_space<vmem>>[vector<16xi32>, vector<16xi32>], vector<16xf32>,
        %gather3A_621 = tpu.vector_load_idx %arg7[%broadcast_in_dim3A_619, %add3A_5] : memref<336x32xf32, #tpu.memory_space<vmem>>[vector<16xi32>, vector<16xi32>], vector<16xf32>,
        %add3A_622 = arith.constant 0 : i32
        %add3A_623 = arith.addi %mul3A_118, %add3A_622 : i32
        %swap3A_624 = arith.index_cast %add3A_623 : i32 to index
        %swap3A_625 = arith.constant 64 : index
        %swap3A_626 = tpu.vector_load %arg10[%swap3A_624, %swap3A_625] {strides = array<i32>} : memref<128x128xf32, #tpu.memory_space<vmem>>, vector<16xf32>,
        tpu.vector_store %arg10[%swap3A_624, %swap3A_625], %gather3A_620 {strides = array<i32>} : memref<128x128xf32, #tpu.memory_space<vmem>>, vector<16xf32>,
        %add3A_627 = arith.constant 0 : i32
        %add3A_628 = arith.addi %mul3A_118, %add3A_627 : i32
        %swap3A_629 = arith.index_cast %add3A_628 : i32 to index
        %swap3A_630 = arith.constant 80 : index
        %swap3A_631 = tpu.vector_load %arg10[%swap3A_629, %swap3A_630] {strides = array<i32>} : memref<128x128xf32, #tpu.memory_space<vmem>>, vector<16xf32>,
        tpu.vector_store %arg10[%swap3A_629, %swap3A_630], %gather3A_621 {strides = array<i32>} : memref<128x128xf32, #tpu.memory_space<vmem>>, vector<16xf32>,
        %slice3A_632 = vector.extract_strided_slice %add3A_616 {offsets = [1], sizes = [1], strides = [1]} : vector<16xi32> to vector<1xi32>
        %squeeze3A_633 = vector.extract %slice3A_632[0] : i32 from vector<1xi32>
        %broadcast_in_dim3A_634 = vector.broadcast %squeeze3A_633 : i32 to vector<16xi32>
        %gather3A_635 = tpu.vector_load_idx %arg7[%broadcast_in_dim3A_634, %iota3A] : memref<336x32xf32, #tpu.memory_space<vmem>>[vector<16xi32>, vector<16xi32>], vector<16xf32>,
        %gather3A_636 = tpu.vector_load_idx %arg7[%broadcast_in_dim3A_634, %add3A_5] : memref<336x32xf32, #tpu.memory_space<vmem>>[vector<16xi32>, vector<16xi32>], vector<16xf32>,
        %add3A_637 = arith.constant 1 : i32
        %add3A_638 = arith.addi %mul3A_118, %add3A_637 : i32
        %swap3A_639 = arith.index_cast %add3A_638 : i32 to index
        %swap3A_640 = arith.constant 64 : index
        %swap3A_641 = tpu.vector_load %arg10[%swap3A_639, %swap3A_640] {strides = array<i32>} : memref<128x128xf32, #tpu.memory_space<vmem>>, vector<16xf32>,
        tpu.vector_store %arg10[%swap3A_639, %swap3A_640], %gather3A_635 {strides = array<i32>} : memref<128x128xf32, #tpu.memory_space<vmem>>, vector<16xf32>,
        %add3A_642 = arith.constant 1 : i32
        %add3A_643 = arith.addi %mul3A_118, %add3A_642 : i32
        %swap3A_644 = arith.index_cast %add3A_643 : i32 to index
        %swap3A_645 = arith.constant 80 : index
        %swap3A_646 = tpu.vector_load %arg10[%swap3A_644, %swap3A_645] {strides = array<i32>} : memref<128x128xf32, #tpu.memory_space<vmem>>, vector<16xf32>,
        tpu.vector_store %arg10[%swap3A_644, %swap3A_645], %gather3A_636 {strides = array<i32>} : memref<128x128xf32, #tpu.memory_space<vmem>>, vector<16xf32>,
        %slice3A_647 = vector.extract_strided_slice %add3A_616 {offsets = [2], sizes = [1], strides = [1]} : vector<16xi32> to vector<1xi32>
        %squeeze3A_648 = vector.extract %slice3A_647[0] : i32 from vector<1xi32>
        %broadcast_in_dim3A_649 = vector.broadcast %squeeze3A_648 : i32 to vector<16xi32>
        %gather3A_650 = tpu.vector_load_idx %arg7[%broadcast_in_dim3A_649, %iota3A] : memref<336x32xf32, #tpu.memory_space<vmem>>[vector<16xi32>, vector<16xi32>], vector<16xf32>,
        %gather3A_651 = tpu.vector_load_idx %arg7[%broadcast_in_dim3A_649, %add3A_5] : memref<336x32xf32, #tpu.memory_space<vmem>>[vector<16xi32>, vector<16xi32>], vector<16xf32>,
        %add3A_652 = arith.constant 2 : i32
        %add3A_653 = arith.addi %mul3A_118, %add3A_652 : i32
        %swap3A_654 = arith.index_cast %add3A_653 : i32 to index
        %swap3A_655 = arith.constant 64 : index
        %swap3A_656 = tpu.vector_load %arg10[%swap3A_654, %swap3A_655] {strides = array<i32>} : memref<128x128xf32, #tpu.memory_space<vmem>>, vector<16xf32>,
        tpu.vector_store %arg10[%swap3A_654, %swap3A_655], %gather3A_650 {strides = array<i32>} : memref<128x128xf32, #tpu.memory_space<vmem>>, vector<16xf32>,
        %add3A_657 = arith.constant 2 : i32
        %add3A_658 = arith.addi %mul3A_118, %add3A_657 : i32
        %swap3A_659 = arith.index_cast %add3A_658 : i32 to index
        %swap3A_660 = arith.constant 80 : index
        %swap3A_661 = tpu.vector_load %arg10[%swap3A_659, %swap3A_660] {strides = array<i32>} : memref<128x128xf32, #tpu.memory_space<vmem>>, vector<16xf32>,
        tpu.vector_store %arg10[%swap3A_659, %swap3A_660], %gather3A_651 {strides = array<i32>} : memref<128x128xf32, #tpu.memory_space<vmem>>, vector<16xf32>,
        %slice3A_662 = vector.extract_strided_slice %add3A_616 {offsets = [3], sizes = [1], strides = [1]} : vector<16xi32> to vector<1xi32>
        %squeeze3A_663 = vector.extract %slice3A_662[0] : i32 from vector<1xi32>
        %broadcast_in_dim3A_664 = vector.broadcast %squeeze3A_663 : i32 to vector<16xi32>
        %gather3A_665 = tpu.vector_load_idx %arg7[%broadcast_in_dim3A_664, %iota3A] : memref<336x32xf32, #tpu.memory_space<vmem>>[vector<16xi32>, vector<16xi32>], vector<16xf32>,
        %gather3A_666 = tpu.vector_load_idx %arg7[%broadcast_in_dim3A_664, %add3A_5] : memref<336x32xf32, #tpu.memory_space<vmem>>[vector<16xi32>, vector<16xi32>], vector<16xf32>,
        %add3A_667 = arith.constant 3 : i32
        %add3A_668 = arith.addi %mul3A_118, %add3A_667 : i32
        %swap3A_669 = arith.index_cast %add3A_668 : i32 to index
        %swap3A_670 = arith.constant 64 : index
        %swap3A_671 = tpu.vector_load %arg10[%swap3A_669, %swap3A_670] {strides = array<i32>} : memref<128x128xf32, #tpu.memory_space<vmem>>, vector<16xf32>,
        tpu.vector_store %arg10[%swap3A_669, %swap3A_670], %gather3A_665 {strides = array<i32>} : memref<128x128xf32, #tpu.memory_space<vmem>>, vector<16xf32>,
        %add3A_672 = arith.constant 3 : i32
        %add3A_673 = arith.addi %mul3A_118, %add3A_672 : i32
        %swap3A_674 = arith.index_cast %add3A_673 : i32 to index
        %swap3A_675 = arith.constant 80 : index
        %swap3A_676 = tpu.vector_load %arg10[%swap3A_674, %swap3A_675] {strides = array<i32>} : memref<128x128xf32, #tpu.memory_space<vmem>>, vector<16xf32>,
        tpu.vector_store %arg10[%swap3A_674, %swap3A_675], %gather3A_666 {strides = array<i32>} : memref<128x128xf32, #tpu.memory_space<vmem>>, vector<16xf32>,
        %slice3A_677 = vector.extract_strided_slice %add3A_616 {offsets = [4], sizes = [1], strides = [1]} : vector<16xi32> to vector<1xi32>
        %squeeze3A_678 = vector.extract %slice3A_677[0] : i32 from vector<1xi32>
        %broadcast_in_dim3A_679 = vector.broadcast %squeeze3A_678 : i32 to vector<16xi32>
        %gather3A_680 = tpu.vector_load_idx %arg7[%broadcast_in_dim3A_679, %iota3A] : memref<336x32xf32, #tpu.memory_space<vmem>>[vector<16xi32>, vector<16xi32>], vector<16xf32>,
        %gather3A_681 = tpu.vector_load_idx %arg7[%broadcast_in_dim3A_679, %add3A_5] : memref<336x32xf32, #tpu.memory_space<vmem>>[vector<16xi32>, vector<16xi32>], vector<16xf32>,
        %add3A_682 = arith.constant 4 : i32
        %add3A_683 = arith.addi %mul3A_118, %add3A_682 : i32
        %swap3A_684 = arith.index_cast %add3A_683 : i32 to index
        %swap3A_685 = arith.constant 64 : index
        %swap3A_686 = tpu.vector_load %arg10[%swap3A_684, %swap3A_685] {strides = array<i32>} : memref<128x128xf32, #tpu.memory_space<vmem>>, vector<16xf32>,
        tpu.vector_store %arg10[%swap3A_684, %swap3A_685], %gather3A_680 {strides = array<i32>} : memref<128x128xf32, #tpu.memory_space<vmem>>, vector<16xf32>,
        %add3A_687 = arith.constant 4 : i32
        %add3A_688 = arith.addi %mul3A_118, %add3A_687 : i32
        %swap3A_689 = arith.index_cast %add3A_688 : i32 to index
        %swap3A_690 = arith.constant 80 : index
        %swap3A_691 = tpu.vector_load %arg10[%swap3A_689, %swap3A_690] {strides = array<i32>} : memref<128x128xf32, #tpu.memory_space<vmem>>, vector<16xf32>,
        tpu.vector_store %arg10[%swap3A_689, %swap3A_690], %gather3A_681 {strides = array<i32>} : memref<128x128xf32, #tpu.memory_space<vmem>>, vector<16xf32>,
        %slice3A_692 = vector.extract_strided_slice %add3A_616 {offsets = [5], sizes = [1], strides = [1]} : vector<16xi32> to vector<1xi32>
        %squeeze3A_693 = vector.extract %slice3A_692[0] : i32 from vector<1xi32>
        %broadcast_in_dim3A_694 = vector.broadcast %squeeze3A_693 : i32 to vector<16xi32>
        %gather3A_695 = tpu.vector_load_idx %arg7[%broadcast_in_dim3A_694, %iota3A] : memref<336x32xf32, #tpu.memory_space<vmem>>[vector<16xi32>, vector<16xi32>], vector<16xf32>,
        %gather3A_696 = tpu.vector_load_idx %arg7[%broadcast_in_dim3A_694, %add3A_5] : memref<336x32xf32, #tpu.memory_space<vmem>>[vector<16xi32>, vector<16xi32>], vector<16xf32>,
        %add3A_697 = arith.constant 5 : i32
        %add3A_698 = arith.addi %mul3A_118, %add3A_697 : i32
        %swap3A_699 = arith.index_cast %add3A_698 : i32 to index
        %swap3A_700 = arith.constant 64 : index
        %swap3A_701 = tpu.vector_load %arg10[%swap3A_699, %swap3A_700] {strides = array<i32>} : memref<128x128xf32, #tpu.memory_space<vmem>>, vector<16xf32>,
        tpu.vector_store %arg10[%swap3A_699, %swap3A_700], %gather3A_695 {strides = array<i32>} : memref<128x128xf32, #tpu.memory_space<vmem>>, vector<16xf32>,
        %add3A_702 = arith.constant 5 : i32
        %add3A_703 = arith.addi %mul3A_118, %add3A_702 : i32
        %swap3A_704 = arith.index_cast %add3A_703 : i32 to index
        %swap3A_705 = arith.constant 80 : index
        %swap3A_706 = tpu.vector_load %arg10[%swap3A_704, %swap3A_705] {strides = array<i32>} : memref<128x128xf32, #tpu.memory_space<vmem>>, vector<16xf32>,
        tpu.vector_store %arg10[%swap3A_704, %swap3A_705], %gather3A_696 {strides = array<i32>} : memref<128x128xf32, #tpu.memory_space<vmem>>, vector<16xf32>,
        %slice3A_707 = vector.extract_strided_slice %add3A_616 {offsets = [6], sizes = [1], strides = [1]} : vector<16xi32> to vector<1xi32>
        %squeeze3A_708 = vector.extract %slice3A_707[0] : i32 from vector<1xi32>
        %broadcast_in_dim3A_709 = vector.broadcast %squeeze3A_708 : i32 to vector<16xi32>
        %gather3A_710 = tpu.vector_load_idx %arg7[%broadcast_in_dim3A_709, %iota3A] : memref<336x32xf32, #tpu.memory_space<vmem>>[vector<16xi32>, vector<16xi32>], vector<16xf32>,
        %gather3A_711 = tpu.vector_load_idx %arg7[%broadcast_in_dim3A_709, %add3A_5] : memref<336x32xf32, #tpu.memory_space<vmem>>[vector<16xi32>, vector<16xi32>], vector<16xf32>,
        %add3A_712 = arith.constant 6 : i32
        %add3A_713 = arith.addi %mul3A_118, %add3A_712 : i32
        %swap3A_714 = arith.index_cast %add3A_713 : i32 to index
        %swap3A_715 = arith.constant 64 : index
        %swap3A_716 = tpu.vector_load %arg10[%swap3A_714, %swap3A_715] {strides = array<i32>} : memref<128x128xf32, #tpu.memory_space<vmem>>, vector<16xf32>,
        tpu.vector_store %arg10[%swap3A_714, %swap3A_715], %gather3A_710 {strides = array<i32>} : memref<128x128xf32, #tpu.memory_space<vmem>>, vector<16xf32>,
        %add3A_717 = arith.constant 6 : i32
        %add3A_718 = arith.addi %mul3A_118, %add3A_717 : i32
        %swap3A_719 = arith.index_cast %add3A_718 : i32 to index
        %swap3A_720 = arith.constant 80 : index
        %swap3A_721 = tpu.vector_load %arg10[%swap3A_719, %swap3A_720] {strides = array<i32>} : memref<128x128xf32, #tpu.memory_space<vmem>>, vector<16xf32>,
        tpu.vector_store %arg10[%swap3A_719, %swap3A_720], %gather3A_711 {strides = array<i32>} : memref<128x128xf32, #tpu.memory_space<vmem>>, vector<16xf32>,
        %slice3A_722 = vector.extract_strided_slice %add3A_616 {offsets = [7], sizes = [1], strides = [1]} : vector<16xi32> to vector<1xi32>
        %squeeze3A_723 = vector.extract %slice3A_722[0] : i32 from vector<1xi32>
        %broadcast_in_dim3A_724 = vector.broadcast %squeeze3A_723 : i32 to vector<16xi32>
        %gather3A_725 = tpu.vector_load_idx %arg7[%broadcast_in_dim3A_724, %iota3A] : memref<336x32xf32, #tpu.memory_space<vmem>>[vector<16xi32>, vector<16xi32>], vector<16xf32>,
        %gather3A_726 = tpu.vector_load_idx %arg7[%broadcast_in_dim3A_724, %add3A_5] : memref<336x32xf32, #tpu.memory_space<vmem>>[vector<16xi32>, vector<16xi32>], vector<16xf32>,
        %add3A_727 = arith.constant 7 : i32
        %add3A_728 = arith.addi %mul3A_118, %add3A_727 : i32
        %swap3A_729 = arith.index_cast %add3A_728 : i32 to index
        %swap3A_730 = arith.constant 64 : index
        %swap3A_731 = tpu.vector_load %arg10[%swap3A_729, %swap3A_730] {strides = array<i32>} : memref<128x128xf32, #tpu.memory_space<vmem>>, vector<16xf32>,
        tpu.vector_store %arg10[%swap3A_729, %swap3A_730], %gather3A_725 {strides = array<i32>} : memref<128x128xf32, #tpu.memory_space<vmem>>, vector<16xf32>,
        %add3A_732 = arith.constant 7 : i32
        %add3A_733 = arith.addi %mul3A_118, %add3A_732 : i32
        %swap3A_734 = arith.index_cast %add3A_733 : i32 to index
        %swap3A_735 = arith.constant 80 : index
        %swap3A_736 = tpu.vector_load %arg10[%swap3A_734, %swap3A_735] {strides = array<i32>} : memref<128x128xf32, #tpu.memory_space<vmem>>, vector<16xf32>,
        tpu.vector_store %arg10[%swap3A_734, %swap3A_735], %gather3A_726 {strides = array<i32>} : memref<128x128xf32, #tpu.memory_space<vmem>>, vector<16xf32>,
        %slice3A_737 = vector.extract_strided_slice %add3A_616 {offsets = [8], sizes = [1], strides = [1]} : vector<16xi32> to vector<1xi32>
        %squeeze3A_738 = vector.extract %slice3A_737[0] : i32 from vector<1xi32>
        %broadcast_in_dim3A_739 = vector.broadcast %squeeze3A_738 : i32 to vector<16xi32>
        %gather3A_740 = tpu.vector_load_idx %arg7[%broadcast_in_dim3A_739, %iota3A] : memref<336x32xf32, #tpu.memory_space<vmem>>[vector<16xi32>, vector<16xi32>], vector<16xf32>,
        %gather3A_741 = tpu.vector_load_idx %arg7[%broadcast_in_dim3A_739, %add3A_5] : memref<336x32xf32, #tpu.memory_space<vmem>>[vector<16xi32>, vector<16xi32>], vector<16xf32>,
        %add3A_742 = arith.constant 8 : i32
        %add3A_743 = arith.addi %mul3A_118, %add3A_742 : i32
        %swap3A_744 = arith.index_cast %add3A_743 : i32 to index
        %swap3A_745 = arith.constant 64 : index
        %swap3A_746 = tpu.vector_load %arg10[%swap3A_744, %swap3A_745] {strides = array<i32>} : memref<128x128xf32, #tpu.memory_space<vmem>>, vector<16xf32>,
        tpu.vector_store %arg10[%swap3A_744, %swap3A_745], %gather3A_740 {strides = array<i32>} : memref<128x128xf32, #tpu.memory_space<vmem>>, vector<16xf32>,
        %add3A_747 = arith.constant 8 : i32
        %add3A_748 = arith.addi %mul3A_118, %add3A_747 : i32
        %swap3A_749 = arith.index_cast %add3A_748 : i32 to index
        %swap3A_750 = arith.constant 80 : index
        %swap3A_751 = tpu.vector_load %arg10[%swap3A_749, %swap3A_750] {strides = array<i32>} : memref<128x128xf32, #tpu.memory_space<vmem>>, vector<16xf32>,
        tpu.vector_store %arg10[%swap3A_749, %swap3A_750], %gather3A_741 {strides = array<i32>} : memref<128x128xf32, #tpu.memory_space<vmem>>, vector<16xf32>,
        %slice3A_752 = vector.extract_strided_slice %add3A_616 {offsets = [9], sizes = [1], strides = [1]} : vector<16xi32> to vector<1xi32>
        %squeeze3A_753 = vector.extract %slice3A_752[0] : i32 from vector<1xi32>
        %broadcast_in_dim3A_754 = vector.broadcast %squeeze3A_753 : i32 to vector<16xi32>
        %gather3A_755 = tpu.vector_load_idx %arg7[%broadcast_in_dim3A_754, %iota3A] : memref<336x32xf32, #tpu.memory_space<vmem>>[vector<16xi32>, vector<16xi32>], vector<16xf32>,
        %gather3A_756 = tpu.vector_load_idx %arg7[%broadcast_in_dim3A_754, %add3A_5] : memref<336x32xf32, #tpu.memory_space<vmem>>[vector<16xi32>, vector<16xi32>], vector<16xf32>,
        %add3A_757 = arith.constant 9 : i32
        %add3A_758 = arith.addi %mul3A_118, %add3A_757 : i32
        %swap3A_759 = arith.index_cast %add3A_758 : i32 to index
        %swap3A_760 = arith.constant 64 : index
        %swap3A_761 = tpu.vector_load %arg10[%swap3A_759, %swap3A_760] {strides = array<i32>} : memref<128x128xf32, #tpu.memory_space<vmem>>, vector<16xf32>,
        tpu.vector_store %arg10[%swap3A_759, %swap3A_760], %gather3A_755 {strides = array<i32>} : memref<128x128xf32, #tpu.memory_space<vmem>>, vector<16xf32>,
        %add3A_762 = arith.constant 9 : i32
        %add3A_763 = arith.addi %mul3A_118, %add3A_762 : i32
        %swap3A_764 = arith.index_cast %add3A_763 : i32 to index
        %swap3A_765 = arith.constant 80 : index
        %swap3A_766 = tpu.vector_load %arg10[%swap3A_764, %swap3A_765] {strides = array<i32>} : memref<128x128xf32, #tpu.memory_space<vmem>>, vector<16xf32>,
        tpu.vector_store %arg10[%swap3A_764, %swap3A_765], %gather3A_756 {strides = array<i32>} : memref<128x128xf32, #tpu.memory_space<vmem>>, vector<16xf32>,
        %slice3A_767 = vector.extract_strided_slice %add3A_616 {offsets = [10], sizes = [1], strides = [1]} : vector<16xi32> to vector<1xi32>
        %squeeze3A_768 = vector.extract %slice3A_767[0] : i32 from vector<1xi32>
        %broadcast_in_dim3A_769 = vector.broadcast %squeeze3A_768 : i32 to vector<16xi32>
        %gather3A_770 = tpu.vector_load_idx %arg7[%broadcast_in_dim3A_769, %iota3A] : memref<336x32xf32, #tpu.memory_space<vmem>>[vector<16xi32>, vector<16xi32>], vector<16xf32>,
        %gather3A_771 = tpu.vector_load_idx %arg7[%broadcast_in_dim3A_769, %add3A_5] : memref<336x32xf32, #tpu.memory_space<vmem>>[vector<16xi32>, vector<16xi32>], vector<16xf32>,
        %add3A_772 = arith.constant 10 : i32
        %add3A_773 = arith.addi %mul3A_118, %add3A_772 : i32
        %swap3A_774 = arith.index_cast %add3A_773 : i32 to index
        %swap3A_775 = arith.constant 64 : index
        %swap3A_776 = tpu.vector_load %arg10[%swap3A_774, %swap3A_775] {strides = array<i32>} : memref<128x128xf32, #tpu.memory_space<vmem>>, vector<16xf32>,
        tpu.vector_store %arg10[%swap3A_774, %swap3A_775], %gather3A_770 {strides = array<i32>} : memref<128x128xf32, #tpu.memory_space<vmem>>, vector<16xf32>,
        %add3A_777 = arith.constant 10 : i32
        %add3A_778 = arith.addi %mul3A_118, %add3A_777 : i32
        %swap3A_779 = arith.index_cast %add3A_778 : i32 to index
        %swap3A_780 = arith.constant 80 : index
        %swap3A_781 = tpu.vector_load %arg10[%swap3A_779, %swap3A_780] {strides = array<i32>} : memref<128x128xf32, #tpu.memory_space<vmem>>, vector<16xf32>,
        tpu.vector_store %arg10[%swap3A_779, %swap3A_780], %gather3A_771 {strides = array<i32>} : memref<128x128xf32, #tpu.memory_space<vmem>>, vector<16xf32>,
        %slice3A_782 = vector.extract_strided_slice %add3A_616 {offsets = [11], sizes = [1], strides = [1]} : vector<16xi32> to vector<1xi32>
        %squeeze3A_783 = vector.extract %slice3A_782[0] : i32 from vector<1xi32>
        %broadcast_in_dim3A_784 = vector.broadcast %squeeze3A_783 : i32 to vector<16xi32>
        %gather3A_785 = tpu.vector_load_idx %arg7[%broadcast_in_dim3A_784, %iota3A] : memref<336x32xf32, #tpu.memory_space<vmem>>[vector<16xi32>, vector<16xi32>], vector<16xf32>,
        %gather3A_786 = tpu.vector_load_idx %arg7[%broadcast_in_dim3A_784, %add3A_5] : memref<336x32xf32, #tpu.memory_space<vmem>>[vector<16xi32>, vector<16xi32>], vector<16xf32>,
        %add3A_787 = arith.constant 11 : i32
        %add3A_788 = arith.addi %mul3A_118, %add3A_787 : i32
        %swap3A_789 = arith.index_cast %add3A_788 : i32 to index
        %swap3A_790 = arith.constant 64 : index
        %swap3A_791 = tpu.vector_load %arg10[%swap3A_789, %swap3A_790] {strides = array<i32>} : memref<128x128xf32, #tpu.memory_space<vmem>>, vector<16xf32>,
        tpu.vector_store %arg10[%swap3A_789, %swap3A_790], %gather3A_785 {strides = array<i32>} : memref<128x128xf32, #tpu.memory_space<vmem>>, vector<16xf32>,
        %add3A_792 = arith.constant 11 : i32
        %add3A_793 = arith.addi %mul3A_118, %add3A_792 : i32
        %swap3A_794 = arith.index_cast %add3A_793 : i32 to index
        %swap3A_795 = arith.constant 80 : index
        %swap3A_796 = tpu.vector_load %arg10[%swap3A_794, %swap3A_795] {strides = array<i32>} : memref<128x128xf32, #tpu.memory_space<vmem>>, vector<16xf32>,
        tpu.vector_store %arg10[%swap3A_794, %swap3A_795], %gather3A_786 {strides = array<i32>} : memref<128x128xf32, #tpu.memory_space<vmem>>, vector<16xf32>,
        %slice3A_797 = vector.extract_strided_slice %add3A_616 {offsets = [12], sizes = [1], strides = [1]} : vector<16xi32> to vector<1xi32>
        %squeeze3A_798 = vector.extract %slice3A_797[0] : i32 from vector<1xi32>
        %broadcast_in_dim3A_799 = vector.broadcast %squeeze3A_798 : i32 to vector<16xi32>
        %gather3A_800 = tpu.vector_load_idx %arg7[%broadcast_in_dim3A_799, %iota3A] : memref<336x32xf32, #tpu.memory_space<vmem>>[vector<16xi32>, vector<16xi32>], vector<16xf32>,
        %gather3A_801 = tpu.vector_load_idx %arg7[%broadcast_in_dim3A_799, %add3A_5] : memref<336x32xf32, #tpu.memory_space<vmem>>[vector<16xi32>, vector<16xi32>], vector<16xf32>,
        %add3A_802 = arith.constant 12 : i32
        %add3A_803 = arith.addi %mul3A_118, %add3A_802 : i32
        %swap3A_804 = arith.index_cast %add3A_803 : i32 to index
        %swap3A_805 = arith.constant 64 : index
        %swap3A_806 = tpu.vector_load %arg10[%swap3A_804, %swap3A_805] {strides = array<i32>} : memref<128x128xf32, #tpu.memory_space<vmem>>, vector<16xf32>,
        tpu.vector_store %arg10[%swap3A_804, %swap3A_805], %gather3A_800 {strides = array<i32>} : memref<128x128xf32, #tpu.memory_space<vmem>>, vector<16xf32>,
        %add3A_807 = arith.constant 12 : i32
        %add3A_808 = arith.addi %mul3A_118, %add3A_807 : i32
        %swap3A_809 = arith.index_cast %add3A_808 : i32 to index
        %swap3A_810 = arith.constant 80 : index
        %swap3A_811 = tpu.vector_load %arg10[%swap3A_809, %swap3A_810] {strides = array<i32>} : memref<128x128xf32, #tpu.memory_space<vmem>>, vector<16xf32>,
        tpu.vector_store %arg10[%swap3A_809, %swap3A_810], %gather3A_801 {strides = array<i32>} : memref<128x128xf32, #tpu.memory_space<vmem>>, vector<16xf32>,
        %slice3A_812 = vector.extract_strided_slice %add3A_616 {offsets = [13], sizes = [1], strides = [1]} : vector<16xi32> to vector<1xi32>
        %squeeze3A_813 = vector.extract %slice3A_812[0] : i32 from vector<1xi32>
        %broadcast_in_dim3A_814 = vector.broadcast %squeeze3A_813 : i32 to vector<16xi32>
        %gather3A_815 = tpu.vector_load_idx %arg7[%broadcast_in_dim3A_814, %iota3A] : memref<336x32xf32, #tpu.memory_space<vmem>>[vector<16xi32>, vector<16xi32>], vector<16xf32>,
        %gather3A_816 = tpu.vector_load_idx %arg7[%broadcast_in_dim3A_814, %add3A_5] : memref<336x32xf32, #tpu.memory_space<vmem>>[vector<16xi32>, vector<16xi32>], vector<16xf32>,
        %add3A_817 = arith.constant 13 : i32
        %add3A_818 = arith.addi %mul3A_118, %add3A_817 : i32
        %swap3A_819 = arith.index_cast %add3A_818 : i32 to index
        %swap3A_820 = arith.constant 64 : index
        %swap3A_821 = tpu.vector_load %arg10[%swap3A_819, %swap3A_820] {strides = array<i32>} : memref<128x128xf32, #tpu.memory_space<vmem>>, vector<16xf32>,
        tpu.vector_store %arg10[%swap3A_819, %swap3A_820], %gather3A_815 {strides = array<i32>} : memref<128x128xf32, #tpu.memory_space<vmem>>, vector<16xf32>,
        %add3A_822 = arith.constant 13 : i32
        %add3A_823 = arith.addi %mul3A_118, %add3A_822 : i32
        %swap3A_824 = arith.index_cast %add3A_823 : i32 to index
        %swap3A_825 = arith.constant 80 : index
        %swap3A_826 = tpu.vector_load %arg10[%swap3A_824, %swap3A_825] {strides = array<i32>} : memref<128x128xf32, #tpu.memory_space<vmem>>, vector<16xf32>,
        tpu.vector_store %arg10[%swap3A_824, %swap3A_825], %gather3A_816 {strides = array<i32>} : memref<128x128xf32, #tpu.memory_space<vmem>>, vector<16xf32>,
        %slice3A_827 = vector.extract_strided_slice %add3A_616 {offsets = [14], sizes = [1], strides = [1]} : vector<16xi32> to vector<1xi32>
        %squeeze3A_828 = vector.extract %slice3A_827[0] : i32 from vector<1xi32>
        %broadcast_in_dim3A_829 = vector.broadcast %squeeze3A_828 : i32 to vector<16xi32>
        %gather3A_830 = tpu.vector_load_idx %arg7[%broadcast_in_dim3A_829, %iota3A] : memref<336x32xf32, #tpu.memory_space<vmem>>[vector<16xi32>, vector<16xi32>], vector<16xf32>,
        %gather3A_831 = tpu.vector_load_idx %arg7[%broadcast_in_dim3A_829, %add3A_5] : memref<336x32xf32, #tpu.memory_space<vmem>>[vector<16xi32>, vector<16xi32>], vector<16xf32>,
        %add3A_832 = arith.constant 14 : i32
        %add3A_833 = arith.addi %mul3A_118, %add3A_832 : i32
        %swap3A_834 = arith.index_cast %add3A_833 : i32 to index
        %swap3A_835 = arith.constant 64 : index
        %swap3A_836 = tpu.vector_load %arg10[%swap3A_834, %swap3A_835] {strides = array<i32>} : memref<128x128xf32, #tpu.memory_space<vmem>>, vector<16xf32>,
        tpu.vector_store %arg10[%swap3A_834, %swap3A_835], %gather3A_830 {strides = array<i32>} : memref<128x128xf32, #tpu.memory_space<vmem>>, vector<16xf32>,
        %add3A_837 = arith.constant 14 : i32
        %add3A_838 = arith.addi %mul3A_118, %add3A_837 : i32
        %swap3A_839 = arith.index_cast %add3A_838 : i32 to index
        %swap3A_840 = arith.constant 80 : index
        %swap3A_841 = tpu.vector_load %arg10[%swap3A_839, %swap3A_840] {strides = array<i32>} : memref<128x128xf32, #tpu.memory_space<vmem>>, vector<16xf32>,
        tpu.vector_store %arg10[%swap3A_839, %swap3A_840], %gather3A_831 {strides = array<i32>} : memref<128x128xf32, #tpu.memory_space<vmem>>, vector<16xf32>,
        %slice3A_842 = vector.extract_strided_slice %add3A_616 {offsets = [15], sizes = [1], strides = [1]} : vector<16xi32> to vector<1xi32>
        %squeeze3A_843 = vector.extract %slice3A_842[0] : i32 from vector<1xi32>
        %broadcast_in_dim3A_844 = vector.broadcast %squeeze3A_843 : i32 to vector<16xi32>
        %gather3A_845 = tpu.vector_load_idx %arg7[%broadcast_in_dim3A_844, %iota3A] : memref<336x32xf32, #tpu.memory_space<vmem>>[vector<16xi32>, vector<16xi32>], vector<16xf32>,
        %gather3A_846 = tpu.vector_load_idx %arg7[%broadcast_in_dim3A_844, %add3A_5] : memref<336x32xf32, #tpu.memory_space<vmem>>[vector<16xi32>, vector<16xi32>], vector<16xf32>,
        %add3A_847 = arith.constant 15 : i32
        %add3A_848 = arith.addi %mul3A_118, %add3A_847 : i32
        %swap3A_849 = arith.index_cast %add3A_848 : i32 to index
        %swap3A_850 = arith.constant 64 : index
        %swap3A_851 = tpu.vector_load %arg10[%swap3A_849, %swap3A_850] {strides = array<i32>} : memref<128x128xf32, #tpu.memory_space<vmem>>, vector<16xf32>,
        tpu.vector_store %arg10[%swap3A_849, %swap3A_850], %gather3A_845 {strides = array<i32>} : memref<128x128xf32, #tpu.memory_space<vmem>>, vector<16xf32>,
        %add3A_852 = arith.constant 15 : i32
        %add3A_853 = arith.addi %mul3A_118, %add3A_852 : i32
        %swap3A_854 = arith.index_cast %add3A_853 : i32 to index
        %swap3A_855 = arith.constant 80 : index
        %swap3A_856 = tpu.vector_load %arg10[%swap3A_854, %swap3A_855] {strides = array<i32>} : memref<128x128xf32, #tpu.memory_space<vmem>>, vector<16xf32>,
        tpu.vector_store %arg10[%swap3A_854, %swap3A_855], %gather3A_846 {strides = array<i32>} : memref<128x128xf32, #tpu.memory_space<vmem>>, vector<16xf32>,
        %get3A_857 = arith.constant 4 : i32
        %get3A_858 = arith.index_cast %get3A_857 : i32 to index
        %get3A_859 = arith.index_cast %add3A_43 : i32 to index
        %get3A_860 = arith.index_cast %mul3A_118 : i32 to index
        %get3A_861 = tpu.vector_load %arg6[%get3A_858, %get3A_859, %get3A_860] {strides = array<i32>} : memref<5x50x128xi32, #tpu.memory_space<vmem>>, vector<16xi32>,
        %add3A_862 = arith.constant 128 : i32
        %add3A_863 = vector.broadcast %add3A_862 : i32 to vector<16xi32>
        %add3A_864 = arith.addi %get3A_861, %add3A_863 : vector<16xi32>
        %slice3A_865 = vector.extract_strided_slice %add3A_864 {offsets = [0], sizes = [1], strides = [1]} : vector<16xi32> to vector<1xi32>
        %squeeze3A_866 = vector.extract %slice3A_865[0] : i32 from vector<1xi32>
        %broadcast_in_dim3A_867 = vector.broadcast %squeeze3A_866 : i32 to vector<16xi32>
        %gather3A_868 = tpu.vector_load_idx %arg7[%broadcast_in_dim3A_867, %iota3A] : memref<336x32xf32, #tpu.memory_space<vmem>>[vector<16xi32>, vector<16xi32>], vector<16xf32>,
        %gather3A_869 = tpu.vector_load_idx %arg7[%broadcast_in_dim3A_867, %add3A_5] : memref<336x32xf32, #tpu.memory_space<vmem>>[vector<16xi32>, vector<16xi32>], vector<16xf32>,
        %add3A_870 = arith.constant 0 : i32
        %add3A_871 = arith.addi %mul3A_118, %add3A_870 : i32
        %swap3A_872 = arith.index_cast %add3A_871 : i32 to index
        %swap3A_873 = arith.constant 96 : index
        %swap3A_874 = tpu.vector_load %arg10[%swap3A_872, %swap3A_873] {strides = array<i32>} : memref<128x128xf32, #tpu.memory_space<vmem>>, vector<16xf32>,
        tpu.vector_store %arg10[%swap3A_872, %swap3A_873], %gather3A_868 {strides = array<i32>} : memref<128x128xf32, #tpu.memory_space<vmem>>, vector<16xf32>,
        %add3A_875 = arith.constant 0 : i32
        %add3A_876 = arith.addi %mul3A_118, %add3A_875 : i32
        %swap3A_877 = arith.index_cast %add3A_876 : i32 to index
        %swap3A_878 = arith.constant 112 : index
        %swap3A_879 = tpu.vector_load %arg10[%swap3A_877, %swap3A_878] {strides = array<i32>} : memref<128x128xf32, #tpu.memory_space<vmem>>, vector<16xf32>,
        tpu.vector_store %arg10[%swap3A_877, %swap3A_878], %gather3A_869 {strides = array<i32>} : memref<128x128xf32, #tpu.memory_space<vmem>>, vector<16xf32>,
        %slice3A_880 = vector.extract_strided_slice %add3A_864 {offsets = [1], sizes = [1], strides = [1]} : vector<16xi32> to vector<1xi32>
        %squeeze3A_881 = vector.extract %slice3A_880[0] : i32 from vector<1xi32>
        %broadcast_in_dim3A_882 = vector.broadcast %squeeze3A_881 : i32 to vector<16xi32>
        %gather3A_883 = tpu.vector_load_idx %arg7[%broadcast_in_dim3A_882, %iota3A] : memref<336x32xf32, #tpu.memory_space<vmem>>[vector<16xi32>, vector<16xi32>], vector<16xf32>,
        %gather3A_884 = tpu.vector_load_idx %arg7[%broadcast_in_dim3A_882, %add3A_5] : memref<336x32xf32, #tpu.memory_space<vmem>>[vector<16xi32>, vector<16xi32>], vector<16xf32>,
        %add3A_885 = arith.constant 1 : i32
        %add3A_886 = arith.addi %mul3A_118, %add3A_885 : i32
        %swap3A_887 = arith.index_cast %add3A_886 : i32 to index
        %swap3A_888 = arith.constant 96 : index
        %swap3A_889 = tpu.vector_load %arg10[%swap3A_887, %swap3A_888] {strides = array<i32>} : memref<128x128xf32, #tpu.memory_space<vmem>>, vector<16xf32>,
        tpu.vector_store %arg10[%swap3A_887, %swap3A_888], %gather3A_883 {strides = array<i32>} : memref<128x128xf32, #tpu.memory_space<vmem>>, vector<16xf32>,
        %add3A_890 = arith.constant 1 : i32
        %add3A_891 = arith.addi %mul3A_118, %add3A_890 : i32
        %swap3A_892 = arith.index_cast %add3A_891 : i32 to index
        %swap3A_893 = arith.constant 112 : index
        %swap3A_894 = tpu.vector_load %arg10[%swap3A_892, %swap3A_893] {strides = array<i32>} : memref<128x128xf32, #tpu.memory_space<vmem>>, vector<16xf32>,
        tpu.vector_store %arg10[%swap3A_892, %swap3A_893], %gather3A_884 {strides = array<i32>} : memref<128x128xf32, #tpu.memory_space<vmem>>, vector<16xf32>,
        %slice3A_895 = vector.extract_strided_slice %add3A_864 {offsets = [2], sizes = [1], strides = [1]} : vector<16xi32> to vector<1xi32>
        %squeeze3A_896 = vector.extract %slice3A_895[0] : i32 from vector<1xi32>
        %broadcast_in_dim3A_897 = vector.broadcast %squeeze3A_896 : i32 to vector<16xi32>
        %gather3A_898 = tpu.vector_load_idx %arg7[%broadcast_in_dim3A_897, %iota3A] : memref<336x32xf32, #tpu.memory_space<vmem>>[vector<16xi32>, vector<16xi32>], vector<16xf32>,
        %gather3A_899 = tpu.vector_load_idx %arg7[%broadcast_in_dim3A_897, %add3A_5] : memref<336x32xf32, #tpu.memory_space<vmem>>[vector<16xi32>, vector<16xi32>], vector<16xf32>,
        %add3A_900 = arith.constant 2 : i32
        %add3A_901 = arith.addi %mul3A_118, %add3A_900 : i32
        %swap3A_902 = arith.index_cast %add3A_901 : i32 to index
        %swap3A_903 = arith.constant 96 : index
        %swap3A_904 = tpu.vector_load %arg10[%swap3A_902, %swap3A_903] {strides = array<i32>} : memref<128x128xf32, #tpu.memory_space<vmem>>, vector<16xf32>,
        tpu.vector_store %arg10[%swap3A_902, %swap3A_903], %gather3A_898 {strides = array<i32>} : memref<128x128xf32, #tpu.memory_space<vmem>>, vector<16xf32>,
        %add3A_905 = arith.constant 2 : i32
        %add3A_906 = arith.addi %mul3A_118, %add3A_905 : i32
        %swap3A_907 = arith.index_cast %add3A_906 : i32 to index
        %swap3A_908 = arith.constant 112 : index
        %swap3A_909 = tpu.vector_load %arg10[%swap3A_907, %swap3A_908] {strides = array<i32>} : memref<128x128xf32, #tpu.memory_space<vmem>>, vector<16xf32>,
        tpu.vector_store %arg10[%swap3A_907, %swap3A_908], %gather3A_899 {strides = array<i32>} : memref<128x128xf32, #tpu.memory_space<vmem>>, vector<16xf32>,
        %slice3A_910 = vector.extract_strided_slice %add3A_864 {offsets = [3], sizes = [1], strides = [1]} : vector<16xi32> to vector<1xi32>
        %squeeze3A_911 = vector.extract %slice3A_910[0] : i32 from vector<1xi32>
        %broadcast_in_dim3A_912 = vector.broadcast %squeeze3A_911 : i32 to vector<16xi32>
        %gather3A_913 = tpu.vector_load_idx %arg7[%broadcast_in_dim3A_912, %iota3A] : memref<336x32xf32, #tpu.memory_space<vmem>>[vector<16xi32>, vector<16xi32>], vector<16xf32>,
        %gather3A_914 = tpu.vector_load_idx %arg7[%broadcast_in_dim3A_912, %add3A_5] : memref<336x32xf32, #tpu.memory_space<vmem>>[vector<16xi32>, vector<16xi32>], vector<16xf32>,
        %add3A_915 = arith.constant 3 : i32
        %add3A_916 = arith.addi %mul3A_118, %add3A_915 : i32
        %swap3A_917 = arith.index_cast %add3A_916 : i32 to index
        %swap3A_918 = arith.constant 96 : index
        %swap3A_919 = tpu.vector_load %arg10[%swap3A_917, %swap3A_918] {strides = array<i32>} : memref<128x128xf32, #tpu.memory_space<vmem>>, vector<16xf32>,
        tpu.vector_store %arg10[%swap3A_917, %swap3A_918], %gather3A_913 {strides = array<i32>} : memref<128x128xf32, #tpu.memory_space<vmem>>, vector<16xf32>,
        %add3A_920 = arith.constant 3 : i32
        %add3A_921 = arith.addi %mul3A_118, %add3A_920 : i32
        %swap3A_922 = arith.index_cast %add3A_921 : i32 to index
        %swap3A_923 = arith.constant 112 : index
        %swap3A_924 = tpu.vector_load %arg10[%swap3A_922, %swap3A_923] {strides = array<i32>} : memref<128x128xf32, #tpu.memory_space<vmem>>, vector<16xf32>,
        tpu.vector_store %arg10[%swap3A_922, %swap3A_923], %gather3A_914 {strides = array<i32>} : memref<128x128xf32, #tpu.memory_space<vmem>>, vector<16xf32>,
        %slice3A_925 = vector.extract_strided_slice %add3A_864 {offsets = [4], sizes = [1], strides = [1]} : vector<16xi32> to vector<1xi32>
        %squeeze3A_926 = vector.extract %slice3A_925[0] : i32 from vector<1xi32>
        %broadcast_in_dim3A_927 = vector.broadcast %squeeze3A_926 : i32 to vector<16xi32>
        %gather3A_928 = tpu.vector_load_idx %arg7[%broadcast_in_dim3A_927, %iota3A] : memref<336x32xf32, #tpu.memory_space<vmem>>[vector<16xi32>, vector<16xi32>], vector<16xf32>,
        %gather3A_929 = tpu.vector_load_idx %arg7[%broadcast_in_dim3A_927, %add3A_5] : memref<336x32xf32, #tpu.memory_space<vmem>>[vector<16xi32>, vector<16xi32>], vector<16xf32>,
        %add3A_930 = arith.constant 4 : i32
        %add3A_931 = arith.addi %mul3A_118, %add3A_930 : i32
        %swap3A_932 = arith.index_cast %add3A_931 : i32 to index
        %swap3A_933 = arith.constant 96 : index
        %swap3A_934 = tpu.vector_load %arg10[%swap3A_932, %swap3A_933] {strides = array<i32>} : memref<128x128xf32, #tpu.memory_space<vmem>>, vector<16xf32>,
        tpu.vector_store %arg10[%swap3A_932, %swap3A_933], %gather3A_928 {strides = array<i32>} : memref<128x128xf32, #tpu.memory_space<vmem>>, vector<16xf32>,
        %add3A_935 = arith.constant 4 : i32
        %add3A_936 = arith.addi %mul3A_118, %add3A_935 : i32
        %swap3A_937 = arith.index_cast %add3A_936 : i32 to index
        %swap3A_938 = arith.constant 112 : index
        %swap3A_939 = tpu.vector_load %arg10[%swap3A_937, %swap3A_938] {strides = array<i32>} : memref<128x128xf32, #tpu.memory_space<vmem>>, vector<16xf32>,
        tpu.vector_store %arg10[%swap3A_937, %swap3A_938], %gather3A_929 {strides = array<i32>} : memref<128x128xf32, #tpu.memory_space<vmem>>, vector<16xf32>,
        %slice3A_940 = vector.extract_strided_slice %add3A_864 {offsets = [5], sizes = [1], strides = [1]} : vector<16xi32> to vector<1xi32>
        %squeeze3A_941 = vector.extract %slice3A_940[0] : i32 from vector<1xi32>
        %broadcast_in_dim3A_942 = vector.broadcast %squeeze3A_941 : i32 to vector<16xi32>
        %gather3A_943 = tpu.vector_load_idx %arg7[%broadcast_in_dim3A_942, %iota3A] : memref<336x32xf32, #tpu.memory_space<vmem>>[vector<16xi32>, vector<16xi32>], vector<16xf32>,
        %gather3A_944 = tpu.vector_load_idx %arg7[%broadcast_in_dim3A_942, %add3A_5] : memref<336x32xf32, #tpu.memory_space<vmem>>[vector<16xi32>, vector<16xi32>], vector<16xf32>,
        %add3A_945 = arith.constant 5 : i32
        %add3A_946 = arith.addi %mul3A_118, %add3A_945 : i32
        %swap3A_947 = arith.index_cast %add3A_946 : i32 to index
        %swap3A_948 = arith.constant 96 : index
        %swap3A_949 = tpu.vector_load %arg10[%swap3A_947, %swap3A_948] {strides = array<i32>} : memref<128x128xf32, #tpu.memory_space<vmem>>, vector<16xf32>,
        tpu.vector_store %arg10[%swap3A_947, %swap3A_948], %gather3A_943 {strides = array<i32>} : memref<128x128xf32, #tpu.memory_space<vmem>>, vector<16xf32>,
        %add3A_950 = arith.constant 5 : i32
        %add3A_951 = arith.addi %mul3A_118, %add3A_950 : i32
        %swap3A_952 = arith.index_cast %add3A_951 : i32 to index
        %swap3A_953 = arith.constant 112 : index
        %swap3A_954 = tpu.vector_load %arg10[%swap3A_952, %swap3A_953] {strides = array<i32>} : memref<128x128xf32, #tpu.memory_space<vmem>>, vector<16xf32>,
        tpu.vector_store %arg10[%swap3A_952, %swap3A_953], %gather3A_944 {strides = array<i32>} : memref<128x128xf32, #tpu.memory_space<vmem>>, vector<16xf32>,
        %slice3A_955 = vector.extract_strided_slice %add3A_864 {offsets = [6], sizes = [1], strides = [1]} : vector<16xi32> to vector<1xi32>
        %squeeze3A_956 = vector.extract %slice3A_955[0] : i32 from vector<1xi32>
        %broadcast_in_dim3A_957 = vector.broadcast %squeeze3A_956 : i32 to vector<16xi32>
        %gather3A_958 = tpu.vector_load_idx %arg7[%broadcast_in_dim3A_957, %iota3A] : memref<336x32xf32, #tpu.memory_space<vmem>>[vector<16xi32>, vector<16xi32>], vector<16xf32>,
        %gather3A_959 = tpu.vector_load_idx %arg7[%broadcast_in_dim3A_957, %add3A_5] : memref<336x32xf32, #tpu.memory_space<vmem>>[vector<16xi32>, vector<16xi32>], vector<16xf32>,
        %add3A_960 = arith.constant 6 : i32
        %add3A_961 = arith.addi %mul3A_118, %add3A_960 : i32
        %swap3A_962 = arith.index_cast %add3A_961 : i32 to index
        %swap3A_963 = arith.constant 96 : index
        %swap3A_964 = tpu.vector_load %arg10[%swap3A_962, %swap3A_963] {strides = array<i32>} : memref<128x128xf32, #tpu.memory_space<vmem>>, vector<16xf32>,
        tpu.vector_store %arg10[%swap3A_962, %swap3A_963], %gather3A_958 {strides = array<i32>} : memref<128x128xf32, #tpu.memory_space<vmem>>, vector<16xf32>,
        %add3A_965 = arith.constant 6 : i32
        %add3A_966 = arith.addi %mul3A_118, %add3A_965 : i32
        %swap3A_967 = arith.index_cast %add3A_966 : i32 to index
        %swap3A_968 = arith.constant 112 : index
        %swap3A_969 = tpu.vector_load %arg10[%swap3A_967, %swap3A_968] {strides = array<i32>} : memref<128x128xf32, #tpu.memory_space<vmem>>, vector<16xf32>,
        tpu.vector_store %arg10[%swap3A_967, %swap3A_968], %gather3A_959 {strides = array<i32>} : memref<128x128xf32, #tpu.memory_space<vmem>>, vector<16xf32>,
        %slice3A_970 = vector.extract_strided_slice %add3A_864 {offsets = [7], sizes = [1], strides = [1]} : vector<16xi32> to vector<1xi32>
        %squeeze3A_971 = vector.extract %slice3A_970[0] : i32 from vector<1xi32>
        %broadcast_in_dim3A_972 = vector.broadcast %squeeze3A_971 : i32 to vector<16xi32>
        %gather3A_973 = tpu.vector_load_idx %arg7[%broadcast_in_dim3A_972, %iota3A] : memref<336x32xf32, #tpu.memory_space<vmem>>[vector<16xi32>, vector<16xi32>], vector<16xf32>,
        %gather3A_974 = tpu.vector_load_idx %arg7[%broadcast_in_dim3A_972, %add3A_5] : memref<336x32xf32, #tpu.memory_space<vmem>>[vector<16xi32>, vector<16xi32>], vector<16xf32>,
        %add3A_975 = arith.constant 7 : i32
        %add3A_976 = arith.addi %mul3A_118, %add3A_975 : i32
        %swap3A_977 = arith.index_cast %add3A_976 : i32 to index
        %swap3A_978 = arith.constant 96 : index
        %swap3A_979 = tpu.vector_load %arg10[%swap3A_977, %swap3A_978] {strides = array<i32>} : memref<128x128xf32, #tpu.memory_space<vmem>>, vector<16xf32>,
        tpu.vector_store %arg10[%swap3A_977, %swap3A_978], %gather3A_973 {strides = array<i32>} : memref<128x128xf32, #tpu.memory_space<vmem>>, vector<16xf32>,
        %add3A_980 = arith.constant 7 : i32
        %add3A_981 = arith.addi %mul3A_118, %add3A_980 : i32
        %swap3A_982 = arith.index_cast %add3A_981 : i32 to index
        %swap3A_983 = arith.constant 112 : index
        %swap3A_984 = tpu.vector_load %arg10[%swap3A_982, %swap3A_983] {strides = array<i32>} : memref<128x128xf32, #tpu.memory_space<vmem>>, vector<16xf32>,
        tpu.vector_store %arg10[%swap3A_982, %swap3A_983], %gather3A_974 {strides = array<i32>} : memref<128x128xf32, #tpu.memory_space<vmem>>, vector<16xf32>,
        %slice3A_985 = vector.extract_strided_slice %add3A_864 {offsets = [8], sizes = [1], strides = [1]} : vector<16xi32> to vector<1xi32>
        %squeeze3A_986 = vector.extract %slice3A_985[0] : i32 from vector<1xi32>
        %broadcast_in_dim3A_987 = vector.broadcast %squeeze3A_986 : i32 to vector<16xi32>
        %gather3A_988 = tpu.vector_load_idx %arg7[%broadcast_in_dim3A_987, %iota3A] : memref<336x32xf32, #tpu.memory_space<vmem>>[vector<16xi32>, vector<16xi32>], vector<16xf32>,
        %gather3A_989 = tpu.vector_load_idx %arg7[%broadcast_in_dim3A_987, %add3A_5] : memref<336x32xf32, #tpu.memory_space<vmem>>[vector<16xi32>, vector<16xi32>], vector<16xf32>,
        %add3A_990 = arith.constant 8 : i32
        %add3A_991 = arith.addi %mul3A_118, %add3A_990 : i32
        %swap3A_992 = arith.index_cast %add3A_991 : i32 to index
        %swap3A_993 = arith.constant 96 : index
        %swap3A_994 = tpu.vector_load %arg10[%swap3A_992, %swap3A_993] {strides = array<i32>} : memref<128x128xf32, #tpu.memory_space<vmem>>, vector<16xf32>,
        tpu.vector_store %arg10[%swap3A_992, %swap3A_993], %gather3A_988 {strides = array<i32>} : memref<128x128xf32, #tpu.memory_space<vmem>>, vector<16xf32>,
        %add3A_995 = arith.constant 8 : i32
        %add3A_996 = arith.addi %mul3A_118, %add3A_995 : i32
        %swap3A_997 = arith.index_cast %add3A_996 : i32 to index
        %swap3A_998 = arith.constant 112 : index
        %swap3A_999 = tpu.vector_load %arg10[%swap3A_997, %swap3A_998] {strides = array<i32>} : memref<128x128xf32, #tpu.memory_space<vmem>>, vector<16xf32>,
        tpu.vector_store %arg10[%swap3A_997, %swap3A_998], %gather3A_989 {strides = array<i32>} : memref<128x128xf32, #tpu.memory_space<vmem>>, vector<16xf32>,
        %slice3A_1000 = vector.extract_strided_slice %add3A_864 {offsets = [9], sizes = [1], strides = [1]} : vector<16xi32> to vector<1xi32>
        %squeeze3A_1001 = vector.extract %slice3A_1000[0] : i32 from vector<1xi32>
        %broadcast_in_dim3A_1002 = vector.broadcast %squeeze3A_1001 : i32 to vector<16xi32>
        %gather3A_1003 = tpu.vector_load_idx %arg7[%broadcast_in_dim3A_1002, %iota3A] : memref<336x32xf32, #tpu.memory_space<vmem>>[vector<16xi32>, vector<16xi32>], vector<16xf32>,
        %gather3A_1004 = tpu.vector_load_idx %arg7[%broadcast_in_dim3A_1002, %add3A_5] : memref<336x32xf32, #tpu.memory_space<vmem>>[vector<16xi32>, vector<16xi32>], vector<16xf32>,
        %add3A_1005 = arith.constant 9 : i32
        %add3A_1006 = arith.addi %mul3A_118, %add3A_1005 : i32
        %swap3A_1007 = arith.index_cast %add3A_1006 : i32 to index
        %swap3A_1008 = arith.constant 96 : index
        %swap3A_1009 = tpu.vector_load %arg10[%swap3A_1007, %swap3A_1008] {strides = array<i32>} : memref<128x128xf32, #tpu.memory_space<vmem>>, vector<16xf32>,
        tpu.vector_store %arg10[%swap3A_1007, %swap3A_1008], %gather3A_1003 {strides = array<i32>} : memref<128x128xf32, #tpu.memory_space<vmem>>, vector<16xf32>,
        %add3A_1010 = arith.constant 9 : i32
        %add3A_1011 = arith.addi %mul3A_118, %add3A_1010 : i32
        %swap3A_1012 = arith.index_cast %add3A_1011 : i32 to index
        %swap3A_1013 = arith.constant 112 : index
        %swap3A_1014 = tpu.vector_load %arg10[%swap3A_1012, %swap3A_1013] {strides = array<i32>} : memref<128x128xf32, #tpu.memory_space<vmem>>, vector<16xf32>,
        tpu.vector_store %arg10[%swap3A_1012, %swap3A_1013], %gather3A_1004 {strides = array<i32>} : memref<128x128xf32, #tpu.memory_space<vmem>>, vector<16xf32>,
        %slice3A_1015 = vector.extract_strided_slice %add3A_864 {offsets = [10], sizes = [1], strides = [1]} : vector<16xi32> to vector<1xi32>
        %squeeze3A_1016 = vector.extract %slice3A_1015[0] : i32 from vector<1xi32>
        %broadcast_in_dim3A_1017 = vector.broadcast %squeeze3A_1016 : i32 to vector<16xi32>
        %gather3A_1018 = tpu.vector_load_idx %arg7[%broadcast_in_dim3A_1017, %iota3A] : memref<336x32xf32, #tpu.memory_space<vmem>>[vector<16xi32>, vector<16xi32>], vector<16xf32>,
        %gather3A_1019 = tpu.vector_load_idx %arg7[%broadcast_in_dim3A_1017, %add3A_5] : memref<336x32xf32, #tpu.memory_space<vmem>>[vector<16xi32>, vector<16xi32>], vector<16xf32>,
        %add3A_1020 = arith.constant 10 : i32
        %add3A_1021 = arith.addi %mul3A_118, %add3A_1020 : i32
        %swap3A_1022 = arith.index_cast %add3A_1021 : i32 to index
        %swap3A_1023 = arith.constant 96 : index
        %swap3A_1024 = tpu.vector_load %arg10[%swap3A_1022, %swap3A_1023] {strides = array<i32>} : memref<128x128xf32, #tpu.memory_space<vmem>>, vector<16xf32>,
        tpu.vector_store %arg10[%swap3A_1022, %swap3A_1023], %gather3A_1018 {strides = array<i32>} : memref<128x128xf32, #tpu.memory_space<vmem>>, vector<16xf32>,
        %add3A_1025 = arith.constant 10 : i32
        %add3A_1026 = arith.addi %mul3A_118, %add3A_1025 : i32
        %swap3A_1027 = arith.index_cast %add3A_1026 : i32 to index
        %swap3A_1028 = arith.constant 112 : index
        %swap3A_1029 = tpu.vector_load %arg10[%swap3A_1027, %swap3A_1028] {strides = array<i32>} : memref<128x128xf32, #tpu.memory_space<vmem>>, vector<16xf32>,
        tpu.vector_store %arg10[%swap3A_1027, %swap3A_1028], %gather3A_1019 {strides = array<i32>} : memref<128x128xf32, #tpu.memory_space<vmem>>, vector<16xf32>,
        %slice3A_1030 = vector.extract_strided_slice %add3A_864 {offsets = [11], sizes = [1], strides = [1]} : vector<16xi32> to vector<1xi32>
        %squeeze3A_1031 = vector.extract %slice3A_1030[0] : i32 from vector<1xi32>
        %broadcast_in_dim3A_1032 = vector.broadcast %squeeze3A_1031 : i32 to vector<16xi32>
        %gather3A_1033 = tpu.vector_load_idx %arg7[%broadcast_in_dim3A_1032, %iota3A] : memref<336x32xf32, #tpu.memory_space<vmem>>[vector<16xi32>, vector<16xi32>], vector<16xf32>,
        %gather3A_1034 = tpu.vector_load_idx %arg7[%broadcast_in_dim3A_1032, %add3A_5] : memref<336x32xf32, #tpu.memory_space<vmem>>[vector<16xi32>, vector<16xi32>], vector<16xf32>,
        %add3A_1035 = arith.constant 11 : i32
        %add3A_1036 = arith.addi %mul3A_118, %add3A_1035 : i32
        %swap3A_1037 = arith.index_cast %add3A_1036 : i32 to index
        %swap3A_1038 = arith.constant 96 : index
        %swap3A_1039 = tpu.vector_load %arg10[%swap3A_1037, %swap3A_1038] {strides = array<i32>} : memref<128x128xf32, #tpu.memory_space<vmem>>, vector<16xf32>,
        tpu.vector_store %arg10[%swap3A_1037, %swap3A_1038], %gather3A_1033 {strides = array<i32>} : memref<128x128xf32, #tpu.memory_space<vmem>>, vector<16xf32>,
        %add3A_1040 = arith.constant 11 : i32
        %add3A_1041 = arith.addi %mul3A_118, %add3A_1040 : i32
        %swap3A_1042 = arith.index_cast %add3A_1041 : i32 to index
        %swap3A_1043 = arith.constant 112 : index
        %swap3A_1044 = tpu.vector_load %arg10[%swap3A_1042, %swap3A_1043] {strides = array<i32>} : memref<128x128xf32, #tpu.memory_space<vmem>>, vector<16xf32>,
        tpu.vector_store %arg10[%swap3A_1042, %swap3A_1043], %gather3A_1034 {strides = array<i32>} : memref<128x128xf32, #tpu.memory_space<vmem>>, vector<16xf32>,
        %slice3A_1045 = vector.extract_strided_slice %add3A_864 {offsets = [12], sizes = [1], strides = [1]} : vector<16xi32> to vector<1xi32>
        %squeeze3A_1046 = vector.extract %slice3A_1045[0] : i32 from vector<1xi32>
        %broadcast_in_dim3A_1047 = vector.broadcast %squeeze3A_1046 : i32 to vector<16xi32>
        %gather3A_1048 = tpu.vector_load_idx %arg7[%broadcast_in_dim3A_1047, %iota3A] : memref<336x32xf32, #tpu.memory_space<vmem>>[vector<16xi32>, vector<16xi32>], vector<16xf32>,
        %gather3A_1049 = tpu.vector_load_idx %arg7[%broadcast_in_dim3A_1047, %add3A_5] : memref<336x32xf32, #tpu.memory_space<vmem>>[vector<16xi32>, vector<16xi32>], vector<16xf32>,
        %add3A_1050 = arith.constant 12 : i32
        %add3A_1051 = arith.addi %mul3A_118, %add3A_1050 : i32
        %swap3A_1052 = arith.index_cast %add3A_1051 : i32 to index
        %swap3A_1053 = arith.constant 96 : index
        %swap3A_1054 = tpu.vector_load %arg10[%swap3A_1052, %swap3A_1053] {strides = array<i32>} : memref<128x128xf32, #tpu.memory_space<vmem>>, vector<16xf32>,
        tpu.vector_store %arg10[%swap3A_1052, %swap3A_1053], %gather3A_1048 {strides = array<i32>} : memref<128x128xf32, #tpu.memory_space<vmem>>, vector<16xf32>,
        %add3A_1055 = arith.constant 12 : i32
        %add3A_1056 = arith.addi %mul3A_118, %add3A_1055 : i32
        %swap3A_1057 = arith.index_cast %add3A_1056 : i32 to index
        %swap3A_1058 = arith.constant 112 : index
        %swap3A_1059 = tpu.vector_load %arg10[%swap3A_1057, %swap3A_1058] {strides = array<i32>} : memref<128x128xf32, #tpu.memory_space<vmem>>, vector<16xf32>,
        tpu.vector_store %arg10[%swap3A_1057, %swap3A_1058], %gather3A_1049 {strides = array<i32>} : memref<128x128xf32, #tpu.memory_space<vmem>>, vector<16xf32>,
        %slice3A_1060 = vector.extract_strided_slice %add3A_864 {offsets = [13], sizes = [1], strides = [1]} : vector<16xi32> to vector<1xi32>
        %squeeze3A_1061 = vector.extract %slice3A_1060[0] : i32 from vector<1xi32>
        %broadcast_in_dim3A_1062 = vector.broadcast %squeeze3A_1061 : i32 to vector<16xi32>
        %gather3A_1063 = tpu.vector_load_idx %arg7[%broadcast_in_dim3A_1062, %iota3A] : memref<336x32xf32, #tpu.memory_space<vmem>>[vector<16xi32>, vector<16xi32>], vector<16xf32>,
        %gather3A_1064 = tpu.vector_load_idx %arg7[%broadcast_in_dim3A_1062, %add3A_5] : memref<336x32xf32, #tpu.memory_space<vmem>>[vector<16xi32>, vector<16xi32>], vector<16xf32>,
        %add3A_1065 = arith.constant 13 : i32
        %add3A_1066 = arith.addi %mul3A_118, %add3A_1065 : i32
        %swap3A_1067 = arith.index_cast %add3A_1066 : i32 to index
        %swap3A_1068 = arith.constant 96 : index
        %swap3A_1069 = tpu.vector_load %arg10[%swap3A_1067, %swap3A_1068] {strides = array<i32>} : memref<128x128xf32, #tpu.memory_space<vmem>>, vector<16xf32>,
        tpu.vector_store %arg10[%swap3A_1067, %swap3A_1068], %gather3A_1063 {strides = array<i32>} : memref<128x128xf32, #tpu.memory_space<vmem>>, vector<16xf32>,
        %add3A_1070 = arith.constant 13 : i32
        %add3A_1071 = arith.addi %mul3A_118, %add3A_1070 : i32
        %swap3A_1072 = arith.index_cast %add3A_1071 : i32 to index
        %swap3A_1073 = arith.constant 112 : index
        %swap3A_1074 = tpu.vector_load %arg10[%swap3A_1072, %swap3A_1073] {strides = array<i32>} : memref<128x128xf32, #tpu.memory_space<vmem>>, vector<16xf32>,
        tpu.vector_store %arg10[%swap3A_1072, %swap3A_1073], %gather3A_1064 {strides = array<i32>} : memref<128x128xf32, #tpu.memory_space<vmem>>, vector<16xf32>,
        %slice3A_1075 = vector.extract_strided_slice %add3A_864 {offsets = [14], sizes = [1], strides = [1]} : vector<16xi32> to vector<1xi32>
        %squeeze3A_1076 = vector.extract %slice3A_1075[0] : i32 from vector<1xi32>
        %broadcast_in_dim3A_1077 = vector.broadcast %squeeze3A_1076 : i32 to vector<16xi32>
        %gather3A_1078 = tpu.vector_load_idx %arg7[%broadcast_in_dim3A_1077, %iota3A] : memref<336x32xf32, #tpu.memory_space<vmem>>[vector<16xi32>, vector<16xi32>], vector<16xf32>,
        %gather3A_1079 = tpu.vector_load_idx %arg7[%broadcast_in_dim3A_1077, %add3A_5] : memref<336x32xf32, #tpu.memory_space<vmem>>[vector<16xi32>, vector<16xi32>], vector<16xf32>,
        %add3A_1080 = arith.constant 14 : i32
        %add3A_1081 = arith.addi %mul3A_118, %add3A_1080 : i32
        %swap3A_1082 = arith.index_cast %add3A_1081 : i32 to index
        %swap3A_1083 = arith.constant 96 : index
        %swap3A_1084 = tpu.vector_load %arg10[%swap3A_1082, %swap3A_1083] {strides = array<i32>} : memref<128x128xf32, #tpu.memory_space<vmem>>, vector<16xf32>,
        tpu.vector_store %arg10[%swap3A_1082, %swap3A_1083], %gather3A_1078 {strides = array<i32>} : memref<128x128xf32, #tpu.memory_space<vmem>>, vector<16xf32>,
        %add3A_1085 = arith.constant 14 : i32
        %add3A_1086 = arith.addi %mul3A_118, %add3A_1085 : i32
        %swap3A_1087 = arith.index_cast %add3A_1086 : i32 to index
        %swap3A_1088 = arith.constant 112 : index
        %swap3A_1089 = tpu.vector_load %arg10[%swap3A_1087, %swap3A_1088] {strides = array<i32>} : memref<128x128xf32, #tpu.memory_space<vmem>>, vector<16xf32>,
        tpu.vector_store %arg10[%swap3A_1087, %swap3A_1088], %gather3A_1079 {strides = array<i32>} : memref<128x128xf32, #tpu.memory_space<vmem>>, vector<16xf32>,
        %slice3A_1090 = vector.extract_strided_slice %add3A_864 {offsets = [15], sizes = [1], strides = [1]} : vector<16xi32> to vector<1xi32>
        %squeeze3A_1091 = vector.extract %slice3A_1090[0] : i32 from vector<1xi32>
        %broadcast_in_dim3A_1092 = vector.broadcast %squeeze3A_1091 : i32 to vector<16xi32>
        %gather3A_1093 = tpu.vector_load_idx %arg7[%broadcast_in_dim3A_1092, %iota3A] : memref<336x32xf32, #tpu.memory_space<vmem>>[vector<16xi32>, vector<16xi32>], vector<16xf32>,
        %gather3A_1094 = tpu.vector_load_idx %arg7[%broadcast_in_dim3A_1092, %add3A_5] : memref<336x32xf32, #tpu.memory_space<vmem>>[vector<16xi32>, vector<16xi32>], vector<16xf32>,
        %add3A_1095 = arith.constant 15 : i32
        %add3A_1096 = arith.addi %mul3A_118, %add3A_1095 : i32
        %swap3A_1097 = arith.index_cast %add3A_1096 : i32 to index
        %swap3A_1098 = arith.constant 96 : index
        %swap3A_1099 = tpu.vector_load %arg10[%swap3A_1097, %swap3A_1098] {strides = array<i32>} : memref<128x128xf32, #tpu.memory_space<vmem>>, vector<16xf32>,
        tpu.vector_store %arg10[%swap3A_1097, %swap3A_1098], %gather3A_1093 {strides = array<i32>} : memref<128x128xf32, #tpu.memory_space<vmem>>, vector<16xf32>,
        %add3A_1100 = arith.constant 15 : i32
        %add3A_1101 = arith.addi %mul3A_118, %add3A_1100 : i32
        %swap3A_1102 = arith.index_cast %add3A_1101 : i32 to index
        %swap3A_1103 = arith.constant 112 : index
        %swap3A_1104 = tpu.vector_load %arg10[%swap3A_1102, %swap3A_1103] {strides = array<i32>} : memref<128x128xf32, #tpu.memory_space<vmem>>, vector<16xf32>,
        tpu.vector_store %arg10[%swap3A_1102, %swap3A_1103], %gather3A_1094 {strides = array<i32>} : memref<128x128xf32, #tpu.memory_space<vmem>>, vector<16xf32>,
      }
      %scan3A_54 = arith.constant 8 : i32
      %dma_wait3A_55 = arith.constant 0 : i32
      %dma_wait3A_56 = arith.constant 0 : i32
      %dma_wait3A_57 = tpu.memref_slice %arg6[%dma_wait3A_55, %add3A_43, %dma_wait3A_56] : memref<5x50x128xi32, #tpu.memory_space<vmem>> -> memref<1x1x128xi32, #tpu.memory_space<vmem>>
      %dma_wait3A_58 = tpu.memref_squeeze %dma_wait3A_57 : memref<1x1x128xi32, #tpu.memory_space<vmem>> -> memref<128xi32, #tpu.memory_space<vmem>>
      %dma_wait3A_59 = arith.constant 0 : i32
      %dma_wait3A_60 = arith.constant 0 : i32
      %dma_wait3A_61 = tpu.memref_slice %arg2[%dma_wait3A_59, %dma_wait3A_60] : memref<1000000x64xf32, #tpu.memory_space<hbm>> -> memref<1000000x64xf32, #tpu.memory_space<hbm>>
      tpu.wait_indirect_dma semaphore(%arg12 : memref<!tpu.dma_semaphore, #tpu.memory_space<semaphore_mem>>) src(%dma_wait3A_61 : memref<1000000x64xf32, #tpu.memory_space<hbm>>) dst(%arg8 : memref<128x64xf32, #tpu.memory_space<vmem>>)
      %add3A_62 = arith.addi %mul3A_2, %add3A_43 : i32
      %mul3A_63 = arith.constant 128 : i32
      %mul3A_64 = arith.muli %add3A_62, %mul3A_63 : i32
      %dma_start3A_65 = arith.constant 0 : i32
      %dma_start3A_66 = tpu.memref_slice %arg5[%mul3A_64, %dma_start3A_65] : memref<204800x192xf32, #tpu.memory_space<hbm>> -> memref<128x64xf32, #tpu.memory_space<hbm>>
      %dma_start3A_67 = arith.constant 0 : i32
      %dma_start3A_68 = tpu.memref_slice %arg5[%mul3A_64, %dma_start3A_67] : memref<204800x192xf32, #tpu.memory_space<hbm>> -> memref<128x64xf32, #tpu.memory_space<hbm>>
      tpu.enqueue_dma source(%arg8 : memref<128x64xf32, #tpu.memory_space<vmem>>) target(%dma_start3A_68 : memref<128x64xf32, #tpu.memory_space<hbm>>) target_semaphore(%arg13 : memref<!tpu.dma_semaphore, #tpu.memory_space<semaphore_mem>>)
      %dma_start3A_69 = arith.constant 64 : i32
      %dma_start3A_70 = tpu.memref_slice %arg5[%mul3A_64, %dma_start3A_69] : memref<204800x192xf32, #tpu.memory_space<hbm>> -> memref<128x128xf32, #tpu.memory_space<hbm>>
      %dma_start3A_71 = arith.constant 64 : i32
      %dma_start3A_72 = tpu.memref_slice %arg5[%mul3A_64, %dma_start3A_71] : memref<204800x192xf32, #tpu.memory_space<hbm>> -> memref<128x128xf32, #tpu.memory_space<hbm>>
      tpu.enqueue_dma source(%arg10 : memref<128x128xf32, #tpu.memory_space<vmem>>) target(%dma_start3A_72 : memref<128x128xf32, #tpu.memory_space<hbm>>) target_semaphore(%arg13 : memref<!tpu.dma_semaphore, #tpu.memory_space<semaphore_mem>>)
      %gt3A_73 = arith.constant 0 : i32
      %gt3A_74 = arith.cmpi sgt, %add3A_37, %gt3A_73 : i32
      %convert_element_type3A_75 = arith.extui %gt3A_74 : i1 to i32
      %cond3A_76 = arith.constant 0 : i32
      %cond3A_77 = arith.cmpi ne, %convert_element_type3A_75, %cond3A_76 : i32
      scf.if %cond3A_77 {
        %dma_wait3A_112 = arith.constant 0 : i32
        %dma_wait3A_113 = arith.constant 0 : i32
        %dma_wait3A_114 = tpu.memref_slice %arg5[%dma_wait3A_112, %dma_wait3A_113] : memref<204800x192xf32, #tpu.memory_space<hbm>> -> memref<128x64xf32, #tpu.memory_space<hbm>>
        %dma_wait3A_115 = arith.constant 0 : i32
        %dma_wait3A_116 = arith.constant 0 : i32
        %dma_wait3A_117 = tpu.memref_slice %arg5[%dma_wait3A_115, %dma_wait3A_116] : memref<204800x192xf32, #tpu.memory_space<hbm>> -> memref<128x64xf32, #tpu.memory_space<hbm>>
        tpu.wait_dma2 semaphore(%arg13 : memref<!tpu.dma_semaphore, #tpu.memory_space<semaphore_mem>>) src(%arg9 : memref<128x64xf32, #tpu.memory_space<vmem>>) dst(%dma_wait3A_117 : memref<128x64xf32, #tpu.memory_space<hbm>>)
        %dma_wait3A_118 = arith.constant 0 : i32
        %dma_wait3A_119 = arith.constant 64 : i32
        %dma_wait3A_120 = tpu.memref_slice %arg5[%dma_wait3A_118, %dma_wait3A_119] : memref<204800x192xf32, #tpu.memory_space<hbm>> -> memref<128x128xf32, #tpu.memory_space<hbm>>
        %dma_wait3A_121 = arith.constant 0 : i32
        %dma_wait3A_122 = arith.constant 64 : i32
        %dma_wait3A_123 = tpu.memref_slice %arg5[%dma_wait3A_121, %dma_wait3A_122] : memref<204800x192xf32, #tpu.memory_space<hbm>> -> memref<128x128xf32, #tpu.memory_space<hbm>>
        tpu.wait_dma2 semaphore(%arg13 : memref<!tpu.dma_semaphore, #tpu.memory_space<semaphore_mem>>) src(%arg11 : memref<128x128xf32, #tpu.memory_space<vmem>>) dst(%dma_wait3A_123 : memref<128x128xf32, #tpu.memory_space<hbm>>)
      } else {
      }
      %mul3A_78 = arith.constant 2 : i32
      %mul3A_79 = arith.muli %mul3A_78, %add3A_37 : i32
      %add3A_80 = arith.constant 1 : i32
      %add3A_81 = arith.addi %mul3A_79, %add3A_80 : i32
      %dma_start3A_82 = arith.constant 0 : i32
      %dma_start3A_83 = arith.constant 0 : i32
      %dma_start3A_84 = tpu.memref_slice %arg6[%dma_start3A_82, %add3A_81, %dma_start3A_83] : memref<5x50x128xi32, #tpu.memory_space<vmem>> -> memref<1x1x128xi32, #tpu.memory_space<vmem>>
      %dma_start3A_85 = tpu.memref_squeeze %dma_start3A_84 : memref<1x1x128xi32, #tpu.memory_space<vmem>> -> memref<128xi32, #tpu.memory_space<vmem>>
      %dma_start3A_86 = arith.constant 0 : i32
      %dma_start3A_87 = arith.constant 0 : i32
      %dma_start3A_88 = tpu.memref_slice %arg2[%dma_start3A_86, %dma_start3A_87] : memref<1000000x64xf32, #tpu.memory_space<hbm>> -> memref<1000000x64xf32, #tpu.memory_space<hbm>>
      tpu.enqueue_indirect_dma source(%dma_start3A_88 : memref<1000000x64xf32, #tpu.memory_space<hbm>>) target(%arg9 : memref<128x64xf32, #tpu.memory_space<vmem>>) offsets(%dma_start3A_85 : memref<128xi32, #tpu.memory_space<vmem>>) semaphore(%arg12 : memref<!tpu.dma_semaphore, #tpu.memory_space<semaphore_mem>>)
      %scan3A_89 = arith.constant 0 : i32
      %scan3A_90 = arith.constant 8 : i32
      %scan3A_91 = arith.addi %scan3A_89, %scan3A_90 : i32
      %scan3A_92 = arith.constant 1 : i32
      scf.for %scan3A_112 = %scan3A_89 to %scan3A_91 step %scan3A_92  : i32 {
        %mul3A_113 = arith.constant 1 : i32
        %mul3A_114 = arith.muli %scan3A_112, %mul3A_113 : i32
        %add3A_115 = arith.constant 0 : i32
        %add3A_116 = arith.addi %add3A_115, %mul3A_114 : i32
        %mul3A_117 = arith.constant 16 : i32
        %mul3A_118 = arith.muli %add3A_116, %mul3A_117 : i32
        %get3A = arith.constant 1 : i32
        %get3A_119 = arith.index_cast %get3A : i32 to index
        %get3A_120 = arith.index_cast %add3A_81 : i32 to index
        %get3A_121 = arith.index_cast %mul3A_118 : i32 to index
        %get3A_122 = tpu.vector_load %arg6[%get3A_119, %get3A_120, %get3A_121] {strides = array<i32>} : memref<5x50x128xi32, #tpu.memory_space<vmem>>, vector<16xi32>,
        %add3A_123 = arith.constant 0 : i32
        %add3A_124 = vector.broadcast %add3A_123 : i32 to vector<16xi32>
        %add3A_125 = arith.addi %get3A_122, %add3A_124 : vector<16xi32>
        %slice3A = vector.extract_strided_slice %add3A_125 {offsets = [0], sizes = [1], strides = [1]} : vector<16xi32> to vector<1xi32>
        %squeeze3A = vector.extract %slice3A[0] : i32 from vector<1xi32>
        %broadcast_in_dim3A = vector.broadcast %squeeze3A : i32 to vector<16xi32>
        %gather3A = tpu.vector_load_idx %arg7[%broadcast_in_dim3A, %iota3A] : memref<336x32xf32, #tpu.memory_space<vmem>>[vector<16xi32>, vector<16xi32>], vector<16xf32>,
        %gather3A_126 = tpu.vector_load_idx %arg7[%broadcast_in_dim3A, %add3A_5] : memref<336x32xf32, #tpu.memory_space<vmem>>[vector<16xi32>, vector<16xi32>], vector<16xf32>,
        %add3A_127 = arith.constant 0 : i32
        %add3A_128 = arith.addi %mul3A_118, %add3A_127 : i32
        %swap3A = arith.index_cast %add3A_128 : i32 to index
        %swap3A_129 = arith.constant 0 : index
        %swap3A_130 = tpu.vector_load %arg11[%swap3A, %swap3A_129] {strides = array<i32>} : memref<128x128xf32, #tpu.memory_space<vmem>>, vector<16xf32>,
        tpu.vector_store %arg11[%swap3A, %swap3A_129], %gather3A {strides = array<i32>} : memref<128x128xf32, #tpu.memory_space<vmem>>, vector<16xf32>,
        %add3A_131 = arith.constant 0 : i32
        %add3A_132 = arith.addi %mul3A_118, %add3A_131 : i32
        %swap3A_133 = arith.index_cast %add3A_132 : i32 to index
        %swap3A_134 = arith.constant 16 : index
        %swap3A_135 = tpu.vector_load %arg11[%swap3A_133, %swap3A_134] {strides = array<i32>} : memref<128x128xf32, #tpu.memory_space<vmem>>, vector<16xf32>,
        tpu.vector_store %arg11[%swap3A_133, %swap3A_134], %gather3A_126 {strides = array<i32>} : memref<128x128xf32, #tpu.memory_space<vmem>>, vector<16xf32>,
        %slice3A_136 = vector.extract_strided_slice %add3A_125 {offsets = [1], sizes = [1], strides = [1]} : vector<16xi32> to vector<1xi32>
        %squeeze3A_137 = vector.extract %slice3A_136[0] : i32 from vector<1xi32>
        %broadcast_in_dim3A_138 = vector.broadcast %squeeze3A_137 : i32 to vector<16xi32>
        %gather3A_139 = tpu.vector_load_idx %arg7[%broadcast_in_dim3A_138, %iota3A] : memref<336x32xf32, #tpu.memory_space<vmem>>[vector<16xi32>, vector<16xi32>], vector<16xf32>,
        %gather3A_140 = tpu.vector_load_idx %arg7[%broadcast_in_dim3A_138, %add3A_5] : memref<336x32xf32, #tpu.memory_space<vmem>>[vector<16xi32>, vector<16xi32>], vector<16xf32>,
        %add3A_141 = arith.constant 1 : i32
        %add3A_142 = arith.addi %mul3A_118, %add3A_141 : i32
        %swap3A_143 = arith.index_cast %add3A_142 : i32 to index
        %swap3A_144 = arith.constant 0 : index
        %swap3A_145 = tpu.vector_load %arg11[%swap3A_143, %swap3A_144] {strides = array<i32>} : memref<128x128xf32, #tpu.memory_space<vmem>>, vector<16xf32>,
        tpu.vector_store %arg11[%swap3A_143, %swap3A_144], %gather3A_139 {strides = array<i32>} : memref<128x128xf32, #tpu.memory_space<vmem>>, vector<16xf32>,
        %add3A_146 = arith.constant 1 : i32
        %add3A_147 = arith.addi %mul3A_118, %add3A_146 : i32
        %swap3A_148 = arith.index_cast %add3A_147 : i32 to index
        %swap3A_149 = arith.constant 16 : index
        %swap3A_150 = tpu.vector_load %arg11[%swap3A_148, %swap3A_149] {strides = array<i32>} : memref<128x128xf32, #tpu.memory_space<vmem>>, vector<16xf32>,
        tpu.vector_store %arg11[%swap3A_148, %swap3A_149], %gather3A_140 {strides = array<i32>} : memref<128x128xf32, #tpu.memory_space<vmem>>, vector<16xf32>,
        %slice3A_151 = vector.extract_strided_slice %add3A_125 {offsets = [2], sizes = [1], strides = [1]} : vector<16xi32> to vector<1xi32>
        %squeeze3A_152 = vector.extract %slice3A_151[0] : i32 from vector<1xi32>
        %broadcast_in_dim3A_153 = vector.broadcast %squeeze3A_152 : i32 to vector<16xi32>
        %gather3A_154 = tpu.vector_load_idx %arg7[%broadcast_in_dim3A_153, %iota3A] : memref<336x32xf32, #tpu.memory_space<vmem>>[vector<16xi32>, vector<16xi32>], vector<16xf32>,
        %gather3A_155 = tpu.vector_load_idx %arg7[%broadcast_in_dim3A_153, %add3A_5] : memref<336x32xf32, #tpu.memory_space<vmem>>[vector<16xi32>, vector<16xi32>], vector<16xf32>,
        %add3A_156 = arith.constant 2 : i32
        %add3A_157 = arith.addi %mul3A_118, %add3A_156 : i32
        %swap3A_158 = arith.index_cast %add3A_157 : i32 to index
        %swap3A_159 = arith.constant 0 : index
        %swap3A_160 = tpu.vector_load %arg11[%swap3A_158, %swap3A_159] {strides = array<i32>} : memref<128x128xf32, #tpu.memory_space<vmem>>, vector<16xf32>,
        tpu.vector_store %arg11[%swap3A_158, %swap3A_159], %gather3A_154 {strides = array<i32>} : memref<128x128xf32, #tpu.memory_space<vmem>>, vector<16xf32>,
        %add3A_161 = arith.constant 2 : i32
        %add3A_162 = arith.addi %mul3A_118, %add3A_161 : i32
        %swap3A_163 = arith.index_cast %add3A_162 : i32 to index
        %swap3A_164 = arith.constant 16 : index
        %swap3A_165 = tpu.vector_load %arg11[%swap3A_163, %swap3A_164] {strides = array<i32>} : memref<128x128xf32, #tpu.memory_space<vmem>>, vector<16xf32>,
        tpu.vector_store %arg11[%swap3A_163, %swap3A_164], %gather3A_155 {strides = array<i32>} : memref<128x128xf32, #tpu.memory_space<vmem>>, vector<16xf32>,
        %slice3A_166 = vector.extract_strided_slice %add3A_125 {offsets = [3], sizes = [1], strides = [1]} : vector<16xi32> to vector<1xi32>
        %squeeze3A_167 = vector.extract %slice3A_166[0] : i32 from vector<1xi32>
        %broadcast_in_dim3A_168 = vector.broadcast %squeeze3A_167 : i32 to vector<16xi32>
        %gather3A_169 = tpu.vector_load_idx %arg7[%broadcast_in_dim3A_168, %iota3A] : memref<336x32xf32, #tpu.memory_space<vmem>>[vector<16xi32>, vector<16xi32>], vector<16xf32>,
        %gather3A_170 = tpu.vector_load_idx %arg7[%broadcast_in_dim3A_168, %add3A_5] : memref<336x32xf32, #tpu.memory_space<vmem>>[vector<16xi32>, vector<16xi32>], vector<16xf32>,
        %add3A_171 = arith.constant 3 : i32
        %add3A_172 = arith.addi %mul3A_118, %add3A_171 : i32
        %swap3A_173 = arith.index_cast %add3A_172 : i32 to index
        %swap3A_174 = arith.constant 0 : index
        %swap3A_175 = tpu.vector_load %arg11[%swap3A_173, %swap3A_174] {strides = array<i32>} : memref<128x128xf32, #tpu.memory_space<vmem>>, vector<16xf32>,
        tpu.vector_store %arg11[%swap3A_173, %swap3A_174], %gather3A_169 {strides = array<i32>} : memref<128x128xf32, #tpu.memory_space<vmem>>, vector<16xf32>,
        %add3A_176 = arith.constant 3 : i32
        %add3A_177 = arith.addi %mul3A_118, %add3A_176 : i32
        %swap3A_178 = arith.index_cast %add3A_177 : i32 to index
        %swap3A_179 = arith.constant 16 : index
        %swap3A_180 = tpu.vector_load %arg11[%swap3A_178, %swap3A_179] {strides = array<i32>} : memref<128x128xf32, #tpu.memory_space<vmem>>, vector<16xf32>,
        tpu.vector_store %arg11[%swap3A_178, %swap3A_179], %gather3A_170 {strides = array<i32>} : memref<128x128xf32, #tpu.memory_space<vmem>>, vector<16xf32>,
        %slice3A_181 = vector.extract_strided_slice %add3A_125 {offsets = [4], sizes = [1], strides = [1]} : vector<16xi32> to vector<1xi32>
        %squeeze3A_182 = vector.extract %slice3A_181[0] : i32 from vector<1xi32>
        %broadcast_in_dim3A_183 = vector.broadcast %squeeze3A_182 : i32 to vector<16xi32>
        %gather3A_184 = tpu.vector_load_idx %arg7[%broadcast_in_dim3A_183, %iota3A] : memref<336x32xf32, #tpu.memory_space<vmem>>[vector<16xi32>, vector<16xi32>], vector<16xf32>,
        %gather3A_185 = tpu.vector_load_idx %arg7[%broadcast_in_dim3A_183, %add3A_5] : memref<336x32xf32, #tpu.memory_space<vmem>>[vector<16xi32>, vector<16xi32>], vector<16xf32>,
        %add3A_186 = arith.constant 4 : i32
        %add3A_187 = arith.addi %mul3A_118, %add3A_186 : i32
        %swap3A_188 = arith.index_cast %add3A_187 : i32 to index
        %swap3A_189 = arith.constant 0 : index
        %swap3A_190 = tpu.vector_load %arg11[%swap3A_188, %swap3A_189] {strides = array<i32>} : memref<128x128xf32, #tpu.memory_space<vmem>>, vector<16xf32>,
        tpu.vector_store %arg11[%swap3A_188, %swap3A_189], %gather3A_184 {strides = array<i32>} : memref<128x128xf32, #tpu.memory_space<vmem>>, vector<16xf32>,
        %add3A_191 = arith.constant 4 : i32
        %add3A_192 = arith.addi %mul3A_118, %add3A_191 : i32
        %swap3A_193 = arith.index_cast %add3A_192 : i32 to index
        %swap3A_194 = arith.constant 16 : index
        %swap3A_195 = tpu.vector_load %arg11[%swap3A_193, %swap3A_194] {strides = array<i32>} : memref<128x128xf32, #tpu.memory_space<vmem>>, vector<16xf32>,
        tpu.vector_store %arg11[%swap3A_193, %swap3A_194], %gather3A_185 {strides = array<i32>} : memref<128x128xf32, #tpu.memory_space<vmem>>, vector<16xf32>,
        %slice3A_196 = vector.extract_strided_slice %add3A_125 {offsets = [5], sizes = [1], strides = [1]} : vector<16xi32> to vector<1xi32>
        %squeeze3A_197 = vector.extract %slice3A_196[0] : i32 from vector<1xi32>
        %broadcast_in_dim3A_198 = vector.broadcast %squeeze3A_197 : i32 to vector<16xi32>
        %gather3A_199 = tpu.vector_load_idx %arg7[%broadcast_in_dim3A_198, %iota3A] : memref<336x32xf32, #tpu.memory_space<vmem>>[vector<16xi32>, vector<16xi32>], vector<16xf32>,
        %gather3A_200 = tpu.vector_load_idx %arg7[%broadcast_in_dim3A_198, %add3A_5] : memref<336x32xf32, #tpu.memory_space<vmem>>[vector<16xi32>, vector<16xi32>], vector<16xf32>,
        %add3A_201 = arith.constant 5 : i32
        %add3A_202 = arith.addi %mul3A_118, %add3A_201 : i32
        %swap3A_203 = arith.index_cast %add3A_202 : i32 to index
        %swap3A_204 = arith.constant 0 : index
        %swap3A_205 = tpu.vector_load %arg11[%swap3A_203, %swap3A_204] {strides = array<i32>} : memref<128x128xf32, #tpu.memory_space<vmem>>, vector<16xf32>,
        tpu.vector_store %arg11[%swap3A_203, %swap3A_204], %gather3A_199 {strides = array<i32>} : memref<128x128xf32, #tpu.memory_space<vmem>>, vector<16xf32>,
        %add3A_206 = arith.constant 5 : i32
        %add3A_207 = arith.addi %mul3A_118, %add3A_206 : i32
        %swap3A_208 = arith.index_cast %add3A_207 : i32 to index
        %swap3A_209 = arith.constant 16 : index
        %swap3A_210 = tpu.vector_load %arg11[%swap3A_208, %swap3A_209] {strides = array<i32>} : memref<128x128xf32, #tpu.memory_space<vmem>>, vector<16xf32>,
        tpu.vector_store %arg11[%swap3A_208, %swap3A_209], %gather3A_200 {strides = array<i32>} : memref<128x128xf32, #tpu.memory_space<vmem>>, vector<16xf32>,
        %slice3A_211 = vector.extract_strided_slice %add3A_125 {offsets = [6], sizes = [1], strides = [1]} : vector<16xi32> to vector<1xi32>
        %squeeze3A_212 = vector.extract %slice3A_211[0] : i32 from vector<1xi32>
        %broadcast_in_dim3A_213 = vector.broadcast %squeeze3A_212 : i32 to vector<16xi32>
        %gather3A_214 = tpu.vector_load_idx %arg7[%broadcast_in_dim3A_213, %iota3A] : memref<336x32xf32, #tpu.memory_space<vmem>>[vector<16xi32>, vector<16xi32>], vector<16xf32>,
        %gather3A_215 = tpu.vector_load_idx %arg7[%broadcast_in_dim3A_213, %add3A_5] : memref<336x32xf32, #tpu.memory_space<vmem>>[vector<16xi32>, vector<16xi32>], vector<16xf32>,
        %add3A_216 = arith.constant 6 : i32
        %add3A_217 = arith.addi %mul3A_118, %add3A_216 : i32
        %swap3A_218 = arith.index_cast %add3A_217 : i32 to index
        %swap3A_219 = arith.constant 0 : index
        %swap3A_220 = tpu.vector_load %arg11[%swap3A_218, %swap3A_219] {strides = array<i32>} : memref<128x128xf32, #tpu.memory_space<vmem>>, vector<16xf32>,
        tpu.vector_store %arg11[%swap3A_218, %swap3A_219], %gather3A_214 {strides = array<i32>} : memref<128x128xf32, #tpu.memory_space<vmem>>, vector<16xf32>,
        %add3A_221 = arith.constant 6 : i32
        %add3A_222 = arith.addi %mul3A_118, %add3A_221 : i32
        %swap3A_223 = arith.index_cast %add3A_222 : i32 to index
        %swap3A_224 = arith.constant 16 : index
        %swap3A_225 = tpu.vector_load %arg11[%swap3A_223, %swap3A_224] {strides = array<i32>} : memref<128x128xf32, #tpu.memory_space<vmem>>, vector<16xf32>,
        tpu.vector_store %arg11[%swap3A_223, %swap3A_224], %gather3A_215 {strides = array<i32>} : memref<128x128xf32, #tpu.memory_space<vmem>>, vector<16xf32>,
        %slice3A_226 = vector.extract_strided_slice %add3A_125 {offsets = [7], sizes = [1], strides = [1]} : vector<16xi32> to vector<1xi32>
        %squeeze3A_227 = vector.extract %slice3A_226[0] : i32 from vector<1xi32>
        %broadcast_in_dim3A_228 = vector.broadcast %squeeze3A_227 : i32 to vector<16xi32>
        %gather3A_229 = tpu.vector_load_idx %arg7[%broadcast_in_dim3A_228, %iota3A] : memref<336x32xf32, #tpu.memory_space<vmem>>[vector<16xi32>, vector<16xi32>], vector<16xf32>,
        %gather3A_230 = tpu.vector_load_idx %arg7[%broadcast_in_dim3A_228, %add3A_5] : memref<336x32xf32, #tpu.memory_space<vmem>>[vector<16xi32>, vector<16xi32>], vector<16xf32>,
        %add3A_231 = arith.constant 7 : i32
        %add3A_232 = arith.addi %mul3A_118, %add3A_231 : i32
        %swap3A_233 = arith.index_cast %add3A_232 : i32 to index
        %swap3A_234 = arith.constant 0 : index
        %swap3A_235 = tpu.vector_load %arg11[%swap3A_233, %swap3A_234] {strides = array<i32>} : memref<128x128xf32, #tpu.memory_space<vmem>>, vector<16xf32>,
        tpu.vector_store %arg11[%swap3A_233, %swap3A_234], %gather3A_229 {strides = array<i32>} : memref<128x128xf32, #tpu.memory_space<vmem>>, vector<16xf32>,
        %add3A_236 = arith.constant 7 : i32
        %add3A_237 = arith.addi %mul3A_118, %add3A_236 : i32
        %swap3A_238 = arith.index_cast %add3A_237 : i32 to index
        %swap3A_239 = arith.constant 16 : index
        %swap3A_240 = tpu.vector_load %arg11[%swap3A_238, %swap3A_239] {strides = array<i32>} : memref<128x128xf32, #tpu.memory_space<vmem>>, vector<16xf32>,
        tpu.vector_store %arg11[%swap3A_238, %swap3A_239], %gather3A_230 {strides = array<i32>} : memref<128x128xf32, #tpu.memory_space<vmem>>, vector<16xf32>,
        %slice3A_241 = vector.extract_strided_slice %add3A_125 {offsets = [8], sizes = [1], strides = [1]} : vector<16xi32> to vector<1xi32>
        %squeeze3A_242 = vector.extract %slice3A_241[0] : i32 from vector<1xi32>
        %broadcast_in_dim3A_243 = vector.broadcast %squeeze3A_242 : i32 to vector<16xi32>
        %gather3A_244 = tpu.vector_load_idx %arg7[%broadcast_in_dim3A_243, %iota3A] : memref<336x32xf32, #tpu.memory_space<vmem>>[vector<16xi32>, vector<16xi32>], vector<16xf32>,
        %gather3A_245 = tpu.vector_load_idx %arg7[%broadcast_in_dim3A_243, %add3A_5] : memref<336x32xf32, #tpu.memory_space<vmem>>[vector<16xi32>, vector<16xi32>], vector<16xf32>,
        %add3A_246 = arith.constant 8 : i32
        %add3A_247 = arith.addi %mul3A_118, %add3A_246 : i32
        %swap3A_248 = arith.index_cast %add3A_247 : i32 to index
        %swap3A_249 = arith.constant 0 : index
        %swap3A_250 = tpu.vector_load %arg11[%swap3A_248, %swap3A_249] {strides = array<i32>} : memref<128x128xf32, #tpu.memory_space<vmem>>, vector<16xf32>,
        tpu.vector_store %arg11[%swap3A_248, %swap3A_249], %gather3A_244 {strides = array<i32>} : memref<128x128xf32, #tpu.memory_space<vmem>>, vector<16xf32>,
        %add3A_251 = arith.constant 8 : i32
        %add3A_252 = arith.addi %mul3A_118, %add3A_251 : i32
        %swap3A_253 = arith.index_cast %add3A_252 : i32 to index
        %swap3A_254 = arith.constant 16 : index
        %swap3A_255 = tpu.vector_load %arg11[%swap3A_253, %swap3A_254] {strides = array<i32>} : memref<128x128xf32, #tpu.memory_space<vmem>>, vector<16xf32>,
        tpu.vector_store %arg11[%swap3A_253, %swap3A_254], %gather3A_245 {strides = array<i32>} : memref<128x128xf32, #tpu.memory_space<vmem>>, vector<16xf32>,
        %slice3A_256 = vector.extract_strided_slice %add3A_125 {offsets = [9], sizes = [1], strides = [1]} : vector<16xi32> to vector<1xi32>
        %squeeze3A_257 = vector.extract %slice3A_256[0] : i32 from vector<1xi32>
        %broadcast_in_dim3A_258 = vector.broadcast %squeeze3A_257 : i32 to vector<16xi32>
        %gather3A_259 = tpu.vector_load_idx %arg7[%broadcast_in_dim3A_258, %iota3A] : memref<336x32xf32, #tpu.memory_space<vmem>>[vector<16xi32>, vector<16xi32>], vector<16xf32>,
        %gather3A_260 = tpu.vector_load_idx %arg7[%broadcast_in_dim3A_258, %add3A_5] : memref<336x32xf32, #tpu.memory_space<vmem>>[vector<16xi32>, vector<16xi32>], vector<16xf32>,
        %add3A_261 = arith.constant 9 : i32
        %add3A_262 = arith.addi %mul3A_118, %add3A_261 : i32
        %swap3A_263 = arith.index_cast %add3A_262 : i32 to index
        %swap3A_264 = arith.constant 0 : index
        %swap3A_265 = tpu.vector_load %arg11[%swap3A_263, %swap3A_264] {strides = array<i32>} : memref<128x128xf32, #tpu.memory_space<vmem>>, vector<16xf32>,
        tpu.vector_store %arg11[%swap3A_263, %swap3A_264], %gather3A_259 {strides = array<i32>} : memref<128x128xf32, #tpu.memory_space<vmem>>, vector<16xf32>,
        %add3A_266 = arith.constant 9 : i32
        %add3A_267 = arith.addi %mul3A_118, %add3A_266 : i32
        %swap3A_268 = arith.index_cast %add3A_267 : i32 to index
        %swap3A_269 = arith.constant 16 : index
        %swap3A_270 = tpu.vector_load %arg11[%swap3A_268, %swap3A_269] {strides = array<i32>} : memref<128x128xf32, #tpu.memory_space<vmem>>, vector<16xf32>,
        tpu.vector_store %arg11[%swap3A_268, %swap3A_269], %gather3A_260 {strides = array<i32>} : memref<128x128xf32, #tpu.memory_space<vmem>>, vector<16xf32>,
        %slice3A_271 = vector.extract_strided_slice %add3A_125 {offsets = [10], sizes = [1], strides = [1]} : vector<16xi32> to vector<1xi32>
        %squeeze3A_272 = vector.extract %slice3A_271[0] : i32 from vector<1xi32>
        %broadcast_in_dim3A_273 = vector.broadcast %squeeze3A_272 : i32 to vector<16xi32>
        %gather3A_274 = tpu.vector_load_idx %arg7[%broadcast_in_dim3A_273, %iota3A] : memref<336x32xf32, #tpu.memory_space<vmem>>[vector<16xi32>, vector<16xi32>], vector<16xf32>,
        %gather3A_275 = tpu.vector_load_idx %arg7[%broadcast_in_dim3A_273, %add3A_5] : memref<336x32xf32, #tpu.memory_space<vmem>>[vector<16xi32>, vector<16xi32>], vector<16xf32>,
        %add3A_276 = arith.constant 10 : i32
        %add3A_277 = arith.addi %mul3A_118, %add3A_276 : i32
        %swap3A_278 = arith.index_cast %add3A_277 : i32 to index
        %swap3A_279 = arith.constant 0 : index
        %swap3A_280 = tpu.vector_load %arg11[%swap3A_278, %swap3A_279] {strides = array<i32>} : memref<128x128xf32, #tpu.memory_space<vmem>>, vector<16xf32>,
        tpu.vector_store %arg11[%swap3A_278, %swap3A_279], %gather3A_274 {strides = array<i32>} : memref<128x128xf32, #tpu.memory_space<vmem>>, vector<16xf32>,
        %add3A_281 = arith.constant 10 : i32
        %add3A_282 = arith.addi %mul3A_118, %add3A_281 : i32
        %swap3A_283 = arith.index_cast %add3A_282 : i32 to index
        %swap3A_284 = arith.constant 16 : index
        %swap3A_285 = tpu.vector_load %arg11[%swap3A_283, %swap3A_284] {strides = array<i32>} : memref<128x128xf32, #tpu.memory_space<vmem>>, vector<16xf32>,
        tpu.vector_store %arg11[%swap3A_283, %swap3A_284], %gather3A_275 {strides = array<i32>} : memref<128x128xf32, #tpu.memory_space<vmem>>, vector<16xf32>,
        %slice3A_286 = vector.extract_strided_slice %add3A_125 {offsets = [11], sizes = [1], strides = [1]} : vector<16xi32> to vector<1xi32>
        %squeeze3A_287 = vector.extract %slice3A_286[0] : i32 from vector<1xi32>
        %broadcast_in_dim3A_288 = vector.broadcast %squeeze3A_287 : i32 to vector<16xi32>
        %gather3A_289 = tpu.vector_load_idx %arg7[%broadcast_in_dim3A_288, %iota3A] : memref<336x32xf32, #tpu.memory_space<vmem>>[vector<16xi32>, vector<16xi32>], vector<16xf32>,
        %gather3A_290 = tpu.vector_load_idx %arg7[%broadcast_in_dim3A_288, %add3A_5] : memref<336x32xf32, #tpu.memory_space<vmem>>[vector<16xi32>, vector<16xi32>], vector<16xf32>,
        %add3A_291 = arith.constant 11 : i32
        %add3A_292 = arith.addi %mul3A_118, %add3A_291 : i32
        %swap3A_293 = arith.index_cast %add3A_292 : i32 to index
        %swap3A_294 = arith.constant 0 : index
        %swap3A_295 = tpu.vector_load %arg11[%swap3A_293, %swap3A_294] {strides = array<i32>} : memref<128x128xf32, #tpu.memory_space<vmem>>, vector<16xf32>,
        tpu.vector_store %arg11[%swap3A_293, %swap3A_294], %gather3A_289 {strides = array<i32>} : memref<128x128xf32, #tpu.memory_space<vmem>>, vector<16xf32>,
        %add3A_296 = arith.constant 11 : i32
        %add3A_297 = arith.addi %mul3A_118, %add3A_296 : i32
        %swap3A_298 = arith.index_cast %add3A_297 : i32 to index
        %swap3A_299 = arith.constant 16 : index
        %swap3A_300 = tpu.vector_load %arg11[%swap3A_298, %swap3A_299] {strides = array<i32>} : memref<128x128xf32, #tpu.memory_space<vmem>>, vector<16xf32>,
        tpu.vector_store %arg11[%swap3A_298, %swap3A_299], %gather3A_290 {strides = array<i32>} : memref<128x128xf32, #tpu.memory_space<vmem>>, vector<16xf32>,
        %slice3A_301 = vector.extract_strided_slice %add3A_125 {offsets = [12], sizes = [1], strides = [1]} : vector<16xi32> to vector<1xi32>
        %squeeze3A_302 = vector.extract %slice3A_301[0] : i32 from vector<1xi32>
        %broadcast_in_dim3A_303 = vector.broadcast %squeeze3A_302 : i32 to vector<16xi32>
        %gather3A_304 = tpu.vector_load_idx %arg7[%broadcast_in_dim3A_303, %iota3A] : memref<336x32xf32, #tpu.memory_space<vmem>>[vector<16xi32>, vector<16xi32>], vector<16xf32>,
        %gather3A_305 = tpu.vector_load_idx %arg7[%broadcast_in_dim3A_303, %add3A_5] : memref<336x32xf32, #tpu.memory_space<vmem>>[vector<16xi32>, vector<16xi32>], vector<16xf32>,
        %add3A_306 = arith.constant 12 : i32
        %add3A_307 = arith.addi %mul3A_118, %add3A_306 : i32
        %swap3A_308 = arith.index_cast %add3A_307 : i32 to index
        %swap3A_309 = arith.constant 0 : index
        %swap3A_310 = tpu.vector_load %arg11[%swap3A_308, %swap3A_309] {strides = array<i32>} : memref<128x128xf32, #tpu.memory_space<vmem>>, vector<16xf32>,
        tpu.vector_store %arg11[%swap3A_308, %swap3A_309], %gather3A_304 {strides = array<i32>} : memref<128x128xf32, #tpu.memory_space<vmem>>, vector<16xf32>,
        %add3A_311 = arith.constant 12 : i32
        %add3A_312 = arith.addi %mul3A_118, %add3A_311 : i32
        %swap3A_313 = arith.index_cast %add3A_312 : i32 to index
        %swap3A_314 = arith.constant 16 : index
        %swap3A_315 = tpu.vector_load %arg11[%swap3A_313, %swap3A_314] {strides = array<i32>} : memref<128x128xf32, #tpu.memory_space<vmem>>, vector<16xf32>,
        tpu.vector_store %arg11[%swap3A_313, %swap3A_314], %gather3A_305 {strides = array<i32>} : memref<128x128xf32, #tpu.memory_space<vmem>>, vector<16xf32>,
        %slice3A_316 = vector.extract_strided_slice %add3A_125 {offsets = [13], sizes = [1], strides = [1]} : vector<16xi32> to vector<1xi32>
        %squeeze3A_317 = vector.extract %slice3A_316[0] : i32 from vector<1xi32>
        %broadcast_in_dim3A_318 = vector.broadcast %squeeze3A_317 : i32 to vector<16xi32>
        %gather3A_319 = tpu.vector_load_idx %arg7[%broadcast_in_dim3A_318, %iota3A] : memref<336x32xf32, #tpu.memory_space<vmem>>[vector<16xi32>, vector<16xi32>], vector<16xf32>,
        %gather3A_320 = tpu.vector_load_idx %arg7[%broadcast_in_dim3A_318, %add3A_5] : memref<336x32xf32, #tpu.memory_space<vmem>>[vector<16xi32>, vector<16xi32>], vector<16xf32>,
        %add3A_321 = arith.constant 13 : i32
        %add3A_322 = arith.addi %mul3A_118, %add3A_321 : i32
        %swap3A_323 = arith.index_cast %add3A_322 : i32 to index
        %swap3A_324 = arith.constant 0 : index
        %swap3A_325 = tpu.vector_load %arg11[%swap3A_323, %swap3A_324] {strides = array<i32>} : memref<128x128xf32, #tpu.memory_space<vmem>>, vector<16xf32>,
        tpu.vector_store %arg11[%swap3A_323, %swap3A_324], %gather3A_319 {strides = array<i32>} : memref<128x128xf32, #tpu.memory_space<vmem>>, vector<16xf32>,
        %add3A_326 = arith.constant 13 : i32
        %add3A_327 = arith.addi %mul3A_118, %add3A_326 : i32
        %swap3A_328 = arith.index_cast %add3A_327 : i32 to index
        %swap3A_329 = arith.constant 16 : index
        %swap3A_330 = tpu.vector_load %arg11[%swap3A_328, %swap3A_329] {strides = array<i32>} : memref<128x128xf32, #tpu.memory_space<vmem>>, vector<16xf32>,
        tpu.vector_store %arg11[%swap3A_328, %swap3A_329], %gather3A_320 {strides = array<i32>} : memref<128x128xf32, #tpu.memory_space<vmem>>, vector<16xf32>,
        %slice3A_331 = vector.extract_strided_slice %add3A_125 {offsets = [14], sizes = [1], strides = [1]} : vector<16xi32> to vector<1xi32>
        %squeeze3A_332 = vector.extract %slice3A_331[0] : i32 from vector<1xi32>
        %broadcast_in_dim3A_333 = vector.broadcast %squeeze3A_332 : i32 to vector<16xi32>
        %gather3A_334 = tpu.vector_load_idx %arg7[%broadcast_in_dim3A_333, %iota3A] : memref<336x32xf32, #tpu.memory_space<vmem>>[vector<16xi32>, vector<16xi32>], vector<16xf32>,
        %gather3A_335 = tpu.vector_load_idx %arg7[%broadcast_in_dim3A_333, %add3A_5] : memref<336x32xf32, #tpu.memory_space<vmem>>[vector<16xi32>, vector<16xi32>], vector<16xf32>,
        %add3A_336 = arith.constant 14 : i32
        %add3A_337 = arith.addi %mul3A_118, %add3A_336 : i32
        %swap3A_338 = arith.index_cast %add3A_337 : i32 to index
        %swap3A_339 = arith.constant 0 : index
        %swap3A_340 = tpu.vector_load %arg11[%swap3A_338, %swap3A_339] {strides = array<i32>} : memref<128x128xf32, #tpu.memory_space<vmem>>, vector<16xf32>,
        tpu.vector_store %arg11[%swap3A_338, %swap3A_339], %gather3A_334 {strides = array<i32>} : memref<128x128xf32, #tpu.memory_space<vmem>>, vector<16xf32>,
        %add3A_341 = arith.constant 14 : i32
        %add3A_342 = arith.addi %mul3A_118, %add3A_341 : i32
        %swap3A_343 = arith.index_cast %add3A_342 : i32 to index
        %swap3A_344 = arith.constant 16 : index
        %swap3A_345 = tpu.vector_load %arg11[%swap3A_343, %swap3A_344] {strides = array<i32>} : memref<128x128xf32, #tpu.memory_space<vmem>>, vector<16xf32>,
        tpu.vector_store %arg11[%swap3A_343, %swap3A_344], %gather3A_335 {strides = array<i32>} : memref<128x128xf32, #tpu.memory_space<vmem>>, vector<16xf32>,
        %slice3A_346 = vector.extract_strided_slice %add3A_125 {offsets = [15], sizes = [1], strides = [1]} : vector<16xi32> to vector<1xi32>
        %squeeze3A_347 = vector.extract %slice3A_346[0] : i32 from vector<1xi32>
        %broadcast_in_dim3A_348 = vector.broadcast %squeeze3A_347 : i32 to vector<16xi32>
        %gather3A_349 = tpu.vector_load_idx %arg7[%broadcast_in_dim3A_348, %iota3A] : memref<336x32xf32, #tpu.memory_space<vmem>>[vector<16xi32>, vector<16xi32>], vector<16xf32>,
        %gather3A_350 = tpu.vector_load_idx %arg7[%broadcast_in_dim3A_348, %add3A_5] : memref<336x32xf32, #tpu.memory_space<vmem>>[vector<16xi32>, vector<16xi32>], vector<16xf32>,
        %add3A_351 = arith.constant 15 : i32
        %add3A_352 = arith.addi %mul3A_118, %add3A_351 : i32
        %swap3A_353 = arith.index_cast %add3A_352 : i32 to index
        %swap3A_354 = arith.constant 0 : index
        %swap3A_355 = tpu.vector_load %arg11[%swap3A_353, %swap3A_354] {strides = array<i32>} : memref<128x128xf32, #tpu.memory_space<vmem>>, vector<16xf32>,
        tpu.vector_store %arg11[%swap3A_353, %swap3A_354], %gather3A_349 {strides = array<i32>} : memref<128x128xf32, #tpu.memory_space<vmem>>, vector<16xf32>,
        %add3A_356 = arith.constant 15 : i32
        %add3A_357 = arith.addi %mul3A_118, %add3A_356 : i32
        %swap3A_358 = arith.index_cast %add3A_357 : i32 to index
        %swap3A_359 = arith.constant 16 : index
        %swap3A_360 = tpu.vector_load %arg11[%swap3A_358, %swap3A_359] {strides = array<i32>} : memref<128x128xf32, #tpu.memory_space<vmem>>, vector<16xf32>,
        tpu.vector_store %arg11[%swap3A_358, %swap3A_359], %gather3A_350 {strides = array<i32>} : memref<128x128xf32, #tpu.memory_space<vmem>>, vector<16xf32>,
        %get3A_361 = arith.constant 2 : i32
        %get3A_362 = arith.index_cast %get3A_361 : i32 to index
        %get3A_363 = arith.index_cast %add3A_81 : i32 to index
        %get3A_364 = arith.index_cast %mul3A_118 : i32 to index
        %get3A_365 = tpu.vector_load %arg6[%get3A_362, %get3A_363, %get3A_364] {strides = array<i32>} : memref<5x50x128xi32, #tpu.memory_space<vmem>>, vector<16xi32>,
        %add3A_366 = arith.constant 56 : i32
        %add3A_367 = vector.broadcast %add3A_366 : i32 to vector<16xi32>
        %add3A_368 = arith.addi %get3A_365, %add3A_367 : vector<16xi32>
        %slice3A_369 = vector.extract_strided_slice %add3A_368 {offsets = [0], sizes = [1], strides = [1]} : vector<16xi32> to vector<1xi32>
        %squeeze3A_370 = vector.extract %slice3A_369[0] : i32 from vector<1xi32>
        %broadcast_in_dim3A_371 = vector.broadcast %squeeze3A_370 : i32 to vector<16xi32>
        %gather3A_372 = tpu.vector_load_idx %arg7[%broadcast_in_dim3A_371, %iota3A] : memref<336x32xf32, #tpu.memory_space<vmem>>[vector<16xi32>, vector<16xi32>], vector<16xf32>,
        %gather3A_373 = tpu.vector_load_idx %arg7[%broadcast_in_dim3A_371, %add3A_5] : memref<336x32xf32, #tpu.memory_space<vmem>>[vector<16xi32>, vector<16xi32>], vector<16xf32>,
        %add3A_374 = arith.constant 0 : i32
        %add3A_375 = arith.addi %mul3A_118, %add3A_374 : i32
        %swap3A_376 = arith.index_cast %add3A_375 : i32 to index
        %swap3A_377 = arith.constant 32 : index
        %swap3A_378 = tpu.vector_load %arg11[%swap3A_376, %swap3A_377] {strides = array<i32>} : memref<128x128xf32, #tpu.memory_space<vmem>>, vector<16xf32>,
        tpu.vector_store %arg11[%swap3A_376, %swap3A_377], %gather3A_372 {strides = array<i32>} : memref<128x128xf32, #tpu.memory_space<vmem>>, vector<16xf32>,
        %add3A_379 = arith.constant 0 : i32
        %add3A_380 = arith.addi %mul3A_118, %add3A_379 : i32
        %swap3A_381 = arith.index_cast %add3A_380 : i32 to index
        %swap3A_382 = arith.constant 48 : index
        %swap3A_383 = tpu.vector_load %arg11[%swap3A_381, %swap3A_382] {strides = array<i32>} : memref<128x128xf32, #tpu.memory_space<vmem>>, vector<16xf32>,
        tpu.vector_store %arg11[%swap3A_381, %swap3A_382], %gather3A_373 {strides = array<i32>} : memref<128x128xf32, #tpu.memory_space<vmem>>, vector<16xf32>,
        %slice3A_384 = vector.extract_strided_slice %add3A_368 {offsets = [1], sizes = [1], strides = [1]} : vector<16xi32> to vector<1xi32>
        %squeeze3A_385 = vector.extract %slice3A_384[0] : i32 from vector<1xi32>
        %broadcast_in_dim3A_386 = vector.broadcast %squeeze3A_385 : i32 to vector<16xi32>
        %gather3A_387 = tpu.vector_load_idx %arg7[%broadcast_in_dim3A_386, %iota3A] : memref<336x32xf32, #tpu.memory_space<vmem>>[vector<16xi32>, vector<16xi32>], vector<16xf32>,
        %gather3A_388 = tpu.vector_load_idx %arg7[%broadcast_in_dim3A_386, %add3A_5] : memref<336x32xf32, #tpu.memory_space<vmem>>[vector<16xi32>, vector<16xi32>], vector<16xf32>,
        %add3A_389 = arith.constant 1 : i32
        %add3A_390 = arith.addi %mul3A_118, %add3A_389 : i32
        %swap3A_391 = arith.index_cast %add3A_390 : i32 to index
        %swap3A_392 = arith.constant 32 : index
        %swap3A_393 = tpu.vector_load %arg11[%swap3A_391, %swap3A_392] {strides = array<i32>} : memref<128x128xf32, #tpu.memory_space<vmem>>, vector<16xf32>,
        tpu.vector_store %arg11[%swap3A_391, %swap3A_392], %gather3A_387 {strides = array<i32>} : memref<128x128xf32, #tpu.memory_space<vmem>>, vector<16xf32>,
        %add3A_394 = arith.constant 1 : i32
        %add3A_395 = arith.addi %mul3A_118, %add3A_394 : i32
        %swap3A_396 = arith.index_cast %add3A_395 : i32 to index
        %swap3A_397 = arith.constant 48 : index
        %swap3A_398 = tpu.vector_load %arg11[%swap3A_396, %swap3A_397] {strides = array<i32>} : memref<128x128xf32, #tpu.memory_space<vmem>>, vector<16xf32>,
        tpu.vector_store %arg11[%swap3A_396, %swap3A_397], %gather3A_388 {strides = array<i32>} : memref<128x128xf32, #tpu.memory_space<vmem>>, vector<16xf32>,
        %slice3A_399 = vector.extract_strided_slice %add3A_368 {offsets = [2], sizes = [1], strides = [1]} : vector<16xi32> to vector<1xi32>
        %squeeze3A_400 = vector.extract %slice3A_399[0] : i32 from vector<1xi32>
        %broadcast_in_dim3A_401 = vector.broadcast %squeeze3A_400 : i32 to vector<16xi32>
        %gather3A_402 = tpu.vector_load_idx %arg7[%broadcast_in_dim3A_401, %iota3A] : memref<336x32xf32, #tpu.memory_space<vmem>>[vector<16xi32>, vector<16xi32>], vector<16xf32>,
        %gather3A_403 = tpu.vector_load_idx %arg7[%broadcast_in_dim3A_401, %add3A_5] : memref<336x32xf32, #tpu.memory_space<vmem>>[vector<16xi32>, vector<16xi32>], vector<16xf32>,
        %add3A_404 = arith.constant 2 : i32
        %add3A_405 = arith.addi %mul3A_118, %add3A_404 : i32
        %swap3A_406 = arith.index_cast %add3A_405 : i32 to index
        %swap3A_407 = arith.constant 32 : index
        %swap3A_408 = tpu.vector_load %arg11[%swap3A_406, %swap3A_407] {strides = array<i32>} : memref<128x128xf32, #tpu.memory_space<vmem>>, vector<16xf32>,
        tpu.vector_store %arg11[%swap3A_406, %swap3A_407], %gather3A_402 {strides = array<i32>} : memref<128x128xf32, #tpu.memory_space<vmem>>, vector<16xf32>,
        %add3A_409 = arith.constant 2 : i32
        %add3A_410 = arith.addi %mul3A_118, %add3A_409 : i32
        %swap3A_411 = arith.index_cast %add3A_410 : i32 to index
        %swap3A_412 = arith.constant 48 : index
        %swap3A_413 = tpu.vector_load %arg11[%swap3A_411, %swap3A_412] {strides = array<i32>} : memref<128x128xf32, #tpu.memory_space<vmem>>, vector<16xf32>,
        tpu.vector_store %arg11[%swap3A_411, %swap3A_412], %gather3A_403 {strides = array<i32>} : memref<128x128xf32, #tpu.memory_space<vmem>>, vector<16xf32>,
        %slice3A_414 = vector.extract_strided_slice %add3A_368 {offsets = [3], sizes = [1], strides = [1]} : vector<16xi32> to vector<1xi32>
        %squeeze3A_415 = vector.extract %slice3A_414[0] : i32 from vector<1xi32>
        %broadcast_in_dim3A_416 = vector.broadcast %squeeze3A_415 : i32 to vector<16xi32>
        %gather3A_417 = tpu.vector_load_idx %arg7[%broadcast_in_dim3A_416, %iota3A] : memref<336x32xf32, #tpu.memory_space<vmem>>[vector<16xi32>, vector<16xi32>], vector<16xf32>,
        %gather3A_418 = tpu.vector_load_idx %arg7[%broadcast_in_dim3A_416, %add3A_5] : memref<336x32xf32, #tpu.memory_space<vmem>>[vector<16xi32>, vector<16xi32>], vector<16xf32>,
        %add3A_419 = arith.constant 3 : i32
        %add3A_420 = arith.addi %mul3A_118, %add3A_419 : i32
        %swap3A_421 = arith.index_cast %add3A_420 : i32 to index
        %swap3A_422 = arith.constant 32 : index
        %swap3A_423 = tpu.vector_load %arg11[%swap3A_421, %swap3A_422] {strides = array<i32>} : memref<128x128xf32, #tpu.memory_space<vmem>>, vector<16xf32>,
        tpu.vector_store %arg11[%swap3A_421, %swap3A_422], %gather3A_417 {strides = array<i32>} : memref<128x128xf32, #tpu.memory_space<vmem>>, vector<16xf32>,
        %add3A_424 = arith.constant 3 : i32
        %add3A_425 = arith.addi %mul3A_118, %add3A_424 : i32
        %swap3A_426 = arith.index_cast %add3A_425 : i32 to index
        %swap3A_427 = arith.constant 48 : index
        %swap3A_428 = tpu.vector_load %arg11[%swap3A_426, %swap3A_427] {strides = array<i32>} : memref<128x128xf32, #tpu.memory_space<vmem>>, vector<16xf32>,
        tpu.vector_store %arg11[%swap3A_426, %swap3A_427], %gather3A_418 {strides = array<i32>} : memref<128x128xf32, #tpu.memory_space<vmem>>, vector<16xf32>,
        %slice3A_429 = vector.extract_strided_slice %add3A_368 {offsets = [4], sizes = [1], strides = [1]} : vector<16xi32> to vector<1xi32>
        %squeeze3A_430 = vector.extract %slice3A_429[0] : i32 from vector<1xi32>
        %broadcast_in_dim3A_431 = vector.broadcast %squeeze3A_430 : i32 to vector<16xi32>
        %gather3A_432 = tpu.vector_load_idx %arg7[%broadcast_in_dim3A_431, %iota3A] : memref<336x32xf32, #tpu.memory_space<vmem>>[vector<16xi32>, vector<16xi32>], vector<16xf32>,
        %gather3A_433 = tpu.vector_load_idx %arg7[%broadcast_in_dim3A_431, %add3A_5] : memref<336x32xf32, #tpu.memory_space<vmem>>[vector<16xi32>, vector<16xi32>], vector<16xf32>,
        %add3A_434 = arith.constant 4 : i32
        %add3A_435 = arith.addi %mul3A_118, %add3A_434 : i32
        %swap3A_436 = arith.index_cast %add3A_435 : i32 to index
        %swap3A_437 = arith.constant 32 : index
        %swap3A_438 = tpu.vector_load %arg11[%swap3A_436, %swap3A_437] {strides = array<i32>} : memref<128x128xf32, #tpu.memory_space<vmem>>, vector<16xf32>,
        tpu.vector_store %arg11[%swap3A_436, %swap3A_437], %gather3A_432 {strides = array<i32>} : memref<128x128xf32, #tpu.memory_space<vmem>>, vector<16xf32>,
        %add3A_439 = arith.constant 4 : i32
        %add3A_440 = arith.addi %mul3A_118, %add3A_439 : i32
        %swap3A_441 = arith.index_cast %add3A_440 : i32 to index
        %swap3A_442 = arith.constant 48 : index
        %swap3A_443 = tpu.vector_load %arg11[%swap3A_441, %swap3A_442] {strides = array<i32>} : memref<128x128xf32, #tpu.memory_space<vmem>>, vector<16xf32>,
        tpu.vector_store %arg11[%swap3A_441, %swap3A_442], %gather3A_433 {strides = array<i32>} : memref<128x128xf32, #tpu.memory_space<vmem>>, vector<16xf32>,
        %slice3A_444 = vector.extract_strided_slice %add3A_368 {offsets = [5], sizes = [1], strides = [1]} : vector<16xi32> to vector<1xi32>
        %squeeze3A_445 = vector.extract %slice3A_444[0] : i32 from vector<1xi32>
        %broadcast_in_dim3A_446 = vector.broadcast %squeeze3A_445 : i32 to vector<16xi32>
        %gather3A_447 = tpu.vector_load_idx %arg7[%broadcast_in_dim3A_446, %iota3A] : memref<336x32xf32, #tpu.memory_space<vmem>>[vector<16xi32>, vector<16xi32>], vector<16xf32>,
        %gather3A_448 = tpu.vector_load_idx %arg7[%broadcast_in_dim3A_446, %add3A_5] : memref<336x32xf32, #tpu.memory_space<vmem>>[vector<16xi32>, vector<16xi32>], vector<16xf32>,
        %add3A_449 = arith.constant 5 : i32
        %add3A_450 = arith.addi %mul3A_118, %add3A_449 : i32
        %swap3A_451 = arith.index_cast %add3A_450 : i32 to index
        %swap3A_452 = arith.constant 32 : index
        %swap3A_453 = tpu.vector_load %arg11[%swap3A_451, %swap3A_452] {strides = array<i32>} : memref<128x128xf32, #tpu.memory_space<vmem>>, vector<16xf32>,
        tpu.vector_store %arg11[%swap3A_451, %swap3A_452], %gather3A_447 {strides = array<i32>} : memref<128x128xf32, #tpu.memory_space<vmem>>, vector<16xf32>,
        %add3A_454 = arith.constant 5 : i32
        %add3A_455 = arith.addi %mul3A_118, %add3A_454 : i32
        %swap3A_456 = arith.index_cast %add3A_455 : i32 to index
        %swap3A_457 = arith.constant 48 : index
        %swap3A_458 = tpu.vector_load %arg11[%swap3A_456, %swap3A_457] {strides = array<i32>} : memref<128x128xf32, #tpu.memory_space<vmem>>, vector<16xf32>,
        tpu.vector_store %arg11[%swap3A_456, %swap3A_457], %gather3A_448 {strides = array<i32>} : memref<128x128xf32, #tpu.memory_space<vmem>>, vector<16xf32>,
        %slice3A_459 = vector.extract_strided_slice %add3A_368 {offsets = [6], sizes = [1], strides = [1]} : vector<16xi32> to vector<1xi32>
        %squeeze3A_460 = vector.extract %slice3A_459[0] : i32 from vector<1xi32>
        %broadcast_in_dim3A_461 = vector.broadcast %squeeze3A_460 : i32 to vector<16xi32>
        %gather3A_462 = tpu.vector_load_idx %arg7[%broadcast_in_dim3A_461, %iota3A] : memref<336x32xf32, #tpu.memory_space<vmem>>[vector<16xi32>, vector<16xi32>], vector<16xf32>,
        %gather3A_463 = tpu.vector_load_idx %arg7[%broadcast_in_dim3A_461, %add3A_5] : memref<336x32xf32, #tpu.memory_space<vmem>>[vector<16xi32>, vector<16xi32>], vector<16xf32>,
        %add3A_464 = arith.constant 6 : i32
        %add3A_465 = arith.addi %mul3A_118, %add3A_464 : i32
        %swap3A_466 = arith.index_cast %add3A_465 : i32 to index
        %swap3A_467 = arith.constant 32 : index
        %swap3A_468 = tpu.vector_load %arg11[%swap3A_466, %swap3A_467] {strides = array<i32>} : memref<128x128xf32, #tpu.memory_space<vmem>>, vector<16xf32>,
        tpu.vector_store %arg11[%swap3A_466, %swap3A_467], %gather3A_462 {strides = array<i32>} : memref<128x128xf32, #tpu.memory_space<vmem>>, vector<16xf32>,
        %add3A_469 = arith.constant 6 : i32
        %add3A_470 = arith.addi %mul3A_118, %add3A_469 : i32
        %swap3A_471 = arith.index_cast %add3A_470 : i32 to index
        %swap3A_472 = arith.constant 48 : index
        %swap3A_473 = tpu.vector_load %arg11[%swap3A_471, %swap3A_472] {strides = array<i32>} : memref<128x128xf32, #tpu.memory_space<vmem>>, vector<16xf32>,
        tpu.vector_store %arg11[%swap3A_471, %swap3A_472], %gather3A_463 {strides = array<i32>} : memref<128x128xf32, #tpu.memory_space<vmem>>, vector<16xf32>,
        %slice3A_474 = vector.extract_strided_slice %add3A_368 {offsets = [7], sizes = [1], strides = [1]} : vector<16xi32> to vector<1xi32>
        %squeeze3A_475 = vector.extract %slice3A_474[0] : i32 from vector<1xi32>
        %broadcast_in_dim3A_476 = vector.broadcast %squeeze3A_475 : i32 to vector<16xi32>
        %gather3A_477 = tpu.vector_load_idx %arg7[%broadcast_in_dim3A_476, %iota3A] : memref<336x32xf32, #tpu.memory_space<vmem>>[vector<16xi32>, vector<16xi32>], vector<16xf32>,
        %gather3A_478 = tpu.vector_load_idx %arg7[%broadcast_in_dim3A_476, %add3A_5] : memref<336x32xf32, #tpu.memory_space<vmem>>[vector<16xi32>, vector<16xi32>], vector<16xf32>,
        %add3A_479 = arith.constant 7 : i32
        %add3A_480 = arith.addi %mul3A_118, %add3A_479 : i32
        %swap3A_481 = arith.index_cast %add3A_480 : i32 to index
        %swap3A_482 = arith.constant 32 : index
        %swap3A_483 = tpu.vector_load %arg11[%swap3A_481, %swap3A_482] {strides = array<i32>} : memref<128x128xf32, #tpu.memory_space<vmem>>, vector<16xf32>,
        tpu.vector_store %arg11[%swap3A_481, %swap3A_482], %gather3A_477 {strides = array<i32>} : memref<128x128xf32, #tpu.memory_space<vmem>>, vector<16xf32>,
        %add3A_484 = arith.constant 7 : i32
        %add3A_485 = arith.addi %mul3A_118, %add3A_484 : i32
        %swap3A_486 = arith.index_cast %add3A_485 : i32 to index
        %swap3A_487 = arith.constant 48 : index
        %swap3A_488 = tpu.vector_load %arg11[%swap3A_486, %swap3A_487] {strides = array<i32>} : memref<128x128xf32, #tpu.memory_space<vmem>>, vector<16xf32>,
        tpu.vector_store %arg11[%swap3A_486, %swap3A_487], %gather3A_478 {strides = array<i32>} : memref<128x128xf32, #tpu.memory_space<vmem>>, vector<16xf32>,
        %slice3A_489 = vector.extract_strided_slice %add3A_368 {offsets = [8], sizes = [1], strides = [1]} : vector<16xi32> to vector<1xi32>
        %squeeze3A_490 = vector.extract %slice3A_489[0] : i32 from vector<1xi32>
        %broadcast_in_dim3A_491 = vector.broadcast %squeeze3A_490 : i32 to vector<16xi32>
        %gather3A_492 = tpu.vector_load_idx %arg7[%broadcast_in_dim3A_491, %iota3A] : memref<336x32xf32, #tpu.memory_space<vmem>>[vector<16xi32>, vector<16xi32>], vector<16xf32>,
        %gather3A_493 = tpu.vector_load_idx %arg7[%broadcast_in_dim3A_491, %add3A_5] : memref<336x32xf32, #tpu.memory_space<vmem>>[vector<16xi32>, vector<16xi32>], vector<16xf32>,
        %add3A_494 = arith.constant 8 : i32
        %add3A_495 = arith.addi %mul3A_118, %add3A_494 : i32
        %swap3A_496 = arith.index_cast %add3A_495 : i32 to index
        %swap3A_497 = arith.constant 32 : index
        %swap3A_498 = tpu.vector_load %arg11[%swap3A_496, %swap3A_497] {strides = array<i32>} : memref<128x128xf32, #tpu.memory_space<vmem>>, vector<16xf32>,
        tpu.vector_store %arg11[%swap3A_496, %swap3A_497], %gather3A_492 {strides = array<i32>} : memref<128x128xf32, #tpu.memory_space<vmem>>, vector<16xf32>,
        %add3A_499 = arith.constant 8 : i32
        %add3A_500 = arith.addi %mul3A_118, %add3A_499 : i32
        %swap3A_501 = arith.index_cast %add3A_500 : i32 to index
        %swap3A_502 = arith.constant 48 : index
        %swap3A_503 = tpu.vector_load %arg11[%swap3A_501, %swap3A_502] {strides = array<i32>} : memref<128x128xf32, #tpu.memory_space<vmem>>, vector<16xf32>,
        tpu.vector_store %arg11[%swap3A_501, %swap3A_502], %gather3A_493 {strides = array<i32>} : memref<128x128xf32, #tpu.memory_space<vmem>>, vector<16xf32>,
        %slice3A_504 = vector.extract_strided_slice %add3A_368 {offsets = [9], sizes = [1], strides = [1]} : vector<16xi32> to vector<1xi32>
        %squeeze3A_505 = vector.extract %slice3A_504[0] : i32 from vector<1xi32>
        %broadcast_in_dim3A_506 = vector.broadcast %squeeze3A_505 : i32 to vector<16xi32>
        %gather3A_507 = tpu.vector_load_idx %arg7[%broadcast_in_dim3A_506, %iota3A] : memref<336x32xf32, #tpu.memory_space<vmem>>[vector<16xi32>, vector<16xi32>], vector<16xf32>,
        %gather3A_508 = tpu.vector_load_idx %arg7[%broadcast_in_dim3A_506, %add3A_5] : memref<336x32xf32, #tpu.memory_space<vmem>>[vector<16xi32>, vector<16xi32>], vector<16xf32>,
        %add3A_509 = arith.constant 9 : i32
        %add3A_510 = arith.addi %mul3A_118, %add3A_509 : i32
        %swap3A_511 = arith.index_cast %add3A_510 : i32 to index
        %swap3A_512 = arith.constant 32 : index
        %swap3A_513 = tpu.vector_load %arg11[%swap3A_511, %swap3A_512] {strides = array<i32>} : memref<128x128xf32, #tpu.memory_space<vmem>>, vector<16xf32>,
        tpu.vector_store %arg11[%swap3A_511, %swap3A_512], %gather3A_507 {strides = array<i32>} : memref<128x128xf32, #tpu.memory_space<vmem>>, vector<16xf32>,
        %add3A_514 = arith.constant 9 : i32
        %add3A_515 = arith.addi %mul3A_118, %add3A_514 : i32
        %swap3A_516 = arith.index_cast %add3A_515 : i32 to index
        %swap3A_517 = arith.constant 48 : index
        %swap3A_518 = tpu.vector_load %arg11[%swap3A_516, %swap3A_517] {strides = array<i32>} : memref<128x128xf32, #tpu.memory_space<vmem>>, vector<16xf32>,
        tpu.vector_store %arg11[%swap3A_516, %swap3A_517], %gather3A_508 {strides = array<i32>} : memref<128x128xf32, #tpu.memory_space<vmem>>, vector<16xf32>,
        %slice3A_519 = vector.extract_strided_slice %add3A_368 {offsets = [10], sizes = [1], strides = [1]} : vector<16xi32> to vector<1xi32>
        %squeeze3A_520 = vector.extract %slice3A_519[0] : i32 from vector<1xi32>
        %broadcast_in_dim3A_521 = vector.broadcast %squeeze3A_520 : i32 to vector<16xi32>
        %gather3A_522 = tpu.vector_load_idx %arg7[%broadcast_in_dim3A_521, %iota3A] : memref<336x32xf32, #tpu.memory_space<vmem>>[vector<16xi32>, vector<16xi32>], vector<16xf32>,
        %gather3A_523 = tpu.vector_load_idx %arg7[%broadcast_in_dim3A_521, %add3A_5] : memref<336x32xf32, #tpu.memory_space<vmem>>[vector<16xi32>, vector<16xi32>], vector<16xf32>,
        %add3A_524 = arith.constant 10 : i32
        %add3A_525 = arith.addi %mul3A_118, %add3A_524 : i32
        %swap3A_526 = arith.index_cast %add3A_525 : i32 to index
        %swap3A_527 = arith.constant 32 : index
        %swap3A_528 = tpu.vector_load %arg11[%swap3A_526, %swap3A_527] {strides = array<i32>} : memref<128x128xf32, #tpu.memory_space<vmem>>, vector<16xf32>,
        tpu.vector_store %arg11[%swap3A_526, %swap3A_527], %gather3A_522 {strides = array<i32>} : memref<128x128xf32, #tpu.memory_space<vmem>>, vector<16xf32>,
        %add3A_529 = arith.constant 10 : i32
        %add3A_530 = arith.addi %mul3A_118, %add3A_529 : i32
        %swap3A_531 = arith.index_cast %add3A_530 : i32 to index
        %swap3A_532 = arith.constant 48 : index
        %swap3A_533 = tpu.vector_load %arg11[%swap3A_531, %swap3A_532] {strides = array<i32>} : memref<128x128xf32, #tpu.memory_space<vmem>>, vector<16xf32>,
        tpu.vector_store %arg11[%swap3A_531, %swap3A_532], %gather3A_523 {strides = array<i32>} : memref<128x128xf32, #tpu.memory_space<vmem>>, vector<16xf32>,
        %slice3A_534 = vector.extract_strided_slice %add3A_368 {offsets = [11], sizes = [1], strides = [1]} : vector<16xi32> to vector<1xi32>
        %squeeze3A_535 = vector.extract %slice3A_534[0] : i32 from vector<1xi32>
        %broadcast_in_dim3A_536 = vector.broadcast %squeeze3A_535 : i32 to vector<16xi32>
        %gather3A_537 = tpu.vector_load_idx %arg7[%broadcast_in_dim3A_536, %iota3A] : memref<336x32xf32, #tpu.memory_space<vmem>>[vector<16xi32>, vector<16xi32>], vector<16xf32>,
        %gather3A_538 = tpu.vector_load_idx %arg7[%broadcast_in_dim3A_536, %add3A_5] : memref<336x32xf32, #tpu.memory_space<vmem>>[vector<16xi32>, vector<16xi32>], vector<16xf32>,
        %add3A_539 = arith.constant 11 : i32
        %add3A_540 = arith.addi %mul3A_118, %add3A_539 : i32
        %swap3A_541 = arith.index_cast %add3A_540 : i32 to index
        %swap3A_542 = arith.constant 32 : index
        %swap3A_543 = tpu.vector_load %arg11[%swap3A_541, %swap3A_542] {strides = array<i32>} : memref<128x128xf32, #tpu.memory_space<vmem>>, vector<16xf32>,
        tpu.vector_store %arg11[%swap3A_541, %swap3A_542], %gather3A_537 {strides = array<i32>} : memref<128x128xf32, #tpu.memory_space<vmem>>, vector<16xf32>,
        %add3A_544 = arith.constant 11 : i32
        %add3A_545 = arith.addi %mul3A_118, %add3A_544 : i32
        %swap3A_546 = arith.index_cast %add3A_545 : i32 to index
        %swap3A_547 = arith.constant 48 : index
        %swap3A_548 = tpu.vector_load %arg11[%swap3A_546, %swap3A_547] {strides = array<i32>} : memref<128x128xf32, #tpu.memory_space<vmem>>, vector<16xf32>,
        tpu.vector_store %arg11[%swap3A_546, %swap3A_547], %gather3A_538 {strides = array<i32>} : memref<128x128xf32, #tpu.memory_space<vmem>>, vector<16xf32>,
        %slice3A_549 = vector.extract_strided_slice %add3A_368 {offsets = [12], sizes = [1], strides = [1]} : vector<16xi32> to vector<1xi32>
        %squeeze3A_550 = vector.extract %slice3A_549[0] : i32 from vector<1xi32>
        %broadcast_in_dim3A_551 = vector.broadcast %squeeze3A_550 : i32 to vector<16xi32>
        %gather3A_552 = tpu.vector_load_idx %arg7[%broadcast_in_dim3A_551, %iota3A] : memref<336x32xf32, #tpu.memory_space<vmem>>[vector<16xi32>, vector<16xi32>], vector<16xf32>,
        %gather3A_553 = tpu.vector_load_idx %arg7[%broadcast_in_dim3A_551, %add3A_5] : memref<336x32xf32, #tpu.memory_space<vmem>>[vector<16xi32>, vector<16xi32>], vector<16xf32>,
        %add3A_554 = arith.constant 12 : i32
        %add3A_555 = arith.addi %mul3A_118, %add3A_554 : i32
        %swap3A_556 = arith.index_cast %add3A_555 : i32 to index
        %swap3A_557 = arith.constant 32 : index
        %swap3A_558 = tpu.vector_load %arg11[%swap3A_556, %swap3A_557] {strides = array<i32>} : memref<128x128xf32, #tpu.memory_space<vmem>>, vector<16xf32>,
        tpu.vector_store %arg11[%swap3A_556, %swap3A_557], %gather3A_552 {strides = array<i32>} : memref<128x128xf32, #tpu.memory_space<vmem>>, vector<16xf32>,
        %add3A_559 = arith.constant 12 : i32
        %add3A_560 = arith.addi %mul3A_118, %add3A_559 : i32
        %swap3A_561 = arith.index_cast %add3A_560 : i32 to index
        %swap3A_562 = arith.constant 48 : index
        %swap3A_563 = tpu.vector_load %arg11[%swap3A_561, %swap3A_562] {strides = array<i32>} : memref<128x128xf32, #tpu.memory_space<vmem>>, vector<16xf32>,
        tpu.vector_store %arg11[%swap3A_561, %swap3A_562], %gather3A_553 {strides = array<i32>} : memref<128x128xf32, #tpu.memory_space<vmem>>, vector<16xf32>,
        %slice3A_564 = vector.extract_strided_slice %add3A_368 {offsets = [13], sizes = [1], strides = [1]} : vector<16xi32> to vector<1xi32>
        %squeeze3A_565 = vector.extract %slice3A_564[0] : i32 from vector<1xi32>
        %broadcast_in_dim3A_566 = vector.broadcast %squeeze3A_565 : i32 to vector<16xi32>
        %gather3A_567 = tpu.vector_load_idx %arg7[%broadcast_in_dim3A_566, %iota3A] : memref<336x32xf32, #tpu.memory_space<vmem>>[vector<16xi32>, vector<16xi32>], vector<16xf32>,
        %gather3A_568 = tpu.vector_load_idx %arg7[%broadcast_in_dim3A_566, %add3A_5] : memref<336x32xf32, #tpu.memory_space<vmem>>[vector<16xi32>, vector<16xi32>], vector<16xf32>,
        %add3A_569 = arith.constant 13 : i32
        %add3A_570 = arith.addi %mul3A_118, %add3A_569 : i32
        %swap3A_571 = arith.index_cast %add3A_570 : i32 to index
        %swap3A_572 = arith.constant 32 : index
        %swap3A_573 = tpu.vector_load %arg11[%swap3A_571, %swap3A_572] {strides = array<i32>} : memref<128x128xf32, #tpu.memory_space<vmem>>, vector<16xf32>,
        tpu.vector_store %arg11[%swap3A_571, %swap3A_572], %gather3A_567 {strides = array<i32>} : memref<128x128xf32, #tpu.memory_space<vmem>>, vector<16xf32>,
        %add3A_574 = arith.constant 13 : i32
        %add3A_575 = arith.addi %mul3A_118, %add3A_574 : i32
        %swap3A_576 = arith.index_cast %add3A_575 : i32 to index
        %swap3A_577 = arith.constant 48 : index
        %swap3A_578 = tpu.vector_load %arg11[%swap3A_576, %swap3A_577] {strides = array<i32>} : memref<128x128xf32, #tpu.memory_space<vmem>>, vector<16xf32>,
        tpu.vector_store %arg11[%swap3A_576, %swap3A_577], %gather3A_568 {strides = array<i32>} : memref<128x128xf32, #tpu.memory_space<vmem>>, vector<16xf32>,
        %slice3A_579 = vector.extract_strided_slice %add3A_368 {offsets = [14], sizes = [1], strides = [1]} : vector<16xi32> to vector<1xi32>
        %squeeze3A_580 = vector.extract %slice3A_579[0] : i32 from vector<1xi32>
        %broadcast_in_dim3A_581 = vector.broadcast %squeeze3A_580 : i32 to vector<16xi32>
        %gather3A_582 = tpu.vector_load_idx %arg7[%broadcast_in_dim3A_581, %iota3A] : memref<336x32xf32, #tpu.memory_space<vmem>>[vector<16xi32>, vector<16xi32>], vector<16xf32>,
        %gather3A_583 = tpu.vector_load_idx %arg7[%broadcast_in_dim3A_581, %add3A_5] : memref<336x32xf32, #tpu.memory_space<vmem>>[vector<16xi32>, vector<16xi32>], vector<16xf32>,
        %add3A_584 = arith.constant 14 : i32
        %add3A_585 = arith.addi %mul3A_118, %add3A_584 : i32
        %swap3A_586 = arith.index_cast %add3A_585 : i32 to index
        %swap3A_587 = arith.constant 32 : index
        %swap3A_588 = tpu.vector_load %arg11[%swap3A_586, %swap3A_587] {strides = array<i32>} : memref<128x128xf32, #tpu.memory_space<vmem>>, vector<16xf32>,
        tpu.vector_store %arg11[%swap3A_586, %swap3A_587], %gather3A_582 {strides = array<i32>} : memref<128x128xf32, #tpu.memory_space<vmem>>, vector<16xf32>,
        %add3A_589 = arith.constant 14 : i32
        %add3A_590 = arith.addi %mul3A_118, %add3A_589 : i32
        %swap3A_591 = arith.index_cast %add3A_590 : i32 to index
        %swap3A_592 = arith.constant 48 : index
        %swap3A_593 = tpu.vector_load %arg11[%swap3A_591, %swap3A_592] {strides = array<i32>} : memref<128x128xf32, #tpu.memory_space<vmem>>, vector<16xf32>,
        tpu.vector_store %arg11[%swap3A_591, %swap3A_592], %gather3A_583 {strides = array<i32>} : memref<128x128xf32, #tpu.memory_space<vmem>>, vector<16xf32>,
        %slice3A_594 = vector.extract_strided_slice %add3A_368 {offsets = [15], sizes = [1], strides = [1]} : vector<16xi32> to vector<1xi32>
        %squeeze3A_595 = vector.extract %slice3A_594[0] : i32 from vector<1xi32>
        %broadcast_in_dim3A_596 = vector.broadcast %squeeze3A_595 : i32 to vector<16xi32>
        %gather3A_597 = tpu.vector_load_idx %arg7[%broadcast_in_dim3A_596, %iota3A] : memref<336x32xf32, #tpu.memory_space<vmem>>[vector<16xi32>, vector<16xi32>], vector<16xf32>,
        %gather3A_598 = tpu.vector_load_idx %arg7[%broadcast_in_dim3A_596, %add3A_5] : memref<336x32xf32, #tpu.memory_space<vmem>>[vector<16xi32>, vector<16xi32>], vector<16xf32>,
        %add3A_599 = arith.constant 15 : i32
        %add3A_600 = arith.addi %mul3A_118, %add3A_599 : i32
        %swap3A_601 = arith.index_cast %add3A_600 : i32 to index
        %swap3A_602 = arith.constant 32 : index
        %swap3A_603 = tpu.vector_load %arg11[%swap3A_601, %swap3A_602] {strides = array<i32>} : memref<128x128xf32, #tpu.memory_space<vmem>>, vector<16xf32>,
        tpu.vector_store %arg11[%swap3A_601, %swap3A_602], %gather3A_597 {strides = array<i32>} : memref<128x128xf32, #tpu.memory_space<vmem>>, vector<16xf32>,
        %add3A_604 = arith.constant 15 : i32
        %add3A_605 = arith.addi %mul3A_118, %add3A_604 : i32
        %swap3A_606 = arith.index_cast %add3A_605 : i32 to index
        %swap3A_607 = arith.constant 48 : index
        %swap3A_608 = tpu.vector_load %arg11[%swap3A_606, %swap3A_607] {strides = array<i32>} : memref<128x128xf32, #tpu.memory_space<vmem>>, vector<16xf32>,
        tpu.vector_store %arg11[%swap3A_606, %swap3A_607], %gather3A_598 {strides = array<i32>} : memref<128x128xf32, #tpu.memory_space<vmem>>, vector<16xf32>,
        %get3A_609 = arith.constant 3 : i32
        %get3A_610 = arith.index_cast %get3A_609 : i32 to index
        %get3A_611 = arith.index_cast %add3A_81 : i32 to index
        %get3A_612 = arith.index_cast %mul3A_118 : i32 to index
        %get3A_613 = tpu.vector_load %arg6[%get3A_610, %get3A_611, %get3A_612] {strides = array<i32>} : memref<5x50x128xi32, #tpu.memory_space<vmem>>, vector<16xi32>,
        %add3A_614 = arith.constant 80 : i32
        %add3A_615 = vector.broadcast %add3A_614 : i32 to vector<16xi32>
        %add3A_616 = arith.addi %get3A_613, %add3A_615 : vector<16xi32>
        %slice3A_617 = vector.extract_strided_slice %add3A_616 {offsets = [0], sizes = [1], strides = [1]} : vector<16xi32> to vector<1xi32>
        %squeeze3A_618 = vector.extract %slice3A_617[0] : i32 from vector<1xi32>
        %broadcast_in_dim3A_619 = vector.broadcast %squeeze3A_618 : i32 to vector<16xi32>
        %gather3A_620 = tpu.vector_load_idx %arg7[%broadcast_in_dim3A_619, %iota3A] : memref<336x32xf32, #tpu.memory_space<vmem>>[vector<16xi32>, vector<16xi32>], vector<16xf32>,
        %gather3A_621 = tpu.vector_load_idx %arg7[%broadcast_in_dim3A_619, %add3A_5] : memref<336x32xf32, #tpu.memory_space<vmem>>[vector<16xi32>, vector<16xi32>], vector<16xf32>,
        %add3A_622 = arith.constant 0 : i32
        %add3A_623 = arith.addi %mul3A_118, %add3A_622 : i32
        %swap3A_624 = arith.index_cast %add3A_623 : i32 to index
        %swap3A_625 = arith.constant 64 : index
        %swap3A_626 = tpu.vector_load %arg11[%swap3A_624, %swap3A_625] {strides = array<i32>} : memref<128x128xf32, #tpu.memory_space<vmem>>, vector<16xf32>,
        tpu.vector_store %arg11[%swap3A_624, %swap3A_625], %gather3A_620 {strides = array<i32>} : memref<128x128xf32, #tpu.memory_space<vmem>>, vector<16xf32>,
        %add3A_627 = arith.constant 0 : i32
        %add3A_628 = arith.addi %mul3A_118, %add3A_627 : i32
        %swap3A_629 = arith.index_cast %add3A_628 : i32 to index
        %swap3A_630 = arith.constant 80 : index
        %swap3A_631 = tpu.vector_load %arg11[%swap3A_629, %swap3A_630] {strides = array<i32>} : memref<128x128xf32, #tpu.memory_space<vmem>>, vector<16xf32>,
        tpu.vector_store %arg11[%swap3A_629, %swap3A_630], %gather3A_621 {strides = array<i32>} : memref<128x128xf32, #tpu.memory_space<vmem>>, vector<16xf32>,
        %slice3A_632 = vector.extract_strided_slice %add3A_616 {offsets = [1], sizes = [1], strides = [1]} : vector<16xi32> to vector<1xi32>
        %squeeze3A_633 = vector.extract %slice3A_632[0] : i32 from vector<1xi32>
        %broadcast_in_dim3A_634 = vector.broadcast %squeeze3A_633 : i32 to vector<16xi32>
        %gather3A_635 = tpu.vector_load_idx %arg7[%broadcast_in_dim3A_634, %iota3A] : memref<336x32xf32, #tpu.memory_space<vmem>>[vector<16xi32>, vector<16xi32>], vector<16xf32>,
        %gather3A_636 = tpu.vector_load_idx %arg7[%broadcast_in_dim3A_634, %add3A_5] : memref<336x32xf32, #tpu.memory_space<vmem>>[vector<16xi32>, vector<16xi32>], vector<16xf32>,
        %add3A_637 = arith.constant 1 : i32
        %add3A_638 = arith.addi %mul3A_118, %add3A_637 : i32
        %swap3A_639 = arith.index_cast %add3A_638 : i32 to index
        %swap3A_640 = arith.constant 64 : index
        %swap3A_641 = tpu.vector_load %arg11[%swap3A_639, %swap3A_640] {strides = array<i32>} : memref<128x128xf32, #tpu.memory_space<vmem>>, vector<16xf32>,
        tpu.vector_store %arg11[%swap3A_639, %swap3A_640], %gather3A_635 {strides = array<i32>} : memref<128x128xf32, #tpu.memory_space<vmem>>, vector<16xf32>,
        %add3A_642 = arith.constant 1 : i32
        %add3A_643 = arith.addi %mul3A_118, %add3A_642 : i32
        %swap3A_644 = arith.index_cast %add3A_643 : i32 to index
        %swap3A_645 = arith.constant 80 : index
        %swap3A_646 = tpu.vector_load %arg11[%swap3A_644, %swap3A_645] {strides = array<i32>} : memref<128x128xf32, #tpu.memory_space<vmem>>, vector<16xf32>,
        tpu.vector_store %arg11[%swap3A_644, %swap3A_645], %gather3A_636 {strides = array<i32>} : memref<128x128xf32, #tpu.memory_space<vmem>>, vector<16xf32>,
        %slice3A_647 = vector.extract_strided_slice %add3A_616 {offsets = [2], sizes = [1], strides = [1]} : vector<16xi32> to vector<1xi32>
        %squeeze3A_648 = vector.extract %slice3A_647[0] : i32 from vector<1xi32>
        %broadcast_in_dim3A_649 = vector.broadcast %squeeze3A_648 : i32 to vector<16xi32>
        %gather3A_650 = tpu.vector_load_idx %arg7[%broadcast_in_dim3A_649, %iota3A] : memref<336x32xf32, #tpu.memory_space<vmem>>[vector<16xi32>, vector<16xi32>], vector<16xf32>,
        %gather3A_651 = tpu.vector_load_idx %arg7[%broadcast_in_dim3A_649, %add3A_5] : memref<336x32xf32, #tpu.memory_space<vmem>>[vector<16xi32>, vector<16xi32>], vector<16xf32>,
        %add3A_652 = arith.constant 2 : i32
        %add3A_653 = arith.addi %mul3A_118, %add3A_652 : i32
        %swap3A_654 = arith.index_cast %add3A_653 : i32 to index
        %swap3A_655 = arith.constant 64 : index
        %swap3A_656 = tpu.vector_load %arg11[%swap3A_654, %swap3A_655] {strides = array<i32>} : memref<128x128xf32, #tpu.memory_space<vmem>>, vector<16xf32>,
        tpu.vector_store %arg11[%swap3A_654, %swap3A_655], %gather3A_650 {strides = array<i32>} : memref<128x128xf32, #tpu.memory_space<vmem>>, vector<16xf32>,
        %add3A_657 = arith.constant 2 : i32
        %add3A_658 = arith.addi %mul3A_118, %add3A_657 : i32
        %swap3A_659 = arith.index_cast %add3A_658 : i32 to index
        %swap3A_660 = arith.constant 80 : index
        %swap3A_661 = tpu.vector_load %arg11[%swap3A_659, %swap3A_660] {strides = array<i32>} : memref<128x128xf32, #tpu.memory_space<vmem>>, vector<16xf32>,
        tpu.vector_store %arg11[%swap3A_659, %swap3A_660], %gather3A_651 {strides = array<i32>} : memref<128x128xf32, #tpu.memory_space<vmem>>, vector<16xf32>,
        %slice3A_662 = vector.extract_strided_slice %add3A_616 {offsets = [3], sizes = [1], strides = [1]} : vector<16xi32> to vector<1xi32>
        %squeeze3A_663 = vector.extract %slice3A_662[0] : i32 from vector<1xi32>
        %broadcast_in_dim3A_664 = vector.broadcast %squeeze3A_663 : i32 to vector<16xi32>
        %gather3A_665 = tpu.vector_load_idx %arg7[%broadcast_in_dim3A_664, %iota3A] : memref<336x32xf32, #tpu.memory_space<vmem>>[vector<16xi32>, vector<16xi32>], vector<16xf32>,
        %gather3A_666 = tpu.vector_load_idx %arg7[%broadcast_in_dim3A_664, %add3A_5] : memref<336x32xf32, #tpu.memory_space<vmem>>[vector<16xi32>, vector<16xi32>], vector<16xf32>,
        %add3A_667 = arith.constant 3 : i32
        %add3A_668 = arith.addi %mul3A_118, %add3A_667 : i32
        %swap3A_669 = arith.index_cast %add3A_668 : i32 to index
        %swap3A_670 = arith.constant 64 : index
        %swap3A_671 = tpu.vector_load %arg11[%swap3A_669, %swap3A_670] {strides = array<i32>} : memref<128x128xf32, #tpu.memory_space<vmem>>, vector<16xf32>,
        tpu.vector_store %arg11[%swap3A_669, %swap3A_670], %gather3A_665 {strides = array<i32>} : memref<128x128xf32, #tpu.memory_space<vmem>>, vector<16xf32>,
        %add3A_672 = arith.constant 3 : i32
        %add3A_673 = arith.addi %mul3A_118, %add3A_672 : i32
        %swap3A_674 = arith.index_cast %add3A_673 : i32 to index
        %swap3A_675 = arith.constant 80 : index
        %swap3A_676 = tpu.vector_load %arg11[%swap3A_674, %swap3A_675] {strides = array<i32>} : memref<128x128xf32, #tpu.memory_space<vmem>>, vector<16xf32>,
        tpu.vector_store %arg11[%swap3A_674, %swap3A_675], %gather3A_666 {strides = array<i32>} : memref<128x128xf32, #tpu.memory_space<vmem>>, vector<16xf32>,
        %slice3A_677 = vector.extract_strided_slice %add3A_616 {offsets = [4], sizes = [1], strides = [1]} : vector<16xi32> to vector<1xi32>
        %squeeze3A_678 = vector.extract %slice3A_677[0] : i32 from vector<1xi32>
        %broadcast_in_dim3A_679 = vector.broadcast %squeeze3A_678 : i32 to vector<16xi32>
        %gather3A_680 = tpu.vector_load_idx %arg7[%broadcast_in_dim3A_679, %iota3A] : memref<336x32xf32, #tpu.memory_space<vmem>>[vector<16xi32>, vector<16xi32>], vector<16xf32>,
        %gather3A_681 = tpu.vector_load_idx %arg7[%broadcast_in_dim3A_679, %add3A_5] : memref<336x32xf32, #tpu.memory_space<vmem>>[vector<16xi32>, vector<16xi32>], vector<16xf32>,
        %add3A_682 = arith.constant 4 : i32
        %add3A_683 = arith.addi %mul3A_118, %add3A_682 : i32
        %swap3A_684 = arith.index_cast %add3A_683 : i32 to index
        %swap3A_685 = arith.constant 64 : index
        %swap3A_686 = tpu.vector_load %arg11[%swap3A_684, %swap3A_685] {strides = array<i32>} : memref<128x128xf32, #tpu.memory_space<vmem>>, vector<16xf32>,
        tpu.vector_store %arg11[%swap3A_684, %swap3A_685], %gather3A_680 {strides = array<i32>} : memref<128x128xf32, #tpu.memory_space<vmem>>, vector<16xf32>,
        %add3A_687 = arith.constant 4 : i32
        %add3A_688 = arith.addi %mul3A_118, %add3A_687 : i32
        %swap3A_689 = arith.index_cast %add3A_688 : i32 to index
        %swap3A_690 = arith.constant 80 : index
        %swap3A_691 = tpu.vector_load %arg11[%swap3A_689, %swap3A_690] {strides = array<i32>} : memref<128x128xf32, #tpu.memory_space<vmem>>, vector<16xf32>,
        tpu.vector_store %arg11[%swap3A_689, %swap3A_690], %gather3A_681 {strides = array<i32>} : memref<128x128xf32, #tpu.memory_space<vmem>>, vector<16xf32>,
        %slice3A_692 = vector.extract_strided_slice %add3A_616 {offsets = [5], sizes = [1], strides = [1]} : vector<16xi32> to vector<1xi32>
        %squeeze3A_693 = vector.extract %slice3A_692[0] : i32 from vector<1xi32>
        %broadcast_in_dim3A_694 = vector.broadcast %squeeze3A_693 : i32 to vector<16xi32>
        %gather3A_695 = tpu.vector_load_idx %arg7[%broadcast_in_dim3A_694, %iota3A] : memref<336x32xf32, #tpu.memory_space<vmem>>[vector<16xi32>, vector<16xi32>], vector<16xf32>,
        %gather3A_696 = tpu.vector_load_idx %arg7[%broadcast_in_dim3A_694, %add3A_5] : memref<336x32xf32, #tpu.memory_space<vmem>>[vector<16xi32>, vector<16xi32>], vector<16xf32>,
        %add3A_697 = arith.constant 5 : i32
        %add3A_698 = arith.addi %mul3A_118, %add3A_697 : i32
        %swap3A_699 = arith.index_cast %add3A_698 : i32 to index
        %swap3A_700 = arith.constant 64 : index
        %swap3A_701 = tpu.vector_load %arg11[%swap3A_699, %swap3A_700] {strides = array<i32>} : memref<128x128xf32, #tpu.memory_space<vmem>>, vector<16xf32>,
        tpu.vector_store %arg11[%swap3A_699, %swap3A_700], %gather3A_695 {strides = array<i32>} : memref<128x128xf32, #tpu.memory_space<vmem>>, vector<16xf32>,
        %add3A_702 = arith.constant 5 : i32
        %add3A_703 = arith.addi %mul3A_118, %add3A_702 : i32
        %swap3A_704 = arith.index_cast %add3A_703 : i32 to index
        %swap3A_705 = arith.constant 80 : index
        %swap3A_706 = tpu.vector_load %arg11[%swap3A_704, %swap3A_705] {strides = array<i32>} : memref<128x128xf32, #tpu.memory_space<vmem>>, vector<16xf32>,
        tpu.vector_store %arg11[%swap3A_704, %swap3A_705], %gather3A_696 {strides = array<i32>} : memref<128x128xf32, #tpu.memory_space<vmem>>, vector<16xf32>,
        %slice3A_707 = vector.extract_strided_slice %add3A_616 {offsets = [6], sizes = [1], strides = [1]} : vector<16xi32> to vector<1xi32>
        %squeeze3A_708 = vector.extract %slice3A_707[0] : i32 from vector<1xi32>
        %broadcast_in_dim3A_709 = vector.broadcast %squeeze3A_708 : i32 to vector<16xi32>
        %gather3A_710 = tpu.vector_load_idx %arg7[%broadcast_in_dim3A_709, %iota3A] : memref<336x32xf32, #tpu.memory_space<vmem>>[vector<16xi32>, vector<16xi32>], vector<16xf32>,
        %gather3A_711 = tpu.vector_load_idx %arg7[%broadcast_in_dim3A_709, %add3A_5] : memref<336x32xf32, #tpu.memory_space<vmem>>[vector<16xi32>, vector<16xi32>], vector<16xf32>,
        %add3A_712 = arith.constant 6 : i32
        %add3A_713 = arith.addi %mul3A_118, %add3A_712 : i32
        %swap3A_714 = arith.index_cast %add3A_713 : i32 to index
        %swap3A_715 = arith.constant 64 : index
        %swap3A_716 = tpu.vector_load %arg11[%swap3A_714, %swap3A_715] {strides = array<i32>} : memref<128x128xf32, #tpu.memory_space<vmem>>, vector<16xf32>,
        tpu.vector_store %arg11[%swap3A_714, %swap3A_715], %gather3A_710 {strides = array<i32>} : memref<128x128xf32, #tpu.memory_space<vmem>>, vector<16xf32>,
        %add3A_717 = arith.constant 6 : i32
        %add3A_718 = arith.addi %mul3A_118, %add3A_717 : i32
        %swap3A_719 = arith.index_cast %add3A_718 : i32 to index
        %swap3A_720 = arith.constant 80 : index
        %swap3A_721 = tpu.vector_load %arg11[%swap3A_719, %swap3A_720] {strides = array<i32>} : memref<128x128xf32, #tpu.memory_space<vmem>>, vector<16xf32>,
        tpu.vector_store %arg11[%swap3A_719, %swap3A_720], %gather3A_711 {strides = array<i32>} : memref<128x128xf32, #tpu.memory_space<vmem>>, vector<16xf32>,
        %slice3A_722 = vector.extract_strided_slice %add3A_616 {offsets = [7], sizes = [1], strides = [1]} : vector<16xi32> to vector<1xi32>
        %squeeze3A_723 = vector.extract %slice3A_722[0] : i32 from vector<1xi32>
        %broadcast_in_dim3A_724 = vector.broadcast %squeeze3A_723 : i32 to vector<16xi32>
        %gather3A_725 = tpu.vector_load_idx %arg7[%broadcast_in_dim3A_724, %iota3A] : memref<336x32xf32, #tpu.memory_space<vmem>>[vector<16xi32>, vector<16xi32>], vector<16xf32>,
        %gather3A_726 = tpu.vector_load_idx %arg7[%broadcast_in_dim3A_724, %add3A_5] : memref<336x32xf32, #tpu.memory_space<vmem>>[vector<16xi32>, vector<16xi32>], vector<16xf32>,
        %add3A_727 = arith.constant 7 : i32
        %add3A_728 = arith.addi %mul3A_118, %add3A_727 : i32
        %swap3A_729 = arith.index_cast %add3A_728 : i32 to index
        %swap3A_730 = arith.constant 64 : index
        %swap3A_731 = tpu.vector_load %arg11[%swap3A_729, %swap3A_730] {strides = array<i32>} : memref<128x128xf32, #tpu.memory_space<vmem>>, vector<16xf32>,
        tpu.vector_store %arg11[%swap3A_729, %swap3A_730], %gather3A_725 {strides = array<i32>} : memref<128x128xf32, #tpu.memory_space<vmem>>, vector<16xf32>,
        %add3A_732 = arith.constant 7 : i32
        %add3A_733 = arith.addi %mul3A_118, %add3A_732 : i32
        %swap3A_734 = arith.index_cast %add3A_733 : i32 to index
        %swap3A_735 = arith.constant 80 : index
        %swap3A_736 = tpu.vector_load %arg11[%swap3A_734, %swap3A_735] {strides = array<i32>} : memref<128x128xf32, #tpu.memory_space<vmem>>, vector<16xf32>,
        tpu.vector_store %arg11[%swap3A_734, %swap3A_735], %gather3A_726 {strides = array<i32>} : memref<128x128xf32, #tpu.memory_space<vmem>>, vector<16xf32>,
        %slice3A_737 = vector.extract_strided_slice %add3A_616 {offsets = [8], sizes = [1], strides = [1]} : vector<16xi32> to vector<1xi32>
        %squeeze3A_738 = vector.extract %slice3A_737[0] : i32 from vector<1xi32>
        %broadcast_in_dim3A_739 = vector.broadcast %squeeze3A_738 : i32 to vector<16xi32>
        %gather3A_740 = tpu.vector_load_idx %arg7[%broadcast_in_dim3A_739, %iota3A] : memref<336x32xf32, #tpu.memory_space<vmem>>[vector<16xi32>, vector<16xi32>], vector<16xf32>,
        %gather3A_741 = tpu.vector_load_idx %arg7[%broadcast_in_dim3A_739, %add3A_5] : memref<336x32xf32, #tpu.memory_space<vmem>>[vector<16xi32>, vector<16xi32>], vector<16xf32>,
        %add3A_742 = arith.constant 8 : i32
        %add3A_743 = arith.addi %mul3A_118, %add3A_742 : i32
        %swap3A_744 = arith.index_cast %add3A_743 : i32 to index
        %swap3A_745 = arith.constant 64 : index
        %swap3A_746 = tpu.vector_load %arg11[%swap3A_744, %swap3A_745] {strides = array<i32>} : memref<128x128xf32, #tpu.memory_space<vmem>>, vector<16xf32>,
        tpu.vector_store %arg11[%swap3A_744, %swap3A_745], %gather3A_740 {strides = array<i32>} : memref<128x128xf32, #tpu.memory_space<vmem>>, vector<16xf32>,
        %add3A_747 = arith.constant 8 : i32
        %add3A_748 = arith.addi %mul3A_118, %add3A_747 : i32
        %swap3A_749 = arith.index_cast %add3A_748 : i32 to index
        %swap3A_750 = arith.constant 80 : index
        %swap3A_751 = tpu.vector_load %arg11[%swap3A_749, %swap3A_750] {strides = array<i32>} : memref<128x128xf32, #tpu.memory_space<vmem>>, vector<16xf32>,
        tpu.vector_store %arg11[%swap3A_749, %swap3A_750], %gather3A_741 {strides = array<i32>} : memref<128x128xf32, #tpu.memory_space<vmem>>, vector<16xf32>,
        %slice3A_752 = vector.extract_strided_slice %add3A_616 {offsets = [9], sizes = [1], strides = [1]} : vector<16xi32> to vector<1xi32>
        %squeeze3A_753 = vector.extract %slice3A_752[0] : i32 from vector<1xi32>
        %broadcast_in_dim3A_754 = vector.broadcast %squeeze3A_753 : i32 to vector<16xi32>
        %gather3A_755 = tpu.vector_load_idx %arg7[%broadcast_in_dim3A_754, %iota3A] : memref<336x32xf32, #tpu.memory_space<vmem>>[vector<16xi32>, vector<16xi32>], vector<16xf32>,
        %gather3A_756 = tpu.vector_load_idx %arg7[%broadcast_in_dim3A_754, %add3A_5] : memref<336x32xf32, #tpu.memory_space<vmem>>[vector<16xi32>, vector<16xi32>], vector<16xf32>,
        %add3A_757 = arith.constant 9 : i32
        %add3A_758 = arith.addi %mul3A_118, %add3A_757 : i32
        %swap3A_759 = arith.index_cast %add3A_758 : i32 to index
        %swap3A_760 = arith.constant 64 : index
        %swap3A_761 = tpu.vector_load %arg11[%swap3A_759, %swap3A_760] {strides = array<i32>} : memref<128x128xf32, #tpu.memory_space<vmem>>, vector<16xf32>,
        tpu.vector_store %arg11[%swap3A_759, %swap3A_760], %gather3A_755 {strides = array<i32>} : memref<128x128xf32, #tpu.memory_space<vmem>>, vector<16xf32>,
        %add3A_762 = arith.constant 9 : i32
        %add3A_763 = arith.addi %mul3A_118, %add3A_762 : i32
        %swap3A_764 = arith.index_cast %add3A_763 : i32 to index
        %swap3A_765 = arith.constant 80 : index
        %swap3A_766 = tpu.vector_load %arg11[%swap3A_764, %swap3A_765] {strides = array<i32>} : memref<128x128xf32, #tpu.memory_space<vmem>>, vector<16xf32>,
        tpu.vector_store %arg11[%swap3A_764, %swap3A_765], %gather3A_756 {strides = array<i32>} : memref<128x128xf32, #tpu.memory_space<vmem>>, vector<16xf32>,
        %slice3A_767 = vector.extract_strided_slice %add3A_616 {offsets = [10], sizes = [1], strides = [1]} : vector<16xi32> to vector<1xi32>
        %squeeze3A_768 = vector.extract %slice3A_767[0] : i32 from vector<1xi32>
        %broadcast_in_dim3A_769 = vector.broadcast %squeeze3A_768 : i32 to vector<16xi32>
        %gather3A_770 = tpu.vector_load_idx %arg7[%broadcast_in_dim3A_769, %iota3A] : memref<336x32xf32, #tpu.memory_space<vmem>>[vector<16xi32>, vector<16xi32>], vector<16xf32>,
        %gather3A_771 = tpu.vector_load_idx %arg7[%broadcast_in_dim3A_769, %add3A_5] : memref<336x32xf32, #tpu.memory_space<vmem>>[vector<16xi32>, vector<16xi32>], vector<16xf32>,
        %add3A_772 = arith.constant 10 : i32
        %add3A_773 = arith.addi %mul3A_118, %add3A_772 : i32
        %swap3A_774 = arith.index_cast %add3A_773 : i32 to index
        %swap3A_775 = arith.constant 64 : index
        %swap3A_776 = tpu.vector_load %arg11[%swap3A_774, %swap3A_775] {strides = array<i32>} : memref<128x128xf32, #tpu.memory_space<vmem>>, vector<16xf32>,
        tpu.vector_store %arg11[%swap3A_774, %swap3A_775], %gather3A_770 {strides = array<i32>} : memref<128x128xf32, #tpu.memory_space<vmem>>, vector<16xf32>,
        %add3A_777 = arith.constant 10 : i32
        %add3A_778 = arith.addi %mul3A_118, %add3A_777 : i32
        %swap3A_779 = arith.index_cast %add3A_778 : i32 to index
        %swap3A_780 = arith.constant 80 : index
        %swap3A_781 = tpu.vector_load %arg11[%swap3A_779, %swap3A_780] {strides = array<i32>} : memref<128x128xf32, #tpu.memory_space<vmem>>, vector<16xf32>,
        tpu.vector_store %arg11[%swap3A_779, %swap3A_780], %gather3A_771 {strides = array<i32>} : memref<128x128xf32, #tpu.memory_space<vmem>>, vector<16xf32>,
        %slice3A_782 = vector.extract_strided_slice %add3A_616 {offsets = [11], sizes = [1], strides = [1]} : vector<16xi32> to vector<1xi32>
        %squeeze3A_783 = vector.extract %slice3A_782[0] : i32 from vector<1xi32>
        %broadcast_in_dim3A_784 = vector.broadcast %squeeze3A_783 : i32 to vector<16xi32>
        %gather3A_785 = tpu.vector_load_idx %arg7[%broadcast_in_dim3A_784, %iota3A] : memref<336x32xf32, #tpu.memory_space<vmem>>[vector<16xi32>, vector<16xi32>], vector<16xf32>,
        %gather3A_786 = tpu.vector_load_idx %arg7[%broadcast_in_dim3A_784, %add3A_5] : memref<336x32xf32, #tpu.memory_space<vmem>>[vector<16xi32>, vector<16xi32>], vector<16xf32>,
        %add3A_787 = arith.constant 11 : i32
        %add3A_788 = arith.addi %mul3A_118, %add3A_787 : i32
        %swap3A_789 = arith.index_cast %add3A_788 : i32 to index
        %swap3A_790 = arith.constant 64 : index
        %swap3A_791 = tpu.vector_load %arg11[%swap3A_789, %swap3A_790] {strides = array<i32>} : memref<128x128xf32, #tpu.memory_space<vmem>>, vector<16xf32>,
        tpu.vector_store %arg11[%swap3A_789, %swap3A_790], %gather3A_785 {strides = array<i32>} : memref<128x128xf32, #tpu.memory_space<vmem>>, vector<16xf32>,
        %add3A_792 = arith.constant 11 : i32
        %add3A_793 = arith.addi %mul3A_118, %add3A_792 : i32
        %swap3A_794 = arith.index_cast %add3A_793 : i32 to index
        %swap3A_795 = arith.constant 80 : index
        %swap3A_796 = tpu.vector_load %arg11[%swap3A_794, %swap3A_795] {strides = array<i32>} : memref<128x128xf32, #tpu.memory_space<vmem>>, vector<16xf32>,
        tpu.vector_store %arg11[%swap3A_794, %swap3A_795], %gather3A_786 {strides = array<i32>} : memref<128x128xf32, #tpu.memory_space<vmem>>, vector<16xf32>,
        %slice3A_797 = vector.extract_strided_slice %add3A_616 {offsets = [12], sizes = [1], strides = [1]} : vector<16xi32> to vector<1xi32>
        %squeeze3A_798 = vector.extract %slice3A_797[0] : i32 from vector<1xi32>
        %broadcast_in_dim3A_799 = vector.broadcast %squeeze3A_798 : i32 to vector<16xi32>
        %gather3A_800 = tpu.vector_load_idx %arg7[%broadcast_in_dim3A_799, %iota3A] : memref<336x32xf32, #tpu.memory_space<vmem>>[vector<16xi32>, vector<16xi32>], vector<16xf32>,
        %gather3A_801 = tpu.vector_load_idx %arg7[%broadcast_in_dim3A_799, %add3A_5] : memref<336x32xf32, #tpu.memory_space<vmem>>[vector<16xi32>, vector<16xi32>], vector<16xf32>,
        %add3A_802 = arith.constant 12 : i32
        %add3A_803 = arith.addi %mul3A_118, %add3A_802 : i32
        %swap3A_804 = arith.index_cast %add3A_803 : i32 to index
        %swap3A_805 = arith.constant 64 : index
        %swap3A_806 = tpu.vector_load %arg11[%swap3A_804, %swap3A_805] {strides = array<i32>} : memref<128x128xf32, #tpu.memory_space<vmem>>, vector<16xf32>,
        tpu.vector_store %arg11[%swap3A_804, %swap3A_805], %gather3A_800 {strides = array<i32>} : memref<128x128xf32, #tpu.memory_space<vmem>>, vector<16xf32>,
        %add3A_807 = arith.constant 12 : i32
        %add3A_808 = arith.addi %mul3A_118, %add3A_807 : i32
        %swap3A_809 = arith.index_cast %add3A_808 : i32 to index
        %swap3A_810 = arith.constant 80 : index
        %swap3A_811 = tpu.vector_load %arg11[%swap3A_809, %swap3A_810] {strides = array<i32>} : memref<128x128xf32, #tpu.memory_space<vmem>>, vector<16xf32>,
        tpu.vector_store %arg11[%swap3A_809, %swap3A_810], %gather3A_801 {strides = array<i32>} : memref<128x128xf32, #tpu.memory_space<vmem>>, vector<16xf32>,
        %slice3A_812 = vector.extract_strided_slice %add3A_616 {offsets = [13], sizes = [1], strides = [1]} : vector<16xi32> to vector<1xi32>
        %squeeze3A_813 = vector.extract %slice3A_812[0] : i32 from vector<1xi32>
        %broadcast_in_dim3A_814 = vector.broadcast %squeeze3A_813 : i32 to vector<16xi32>
        %gather3A_815 = tpu.vector_load_idx %arg7[%broadcast_in_dim3A_814, %iota3A] : memref<336x32xf32, #tpu.memory_space<vmem>>[vector<16xi32>, vector<16xi32>], vector<16xf32>,
        %gather3A_816 = tpu.vector_load_idx %arg7[%broadcast_in_dim3A_814, %add3A_5] : memref<336x32xf32, #tpu.memory_space<vmem>>[vector<16xi32>, vector<16xi32>], vector<16xf32>,
        %add3A_817 = arith.constant 13 : i32
        %add3A_818 = arith.addi %mul3A_118, %add3A_817 : i32
        %swap3A_819 = arith.index_cast %add3A_818 : i32 to index
        %swap3A_820 = arith.constant 64 : index
        %swap3A_821 = tpu.vector_load %arg11[%swap3A_819, %swap3A_820] {strides = array<i32>} : memref<128x128xf32, #tpu.memory_space<vmem>>, vector<16xf32>,
        tpu.vector_store %arg11[%swap3A_819, %swap3A_820], %gather3A_815 {strides = array<i32>} : memref<128x128xf32, #tpu.memory_space<vmem>>, vector<16xf32>,
        %add3A_822 = arith.constant 13 : i32
        %add3A_823 = arith.addi %mul3A_118, %add3A_822 : i32
        %swap3A_824 = arith.index_cast %add3A_823 : i32 to index
        %swap3A_825 = arith.constant 80 : index
        %swap3A_826 = tpu.vector_load %arg11[%swap3A_824, %swap3A_825] {strides = array<i32>} : memref<128x128xf32, #tpu.memory_space<vmem>>, vector<16xf32>,
        tpu.vector_store %arg11[%swap3A_824, %swap3A_825], %gather3A_816 {strides = array<i32>} : memref<128x128xf32, #tpu.memory_space<vmem>>, vector<16xf32>,
        %slice3A_827 = vector.extract_strided_slice %add3A_616 {offsets = [14], sizes = [1], strides = [1]} : vector<16xi32> to vector<1xi32>
        %squeeze3A_828 = vector.extract %slice3A_827[0] : i32 from vector<1xi32>
        %broadcast_in_dim3A_829 = vector.broadcast %squeeze3A_828 : i32 to vector<16xi32>
        %gather3A_830 = tpu.vector_load_idx %arg7[%broadcast_in_dim3A_829, %iota3A] : memref<336x32xf32, #tpu.memory_space<vmem>>[vector<16xi32>, vector<16xi32>], vector<16xf32>,
        %gather3A_831 = tpu.vector_load_idx %arg7[%broadcast_in_dim3A_829, %add3A_5] : memref<336x32xf32, #tpu.memory_space<vmem>>[vector<16xi32>, vector<16xi32>], vector<16xf32>,
        %add3A_832 = arith.constant 14 : i32
        %add3A_833 = arith.addi %mul3A_118, %add3A_832 : i32
        %swap3A_834 = arith.index_cast %add3A_833 : i32 to index
        %swap3A_835 = arith.constant 64 : index
        %swap3A_836 = tpu.vector_load %arg11[%swap3A_834, %swap3A_835] {strides = array<i32>} : memref<128x128xf32, #tpu.memory_space<vmem>>, vector<16xf32>,
        tpu.vector_store %arg11[%swap3A_834, %swap3A_835], %gather3A_830 {strides = array<i32>} : memref<128x128xf32, #tpu.memory_space<vmem>>, vector<16xf32>,
        %add3A_837 = arith.constant 14 : i32
        %add3A_838 = arith.addi %mul3A_118, %add3A_837 : i32
        %swap3A_839 = arith.index_cast %add3A_838 : i32 to index
        %swap3A_840 = arith.constant 80 : index
        %swap3A_841 = tpu.vector_load %arg11[%swap3A_839, %swap3A_840] {strides = array<i32>} : memref<128x128xf32, #tpu.memory_space<vmem>>, vector<16xf32>,
        tpu.vector_store %arg11[%swap3A_839, %swap3A_840], %gather3A_831 {strides = array<i32>} : memref<128x128xf32, #tpu.memory_space<vmem>>, vector<16xf32>,
        %slice3A_842 = vector.extract_strided_slice %add3A_616 {offsets = [15], sizes = [1], strides = [1]} : vector<16xi32> to vector<1xi32>
        %squeeze3A_843 = vector.extract %slice3A_842[0] : i32 from vector<1xi32>
        %broadcast_in_dim3A_844 = vector.broadcast %squeeze3A_843 : i32 to vector<16xi32>
        %gather3A_845 = tpu.vector_load_idx %arg7[%broadcast_in_dim3A_844, %iota3A] : memref<336x32xf32, #tpu.memory_space<vmem>>[vector<16xi32>, vector<16xi32>], vector<16xf32>,
        %gather3A_846 = tpu.vector_load_idx %arg7[%broadcast_in_dim3A_844, %add3A_5] : memref<336x32xf32, #tpu.memory_space<vmem>>[vector<16xi32>, vector<16xi32>], vector<16xf32>,
        %add3A_847 = arith.constant 15 : i32
        %add3A_848 = arith.addi %mul3A_118, %add3A_847 : i32
        %swap3A_849 = arith.index_cast %add3A_848 : i32 to index
        %swap3A_850 = arith.constant 64 : index
        %swap3A_851 = tpu.vector_load %arg11[%swap3A_849, %swap3A_850] {strides = array<i32>} : memref<128x128xf32, #tpu.memory_space<vmem>>, vector<16xf32>,
        tpu.vector_store %arg11[%swap3A_849, %swap3A_850], %gather3A_845 {strides = array<i32>} : memref<128x128xf32, #tpu.memory_space<vmem>>, vector<16xf32>,
        %add3A_852 = arith.constant 15 : i32
        %add3A_853 = arith.addi %mul3A_118, %add3A_852 : i32
        %swap3A_854 = arith.index_cast %add3A_853 : i32 to index
        %swap3A_855 = arith.constant 80 : index
        %swap3A_856 = tpu.vector_load %arg11[%swap3A_854, %swap3A_855] {strides = array<i32>} : memref<128x128xf32, #tpu.memory_space<vmem>>, vector<16xf32>,
        tpu.vector_store %arg11[%swap3A_854, %swap3A_855], %gather3A_846 {strides = array<i32>} : memref<128x128xf32, #tpu.memory_space<vmem>>, vector<16xf32>,
        %get3A_857 = arith.constant 4 : i32
        %get3A_858 = arith.index_cast %get3A_857 : i32 to index
        %get3A_859 = arith.index_cast %add3A_81 : i32 to index
        %get3A_860 = arith.index_cast %mul3A_118 : i32 to index
        %get3A_861 = tpu.vector_load %arg6[%get3A_858, %get3A_859, %get3A_860] {strides = array<i32>} : memref<5x50x128xi32, #tpu.memory_space<vmem>>, vector<16xi32>,
        %add3A_862 = arith.constant 128 : i32
        %add3A_863 = vector.broadcast %add3A_862 : i32 to vector<16xi32>
        %add3A_864 = arith.addi %get3A_861, %add3A_863 : vector<16xi32>
        %slice3A_865 = vector.extract_strided_slice %add3A_864 {offsets = [0], sizes = [1], strides = [1]} : vector<16xi32> to vector<1xi32>
        %squeeze3A_866 = vector.extract %slice3A_865[0] : i32 from vector<1xi32>
        %broadcast_in_dim3A_867 = vector.broadcast %squeeze3A_866 : i32 to vector<16xi32>
        %gather3A_868 = tpu.vector_load_idx %arg7[%broadcast_in_dim3A_867, %iota3A] : memref<336x32xf32, #tpu.memory_space<vmem>>[vector<16xi32>, vector<16xi32>], vector<16xf32>,
        %gather3A_869 = tpu.vector_load_idx %arg7[%broadcast_in_dim3A_867, %add3A_5] : memref<336x32xf32, #tpu.memory_space<vmem>>[vector<16xi32>, vector<16xi32>], vector<16xf32>,
        %add3A_870 = arith.constant 0 : i32
        %add3A_871 = arith.addi %mul3A_118, %add3A_870 : i32
        %swap3A_872 = arith.index_cast %add3A_871 : i32 to index
        %swap3A_873 = arith.constant 96 : index
        %swap3A_874 = tpu.vector_load %arg11[%swap3A_872, %swap3A_873] {strides = array<i32>} : memref<128x128xf32, #tpu.memory_space<vmem>>, vector<16xf32>,
        tpu.vector_store %arg11[%swap3A_872, %swap3A_873], %gather3A_868 {strides = array<i32>} : memref<128x128xf32, #tpu.memory_space<vmem>>, vector<16xf32>,
        %add3A_875 = arith.constant 0 : i32
        %add3A_876 = arith.addi %mul3A_118, %add3A_875 : i32
        %swap3A_877 = arith.index_cast %add3A_876 : i32 to index
        %swap3A_878 = arith.constant 112 : index
        %swap3A_879 = tpu.vector_load %arg11[%swap3A_877, %swap3A_878] {strides = array<i32>} : memref<128x128xf32, #tpu.memory_space<vmem>>, vector<16xf32>,
        tpu.vector_store %arg11[%swap3A_877, %swap3A_878], %gather3A_869 {strides = array<i32>} : memref<128x128xf32, #tpu.memory_space<vmem>>, vector<16xf32>,
        %slice3A_880 = vector.extract_strided_slice %add3A_864 {offsets = [1], sizes = [1], strides = [1]} : vector<16xi32> to vector<1xi32>
        %squeeze3A_881 = vector.extract %slice3A_880[0] : i32 from vector<1xi32>
        %broadcast_in_dim3A_882 = vector.broadcast %squeeze3A_881 : i32 to vector<16xi32>
        %gather3A_883 = tpu.vector_load_idx %arg7[%broadcast_in_dim3A_882, %iota3A] : memref<336x32xf32, #tpu.memory_space<vmem>>[vector<16xi32>, vector<16xi32>], vector<16xf32>,
        %gather3A_884 = tpu.vector_load_idx %arg7[%broadcast_in_dim3A_882, %add3A_5] : memref<336x32xf32, #tpu.memory_space<vmem>>[vector<16xi32>, vector<16xi32>], vector<16xf32>,
        %add3A_885 = arith.constant 1 : i32
        %add3A_886 = arith.addi %mul3A_118, %add3A_885 : i32
        %swap3A_887 = arith.index_cast %add3A_886 : i32 to index
        %swap3A_888 = arith.constant 96 : index
        %swap3A_889 = tpu.vector_load %arg11[%swap3A_887, %swap3A_888] {strides = array<i32>} : memref<128x128xf32, #tpu.memory_space<vmem>>, vector<16xf32>,
        tpu.vector_store %arg11[%swap3A_887, %swap3A_888], %gather3A_883 {strides = array<i32>} : memref<128x128xf32, #tpu.memory_space<vmem>>, vector<16xf32>,
        %add3A_890 = arith.constant 1 : i32
        %add3A_891 = arith.addi %mul3A_118, %add3A_890 : i32
        %swap3A_892 = arith.index_cast %add3A_891 : i32 to index
        %swap3A_893 = arith.constant 112 : index
        %swap3A_894 = tpu.vector_load %arg11[%swap3A_892, %swap3A_893] {strides = array<i32>} : memref<128x128xf32, #tpu.memory_space<vmem>>, vector<16xf32>,
        tpu.vector_store %arg11[%swap3A_892, %swap3A_893], %gather3A_884 {strides = array<i32>} : memref<128x128xf32, #tpu.memory_space<vmem>>, vector<16xf32>,
        %slice3A_895 = vector.extract_strided_slice %add3A_864 {offsets = [2], sizes = [1], strides = [1]} : vector<16xi32> to vector<1xi32>
        %squeeze3A_896 = vector.extract %slice3A_895[0] : i32 from vector<1xi32>
        %broadcast_in_dim3A_897 = vector.broadcast %squeeze3A_896 : i32 to vector<16xi32>
        %gather3A_898 = tpu.vector_load_idx %arg7[%broadcast_in_dim3A_897, %iota3A] : memref<336x32xf32, #tpu.memory_space<vmem>>[vector<16xi32>, vector<16xi32>], vector<16xf32>,
        %gather3A_899 = tpu.vector_load_idx %arg7[%broadcast_in_dim3A_897, %add3A_5] : memref<336x32xf32, #tpu.memory_space<vmem>>[vector<16xi32>, vector<16xi32>], vector<16xf32>,
        %add3A_900 = arith.constant 2 : i32
        %add3A_901 = arith.addi %mul3A_118, %add3A_900 : i32
        %swap3A_902 = arith.index_cast %add3A_901 : i32 to index
        %swap3A_903 = arith.constant 96 : index
        %swap3A_904 = tpu.vector_load %arg11[%swap3A_902, %swap3A_903] {strides = array<i32>} : memref<128x128xf32, #tpu.memory_space<vmem>>, vector<16xf32>,
        tpu.vector_store %arg11[%swap3A_902, %swap3A_903], %gather3A_898 {strides = array<i32>} : memref<128x128xf32, #tpu.memory_space<vmem>>, vector<16xf32>,
        %add3A_905 = arith.constant 2 : i32
        %add3A_906 = arith.addi %mul3A_118, %add3A_905 : i32
        %swap3A_907 = arith.index_cast %add3A_906 : i32 to index
        %swap3A_908 = arith.constant 112 : index
        %swap3A_909 = tpu.vector_load %arg11[%swap3A_907, %swap3A_908] {strides = array<i32>} : memref<128x128xf32, #tpu.memory_space<vmem>>, vector<16xf32>,
        tpu.vector_store %arg11[%swap3A_907, %swap3A_908], %gather3A_899 {strides = array<i32>} : memref<128x128xf32, #tpu.memory_space<vmem>>, vector<16xf32>,
        %slice3A_910 = vector.extract_strided_slice %add3A_864 {offsets = [3], sizes = [1], strides = [1]} : vector<16xi32> to vector<1xi32>
        %squeeze3A_911 = vector.extract %slice3A_910[0] : i32 from vector<1xi32>
        %broadcast_in_dim3A_912 = vector.broadcast %squeeze3A_911 : i32 to vector<16xi32>
        %gather3A_913 = tpu.vector_load_idx %arg7[%broadcast_in_dim3A_912, %iota3A] : memref<336x32xf32, #tpu.memory_space<vmem>>[vector<16xi32>, vector<16xi32>], vector<16xf32>,
        %gather3A_914 = tpu.vector_load_idx %arg7[%broadcast_in_dim3A_912, %add3A_5] : memref<336x32xf32, #tpu.memory_space<vmem>>[vector<16xi32>, vector<16xi32>], vector<16xf32>,
        %add3A_915 = arith.constant 3 : i32
        %add3A_916 = arith.addi %mul3A_118, %add3A_915 : i32
        %swap3A_917 = arith.index_cast %add3A_916 : i32 to index
        %swap3A_918 = arith.constant 96 : index
        %swap3A_919 = tpu.vector_load %arg11[%swap3A_917, %swap3A_918] {strides = array<i32>} : memref<128x128xf32, #tpu.memory_space<vmem>>, vector<16xf32>,
        tpu.vector_store %arg11[%swap3A_917, %swap3A_918], %gather3A_913 {strides = array<i32>} : memref<128x128xf32, #tpu.memory_space<vmem>>, vector<16xf32>,
        %add3A_920 = arith.constant 3 : i32
        %add3A_921 = arith.addi %mul3A_118, %add3A_920 : i32
        %swap3A_922 = arith.index_cast %add3A_921 : i32 to index
        %swap3A_923 = arith.constant 112 : index
        %swap3A_924 = tpu.vector_load %arg11[%swap3A_922, %swap3A_923] {strides = array<i32>} : memref<128x128xf32, #tpu.memory_space<vmem>>, vector<16xf32>,
        tpu.vector_store %arg11[%swap3A_922, %swap3A_923], %gather3A_914 {strides = array<i32>} : memref<128x128xf32, #tpu.memory_space<vmem>>, vector<16xf32>,
        %slice3A_925 = vector.extract_strided_slice %add3A_864 {offsets = [4], sizes = [1], strides = [1]} : vector<16xi32> to vector<1xi32>
        %squeeze3A_926 = vector.extract %slice3A_925[0] : i32 from vector<1xi32>
        %broadcast_in_dim3A_927 = vector.broadcast %squeeze3A_926 : i32 to vector<16xi32>
        %gather3A_928 = tpu.vector_load_idx %arg7[%broadcast_in_dim3A_927, %iota3A] : memref<336x32xf32, #tpu.memory_space<vmem>>[vector<16xi32>, vector<16xi32>], vector<16xf32>,
        %gather3A_929 = tpu.vector_load_idx %arg7[%broadcast_in_dim3A_927, %add3A_5] : memref<336x32xf32, #tpu.memory_space<vmem>>[vector<16xi32>, vector<16xi32>], vector<16xf32>,
        %add3A_930 = arith.constant 4 : i32
        %add3A_931 = arith.addi %mul3A_118, %add3A_930 : i32
        %swap3A_932 = arith.index_cast %add3A_931 : i32 to index
        %swap3A_933 = arith.constant 96 : index
        %swap3A_934 = tpu.vector_load %arg11[%swap3A_932, %swap3A_933] {strides = array<i32>} : memref<128x128xf32, #tpu.memory_space<vmem>>, vector<16xf32>,
        tpu.vector_store %arg11[%swap3A_932, %swap3A_933], %gather3A_928 {strides = array<i32>} : memref<128x128xf32, #tpu.memory_space<vmem>>, vector<16xf32>,
        %add3A_935 = arith.constant 4 : i32
        %add3A_936 = arith.addi %mul3A_118, %add3A_935 : i32
        %swap3A_937 = arith.index_cast %add3A_936 : i32 to index
        %swap3A_938 = arith.constant 112 : index
        %swap3A_939 = tpu.vector_load %arg11[%swap3A_937, %swap3A_938] {strides = array<i32>} : memref<128x128xf32, #tpu.memory_space<vmem>>, vector<16xf32>,
        tpu.vector_store %arg11[%swap3A_937, %swap3A_938], %gather3A_929 {strides = array<i32>} : memref<128x128xf32, #tpu.memory_space<vmem>>, vector<16xf32>,
        %slice3A_940 = vector.extract_strided_slice %add3A_864 {offsets = [5], sizes = [1], strides = [1]} : vector<16xi32> to vector<1xi32>
        %squeeze3A_941 = vector.extract %slice3A_940[0] : i32 from vector<1xi32>
        %broadcast_in_dim3A_942 = vector.broadcast %squeeze3A_941 : i32 to vector<16xi32>
        %gather3A_943 = tpu.vector_load_idx %arg7[%broadcast_in_dim3A_942, %iota3A] : memref<336x32xf32, #tpu.memory_space<vmem>>[vector<16xi32>, vector<16xi32>], vector<16xf32>,
        %gather3A_944 = tpu.vector_load_idx %arg7[%broadcast_in_dim3A_942, %add3A_5] : memref<336x32xf32, #tpu.memory_space<vmem>>[vector<16xi32>, vector<16xi32>], vector<16xf32>,
        %add3A_945 = arith.constant 5 : i32
        %add3A_946 = arith.addi %mul3A_118, %add3A_945 : i32
        %swap3A_947 = arith.index_cast %add3A_946 : i32 to index
        %swap3A_948 = arith.constant 96 : index
        %swap3A_949 = tpu.vector_load %arg11[%swap3A_947, %swap3A_948] {strides = array<i32>} : memref<128x128xf32, #tpu.memory_space<vmem>>, vector<16xf32>,
        tpu.vector_store %arg11[%swap3A_947, %swap3A_948], %gather3A_943 {strides = array<i32>} : memref<128x128xf32, #tpu.memory_space<vmem>>, vector<16xf32>,
        %add3A_950 = arith.constant 5 : i32
        %add3A_951 = arith.addi %mul3A_118, %add3A_950 : i32
        %swap3A_952 = arith.index_cast %add3A_951 : i32 to index
        %swap3A_953 = arith.constant 112 : index
        %swap3A_954 = tpu.vector_load %arg11[%swap3A_952, %swap3A_953] {strides = array<i32>} : memref<128x128xf32, #tpu.memory_space<vmem>>, vector<16xf32>,
        tpu.vector_store %arg11[%swap3A_952, %swap3A_953], %gather3A_944 {strides = array<i32>} : memref<128x128xf32, #tpu.memory_space<vmem>>, vector<16xf32>,
        %slice3A_955 = vector.extract_strided_slice %add3A_864 {offsets = [6], sizes = [1], strides = [1]} : vector<16xi32> to vector<1xi32>
        %squeeze3A_956 = vector.extract %slice3A_955[0] : i32 from vector<1xi32>
        %broadcast_in_dim3A_957 = vector.broadcast %squeeze3A_956 : i32 to vector<16xi32>
        %gather3A_958 = tpu.vector_load_idx %arg7[%broadcast_in_dim3A_957, %iota3A] : memref<336x32xf32, #tpu.memory_space<vmem>>[vector<16xi32>, vector<16xi32>], vector<16xf32>,
        %gather3A_959 = tpu.vector_load_idx %arg7[%broadcast_in_dim3A_957, %add3A_5] : memref<336x32xf32, #tpu.memory_space<vmem>>[vector<16xi32>, vector<16xi32>], vector<16xf32>,
        %add3A_960 = arith.constant 6 : i32
        %add3A_961 = arith.addi %mul3A_118, %add3A_960 : i32
        %swap3A_962 = arith.index_cast %add3A_961 : i32 to index
        %swap3A_963 = arith.constant 96 : index
        %swap3A_964 = tpu.vector_load %arg11[%swap3A_962, %swap3A_963] {strides = array<i32>} : memref<128x128xf32, #tpu.memory_space<vmem>>, vector<16xf32>,
        tpu.vector_store %arg11[%swap3A_962, %swap3A_963], %gather3A_958 {strides = array<i32>} : memref<128x128xf32, #tpu.memory_space<vmem>>, vector<16xf32>,
        %add3A_965 = arith.constant 6 : i32
        %add3A_966 = arith.addi %mul3A_118, %add3A_965 : i32
        %swap3A_967 = arith.index_cast %add3A_966 : i32 to index
        %swap3A_968 = arith.constant 112 : index
        %swap3A_969 = tpu.vector_load %arg11[%swap3A_967, %swap3A_968] {strides = array<i32>} : memref<128x128xf32, #tpu.memory_space<vmem>>, vector<16xf32>,
        tpu.vector_store %arg11[%swap3A_967, %swap3A_968], %gather3A_959 {strides = array<i32>} : memref<128x128xf32, #tpu.memory_space<vmem>>, vector<16xf32>,
        %slice3A_970 = vector.extract_strided_slice %add3A_864 {offsets = [7], sizes = [1], strides = [1]} : vector<16xi32> to vector<1xi32>
        %squeeze3A_971 = vector.extract %slice3A_970[0] : i32 from vector<1xi32>
        %broadcast_in_dim3A_972 = vector.broadcast %squeeze3A_971 : i32 to vector<16xi32>
        %gather3A_973 = tpu.vector_load_idx %arg7[%broadcast_in_dim3A_972, %iota3A] : memref<336x32xf32, #tpu.memory_space<vmem>>[vector<16xi32>, vector<16xi32>], vector<16xf32>,
        %gather3A_974 = tpu.vector_load_idx %arg7[%broadcast_in_dim3A_972, %add3A_5] : memref<336x32xf32, #tpu.memory_space<vmem>>[vector<16xi32>, vector<16xi32>], vector<16xf32>,
        %add3A_975 = arith.constant 7 : i32
        %add3A_976 = arith.addi %mul3A_118, %add3A_975 : i32
        %swap3A_977 = arith.index_cast %add3A_976 : i32 to index
        %swap3A_978 = arith.constant 96 : index
        %swap3A_979 = tpu.vector_load %arg11[%swap3A_977, %swap3A_978] {strides = array<i32>} : memref<128x128xf32, #tpu.memory_space<vmem>>, vector<16xf32>,
        tpu.vector_store %arg11[%swap3A_977, %swap3A_978], %gather3A_973 {strides = array<i32>} : memref<128x128xf32, #tpu.memory_space<vmem>>, vector<16xf32>,
        %add3A_980 = arith.constant 7 : i32
        %add3A_981 = arith.addi %mul3A_118, %add3A_980 : i32
        %swap3A_982 = arith.index_cast %add3A_981 : i32 to index
        %swap3A_983 = arith.constant 112 : index
        %swap3A_984 = tpu.vector_load %arg11[%swap3A_982, %swap3A_983] {strides = array<i32>} : memref<128x128xf32, #tpu.memory_space<vmem>>, vector<16xf32>,
        tpu.vector_store %arg11[%swap3A_982, %swap3A_983], %gather3A_974 {strides = array<i32>} : memref<128x128xf32, #tpu.memory_space<vmem>>, vector<16xf32>,
        %slice3A_985 = vector.extract_strided_slice %add3A_864 {offsets = [8], sizes = [1], strides = [1]} : vector<16xi32> to vector<1xi32>
        %squeeze3A_986 = vector.extract %slice3A_985[0] : i32 from vector<1xi32>
        %broadcast_in_dim3A_987 = vector.broadcast %squeeze3A_986 : i32 to vector<16xi32>
        %gather3A_988 = tpu.vector_load_idx %arg7[%broadcast_in_dim3A_987, %iota3A] : memref<336x32xf32, #tpu.memory_space<vmem>>[vector<16xi32>, vector<16xi32>], vector<16xf32>,
        %gather3A_989 = tpu.vector_load_idx %arg7[%broadcast_in_dim3A_987, %add3A_5] : memref<336x32xf32, #tpu.memory_space<vmem>>[vector<16xi32>, vector<16xi32>], vector<16xf32>,
        %add3A_990 = arith.constant 8 : i32
        %add3A_991 = arith.addi %mul3A_118, %add3A_990 : i32
        %swap3A_992 = arith.index_cast %add3A_991 : i32 to index
        %swap3A_993 = arith.constant 96 : index
        %swap3A_994 = tpu.vector_load %arg11[%swap3A_992, %swap3A_993] {strides = array<i32>} : memref<128x128xf32, #tpu.memory_space<vmem>>, vector<16xf32>,
        tpu.vector_store %arg11[%swap3A_992, %swap3A_993], %gather3A_988 {strides = array<i32>} : memref<128x128xf32, #tpu.memory_space<vmem>>, vector<16xf32>,
        %add3A_995 = arith.constant 8 : i32
        %add3A_996 = arith.addi %mul3A_118, %add3A_995 : i32
        %swap3A_997 = arith.index_cast %add3A_996 : i32 to index
        %swap3A_998 = arith.constant 112 : index
        %swap3A_999 = tpu.vector_load %arg11[%swap3A_997, %swap3A_998] {strides = array<i32>} : memref<128x128xf32, #tpu.memory_space<vmem>>, vector<16xf32>,
        tpu.vector_store %arg11[%swap3A_997, %swap3A_998], %gather3A_989 {strides = array<i32>} : memref<128x128xf32, #tpu.memory_space<vmem>>, vector<16xf32>,
        %slice3A_1000 = vector.extract_strided_slice %add3A_864 {offsets = [9], sizes = [1], strides = [1]} : vector<16xi32> to vector<1xi32>
        %squeeze3A_1001 = vector.extract %slice3A_1000[0] : i32 from vector<1xi32>
        %broadcast_in_dim3A_1002 = vector.broadcast %squeeze3A_1001 : i32 to vector<16xi32>
        %gather3A_1003 = tpu.vector_load_idx %arg7[%broadcast_in_dim3A_1002, %iota3A] : memref<336x32xf32, #tpu.memory_space<vmem>>[vector<16xi32>, vector<16xi32>], vector<16xf32>,
        %gather3A_1004 = tpu.vector_load_idx %arg7[%broadcast_in_dim3A_1002, %add3A_5] : memref<336x32xf32, #tpu.memory_space<vmem>>[vector<16xi32>, vector<16xi32>], vector<16xf32>,
        %add3A_1005 = arith.constant 9 : i32
        %add3A_1006 = arith.addi %mul3A_118, %add3A_1005 : i32
        %swap3A_1007 = arith.index_cast %add3A_1006 : i32 to index
        %swap3A_1008 = arith.constant 96 : index
        %swap3A_1009 = tpu.vector_load %arg11[%swap3A_1007, %swap3A_1008] {strides = array<i32>} : memref<128x128xf32, #tpu.memory_space<vmem>>, vector<16xf32>,
        tpu.vector_store %arg11[%swap3A_1007, %swap3A_1008], %gather3A_1003 {strides = array<i32>} : memref<128x128xf32, #tpu.memory_space<vmem>>, vector<16xf32>,
        %add3A_1010 = arith.constant 9 : i32
        %add3A_1011 = arith.addi %mul3A_118, %add3A_1010 : i32
        %swap3A_1012 = arith.index_cast %add3A_1011 : i32 to index
        %swap3A_1013 = arith.constant 112 : index
        %swap3A_1014 = tpu.vector_load %arg11[%swap3A_1012, %swap3A_1013] {strides = array<i32>} : memref<128x128xf32, #tpu.memory_space<vmem>>, vector<16xf32>,
        tpu.vector_store %arg11[%swap3A_1012, %swap3A_1013], %gather3A_1004 {strides = array<i32>} : memref<128x128xf32, #tpu.memory_space<vmem>>, vector<16xf32>,
        %slice3A_1015 = vector.extract_strided_slice %add3A_864 {offsets = [10], sizes = [1], strides = [1]} : vector<16xi32> to vector<1xi32>
        %squeeze3A_1016 = vector.extract %slice3A_1015[0] : i32 from vector<1xi32>
        %broadcast_in_dim3A_1017 = vector.broadcast %squeeze3A_1016 : i32 to vector<16xi32>
        %gather3A_1018 = tpu.vector_load_idx %arg7[%broadcast_in_dim3A_1017, %iota3A] : memref<336x32xf32, #tpu.memory_space<vmem>>[vector<16xi32>, vector<16xi32>], vector<16xf32>,
        %gather3A_1019 = tpu.vector_load_idx %arg7[%broadcast_in_dim3A_1017, %add3A_5] : memref<336x32xf32, #tpu.memory_space<vmem>>[vector<16xi32>, vector<16xi32>], vector<16xf32>,
        %add3A_1020 = arith.constant 10 : i32
        %add3A_1021 = arith.addi %mul3A_118, %add3A_1020 : i32
        %swap3A_1022 = arith.index_cast %add3A_1021 : i32 to index
        %swap3A_1023 = arith.constant 96 : index
        %swap3A_1024 = tpu.vector_load %arg11[%swap3A_1022, %swap3A_1023] {strides = array<i32>} : memref<128x128xf32, #tpu.memory_space<vmem>>, vector<16xf32>,
        tpu.vector_store %arg11[%swap3A_1022, %swap3A_1023], %gather3A_1018 {strides = array<i32>} : memref<128x128xf32, #tpu.memory_space<vmem>>, vector<16xf32>,
        %add3A_1025 = arith.constant 10 : i32
        %add3A_1026 = arith.addi %mul3A_118, %add3A_1025 : i32
        %swap3A_1027 = arith.index_cast %add3A_1026 : i32 to index
        %swap3A_1028 = arith.constant 112 : index
        %swap3A_1029 = tpu.vector_load %arg11[%swap3A_1027, %swap3A_1028] {strides = array<i32>} : memref<128x128xf32, #tpu.memory_space<vmem>>, vector<16xf32>,
        tpu.vector_store %arg11[%swap3A_1027, %swap3A_1028], %gather3A_1019 {strides = array<i32>} : memref<128x128xf32, #tpu.memory_space<vmem>>, vector<16xf32>,
        %slice3A_1030 = vector.extract_strided_slice %add3A_864 {offsets = [11], sizes = [1], strides = [1]} : vector<16xi32> to vector<1xi32>
        %squeeze3A_1031 = vector.extract %slice3A_1030[0] : i32 from vector<1xi32>
        %broadcast_in_dim3A_1032 = vector.broadcast %squeeze3A_1031 : i32 to vector<16xi32>
        %gather3A_1033 = tpu.vector_load_idx %arg7[%broadcast_in_dim3A_1032, %iota3A] : memref<336x32xf32, #tpu.memory_space<vmem>>[vector<16xi32>, vector<16xi32>], vector<16xf32>,
        %gather3A_1034 = tpu.vector_load_idx %arg7[%broadcast_in_dim3A_1032, %add3A_5] : memref<336x32xf32, #tpu.memory_space<vmem>>[vector<16xi32>, vector<16xi32>], vector<16xf32>,
        %add3A_1035 = arith.constant 11 : i32
        %add3A_1036 = arith.addi %mul3A_118, %add3A_1035 : i32
        %swap3A_1037 = arith.index_cast %add3A_1036 : i32 to index
        %swap3A_1038 = arith.constant 96 : index
        %swap3A_1039 = tpu.vector_load %arg11[%swap3A_1037, %swap3A_1038] {strides = array<i32>} : memref<128x128xf32, #tpu.memory_space<vmem>>, vector<16xf32>,
        tpu.vector_store %arg11[%swap3A_1037, %swap3A_1038], %gather3A_1033 {strides = array<i32>} : memref<128x128xf32, #tpu.memory_space<vmem>>, vector<16xf32>,
        %add3A_1040 = arith.constant 11 : i32
        %add3A_1041 = arith.addi %mul3A_118, %add3A_1040 : i32
        %swap3A_1042 = arith.index_cast %add3A_1041 : i32 to index
        %swap3A_1043 = arith.constant 112 : index
        %swap3A_1044 = tpu.vector_load %arg11[%swap3A_1042, %swap3A_1043] {strides = array<i32>} : memref<128x128xf32, #tpu.memory_space<vmem>>, vector<16xf32>,
        tpu.vector_store %arg11[%swap3A_1042, %swap3A_1043], %gather3A_1034 {strides = array<i32>} : memref<128x128xf32, #tpu.memory_space<vmem>>, vector<16xf32>,
        %slice3A_1045 = vector.extract_strided_slice %add3A_864 {offsets = [12], sizes = [1], strides = [1]} : vector<16xi32> to vector<1xi32>
        %squeeze3A_1046 = vector.extract %slice3A_1045[0] : i32 from vector<1xi32>
        %broadcast_in_dim3A_1047 = vector.broadcast %squeeze3A_1046 : i32 to vector<16xi32>
        %gather3A_1048 = tpu.vector_load_idx %arg7[%broadcast_in_dim3A_1047, %iota3A] : memref<336x32xf32, #tpu.memory_space<vmem>>[vector<16xi32>, vector<16xi32>], vector<16xf32>,
        %gather3A_1049 = tpu.vector_load_idx %arg7[%broadcast_in_dim3A_1047, %add3A_5] : memref<336x32xf32, #tpu.memory_space<vmem>>[vector<16xi32>, vector<16xi32>], vector<16xf32>,
        %add3A_1050 = arith.constant 12 : i32
        %add3A_1051 = arith.addi %mul3A_118, %add3A_1050 : i32
        %swap3A_1052 = arith.index_cast %add3A_1051 : i32 to index
        %swap3A_1053 = arith.constant 96 : index
        %swap3A_1054 = tpu.vector_load %arg11[%swap3A_1052, %swap3A_1053] {strides = array<i32>} : memref<128x128xf32, #tpu.memory_space<vmem>>, vector<16xf32>,
        tpu.vector_store %arg11[%swap3A_1052, %swap3A_1053], %gather3A_1048 {strides = array<i32>} : memref<128x128xf32, #tpu.memory_space<vmem>>, vector<16xf32>,
        %add3A_1055 = arith.constant 12 : i32
        %add3A_1056 = arith.addi %mul3A_118, %add3A_1055 : i32
        %swap3A_1057 = arith.index_cast %add3A_1056 : i32 to index
        %swap3A_1058 = arith.constant 112 : index
        %swap3A_1059 = tpu.vector_load %arg11[%swap3A_1057, %swap3A_1058] {strides = array<i32>} : memref<128x128xf32, #tpu.memory_space<vmem>>, vector<16xf32>,
        tpu.vector_store %arg11[%swap3A_1057, %swap3A_1058], %gather3A_1049 {strides = array<i32>} : memref<128x128xf32, #tpu.memory_space<vmem>>, vector<16xf32>,
        %slice3A_1060 = vector.extract_strided_slice %add3A_864 {offsets = [13], sizes = [1], strides = [1]} : vector<16xi32> to vector<1xi32>
        %squeeze3A_1061 = vector.extract %slice3A_1060[0] : i32 from vector<1xi32>
        %broadcast_in_dim3A_1062 = vector.broadcast %squeeze3A_1061 : i32 to vector<16xi32>
        %gather3A_1063 = tpu.vector_load_idx %arg7[%broadcast_in_dim3A_1062, %iota3A] : memref<336x32xf32, #tpu.memory_space<vmem>>[vector<16xi32>, vector<16xi32>], vector<16xf32>,
        %gather3A_1064 = tpu.vector_load_idx %arg7[%broadcast_in_dim3A_1062, %add3A_5] : memref<336x32xf32, #tpu.memory_space<vmem>>[vector<16xi32>, vector<16xi32>], vector<16xf32>,
        %add3A_1065 = arith.constant 13 : i32
        %add3A_1066 = arith.addi %mul3A_118, %add3A_1065 : i32
        %swap3A_1067 = arith.index_cast %add3A_1066 : i32 to index
        %swap3A_1068 = arith.constant 96 : index
        %swap3A_1069 = tpu.vector_load %arg11[%swap3A_1067, %swap3A_1068] {strides = array<i32>} : memref<128x128xf32, #tpu.memory_space<vmem>>, vector<16xf32>,
        tpu.vector_store %arg11[%swap3A_1067, %swap3A_1068], %gather3A_1063 {strides = array<i32>} : memref<128x128xf32, #tpu.memory_space<vmem>>, vector<16xf32>,
        %add3A_1070 = arith.constant 13 : i32
        %add3A_1071 = arith.addi %mul3A_118, %add3A_1070 : i32
        %swap3A_1072 = arith.index_cast %add3A_1071 : i32 to index
        %swap3A_1073 = arith.constant 112 : index
        %swap3A_1074 = tpu.vector_load %arg11[%swap3A_1072, %swap3A_1073] {strides = array<i32>} : memref<128x128xf32, #tpu.memory_space<vmem>>, vector<16xf32>,
        tpu.vector_store %arg11[%swap3A_1072, %swap3A_1073], %gather3A_1064 {strides = array<i32>} : memref<128x128xf32, #tpu.memory_space<vmem>>, vector<16xf32>,
        %slice3A_1075 = vector.extract_strided_slice %add3A_864 {offsets = [14], sizes = [1], strides = [1]} : vector<16xi32> to vector<1xi32>
        %squeeze3A_1076 = vector.extract %slice3A_1075[0] : i32 from vector<1xi32>
        %broadcast_in_dim3A_1077 = vector.broadcast %squeeze3A_1076 : i32 to vector<16xi32>
        %gather3A_1078 = tpu.vector_load_idx %arg7[%broadcast_in_dim3A_1077, %iota3A] : memref<336x32xf32, #tpu.memory_space<vmem>>[vector<16xi32>, vector<16xi32>], vector<16xf32>,
        %gather3A_1079 = tpu.vector_load_idx %arg7[%broadcast_in_dim3A_1077, %add3A_5] : memref<336x32xf32, #tpu.memory_space<vmem>>[vector<16xi32>, vector<16xi32>], vector<16xf32>,
        %add3A_1080 = arith.constant 14 : i32
        %add3A_1081 = arith.addi %mul3A_118, %add3A_1080 : i32
        %swap3A_1082 = arith.index_cast %add3A_1081 : i32 to index
        %swap3A_1083 = arith.constant 96 : index
        %swap3A_1084 = tpu.vector_load %arg11[%swap3A_1082, %swap3A_1083] {strides = array<i32>} : memref<128x128xf32, #tpu.memory_space<vmem>>, vector<16xf32>,
        tpu.vector_store %arg11[%swap3A_1082, %swap3A_1083], %gather3A_1078 {strides = array<i32>} : memref<128x128xf32, #tpu.memory_space<vmem>>, vector<16xf32>,
        %add3A_1085 = arith.constant 14 : i32
        %add3A_1086 = arith.addi %mul3A_118, %add3A_1085 : i32
        %swap3A_1087 = arith.index_cast %add3A_1086 : i32 to index
        %swap3A_1088 = arith.constant 112 : index
        %swap3A_1089 = tpu.vector_load %arg11[%swap3A_1087, %swap3A_1088] {strides = array<i32>} : memref<128x128xf32, #tpu.memory_space<vmem>>, vector<16xf32>,
        tpu.vector_store %arg11[%swap3A_1087, %swap3A_1088], %gather3A_1079 {strides = array<i32>} : memref<128x128xf32, #tpu.memory_space<vmem>>, vector<16xf32>,
        %slice3A_1090 = vector.extract_strided_slice %add3A_864 {offsets = [15], sizes = [1], strides = [1]} : vector<16xi32> to vector<1xi32>
        %squeeze3A_1091 = vector.extract %slice3A_1090[0] : i32 from vector<1xi32>
        %broadcast_in_dim3A_1092 = vector.broadcast %squeeze3A_1091 : i32 to vector<16xi32>
        %gather3A_1093 = tpu.vector_load_idx %arg7[%broadcast_in_dim3A_1092, %iota3A] : memref<336x32xf32, #tpu.memory_space<vmem>>[vector<16xi32>, vector<16xi32>], vector<16xf32>,
        %gather3A_1094 = tpu.vector_load_idx %arg7[%broadcast_in_dim3A_1092, %add3A_5] : memref<336x32xf32, #tpu.memory_space<vmem>>[vector<16xi32>, vector<16xi32>], vector<16xf32>,
        %add3A_1095 = arith.constant 15 : i32
        %add3A_1096 = arith.addi %mul3A_118, %add3A_1095 : i32
        %swap3A_1097 = arith.index_cast %add3A_1096 : i32 to index
        %swap3A_1098 = arith.constant 96 : index
        %swap3A_1099 = tpu.vector_load %arg11[%swap3A_1097, %swap3A_1098] {strides = array<i32>} : memref<128x128xf32, #tpu.memory_space<vmem>>, vector<16xf32>,
        tpu.vector_store %arg11[%swap3A_1097, %swap3A_1098], %gather3A_1093 {strides = array<i32>} : memref<128x128xf32, #tpu.memory_space<vmem>>, vector<16xf32>,
        %add3A_1100 = arith.constant 15 : i32
        %add3A_1101 = arith.addi %mul3A_118, %add3A_1100 : i32
        %swap3A_1102 = arith.index_cast %add3A_1101 : i32 to index
        %swap3A_1103 = arith.constant 112 : index
        %swap3A_1104 = tpu.vector_load %arg11[%swap3A_1102, %swap3A_1103] {strides = array<i32>} : memref<128x128xf32, #tpu.memory_space<vmem>>, vector<16xf32>,
        tpu.vector_store %arg11[%swap3A_1102, %swap3A_1103], %gather3A_1094 {strides = array<i32>} : memref<128x128xf32, #tpu.memory_space<vmem>>, vector<16xf32>,
      }
      %scan3A_93 = arith.constant 8 : i32
      %dma_wait3A_94 = arith.constant 0 : i32
      %dma_wait3A_95 = arith.constant 0 : i32
      %dma_wait3A_96 = tpu.memref_slice %arg6[%dma_wait3A_94, %add3A_81, %dma_wait3A_95] : memref<5x50x128xi32, #tpu.memory_space<vmem>> -> memref<1x1x128xi32, #tpu.memory_space<vmem>>
      %dma_wait3A_97 = tpu.memref_squeeze %dma_wait3A_96 : memref<1x1x128xi32, #tpu.memory_space<vmem>> -> memref<128xi32, #tpu.memory_space<vmem>>
      %dma_wait3A_98 = arith.constant 0 : i32
      %dma_wait3A_99 = arith.constant 0 : i32
      %dma_wait3A_100 = tpu.memref_slice %arg2[%dma_wait3A_98, %dma_wait3A_99] : memref<1000000x64xf32, #tpu.memory_space<hbm>> -> memref<1000000x64xf32, #tpu.memory_space<hbm>>
      tpu.wait_indirect_dma semaphore(%arg12 : memref<!tpu.dma_semaphore, #tpu.memory_space<semaphore_mem>>) src(%dma_wait3A_100 : memref<1000000x64xf32, #tpu.memory_space<hbm>>) dst(%arg9 : memref<128x64xf32, #tpu.memory_space<vmem>>)
      %add3A_101 = arith.addi %mul3A_2, %add3A_81 : i32
      %mul3A_102 = arith.constant 128 : i32
      %mul3A_103 = arith.muli %add3A_101, %mul3A_102 : i32
      %dma_start3A_104 = arith.constant 0 : i32
      %dma_start3A_105 = tpu.memref_slice %arg5[%mul3A_103, %dma_start3A_104] : memref<204800x192xf32, #tpu.memory_space<hbm>> -> memref<128x64xf32, #tpu.memory_space<hbm>>
      %dma_start3A_106 = arith.constant 0 : i32
      %dma_start3A_107 = tpu.memref_slice %arg5[%mul3A_103, %dma_start3A_106] : memref<204800x192xf32, #tpu.memory_space<hbm>> -> memref<128x64xf32, #tpu.memory_space<hbm>>
      tpu.enqueue_dma source(%arg9 : memref<128x64xf32, #tpu.memory_space<vmem>>) target(%dma_start3A_107 : memref<128x64xf32, #tpu.memory_space<hbm>>) target_semaphore(%arg13 : memref<!tpu.dma_semaphore, #tpu.memory_space<semaphore_mem>>)
      %dma_start3A_108 = arith.constant 64 : i32
      %dma_start3A_109 = tpu.memref_slice %arg5[%mul3A_103, %dma_start3A_108] : memref<204800x192xf32, #tpu.memory_space<hbm>> -> memref<128x128xf32, #tpu.memory_space<hbm>>
      %dma_start3A_110 = arith.constant 64 : i32
      %dma_start3A_111 = tpu.memref_slice %arg5[%mul3A_103, %dma_start3A_110] : memref<204800x192xf32, #tpu.memory_space<hbm>> -> memref<128x128xf32, #tpu.memory_space<hbm>>
      tpu.enqueue_dma source(%arg11 : memref<128x128xf32, #tpu.memory_space<vmem>>) target(%dma_start3A_111 : memref<128x128xf32, #tpu.memory_space<hbm>>) target_semaphore(%arg13 : memref<!tpu.dma_semaphore, #tpu.memory_space<semaphore_mem>>)
    }
    %scan3A_9 = arith.constant 25 : i32
    %dma_wait3A = arith.constant 0 : i32
    %dma_wait3A_10 = arith.constant 0 : i32
    %dma_wait3A_11 = tpu.memref_slice %arg5[%dma_wait3A, %dma_wait3A_10] : memref<204800x192xf32, #tpu.memory_space<hbm>> -> memref<128x64xf32, #tpu.memory_space<hbm>>
    %dma_wait3A_12 = arith.constant 0 : i32
    %dma_wait3A_13 = arith.constant 0 : i32
    %dma_wait3A_14 = tpu.memref_slice %arg5[%dma_wait3A_12, %dma_wait3A_13] : memref<204800x192xf32, #tpu.memory_space<hbm>> -> memref<128x64xf32, #tpu.memory_space<hbm>>
    tpu.wait_dma2 semaphore(%arg13 : memref<!tpu.dma_semaphore, #tpu.memory_space<semaphore_mem>>) src(%arg8 : memref<128x64xf32, #tpu.memory_space<vmem>>) dst(%dma_wait3A_14 : memref<128x64xf32, #tpu.memory_space<hbm>>)
    %dma_wait3A_15 = arith.constant 0 : i32
    %dma_wait3A_16 = arith.constant 64 : i32
    %dma_wait3A_17 = tpu.memref_slice %arg5[%dma_wait3A_15, %dma_wait3A_16] : memref<204800x192xf32, #tpu.memory_space<hbm>> -> memref<128x128xf32, #tpu.memory_space<hbm>>
    %dma_wait3A_18 = arith.constant 0 : i32
    %dma_wait3A_19 = arith.constant 64 : i32
    %dma_wait3A_20 = tpu.memref_slice %arg5[%dma_wait3A_18, %dma_wait3A_19] : memref<204800x192xf32, #tpu.memory_space<hbm>> -> memref<128x128xf32, #tpu.memory_space<hbm>>
    tpu.wait_dma2 semaphore(%arg13 : memref<!tpu.dma_semaphore, #tpu.memory_space<semaphore_mem>>) src(%arg10 : memref<128x128xf32, #tpu.memory_space<vmem>>) dst(%dma_wait3A_20 : memref<128x128xf32, #tpu.memory_space<hbm>>)
    %dma_wait3A_21 = arith.constant 0 : i32
    %dma_wait3A_22 = arith.constant 0 : i32
    %dma_wait3A_23 = tpu.memref_slice %arg5[%dma_wait3A_21, %dma_wait3A_22] : memref<204800x192xf32, #tpu.memory_space<hbm>> -> memref<128x64xf32, #tpu.memory_space<hbm>>
    %dma_wait3A_24 = arith.constant 0 : i32
    %dma_wait3A_25 = arith.constant 0 : i32
    %dma_wait3A_26 = tpu.memref_slice %arg5[%dma_wait3A_24, %dma_wait3A_25] : memref<204800x192xf32, #tpu.memory_space<hbm>> -> memref<128x64xf32, #tpu.memory_space<hbm>>
    tpu.wait_dma2 semaphore(%arg13 : memref<!tpu.dma_semaphore, #tpu.memory_space<semaphore_mem>>) src(%arg9 : memref<128x64xf32, #tpu.memory_space<vmem>>) dst(%dma_wait3A_26 : memref<128x64xf32, #tpu.memory_space<hbm>>)
    %dma_wait3A_27 = arith.constant 0 : i32
    %dma_wait3A_28 = arith.constant 64 : i32
    %dma_wait3A_29 = tpu.memref_slice %arg5[%dma_wait3A_27, %dma_wait3A_28] : memref<204800x192xf32, #tpu.memory_space<hbm>> -> memref<128x128xf32, #tpu.memory_space<hbm>>
    %dma_wait3A_30 = arith.constant 0 : i32
    %dma_wait3A_31 = arith.constant 64 : i32
    %dma_wait3A_32 = tpu.memref_slice %arg5[%dma_wait3A_30, %dma_wait3A_31] : memref<204800x192xf32, #tpu.memory_space<hbm>> -> memref<128x128xf32, #tpu.memory_space<hbm>>
    tpu.wait_dma2 semaphore(%arg13 : memref<!tpu.dma_semaphore, #tpu.memory_space<semaphore_mem>>) src(%arg11 : memref<128x128xf32, #tpu.memory_space<vmem>>) dst(%dma_wait3A_32 : memref<128x128xf32, #tpu.memory_space<hbm>>)
    return
  }
}

</mosaic_0001>

<sc_bundles>
// kernel: kernel.3.cloned.1.call-start
scs
__scs_entry_jumppad:
0x0: {  	(pc) =	sbr.rel $0x88, $3  }
0x1: {  	(tag) =	ssettag $0x0;
	lr =	simm.s32 $0x1  }
0x2: {  	[smem:$0x3F97] =	sst lr;
	_ =	strace $0xD0000000  }
0x3: {  	_ = 	snop  }
0x4: {  	_ = 	snop  }
0x5: {  	_ = 	snop  }
0x6: {  	_ = 	snop  }
0x7: {  	_ = 	snop  }
__scs_overlays_trampoline_lowered:
0x8: {  	[smem:$0x3FA6] =	sst s0  }
0x9: {  	[smem:$0x3FA7] =	sst s1  }
0xa: {  	[smem:$0x3FA8] =	sst s2  }
0xb: {  	[smem:$0x3FA9] =	sst s3  }
0xc: {  	[smem:$0x3FAA] =	sst s4  }
0xd: {  	[smem:$0x3FAB] =	sst s5  }
0xe: {  	[smem:$0x3FAC] =	sst s6  }
0xf: {  	[smem:$0x3FAD] =	sst s7  }
0x10: {  	[smem:$0x3FAE] =	sst s8  }
0x11: {  	[smem:$0x3FAF] =	sst s9;
	s0 =	simm.s32 @!p0 $0x0  }
0x12: {  	s1 =	sld [smem:$0x3F95];
	s0 =	simm.s32 @p0 $0x1  }
0x13: {  	[smem:$0x3FB0] =	sst s0;
	s0 =	simm.s32 @!p1 $0x0  }
0x14: {  	s2 =	sld [smem:$0x3F94];
	s0 =	simm.s32 @p1 $0x1  }
0x15: {  	[smem:$0x3FB1] =	sst s0;
	s0 =	simm.s32 @!p2 $0x0  }
0x16: {  	s3 =	sld [smem:$0x3FDB];
	s0 =	simm.s32 @p2 $0x1  }
0x17: {  	s4 =	simm.s32 $0x1BF5;
	[smem:$0x3FB3] =	sst s0  }
0x18: {  	s0 =	sld [smem:$0x3F96];
	_ =	swait.ge [sflag:s4], $0x0  }
0x19: {  	s7 =	sld [smem:$0x3F97]  }
0x1a: {  	s8 =	sadd.s32 $0xFFFFE003, lr  }
0x1b: {  	s9 =	sadd.s32 $0xFFFFFEF7, lr;
	s5 =	simm.s32 $0xFFFFFFFF;
	p2 =	slt.u32 s8, $0xFFFFF086  }
0x1c: {  	p1 =	slt.u32 s9, $0xF7A;
	s5 =	simm.s32 @!p2 $0x0  }
0x1d: {  	s5 =	simm.s32 @p1 $0x1;
	p0 =	seq.s32 s7, s2  }
0x1e: {  	s7 =	smul.u32 @!p0 $0xF7A, s2;
	p2 =	seq.s32 @!p0 s5, $0x0  }
0x1f: {  	s9 =	smul.u32 $0xF7A, s1;
	s8 =	simm.s32 @!p0 $0x1BF5;
	p2 =	por !p2, p0  }
0x20: {  	[sflag:s8] =	ssyncset.s32 @!p0 $0xFFFFF086;
	s6 =	sadd.s32 @!p0 s3, s7;
	s7 =	simm.s32 @!p0 $0x108  }
0x21: {  	s3 =	sadd.s32 s3, s9;
	s6 =	sadd.s32 @!p0 $0x88, s6;
	s7 =	simm.s32 @p2 $0x1082  }
0x22: {  	[simem:s7], [sflag:s8] =	dma.local @!p0 [hbm:s6], $0xF7A  }
0x23: {  	s9 =	sor.u32 $0xD0000000, s2;
	s6 =	simm.s32 $0x108;
	_ =	swait.ge @!p0 [sflag:s8], $0x0  }
0x24: {  	s3 =	sadd.s32 $0x88, s3;
	s6 =	simm.s32 @!p1 $0x1082;
	[sflag:s4] =	ssyncset.s32 $0xFFFFF086  }
0x25: {  	[simem:s6], [sflag:s4] =	dma.local [hbm:s3], $0xF7A  }
0x26: {  	[smem:$0x3F97] =	sst s1;
	(tag) =	ssettag s2;
	_ =	strace s9  }
0x27: {  	s1 =	sld [smem:$0x3FA7]  }
0x28: {  	s2 =	sld [smem:$0x3FA8]  }
0x29: {  	s4 =	sld [smem:$0x3FAA]  }
0x2a: {  	p0 =	seq.s32 s5, $0x0;
	s5 =	sld [smem:$0x3FAB]  }
0x2b: {  	s6 =	sld [smem:$0x3FAC]  }
0x2c: {  	s7 =	sld [smem:$0x3FAD]  }
0x2d: {  	s3 =	simm.s32 $0x108;
	s8 =	sld [smem:$0x3FAE]  }
0x2e: {  	s3 =	simm.s32 @!p0 $0x1082;
	s9 =	sld [smem:$0x3FAF]  }
0x2f: {  	lr =	sadd.s32 s0, s3;
	s0 =	sld [smem:$0x3FA6]  }
0x30: {  	s3 =	sld [smem:$0x3FA9]  }
0x31: {  	[smem:$0x3FB2] =	sst s10  }
0x32: {  	s10 =	sld [smem:$0x3FB0];
	_ =	sdelay $0x3  }
0x33: {  	p0 =	seq.s32 s10, $0x1;
	s10 =	sld [smem:$0x3FB2];
	_ =	sdelay $0x3  }
0x34: {  	[smem:$0x3FB2] =	sst s10  }
0x35: {  	s10 =	sld [smem:$0x3FB1];
	_ =	sdelay $0x3  }
0x36: {  	p1 =	seq.s32 s10, $0x1;
	s10 =	sld [smem:$0x3FB2];
	_ =	sdelay $0x3  }
0x37: {  	[smem:$0x3FB2] =	sst s10  }
0x38: {  	s10 =	sld [smem:$0x3FB3]  }
0x39: {  	_ = 	snop;
	(pc) =	sbr.ind lr, $3  }
0x3a: {  	_ = 	snop  }
0x3b: {  	_ = 	snop  }
0x3c: {  	p2 =	seq.s32 s10, $0x1;
	s10 =	sld [smem:$0x3FB2]  }
0x3d: {  	_ =	shalt  }
0x3e: {  	_ =	shalt  }
0x3f: {  	_ =	shalt  }
0x40: {  	_ =	shalt  }
0x41: {  	_ =	shalt  }
0x42: {  	_ =	shalt  }
0x43: {  	_ =	shalt  }
0x44: {  	_ =	shalt  }
0x45: {  	_ =	shalt  }
0x46: {  	_ =	shalt  }
0x47: {  	_ =	shalt  }
0x48: {  	_ =	shalt  }
0x49: {  	_ =	shalt  }
0x4a: {  	_ =	shalt  }
0x4b: {  	_ =	shalt  }
0x4c: {  	_ =	shalt  }
0x4d: {  	_ =	shalt  }
0x4e: {  	_ =	shalt  }
0x4f: {  	_ =	shalt  }
0x50: {  	_ =	shalt  }
0x51: {  	_ =	shalt  }
0x52: {  	_ =	shalt  }
0x53: {  	_ =	shalt  }
0x54: {  	_ =	shalt  }
0x55: {  	_ =	shalt  }
0x56: {  	_ =	shalt  }
0x57: {  	_ =	shalt  }
0x58: {  	_ =	shalt  }
0x59: {  	_ =	shalt  }
0x5a: {  	_ =	shalt  }
0x5b: {  	_ =	shalt  }
0x5c: {  	_ =	shalt  }
0x5d: {  	_ =	shalt  }
0x5e: {  	_ =	shalt  }
0x5f: {  	_ =	shalt  }
0x60: {  	_ =	shalt  }
0x61: {  	_ =	shalt  }
0x62: {  	_ =	shalt  }
0x63: {  	_ =	shalt  }
0x64: {  	_ =	shalt  }
0x65: {  	_ =	shalt  }
0x66: {  	_ =	shalt  }
0x67: {  	_ =	shalt  }
0x68: {  	_ =	shalt  }
0x69: {  	_ =	shalt  }
0x6a: {  	_ =	shalt  }
0x6b: {  	_ =	shalt  }
0x6c: {  	_ =	shalt  }
0x6d: {  	_ =	shalt  }
0x6e: {  	_ =	shalt  }
0x6f: {  	_ =	shalt  }
0x70: {  	_ =	shalt  }
0x71: {  	_ =	shalt  }
0x72: {  	_ =	shalt  }
0x73: {  	_ =	shalt  }
0x74: {  	_ =	shalt  }
0x75: {  	_ =	shalt  }
0x76: {  	_ =	shalt  }
0x77: {  	_ =	shalt  }
0x78: {  	_ =	shalt  }
0x79: {  	_ =	shalt  }
0x7a: {  	_ =	shalt  }
0x7b: {  	_ =	shalt  }
0x7c: {  	_ =	shalt  }
0x7d: {  	_ =	shalt  }
0x7e: {  	_ =	shalt  }
0x7f: {  	_ =	shalt  }
0x80: {  	_ =	shalt  }
0x81: {  	_ =	shalt  }
0x82: {  	_ =	shalt  }
0x83: {  	_ =	shalt  }
0x84: {  	_ =	shalt  }
0x85: {  	_ =	shalt  }
0x86: {  	_ =	shalt  }
0x87: {  	_ =	shalt  }
.Lfunc_end0:
.L_simem_size_0:
called_computation.1_lowered:
.L_overlay_start_0:
0x88: {  	s2 =	sld [smem:$0x3FD9]  }
0x89: {  	s3 =	sld [smem:$0x3FFE];
	_ =	sdelay $0x1  }
0x8a: {  	s1 =	srdreg.scid  }
0x8b: {  	s0 =	sand.u32 $0x1, s1  }
0x8c: {  	s17 =	sshll.u32 s0, $0xA;
	s2 =	sadd.s32 s3, s2  }
0x8d: {  	s2 =	sadd.s32 s2, s17  }
0x8e: {  	[smem:$0x3FBE] =	sst s2  }
0x8f: {  	_ = 	snop  }
0x90: {  	s2 =	sld [smem:$0x3FD0];
	(tm) =	ssettm $0x1  }
0x91: {  	s18 =	sld [smem:$0x3FFB];
	_ =	sdelay $0x3  }
0x92: {  	_ =	strace s18  }
0x93: {  	s3 =	sld [smem:$0x3FFC];
	_ =	sdelay $0x3  }
0x94: {  	_ =	strace s3  }
0x95: {  	s3 =	sld [smem:$0x3FFD];
	_ =	sdelay $0x3  }
0x96: {  	_ =	strace s3  }
0x97: {  	_ =	strace $0x8FFFFFFF  }
0x98: {  	s19 =	sld [smem:$0x3FDB];
	_ =	sdelay $0x1  }
0x99: {  	s4 =	simm.s32 $_scs_section_size  }
0x9a: {  	s5 =	simm.s32 $_size__tile_overlayer_lowered;
	s6 =	simm.s32 $_tile_overlayer_lowered  }
0x9b: {  	s22 =	simm.s32 $0x1BFF;
	s21 =	sshll.u32 s6, $0x1;
	s3 =	sadd.s32 s4, s19  }
0x9c: {  	s7 =	simm.s32 $0x0;
	s20 =	sshll.u32 s5, $0x1;
	s5 =	sadd.s32 s21, s3  }
0x9d: {  	[timem:s7], [sflag:s22] =	dma.local [hbm:s5], s20  }
0x9e: {  	_ =	swait.ge [sflag:s22], s20  }
0x9f: {  	s4 =	ssub.s32 $0x0, s20;
	[sflag:s22] =	ssyncset.done $0x0  }
0xa0: {  	[sflag:s22] =	ssyncadd.s32 s4;
	_ =	sdelay $0x1  }
0xa1: {  	s23 =	simm.s32 $0x1B8B  }
0xa2: {  	_ =	swait.ge [sflag:s23], $0x1  }
0xa3: {  	[sflag:s23] =	ssyncset.done $0x0  }
0xa4: {  	s25 =	simm.s32 $0x1B8E;
	s24 =	sld [smem:$0x3FFE];
	[sflag:s23] =	ssyncadd.s32 $0xFFFFFFFF  }
0xa5: {  	s26 =	simm.s32 $execute0_lowered;
	[smem:$0x3FD2] =	sst s25  }
0xa6: {  	s5 =	sshll.u32 s26, $0x1;
	_ =	strace $0x80000046;
	[dreg:$0x1] =	wrdreg $0xFFFFFFFF  }
0xa7: {  	s28 =	simm.s32 $_size_execute0_lowered;
	s3 =	sadd.s32 s3, s5;
	[dreg:$0x0] =	wrdreg $0x0  }
0xa8: {  	s5 =	sshll.u32 s28, $0x1;
	[dreg:$0x2] =	wrdreg s3  }
0xa9: {  	[dreg:$0x3] =	wrdreg s5  }
0xaa: {  	[dreg:$0x4] =	wrdreg $0xC0  }
0xab: {  	_ =	task [dreg:s7], $0x5FFFF  }
0xac: {  	[dreg:$0x1] =	wrdreg $0xFFFFFFFF  }
0xad: {  	[dreg:$0x0] =	wrdreg $0x60  }
0xae: {  	[dreg:$0x2] =	wrdreg s24  }
0xaf: {  	[dreg:$0x3] =	wrdreg s2  }
0xb0: {  	[dreg:$0x4] =	wrdreg $0x9  }
0xb1: {  	_ =	task.clear_ibuf [dreg:s7], $0x5FFFF;
	_ =	strace $0x90000046  }
0xb2: {  	s29 =	simm.s32 $0x9;
	_ =	strace $0x80000048  }
0xb3: {  	_ =	swait.ge [sflag:s29], $0x1  }
0xb4: {  	[sflag:s29] =	ssyncadd.s32 $0xFFFFFFFF  }
0xb5: {  	_ =	strace $0x90000048  }
0xb6: {  	_ =	sfence  }
0xb7: {  	s30 =	sld [smem:$0x0];
	_ =	sdelay $0x2  }
0xb8: {  	s31 =	sshll.u32 s1, $0xD;
	s1 =	sshrl.u32 s1, $0x2  }
0xb9: {  	s3 =	sand.u32 $0x4000, s31;
	s1 =	sadd.s32 s1, s30  }
0xba: {  	s0 =	sor.u32 s3, s0;
	s1 =	sshll.u32 s1, $0x11  }
0xbb: {  	s0 =	sor.u32 s1, s0  }
0xbc: {  	s0 =	sadd.s32 $0x8F2B, s0  }
0xbd: {  	[sflag:s0] =	ssyncadd.remote.s32 $0x1  }
0xbe: {  	_ =	sfence.sel $0xFFFF  }
0xbf: {  	[dreg:$0x0] =	wrdreg $0xFFFFFFFF;
	(pc) =	sbr.abs _section_cstart, $3  }
0xc0: {  	[dreg:$0x1] =	wrdreg $0xFFFFFFFF  }
0xc1: {  	_ =	task.clear_ibuf [dreg:s7], $0x2FFFF;
	_ =	strace $0x9FFFFFFF  }
0xc2: {  	(tm) =	ssettm $0x7FFFFFFF  }
0xc3: {  	_ =	shalt  }
tec
execute0_lowered:
.L_overlay_start_1:
0x0: {  	(tag) =	ssettag $0x1  }
0x1: {  	s6 =	rddreg [dreg:$0x0]  }
0x2: {  	s1 =	srdreg.scid;
	s0 =	stileid.u32;
	vm0 =	vcmask $0x300;
	v15 =	vimm.s32 $0x0;
	vm1 =	vcmask $0x704  }
0x3: {  	s2 =	rddreg [dreg:$0x1];
	vm14 =	vcmask $0xB08;
	s3 =	simm.s32 $0x0;
	vm15 =	vcmask $0xF0C;
	vm4 =	vcmask $0x1310;
	s11 =	simm.s32 $0x32000  }
0x4: {  	vm5 =	vcmask $0x1714;
	vm6 =	vcmask $0x1B18;
	vm7 =	vcmask $0x1F1C;
	s12 =	simm.s32 $0x3;
	s13 =	simm.s32 $0x7D00;
	s14 =	simm.s32 $0x80  }
0x5: {  	vm8 =	vcmask $0x2320;
	vm9 =	vcmask $0x2724;
	vm10 =	vcmask $0x2B28;
	s15 =	simm.s32 $0xA700;
	s16 =	simm.s32 $0x1;
	s17 =	simm.s32 $0x40  }
0x6: {  	vm11 =	vcmask $0x2F2C;
	vm12 =	vcmask $0x3330;
	vm13 =	vcmask $0x3734;
	s18 =	simm.s32 $0xC0;
	s19 =	simm.s32 $0xE700;
	s20 =	simm.s32 $0xC700  }
0x7: {  	v12 =	vlaneseq.u32;
	v17 =	vimm.s32 $0x5;
	s21 =	simm.s32 $0x12700;
	s22 =	simm.s32 $0x2;
	s23 =	simm.s32 $0x0;
	v0 =	vsel vm0, $0x5, v15  }
0x8: {  	s4 =	sand.u32 $0x1, s1;
	s5 =	sshll.u32 s0, $0x1;
	v1 =	vsel vm1, $0x5, v15;
	s1 =	rddreg [dreg:$0x2];
	v2 =	vsel vm14, $0x5, v15;
	v3 =	vsel vm15, $0x5, v15  }
0x9: {  	[smem:$0x7FF] =	sst s3;
	v4 =	vsel vm4, $0x5, v15;
	v5 =	vsel vm5, $0x5, v15;
	v6 =	vsel vm6, $0x5, v15;
	s7 =	sor.u32 s4, s5;
	s9 =	ssub.s32 $0x2, s4  }
0xa: {  	v7 =	vsel vm7, $0x5, v15;
	v8 =	vsel vm8, $0x5, v15;
	v9 =	vsel vm9, $0x5, v15;
	_ =	strace $0x80000047;
	s8 =	smul.u32 $0x320, s7;
	s10 =	sshrl.u32 s9, $0x1  }
0xb: {  	v10 =	vsel vm10, $0x5, v15;
	v11 =	vsel vm11, $0x5, v15;
	v13 =	vsel vm12, $0x5, v15;
	s4 =	sadd.s32 $0xF44000, s6;
	s5 =	sadd.s32 $0x1C00, s6;
	s9 =	ssub.s32 s9, s10  }
0xc: {  	v14 =	vsel vm13, $0x5, v15;
	vm14 =	vcmask $0x3B38;
	vm15 =	vcmask $0x3B00;
	s10 =	simm.s32 $0x1900;
	s8 =	sadd.s32 s8, s6;
	s6 =	smul.u32 $0x32, s7  }
0xd: {  	v16 =	vor.u32 $0x10, v12;
	v15 =	vsel vm14, $0x5, v15;
	v17 =	vsel vm15, $0x0, v17;
	s9 =	smax.u32 s9, $0x1;
	s7 =	sadd.s32 $0x2200, s8;
	s8 =	sadd.s32 $0x8, s2  }
.LBB2_1:
0xe: {  	[tilespmem:s3], [sflag:$0x3] =	stream.strided.gather [hbm4b:s7+s10], $0x7D00, s11, s10, $0x38;
	[tilespmem:$0x16700] =	vst v63  }
0xf: {  	_ =	swait.ge [sflag:s12], $0x7D00  }
0x10: {  	[sflag:s12] =	ssyncset.done $0x0  }
0x11: {  	[sflag:s12] =	ssyncadd.s32 $0xFFFF8300  }
0x12: {  	[tilespmem:s13], [sflag:$0x3] =	stream.linear.gather [hbm4b:s5+s3], $0x2A00, $0x38;
	[tilespmem:$0x16700] =	vst v63  }
0x13: {  	_ =	swait.ge [sflag:s12], $0x2A00  }
0x14: {  	[sflag:s12] =	ssyncset.done $0x0  }
0x15: {  	s24 =	simm.s32 $0x0;
	s25 =	simm.s32 $0x0;
	[sflag:s12] =	ssyncadd.s32 $0xFFFFD600  }
.LBB2_2:
0x16: {  	p0 =	seq.s32 s25, $0x0  }
0x17: {  	s26 =	simm.s32 @!p0 $0x2  }
0x18: {  	_ =	swait.ge @!p0 [sflag:s26], $0x2000  }
0x19: {  	[sflag:s26] =	ssyncset.done @!p0 $0x0  }
0x1a: {  	[sflag:s26] =	ssyncadd.s32 @!p0 $0xFFFFE000  }
0x1b: {  	s28 =	sshll.u32 s25, $0x8;
	v18 =	vmov s24;
	_ =	swait.ge @!p0 [sflag:s26], $0x4000  }
0x1c: {  	s31 =	sand.u32 $0x3FFFFF00, s28;
	[sflag:s26] =	ssyncset.done @!p0 $0x0  }
0x1d: {  	s28 =	simm.s32 $0xEB00;
	[sflag:s26] =	ssyncadd.s32 @!p0 $0xFFFFC000;
	s26 =	simm.s32 $0x0  }
0x1e: {  	[tilespmem:s15], [sflag:$0x1] =	stream.indirect.gather [hbm4b:s4+s14], $0x40, s31, s14, $0xb8;
	[tilespmem:$0x16700] =	vst v63  }
.LBB2_3:
0x1f: {  	s29 =	sshra.s32 s26, $0x2  }
0x20: {  	v19 =	vld.idx.msk [tilespmem:v18+s29+$0x1900 ss:$0x1], $0xffff;
	_ =	sdelay $0x4  }
0x21: {  	v20 =	vshll.u32 v19, v0  }
0x22: {  	v20 =	vbroadcast v20, $0x0;
	_ =	sdelay $0x1  }
0x23: {  	v21 =	vor.u32 v12, v20  }
0x24: {  	v20 =	vor.u32 v16, v20;
	_ =	sdelay $0x2  }
0x25: {  	v22 =	vshll.u32 v19, v1  }
0x26: {  	v22 =	vbroadcast v22, $0x1;
	v21 =	vld.idx.msk [tilespmem:v21+s13+$0x0], $0xffff  }
0x27: {  	v20 =	vld.idx.msk [tilespmem:v20+s13+$0x0], $0xffff  }
0x28: {  	v23 =	vor.u32 v12, v22  }
0x29: {  	v22 =	vor.u32 v16, v22;
	_ =	sdelay $0x1  }
0x2a: {  	[tilespmem:s28+$0xFFFFFC00] =	vst v21  }
0x2b: {  	[tilespmem:s28+$0xFFFFFC10] =	vst v20;
	v20 =	vshll.u32 v19, v2  }
0x2c: {  	v21 =	vld.idx.msk [tilespmem:v23+s13+$0x0], $0xffff;
	v20 =	vbroadcast v20, $0x2  }
0x2d: {  	v22 =	vld.idx.msk [tilespmem:v22+s13+$0x0], $0xffff  }
0x2e: {  	v55 =	vor.u32 v12, v20  }
0x2f: {  	v20 =	vor.u32 v16, v20;
	_ =	sdelay $0x1  }
0x30: {  	[tilespmem:s28+$0xFFFFFC80] =	vst v21  }
0x31: {  	v56 =	vshll.u32 v19, v3;
	[tilespmem:s28+$0xFFFFFC90] =	vst v22  }
0x32: {  	v21 =	vbroadcast v56, $0x3;
	v22 =	vld.idx.msk [tilespmem:v55+s13+$0x0], $0xffff  }
0x33: {  	v20 =	vld.idx.msk [tilespmem:v20+s13+$0x0], $0xffff  }
0x34: {  	v57 =	vor.u32 v12, v21  }
0x35: {  	v21 =	vor.u32 v16, v21;
	_ =	sdelay $0x1  }
0x36: {  	[tilespmem:s28+$0xFFFFFD00] =	vst v22  }
0x37: {  	[tilespmem:s28+$0xFFFFFD10] =	vst v20;
	v20 =	vshll.u32 v19, v4  }
0x38: {  	v22 =	vld.idx.msk [tilespmem:v57+s13+$0x0], $0xffff;
	v20 =	vbroadcast v20, $0x4  }
0x39: {  	v21 =	vld.idx.msk [tilespmem:v21+s13+$0x0], $0xffff  }
0x3a: {  	v58 =	vor.u32 v12, v20  }
0x3b: {  	v20 =	vor.u32 v16, v20;
	_ =	sdelay $0x1  }
0x3c: {  	[tilespmem:s28+$0xFFFFFD80] =	vst v22  }
0x3d: {  	v59 =	vshll.u32 v19, v5;
	[tilespmem:s28+$0xFFFFFD90] =	vst v21  }
0x3e: {  	v21 =	vbroadcast v59, $0x5;
	v22 =	vld.idx.msk [tilespmem:v58+s13+$0x0], $0xffff  }
0x3f: {  	v20 =	vld.idx.msk [tilespmem:v20+s13+$0x0], $0xffff  }
0x40: {  	v60 =	vor.u32 v12, v21  }
0x41: {  	v21 =	vor.u32 v16, v21;
	_ =	sdelay $0x1  }
0x42: {  	[tilespmem:s28+$0xFFFFFE00] =	vst v22  }
0x43: {  	[tilespmem:s28+$0xFFFFFE10] =	vst v20;
	v20 =	vshll.u32 v19, v6  }
0x44: {  	v22 =	vld.idx.msk [tilespmem:v60+s13+$0x0], $0xffff;
	v20 =	vbroadcast v20, $0x6  }
0x45: {  	v21 =	vld.idx.msk [tilespmem:v21+s13+$0x0], $0xffff  }
0x46: {  	v61 =	vor.u32 v12, v20  }
0x47: {  	v20 =	vor.u32 v16, v20;
	_ =	sdelay $0x1  }
0x48: {  	[tilespmem:s28+$0xFFFFFE80] =	vst v22  }
0x49: {  	v62 =	vshll.u32 v19, v7;
	[tilespmem:s28+$0xFFFFFE90] =	vst v21  }
0x4a: {  	v21 =	vbroadcast v62, $0x7;
	v22 =	vld.idx.msk [tilespmem:v61+s13+$0x0], $0xffff  }
0x4b: {  	v20 =	vld.idx.msk [tilespmem:v20+s13+$0x0], $0xffff  }
0x4c: {  	v63 =	vor.u32 v12, v21  }
0x4d: {  	v21 =	vor.u32 v16, v21;
	_ =	sdelay $0x1  }
0x4e: {  	[tilespmem:s28+$0xFFFFFF00] =	vst v22  }
0x4f: {  	[tilespmem:s28+$0xFFFFFF10] =	vst v20;
	v20 =	vshll.u32 v19, v8  }
0x50: {  	v22 =	vld.idx.msk [tilespmem:v63+s13+$0x0], $0xffff;
	v20 =	vbroadcast v20, $0x8  }
0x51: {  	v21 =	vld.idx.msk [tilespmem:v21+s13+$0x0], $0xffff  }
0x52: {  	v24 =	vor.u32 v12, v20  }
0x53: {  	v20 =	vor.u32 v16, v20;
	_ =	sdelay $0x1  }
0x54: {  	[tilespmem:s28+$0xFFFFFF80] =	vst v22  }
0x55: {  	v25 =	vshll.u32 v19, v9;
	[tilespmem:s28+$0xFFFFFF90] =	vst v21  }
0x56: {  	v21 =	vbroadcast v25, $0x9;
	v22 =	vld.idx.msk [tilespmem:v24+s13+$0x0], $0xffff  }
0x57: {  	v20 =	vld.idx.msk [tilespmem:v20+s13+$0x0], $0xffff  }
0x58: {  	v26 =	vor.u32 v12, v21  }
0x59: {  	v21 =	vor.u32 v16, v21;
	_ =	sdelay $0x1  }
0x5a: {  	[tilespmem:s28+$0x0] =	vst v22  }
0x5b: {  	[tilespmem:s28+$0x10] =	vst v20;
	v20 =	vshll.u32 v19, v10  }
0x5c: {  	v22 =	vld.idx.msk [tilespmem:v26+s13+$0x0], $0xffff;
	v20 =	vbroadcast v20, $0xA  }
0x5d: {  	v21 =	vld.idx.msk [tilespmem:v21+s13+$0x0], $0xffff  }
0x5e: {  	v27 =	vor.u32 v12, v20  }
0x5f: {  	v20 =	vor.u32 v16, v20;
	_ =	sdelay $0x1  }
0x60: {  	[tilespmem:s28+$0x80] =	vst v22  }
0x61: {  	v28 =	vshll.u32 v19, v11;
	[tilespmem:s28+$0x90] =	vst v21  }
0x62: {  	v21 =	vbroadcast v28, $0xB;
	v22 =	vld.idx.msk [tilespmem:v27+s13+$0x0], $0xffff  }
0x63: {  	v20 =	vld.idx.msk [tilespmem:v20+s13+$0x0], $0xffff  }
0x64: {  	v29 =	vor.u32 v12, v21  }
0x65: {  	v21 =	vor.u32 v16, v21;
	_ =	sdelay $0x1  }
0x66: {  	[tilespmem:s28+$0x100] =	vst v22  }
0x67: {  	[tilespmem:s28+$0x110] =	vst v20;
	v20 =	vshll.u32 v19, v13  }
0x68: {  	v22 =	vld.idx.msk [tilespmem:v29+s13+$0x0], $0xffff;
	v20 =	vbroadcast v20, $0xC  }
0x69: {  	v21 =	vld.idx.msk [tilespmem:v21+s13+$0x0], $0xffff  }
0x6a: {  	v30 =	vor.u32 v12, v20  }
0x6b: {  	v20 =	vor.u32 v16, v20;
	_ =	sdelay $0x1  }
0x6c: {  	[tilespmem:s28+$0x180] =	vst v22  }
0x6d: {  	v31 =	vshll.u32 v19, v14;
	[tilespmem:s28+$0x190] =	vst v21  }
0x6e: {  	v21 =	vbroadcast v31, $0xD;
	v22 =	vld.idx.msk [tilespmem:v30+s13+$0x0], $0xffff  }
0x6f: {  	v20 =	vld.idx.msk [tilespmem:v20+s13+$0x0], $0xffff  }
0x70: {  	v32 =	vor.u32 v12, v21  }
0x71: {  	v21 =	vor.u32 v16, v21;
	_ =	sdelay $0x1  }
0x72: {  	[tilespmem:s28+$0x200] =	vst v22  }
0x73: {  	[tilespmem:s28+$0x210] =	vst v20;
	v20 =	vshll.u32 v19, v15  }
0x74: {  	v22 =	vld.idx.msk [tilespmem:v32+s13+$0x0], $0xffff;
	v20 =	vbroadcast v20, $0xE  }
0x75: {  	v21 =	vld.idx.msk [tilespmem:v21+s13+$0x0], $0xffff  }
0x76: {  	v33 =	vor.u32 v12, v20  }
0x77: {  	v20 =	vor.u32 v16, v20;
	_ =	sdelay $0x1  }
0x78: {  	[tilespmem:s28+$0x280] =	vst v22  }
0x79: {  	v19 =	vshll.u32 v19, v17;
	[tilespmem:s28+$0x290] =	vst v21  }
0x7a: {  	v19 =	vbroadcast v19, $0xF;
	v21 =	vld.idx.msk [tilespmem:v33+s13+$0x0], $0xffff  }
0x7b: {  	v20 =	vld.idx.msk [tilespmem:v20+s13+$0x0], $0xffff  }
0x7c: {  	v34 =	vor.u32 v12, v19  }
0x7d: {  	v19 =	vor.u32 v16, v19;
	_ =	sdelay $0x1  }
0x7e: {  	[tilespmem:s28+$0x300] =	vst v21  }
0x7f: {  	[tilespmem:s28+$0x310] =	vst v20  }
0x80: {  	v20 =	vld.idx.msk [tilespmem:v34+s13+$0x0], $0xffff  }
0x81: {  	v19 =	vld.idx.msk [tilespmem:v19+s13+$0x0], $0xffff;
	_ =	sdelay $0x3  }
0x82: {  	[tilespmem:s28+$0x380] =	vst v20  }
0x83: {  	[tilespmem:s28+$0x390] =	vst v19  }
0x84: {  	v19 =	vld.idx.msk [tilespmem:v18+s29+$0x3200 ss:$0x1], $0xffff;
	_ =	sdelay $0x4  }
0x85: {  	v19 =	vadd.s32 $0x38, v19  }
0x86: {  	v20 =	vshll.u32 v19, v0  }
0x87: {  	v20 =	vbroadcast v20, $0x0;
	_ =	sdelay $0x1  }
0x88: {  	v35 =	vor.u32 v12, v20  }
0x89: {  	v20 =	vor.u32 v16, v20;
	_ =	sdelay $0x2  }
0x8a: {  	v36 =	vshll.u32 v19, v1  }
0x8b: {  	v22 =	vbroadcast v36, $0x1;
	v21 =	vld.idx.msk [tilespmem:v35+s13+$0x0], $0xffff  }
0x8c: {  	v20 =	vld.idx.msk [tilespmem:v20+s13+$0x0], $0xffff  }
0x8d: {  	v37 =	vor.u32 v12, v22  }
0x8e: {  	v22 =	vor.u32 v16, v22;
	_ =	sdelay $0x1  }
0x8f: {  	[tilespmem:s28+$0xFFFFFC20] =	vst v21  }
0x90: {  	[tilespmem:s28+$0xFFFFFC30] =	vst v20;
	v20 =	vshll.u32 v19, v2  }
0x91: {  	v21 =	vld.idx.msk [tilespmem:v37+s13+$0x0], $0xffff;
	v20 =	vbroadcast v20, $0x2  }
0x92: {  	v22 =	vld.idx.msk [tilespmem:v22+s13+$0x0], $0xffff  }
0x93: {  	v38 =	vor.u32 v12, v20  }
0x94: {  	v20 =	vor.u32 v16, v20;
	_ =	sdelay $0x1  }
0x95: {  	[tilespmem:s28+$0xFFFFFCA0] =	vst v21  }
0x96: {  	v39 =	vshll.u32 v19, v3;
	[tilespmem:s28+$0xFFFFFCB0] =	vst v22  }
0x97: {  	v21 =	vbroadcast v39, $0x3;
	v22 =	vld.idx.msk [tilespmem:v38+s13+$0x0], $0xffff  }
0x98: {  	v20 =	vld.idx.msk [tilespmem:v20+s13+$0x0], $0xffff  }
0x99: {  	v40 =	vor.u32 v12, v21  }
0x9a: {  	v21 =	vor.u32 v16, v21;
	_ =	sdelay $0x1  }
0x9b: {  	[tilespmem:s28+$0xFFFFFD20] =	vst v22  }
0x9c: {  	[tilespmem:s28+$0xFFFFFD30] =	vst v20;
	v20 =	vshll.u32 v19, v4  }
0x9d: {  	v22 =	vld.idx.msk [tilespmem:v40+s13+$0x0], $0xffff;
	v20 =	vbroadcast v20, $0x4  }
0x9e: {  	v21 =	vld.idx.msk [tilespmem:v21+s13+$0x0], $0xffff  }
0x9f: {  	v41 =	vor.u32 v12, v20  }
0xa0: {  	v20 =	vor.u32 v16, v20;
	_ =	sdelay $0x1  }
0xa1: {  	[tilespmem:s28+$0xFFFFFDA0] =	vst v22  }
0xa2: {  	v42 =	vshll.u32 v19, v5;
	[tilespmem:s28+$0xFFFFFDB0] =	vst v21  }
0xa3: {  	v21 =	vbroadcast v42, $0x5;
	v22 =	vld.idx.msk [tilespmem:v41+s13+$0x0], $0xffff  }
0xa4: {  	v20 =	vld.idx.msk [tilespmem:v20+s13+$0x0], $0xffff  }
0xa5: {  	v43 =	vor.u32 v12, v21  }
0xa6: {  	v21 =	vor.u32 v16, v21;
	_ =	sdelay $0x1  }
0xa7: {  	[tilespmem:s28+$0xFFFFFE20] =	vst v22  }
0xa8: {  	[tilespmem:s28+$0xFFFFFE30] =	vst v20;
	v20 =	vshll.u32 v19, v6  }
0xa9: {  	v22 =	vld.idx.msk [tilespmem:v43+s13+$0x0], $0xffff;
	v20 =	vbroadcast v20, $0x6  }
0xaa: {  	v21 =	vld.idx.msk [tilespmem:v21+s13+$0x0], $0xffff  }
0xab: {  	v44 =	vor.u32 v12, v20  }
0xac: {  	v20 =	vor.u32 v16, v20;
	_ =	sdelay $0x1  }
0xad: {  	[tilespmem:s28+$0xFFFFFEA0] =	vst v22  }
0xae: {  	v45 =	vshll.u32 v19, v7;
	[tilespmem:s28+$0xFFFFFEB0] =	vst v21  }
0xaf: {  	v21 =	vbroadcast v45, $0x7;
	v22 =	vld.idx.msk [tilespmem:v44+s13+$0x0], $0xffff  }
0xb0: {  	v20 =	vld.idx.msk [tilespmem:v20+s13+$0x0], $0xffff  }
0xb1: {  	v46 =	vor.u32 v12, v21  }
0xb2: {  	v21 =	vor.u32 v16, v21;
	_ =	sdelay $0x1  }
0xb3: {  	[tilespmem:s28+$0xFFFFFF20] =	vst v22  }
0xb4: {  	[tilespmem:s28+$0xFFFFFF30] =	vst v20;
	v20 =	vshll.u32 v19, v8  }
0xb5: {  	v22 =	vld.idx.msk [tilespmem:v46+s13+$0x0], $0xffff;
	v20 =	vbroadcast v20, $0x8  }
0xb6: {  	v21 =	vld.idx.msk [tilespmem:v21+s13+$0x0], $0xffff  }
0xb7: {  	v47 =	vor.u32 v12, v20  }
0xb8: {  	v20 =	vor.u32 v16, v20;
	_ =	sdelay $0x1  }
0xb9: {  	[tilespmem:s28+$0xFFFFFFA0] =	vst v22  }
0xba: {  	v48 =	vshll.u32 v19, v9;
	[tilespmem:s28+$0xFFFFFFB0] =	vst v21  }
0xbb: {  	v21 =	vbroadcast v48, $0x9;
	v22 =	vld.idx.msk [tilespmem:v47+s13+$0x0], $0xffff  }
0xbc: {  	v20 =	vld.idx.msk [tilespmem:v20+s13+$0x0], $0xffff  }
0xbd: {  	v49 =	vor.u32 v12, v21  }
0xbe: {  	v21 =	vor.u32 v16, v21;
	_ =	sdelay $0x1  }
0xbf: {  	[tilespmem:s28+$0x20] =	vst v22  }
0xc0: {  	[tilespmem:s28+$0x30] =	vst v20;
	v20 =	vshll.u32 v19, v10  }
0xc1: {  	v22 =	vld.idx.msk [tilespmem:v49+s13+$0x0], $0xffff;
	v20 =	vbroadcast v20, $0xA  }
0xc2: {  	v21 =	vld.idx.msk [tilespmem:v21+s13+$0x0], $0xffff  }
0xc3: {  	v50 =	vor.u32 v12, v20  }
0xc4: {  	v20 =	vor.u32 v16, v20;
	_ =	sdelay $0x1  }
0xc5: {  	[tilespmem:s28+$0xA0] =	vst v22  }
0xc6: {  	v51 =	vshll.u32 v19, v11;
	[tilespmem:s28+$0xB0] =	vst v21  }
0xc7: {  	v21 =	vbroadcast v51, $0xB;
	v22 =	vld.idx.msk [tilespmem:v50+s13+$0x0], $0xffff  }
0xc8: {  	v20 =	vld.idx.msk [tilespmem:v20+s13+$0x0], $0xffff  }
0xc9: {  	v52 =	vor.u32 v12, v21  }
0xca: {  	v21 =	vor.u32 v16, v21;
	_ =	sdelay $0x1  }
0xcb: {  	[tilespmem:s28+$0x120] =	vst v22  }
0xcc: {  	[tilespmem:s28+$0x130] =	vst v20;
	v20 =	vshll.u32 v19, v13  }
0xcd: {  	v22 =	vld.idx.msk [tilespmem:v52+s13+$0x0], $0xffff;
	v20 =	vbroadcast v20, $0xC  }
0xce: {  	v21 =	vld.idx.msk [tilespmem:v21+s13+$0x0], $0xffff  }
0xcf: {  	v53 =	vor.u32 v12, v20  }
0xd0: {  	v20 =	vor.u32 v16, v20;
	_ =	sdelay $0x1  }
0xd1: {  	[tilespmem:s28+$0x1A0] =	vst v22  }
0xd2: {  	v54 =	vshll.u32 v19, v14;
	[tilespmem:s28+$0x1B0] =	vst v21  }
0xd3: {  	v21 =	vbroadcast v54, $0xD;
	v22 =	vld.idx.msk [tilespmem:v53+s13+$0x0], $0xffff  }
0xd4: {  	v20 =	vld.idx.msk [tilespmem:v20+s13+$0x0], $0xffff  }
0xd5: {  	v55 =	vor.u32 v12, v21  }
0xd6: {  	v21 =	vor.u32 v16, v21;
	_ =	sdelay $0x1  }
0xd7: {  	[tilespmem:s28+$0x220] =	vst v22  }
0xd8: {  	[tilespmem:s28+$0x230] =	vst v20;
	v20 =	vshll.u32 v19, v15  }
0xd9: {  	v22 =	vld.idx.msk [tilespmem:v55+s13+$0x0], $0xffff;
	v20 =	vbroadcast v20, $0xE  }
0xda: {  	v21 =	vld.idx.msk [tilespmem:v21+s13+$0x0], $0xffff  }
0xdb: {  	v56 =	vor.u32 v12, v20  }
0xdc: {  	v20 =	vor.u32 v16, v20;
	_ =	sdelay $0x1  }
0xdd: {  	[tilespmem:s28+$0x2A0] =	vst v22  }
0xde: {  	v19 =	vshll.u32 v19, v17;
	[tilespmem:s28+$0x2B0] =	vst v21  }
0xdf: {  	v19 =	vbroadcast v19, $0xF;
	v21 =	vld.idx.msk [tilespmem:v56+s13+$0x0], $0xffff  }
0xe0: {  	v20 =	vld.idx.msk [tilespmem:v20+s13+$0x0], $0xffff  }
0xe1: {  	v57 =	vor.u32 v12, v19  }
0xe2: {  	v19 =	vor.u32 v16, v19;
	_ =	sdelay $0x1  }
0xe3: {  	[tilespmem:s28+$0x320] =	vst v21  }
0xe4: {  	[tilespmem:s28+$0x330] =	vst v20  }
0xe5: {  	v20 =	vld.idx.msk [tilespmem:v57+s13+$0x0], $0xffff  }
0xe6: {  	v19 =	vld.idx.msk [tilespmem:v19+s13+$0x0], $0xffff;
	_ =	sdelay $0x3  }
0xe7: {  	[tilespmem:s28+$0x3A0] =	vst v20  }
0xe8: {  	[tilespmem:s28+$0x3B0] =	vst v19  }
0xe9: {  	v19 =	vld.idx.msk [tilespmem:v18+s29+$0x4B00 ss:$0x1], $0xffff;
	_ =	sdelay $0x4  }
0xea: {  	v19 =	vadd.s32 $0x50, v19  }
0xeb: {  	v20 =	vshll.u32 v19, v0  }
0xec: {  	v20 =	vbroadcast v20, $0x0;
	_ =	sdelay $0x1  }
0xed: {  	v58 =	vor.u32 v12, v20  }
0xee: {  	v20 =	vor.u32 v16, v20;
	_ =	sdelay $0x2  }
0xef: {  	v59 =	vshll.u32 v19, v1  }
0xf0: {  	v22 =	vbroadcast v59, $0x1;
	v21 =	vld.idx.msk [tilespmem:v58+s13+$0x0], $0xffff  }
0xf1: {  	v20 =	vld.idx.msk [tilespmem:v20+s13+$0x0], $0xffff  }
0xf2: {  	v60 =	vor.u32 v12, v22  }
0xf3: {  	v22 =	vor.u32 v16, v22;
	_ =	sdelay $0x1  }
0xf4: {  	[tilespmem:s28+$0xFFFFFC40] =	vst v21  }
0xf5: {  	[tilespmem:s28+$0xFFFFFC50] =	vst v20;
	v20 =	vshll.u32 v19, v2  }
0xf6: {  	v21 =	vld.idx.msk [tilespmem:v60+s13+$0x0], $0xffff;
	v20 =	vbroadcast v20, $0x2  }
0xf7: {  	v22 =	vld.idx.msk [tilespmem:v22+s13+$0x0], $0xffff  }
0xf8: {  	v61 =	vor.u32 v12, v20  }
0xf9: {  	v20 =	vor.u32 v16, v20;
	_ =	sdelay $0x1  }
0xfa: {  	[tilespmem:s28+$0xFFFFFCC0] =	vst v21  }
0xfb: {  	v62 =	vshll.u32 v19, v3;
	[tilespmem:s28+$0xFFFFFCD0] =	vst v22  }
0xfc: {  	v21 =	vbroadcast v62, $0x3;
	v22 =	vld.idx.msk [tilespmem:v61+s13+$0x0], $0xffff  }
0xfd: {  	v20 =	vld.idx.msk [tilespmem:v20+s13+$0x0], $0xffff  }
0xfe: {  	v63 =	vor.u32 v12, v21  }
0xff: {  	v21 =	vor.u32 v16, v21;
	_ =	sdelay $0x1  }
0x100: {  	[tilespmem:s28+$0xFFFFFD40] =	vst v22  }
0x101: {  	[tilespmem:s28+$0xFFFFFD50] =	vst v20;
	v20 =	vshll.u32 v19, v4  }
0x102: {  	v22 =	vld.idx.msk [tilespmem:v63+s13+$0x0], $0xffff;
	v20 =	vbroadcast v20, $0x4  }
0x103: {  	v21 =	vld.idx.msk [tilespmem:v21+s13+$0x0], $0xffff  }
0x104: {  	v24 =	vor.u32 v12, v20  }
0x105: {  	v20 =	vor.u32 v16, v20;
	_ =	sdelay $0x1  }
0x106: {  	[tilespmem:s28+$0xFFFFFDC0] =	vst v22  }
0x107: {  	v25 =	vshll.u32 v19, v5;
	[tilespmem:s28+$0xFFFFFDD0] =	vst v21  }
0x108: {  	v21 =	vbroadcast v25, $0x5;
	v22 =	vld.idx.msk [tilespmem:v24+s13+$0x0], $0xffff  }
0x109: {  	v20 =	vld.idx.msk [tilespmem:v20+s13+$0x0], $0xffff  }
0x10a: {  	v26 =	vor.u32 v12, v21  }
0x10b: {  	v21 =	vor.u32 v16, v21;
	_ =	sdelay $0x1  }
0x10c: {  	[tilespmem:s28+$0xFFFFFE40] =	vst v22  }
0x10d: {  	[tilespmem:s28+$0xFFFFFE50] =	vst v20;
	v20 =	vshll.u32 v19, v6  }
0x10e: {  	v22 =	vld.idx.msk [tilespmem:v26+s13+$0x0], $0xffff;
	v20 =	vbroadcast v20, $0x6  }
0x10f: {  	v21 =	vld.idx.msk [tilespmem:v21+s13+$0x0], $0xffff  }
0x110: {  	v27 =	vor.u32 v12, v20  }
0x111: {  	v20 =	vor.u32 v16, v20;
	_ =	sdelay $0x1  }
0x112: {  	[tilespmem:s28+$0xFFFFFEC0] =	vst v22  }
0x113: {  	v28 =	vshll.u32 v19, v7;
	[tilespmem:s28+$0xFFFFFED0] =	vst v21  }
0x114: {  	v21 =	vbroadcast v28, $0x7;
	v22 =	vld.idx.msk [tilespmem:v27+s13+$0x0], $0xffff  }
0x115: {  	v20 =	vld.idx.msk [tilespmem:v20+s13+$0x0], $0xffff  }
0x116: {  	v29 =	vor.u32 v12, v21  }
0x117: {  	v21 =	vor.u32 v16, v21;
	_ =	sdelay $0x1  }
0x118: {  	[tilespmem:s28+$0xFFFFFF40] =	vst v22  }
0x119: {  	[tilespmem:s28+$0xFFFFFF50] =	vst v20;
	v20 =	vshll.u32 v19, v8  }
0x11a: {  	v22 =	vld.idx.msk [tilespmem:v29+s13+$0x0], $0xffff;
	v20 =	vbroadcast v20, $0x8  }
0x11b: {  	v21 =	vld.idx.msk [tilespmem:v21+s13+$0x0], $0xffff  }
0x11c: {  	v30 =	vor.u32 v12, v20  }
0x11d: {  	v20 =	vor.u32 v16, v20;
	_ =	sdelay $0x1  }
0x11e: {  	[tilespmem:s28+$0xFFFFFFC0] =	vst v22  }
0x11f: {  	v31 =	vshll.u32 v19, v9;
	[tilespmem:s28+$0xFFFFFFD0] =	vst v21  }
0x120: {  	v21 =	vbroadcast v31, $0x9;
	v22 =	vld.idx.msk [tilespmem:v30+s13+$0x0], $0xffff  }
0x121: {  	v20 =	vld.idx.msk [tilespmem:v20+s13+$0x0], $0xffff  }
0x122: {  	v32 =	vor.u32 v12, v21  }
0x123: {  	v21 =	vor.u32 v16, v21;
	_ =	sdelay $0x1  }
0x124: {  	[tilespmem:s28+$0x40] =	vst v22  }
0x125: {  	[tilespmem:s28+$0x50] =	vst v20;
	v20 =	vshll.u32 v19, v10  }
0x126: {  	v22 =	vld.idx.msk [tilespmem:v32+s13+$0x0], $0xffff;
	v20 =	vbroadcast v20, $0xA  }
0x127: {  	v21 =	vld.idx.msk [tilespmem:v21+s13+$0x0], $0xffff  }
0x128: {  	v33 =	vor.u32 v12, v20  }
0x129: {  	v20 =	vor.u32 v16, v20;
	_ =	sdelay $0x1  }
0x12a: {  	[tilespmem:s28+$0xC0] =	vst v22  }
0x12b: {  	v34 =	vshll.u32 v19, v11;
	[tilespmem:s28+$0xD0] =	vst v21  }
0x12c: {  	v21 =	vbroadcast v34, $0xB;
	v22 =	vld.idx.msk [tilespmem:v33+s13+$0x0], $0xffff  }
0x12d: {  	v20 =	vld.idx.msk [tilespmem:v20+s13+$0x0], $0xffff  }
0x12e: {  	v35 =	vor.u32 v12, v21  }
0x12f: {  	v21 =	vor.u32 v16, v21;
	_ =	sdelay $0x1  }
0x130: {  	[tilespmem:s28+$0x140] =	vst v22  }
0x131: {  	[tilespmem:s28+$0x150] =	vst v20;
	v20 =	vshll.u32 v19, v13  }
0x132: {  	v22 =	vld.idx.msk [tilespmem:v35+s13+$0x0], $0xffff;
	v20 =	vbroadcast v20, $0xC  }
0x133: {  	v21 =	vld.idx.msk [tilespmem:v21+s13+$0x0], $0xffff  }
0x134: {  	v36 =	vor.u32 v12, v20  }
0x135: {  	v20 =	vor.u32 v16, v20;
	_ =	sdelay $0x1  }
0x136: {  	[tilespmem:s28+$0x1C0] =	vst v22  }
0x137: {  	v37 =	vshll.u32 v19, v14;
	[tilespmem:s28+$0x1D0] =	vst v21  }
0x138: {  	v21 =	vbroadcast v37, $0xD;
	v22 =	vld.idx.msk [tilespmem:v36+s13+$0x0], $0xffff  }
0x139: {  	v20 =	vld.idx.msk [tilespmem:v20+s13+$0x0], $0xffff  }
0x13a: {  	v38 =	vor.u32 v12, v21  }
0x13b: {  	v21 =	vor.u32 v16, v21;
	_ =	sdelay $0x1  }
0x13c: {  	[tilespmem:s28+$0x240] =	vst v22  }
0x13d: {  	[tilespmem:s28+$0x250] =	vst v20;
	v20 =	vshll.u32 v19, v15  }
0x13e: {  	v22 =	vld.idx.msk [tilespmem:v38+s13+$0x0], $0xffff;
	v20 =	vbroadcast v20, $0xE  }
0x13f: {  	v21 =	vld.idx.msk [tilespmem:v21+s13+$0x0], $0xffff  }
0x140: {  	v39 =	vor.u32 v12, v20  }
0x141: {  	v20 =	vor.u32 v16, v20;
	_ =	sdelay $0x1  }
0x142: {  	[tilespmem:s28+$0x2C0] =	vst v22  }
0x143: {  	v19 =	vshll.u32 v19, v17;
	[tilespmem:s28+$0x2D0] =	vst v21  }
0x144: {  	v19 =	vbroadcast v19, $0xF;
	v21 =	vld.idx.msk [tilespmem:v39+s13+$0x0], $0xffff  }
0x145: {  	v20 =	vld.idx.msk [tilespmem:v20+s13+$0x0], $0xffff  }
0x146: {  	v40 =	vor.u32 v12, v19  }
0x147: {  	v19 =	vor.u32 v16, v19;
	_ =	sdelay $0x1  }
0x148: {  	[tilespmem:s28+$0x340] =	vst v21  }
0x149: {  	[tilespmem:s28+$0x350] =	vst v20  }
0x14a: {  	v20 =	vld.idx.msk [tilespmem:v40+s13+$0x0], $0xffff  }
0x14b: {  	v19 =	vld.idx.msk [tilespmem:v19+s13+$0x0], $0xffff;
	_ =	sdelay $0x3  }
0x14c: {  	[tilespmem:s28+$0x3C0] =	vst v20  }
0x14d: {  	[tilespmem:s28+$0x3D0] =	vst v19  }
0x14e: {  	v19 =	vld.idx.msk [tilespmem:v18+s29+$0x6400 ss:$0x1], $0xffff;
	_ =	sdelay $0x4  }
0x14f: {  	v19 =	vadd.s32 $0x80, v19  }
0x150: {  	v20 =	vshll.u32 v19, v0  }
0x151: {  	v20 =	vbroadcast v20, $0x0;
	_ =	sdelay $0x1  }
0x152: {  	v41 =	vor.u32 v12, v20  }
0x153: {  	v20 =	vor.u32 v16, v20;
	_ =	sdelay $0x2  }
0x154: {  	v42 =	vshll.u32 v19, v1  }
0x155: {  	v22 =	vbroadcast v42, $0x1;
	v21 =	vld.idx.msk [tilespmem:v41+s13+$0x0], $0xffff  }
0x156: {  	v20 =	vld.idx.msk [tilespmem:v20+s13+$0x0], $0xffff  }
0x157: {  	v43 =	vor.u32 v12, v22  }
0x158: {  	v22 =	vor.u32 v16, v22;
	_ =	sdelay $0x1  }
0x159: {  	[tilespmem:s28+$0xFFFFFC60] =	vst v21  }
0x15a: {  	[tilespmem:s28+$0xFFFFFC70] =	vst v20;
	v20 =	vshll.u32 v19, v2  }
0x15b: {  	v21 =	vld.idx.msk [tilespmem:v43+s13+$0x0], $0xffff;
	v20 =	vbroadcast v20, $0x2  }
0x15c: {  	v22 =	vld.idx.msk [tilespmem:v22+s13+$0x0], $0xffff  }
0x15d: {  	v44 =	vor.u32 v12, v20  }
0x15e: {  	v20 =	vor.u32 v16, v20;
	_ =	sdelay $0x1  }
0x15f: {  	[tilespmem:s28+$0xFFFFFCE0] =	vst v21  }
0x160: {  	v45 =	vshll.u32 v19, v3;
	[tilespmem:s28+$0xFFFFFCF0] =	vst v22  }
0x161: {  	v21 =	vbroadcast v45, $0x3;
	v22 =	vld.idx.msk [tilespmem:v44+s13+$0x0], $0xffff  }
0x162: {  	v20 =	vld.idx.msk [tilespmem:v20+s13+$0x0], $0xffff  }
0x163: {  	v46 =	vor.u32 v12, v21  }
0x164: {  	v21 =	vor.u32 v16, v21;
	_ =	sdelay $0x1  }
0x165: {  	[tilespmem:s28+$0xFFFFFD60] =	vst v22  }
0x166: {  	[tilespmem:s28+$0xFFFFFD70] =	vst v20;
	v20 =	vshll.u32 v19, v4  }
0x167: {  	v22 =	vld.idx.msk [tilespmem:v46+s13+$0x0], $0xffff;
	v20 =	vbroadcast v20, $0x4  }
0x168: {  	v21 =	vld.idx.msk [tilespmem:v21+s13+$0x0], $0xffff  }
0x169: {  	v47 =	vor.u32 v12, v20  }
0x16a: {  	v20 =	vor.u32 v16, v20;
	_ =	sdelay $0x1  }
0x16b: {  	[tilespmem:s28+$0xFFFFFDE0] =	vst v22  }
0x16c: {  	v48 =	vshll.u32 v19, v5;
	[tilespmem:s28+$0xFFFFFDF0] =	vst v21  }
0x16d: {  	v21 =	vbroadcast v48, $0x5;
	v22 =	vld.idx.msk [tilespmem:v47+s13+$0x0], $0xffff  }
0x16e: {  	v20 =	vld.idx.msk [tilespmem:v20+s13+$0x0], $0xffff  }
0x16f: {  	v49 =	vor.u32 v12, v21  }
0x170: {  	v21 =	vor.u32 v16, v21;
	_ =	sdelay $0x1  }
0x171: {  	[tilespmem:s28+$0xFFFFFE60] =	vst v22  }
0x172: {  	[tilespmem:s28+$0xFFFFFE70] =	vst v20;
	v20 =	vshll.u32 v19, v6  }
0x173: {  	v22 =	vld.idx.msk [tilespmem:v49+s13+$0x0], $0xffff;
	v20 =	vbroadcast v20, $0x6  }
0x174: {  	v21 =	vld.idx.msk [tilespmem:v21+s13+$0x0], $0xffff  }
0x175: {  	v50 =	vor.u32 v12, v20  }
0x176: {  	v20 =	vor.u32 v16, v20;
	_ =	sdelay $0x1  }
0x177: {  	[tilespmem:s28+$0xFFFFFEE0] =	vst v22  }
0x178: {  	v51 =	vshll.u32 v19, v7;
	[tilespmem:s28+$0xFFFFFEF0] =	vst v21  }
0x179: {  	v21 =	vbroadcast v51, $0x7;
	v22 =	vld.idx.msk [tilespmem:v50+s13+$0x0], $0xffff  }
0x17a: {  	v20 =	vld.idx.msk [tilespmem:v20+s13+$0x0], $0xffff  }
0x17b: {  	v52 =	vor.u32 v12, v21  }
0x17c: {  	v21 =	vor.u32 v16, v21;
	_ =	sdelay $0x1  }
0x17d: {  	[tilespmem:s28+$0xFFFFFF60] =	vst v22  }
0x17e: {  	[tilespmem:s28+$0xFFFFFF70] =	vst v20;
	v20 =	vshll.u32 v19, v8  }
0x17f: {  	v22 =	vld.idx.msk [tilespmem:v52+s13+$0x0], $0xffff;
	v20 =	vbroadcast v20, $0x8  }
0x180: {  	v21 =	vld.idx.msk [tilespmem:v21+s13+$0x0], $0xffff  }
0x181: {  	v53 =	vor.u32 v12, v20  }
0x182: {  	v20 =	vor.u32 v16, v20;
	_ =	sdelay $0x1  }
0x183: {  	[tilespmem:s28+$0xFFFFFFE0] =	vst v22  }
0x184: {  	v54 =	vshll.u32 v19, v9;
	[tilespmem:s28+$0xFFFFFFF0] =	vst v21  }
0x185: {  	v21 =	vbroadcast v54, $0x9;
	v22 =	vld.idx.msk [tilespmem:v53+s13+$0x0], $0xffff  }
0x186: {  	v20 =	vld.idx.msk [tilespmem:v20+s13+$0x0], $0xffff  }
0x187: {  	v55 =	vor.u32 v12, v21  }
0x188: {  	v21 =	vor.u32 v16, v21;
	_ =	sdelay $0x1  }
0x189: {  	[tilespmem:s28+$0x60] =	vst v22  }
0x18a: {  	[tilespmem:s28+$0x70] =	vst v20;
	v20 =	vshll.u32 v19, v10  }
0x18b: {  	v22 =	vld.idx.msk [tilespmem:v55+s13+$0x0], $0xffff;
	v20 =	vbroadcast v20, $0xA  }
0x18c: {  	v21 =	vld.idx.msk [tilespmem:v21+s13+$0x0], $0xffff  }
0x18d: {  	v56 =	vor.u32 v12, v20  }
0x18e: {  	v20 =	vor.u32 v16, v20;
	_ =	sdelay $0x1  }
0x18f: {  	[tilespmem:s28+$0xE0] =	vst v22  }
0x190: {  	v57 =	vshll.u32 v19, v11;
	[tilespmem:s28+$0xF0] =	vst v21  }
0x191: {  	v21 =	vbroadcast v57, $0xB;
	v22 =	vld.idx.msk [tilespmem:v56+s13+$0x0], $0xffff  }
0x192: {  	v20 =	vld.idx.msk [tilespmem:v20+s13+$0x0], $0xffff  }
0x193: {  	v58 =	vor.u32 v12, v21  }
0x194: {  	v21 =	vor.u32 v16, v21;
	_ =	sdelay $0x1  }
0x195: {  	[tilespmem:s28+$0x160] =	vst v22  }
0x196: {  	[tilespmem:s28+$0x170] =	vst v20;
	v20 =	vshll.u32 v19, v13  }
0x197: {  	v22 =	vld.idx.msk [tilespmem:v58+s13+$0x0], $0xffff;
	v20 =	vbroadcast v20, $0xC  }
0x198: {  	v21 =	vld.idx.msk [tilespmem:v21+s13+$0x0], $0xffff  }
0x199: {  	v59 =	vor.u32 v12, v20  }
0x19a: {  	v20 =	vor.u32 v16, v20;
	_ =	sdelay $0x1  }
0x19b: {  	[tilespmem:s28+$0x1E0] =	vst v22  }
0x19c: {  	v60 =	vshll.u32 v19, v14;
	[tilespmem:s28+$0x1F0] =	vst v21  }
0x19d: {  	v21 =	vbroadcast v60, $0xD;
	v22 =	vld.idx.msk [tilespmem:v59+s13+$0x0], $0xffff  }
0x19e: {  	v20 =	vld.idx.msk [tilespmem:v20+s13+$0x0], $0xffff  }
0x19f: {  	v61 =	vor.u32 v12, v21  }
0x1a0: {  	v21 =	vor.u32 v16, v21;
	_ =	sdelay $0x1  }
0x1a1: {  	[tilespmem:s28+$0x260] =	vst v22  }
0x1a2: {  	[tilespmem:s28+$0x270] =	vst v20;
	v20 =	vshll.u32 v19, v15  }
0x1a3: {  	v22 =	vld.idx.msk [tilespmem:v61+s13+$0x0], $0xffff;
	v20 =	vbroadcast v20, $0xE  }
0x1a4: {  	v21 =	vld.idx.msk [tilespmem:v21+s13+$0x0], $0xffff  }
0x1a5: {  	v62 =	vor.u32 v12, v20  }
0x1a6: {  	v20 =	vor.u32 v16, v20;
	_ =	sdelay $0x1  }
0x1a7: {  	[tilespmem:s28+$0x2E0] =	vst v22  }
0x1a8: {  	v19 =	vshll.u32 v19, v17;
	[tilespmem:s28+$0x2F0] =	vst v21  }
0x1a9: {  	v19 =	vbroadcast v19, $0xF;
	v21 =	vld.idx.msk [tilespmem:v62+s13+$0x0], $0xffff  }
0x1aa: {  	v20 =	vld.idx.msk [tilespmem:v20+s13+$0x0], $0xffff  }
0x1ab: {  	v63 =	vor.u32 v12, v19  }
0x1ac: {  	v19 =	vor.u32 v16, v19;
	_ =	sdelay $0x1  }
0x1ad: {  	[tilespmem:s28+$0x360] =	vst v21  }
0x1ae: {  	[tilespmem:s28+$0x370] =	vst v20  }
0x1af: {  	v20 =	vld.idx.msk [tilespmem:v63+s13+$0x0], $0xffff  }
0x1b0: {  	p1 =	sne.s32 s26, $0x1C0;
	v19 =	vld.idx.msk [tilespmem:v19+s13+$0x0], $0xffff  }
.Ltmp0:
0x1b1: {  	_ = 	snop;
	(pc) =	sbr.rel @p1 .LBB2_3-.Ltmp0, $3  }
0x1b2: {  	_ =	sdelay $0x1  }
0x1b3: {  	[tilespmem:s28+$0x3E0] =	vst v20  }
0x1b4: {  	s26 =	sadd.s32 $0x40, s26;
	[tilespmem:s28+$0x3F0] =	vst v19;
	s28 =	sadd.s32 $0x800, s28  }
0x1b5: {  	s26 =	sshll.u32 s25, $0x1  }
0x1b6: {  	s28 =	sadd.s32 s6, s26  }
0x1b7: {  	_ =	swait.ge [sflag:s16], $0x2000;
	s28 =	smul.u32 $0xC00, s28  }
0x1b8: {  	[sflag:s16] =	ssyncset.done $0x0  }
0x1b9: {  	[sflag:s16] =	ssyncadd.s32 $0xFFFFE000;
	s29 =	sadd.s32 s2, s28  }
0x1ba: {  	[hbm4b:s29+s17] =	stream.strided.scatter [tilespmem:s15], [sflag:$0x2], $0x2000, s18, s17, $0x38;
	[tilespmem:$0x16700] =	vst v63  }
0x1bb: {  	s28 =	sadd.s32 s28, s8  }
0x1bc: {  	[hbm4b:s28+s14] =	stream.strided.scatter [tilespmem:s19], [sflag:$0x2], $0x4000, s18, s14, $0x38;
	[tilespmem:$0x16700] =	vst v63  }
0x1bd: {  	s28 =	simm.s32 @!p0 $0x2  }
0x1be: {  	_ =	swait.ge @!p0 [sflag:s28], $0x2000  }
0x1bf: {  	[sflag:s28] =	ssyncset.done @!p0 $0x0  }
0x1c0: {  	[sflag:s28] =	ssyncadd.s32 @!p0 $0xFFFFE000  }
0x1c1: {  	s26 =	sor.u32 $0x1, s26;
	_ =	swait.ge @!p0 [sflag:s28], $0x4000  }
0x1c2: {  	s29 =	sshll.u32 s26, $0x7;
	[sflag:s28] =	ssyncset.done @!p0 $0x0  }
0x1c3: {  	[sflag:s28] =	ssyncadd.s32 @!p0 $0xFFFFC000;
	s28 =	sand.u32 $0x3FFFFF80, s29  }
0x1c4: {  	[tilespmem:s20], [sflag:$0x1] =	stream.indirect.gather [hbm4b:s4+s14], $0x40, s28, s14, $0xb8;
	[tilespmem:$0x16700] =	vst v63  }
0x1c5: {  	s29 =	simm.s32 $0x12B00;
	s28 =	simm.s32 $0x0  }
.LBB2_5:
0x1c6: {  	s30 =	sshra.s32 s28, $0x2  }
0x1c7: {  	v19 =	vld.idx.msk [tilespmem:v18+s30+$0x1980 ss:$0x1], $0xffff;
	_ =	sdelay $0x4  }
0x1c8: {  	v20 =	vshll.u32 v19, v0  }
0x1c9: {  	v20 =	vbroadcast v20, $0x0;
	_ =	sdelay $0x1  }
0x1ca: {  	v21 =	vor.u32 v12, v20  }
0x1cb: {  	v20 =	vor.u32 v16, v20;
	_ =	sdelay $0x2  }
0x1cc: {  	v22 =	vshll.u32 v19, v1  }
0x1cd: {  	v22 =	vbroadcast v22, $0x1;
	v21 =	vld.idx.msk [tilespmem:v21+s13+$0x0], $0xffff  }
0x1ce: {  	v20 =	vld.idx.msk [tilespmem:v20+s13+$0x0], $0xffff  }
0x1cf: {  	v23 =	vor.u32 v12, v22  }
0x1d0: {  	v22 =	vor.u32 v16, v22;
	_ =	sdelay $0x1  }
0x1d1: {  	[tilespmem:s29+$0xFFFFFC00] =	vst v21  }
0x1d2: {  	[tilespmem:s29+$0xFFFFFC10] =	vst v20;
	v20 =	vshll.u32 v19, v2  }
0x1d3: {  	v21 =	vld.idx.msk [tilespmem:v23+s13+$0x0], $0xffff;
	v20 =	vbroadcast v20, $0x2  }
0x1d4: {  	v22 =	vld.idx.msk [tilespmem:v22+s13+$0x0], $0xffff  }
0x1d5: {  	v55 =	vor.u32 v12, v20  }
0x1d6: {  	v20 =	vor.u32 v16, v20;
	_ =	sdelay $0x1  }
0x1d7: {  	[tilespmem:s29+$0xFFFFFC80] =	vst v21  }
0x1d8: {  	v56 =	vshll.u32 v19, v3;
	[tilespmem:s29+$0xFFFFFC90] =	vst v22  }
0x1d9: {  	v21 =	vbroadcast v56, $0x3;
	v22 =	vld.idx.msk [tilespmem:v55+s13+$0x0], $0xffff  }
0x1da: {  	v20 =	vld.idx.msk [tilespmem:v20+s13+$0x0], $0xffff  }
0x1db: {  	v57 =	vor.u32 v12, v21  }
0x1dc: {  	v21 =	vor.u32 v16, v21;
	_ =	sdelay $0x1  }
0x1dd: {  	[tilespmem:s29+$0xFFFFFD00] =	vst v22  }
0x1de: {  	[tilespmem:s29+$0xFFFFFD10] =	vst v20;
	v20 =	vshll.u32 v19, v4  }
0x1df: {  	v22 =	vld.idx.msk [tilespmem:v57+s13+$0x0], $0xffff;
	v20 =	vbroadcast v20, $0x4  }
0x1e0: {  	v21 =	vld.idx.msk [tilespmem:v21+s13+$0x0], $0xffff  }
0x1e1: {  	v58 =	vor.u32 v12, v20  }
0x1e2: {  	v20 =	vor.u32 v16, v20;
	_ =	sdelay $0x1  }
0x1e3: {  	[tilespmem:s29+$0xFFFFFD80] =	vst v22  }
0x1e4: {  	v59 =	vshll.u32 v19, v5;
	[tilespmem:s29+$0xFFFFFD90] =	vst v21  }
0x1e5: {  	v21 =	vbroadcast v59, $0x5;
	v22 =	vld.idx.msk [tilespmem:v58+s13+$0x0], $0xffff  }
0x1e6: {  	v20 =	vld.idx.msk [tilespmem:v20+s13+$0x0], $0xffff  }
0x1e7: {  	v60 =	vor.u32 v12, v21  }
0x1e8: {  	v21 =	vor.u32 v16, v21;
	_ =	sdelay $0x1  }
0x1e9: {  	[tilespmem:s29+$0xFFFFFE00] =	vst v22  }
0x1ea: {  	[tilespmem:s29+$0xFFFFFE10] =	vst v20;
	v20 =	vshll.u32 v19, v6  }
0x1eb: {  	v22 =	vld.idx.msk [tilespmem:v60+s13+$0x0], $0xffff;
	v20 =	vbroadcast v20, $0x6  }
0x1ec: {  	v21 =	vld.idx.msk [tilespmem:v21+s13+$0x0], $0xffff  }
0x1ed: {  	v61 =	vor.u32 v12, v20  }
0x1ee: {  	v20 =	vor.u32 v16, v20;
	_ =	sdelay $0x1  }
0x1ef: {  	[tilespmem:s29+$0xFFFFFE80] =	vst v22  }
0x1f0: {  	v62 =	vshll.u32 v19, v7;
	[tilespmem:s29+$0xFFFFFE90] =	vst v21  }
0x1f1: {  	v21 =	vbroadcast v62, $0x7;
	v22 =	vld.idx.msk [tilespmem:v61+s13+$0x0], $0xffff  }
0x1f2: {  	v20 =	vld.idx.msk [tilespmem:v20+s13+$0x0], $0xffff  }
0x1f3: {  	v63 =	vor.u32 v12, v21  }
0x1f4: {  	v21 =	vor.u32 v16, v21;
	_ =	sdelay $0x1  }
0x1f5: {  	[tilespmem:s29+$0xFFFFFF00] =	vst v22  }
0x1f6: {  	[tilespmem:s29+$0xFFFFFF10] =	vst v20;
	v20 =	vshll.u32 v19, v8  }
0x1f7: {  	v22 =	vld.idx.msk [tilespmem:v63+s13+$0x0], $0xffff;
	v20 =	vbroadcast v20, $0x8  }
0x1f8: {  	v21 =	vld.idx.msk [tilespmem:v21+s13+$0x0], $0xffff  }
0x1f9: {  	v24 =	vor.u32 v12, v20  }
0x1fa: {  	v20 =	vor.u32 v16, v20;
	_ =	sdelay $0x1  }
0x1fb: {  	[tilespmem:s29+$0xFFFFFF80] =	vst v22  }
0x1fc: {  	v25 =	vshll.u32 v19, v9;
	[tilespmem:s29+$0xFFFFFF90] =	vst v21  }
0x1fd: {  	v21 =	vbroadcast v25, $0x9;
	v22 =	vld.idx.msk [tilespmem:v24+s13+$0x0], $0xffff  }
0x1fe: {  	v20 =	vld.idx.msk [tilespmem:v20+s13+$0x0], $0xffff  }
0x1ff: {  	v26 =	vor.u32 v12, v21  }
0x200: {  	v21 =	vor.u32 v16, v21;
	_ =	sdelay $0x1  }
0x201: {  	[tilespmem:s29+$0x0] =	vst v22  }
0x202: {  	[tilespmem:s29+$0x10] =	vst v20;
	v20 =	vshll.u32 v19, v10  }
0x203: {  	v22 =	vld.idx.msk [tilespmem:v26+s13+$0x0], $0xffff;
	v20 =	vbroadcast v20, $0xA  }
0x204: {  	v21 =	vld.idx.msk [tilespmem:v21+s13+$0x0], $0xffff  }
0x205: {  	v27 =	vor.u32 v12, v20  }
0x206: {  	v20 =	vor.u32 v16, v20;
	_ =	sdelay $0x1  }
0x207: {  	[tilespmem:s29+$0x80] =	vst v22  }
0x208: {  	v28 =	vshll.u32 v19, v11;
	[tilespmem:s29+$0x90] =	vst v21  }
0x209: {  	v21 =	vbroadcast v28, $0xB;
	v22 =	vld.idx.msk [tilespmem:v27+s13+$0x0], $0xffff  }
0x20a: {  	v20 =	vld.idx.msk [tilespmem:v20+s13+$0x0], $0xffff  }
0x20b: {  	v29 =	vor.u32 v12, v21  }
0x20c: {  	v21 =	vor.u32 v16, v21;
	_ =	sdelay $0x1  }
0x20d: {  	[tilespmem:s29+$0x100] =	vst v22  }
0x20e: {  	[tilespmem:s29+$0x110] =	vst v20;
	v20 =	vshll.u32 v19, v13  }
0x20f: {  	v22 =	vld.idx.msk [tilespmem:v29+s13+$0x0], $0xffff;
	v20 =	vbroadcast v20, $0xC  }
0x210: {  	v21 =	vld.idx.msk [tilespmem:v21+s13+$0x0], $0xffff  }
0x211: {  	v30 =	vor.u32 v12, v20  }
0x212: {  	v20 =	vor.u32 v16, v20;
	_ =	sdelay $0x1  }
0x213: {  	[tilespmem:s29+$0x180] =	vst v22  }
0x214: {  	v31 =	vshll.u32 v19, v14;
	[tilespmem:s29+$0x190] =	vst v21  }
0x215: {  	v21 =	vbroadcast v31, $0xD;
	v22 =	vld.idx.msk [tilespmem:v30+s13+$0x0], $0xffff  }
0x216: {  	v20 =	vld.idx.msk [tilespmem:v20+s13+$0x0], $0xffff  }
0x217: {  	v32 =	vor.u32 v12, v21  }
0x218: {  	v21 =	vor.u32 v16, v21;
	_ =	sdelay $0x1  }
0x219: {  	[tilespmem:s29+$0x200] =	vst v22  }
0x21a: {  	[tilespmem:s29+$0x210] =	vst v20;
	v20 =	vshll.u32 v19, v15  }
0x21b: {  	v22 =	vld.idx.msk [tilespmem:v32+s13+$0x0], $0xffff;
	v20 =	vbroadcast v20, $0xE  }
0x21c: {  	v21 =	vld.idx.msk [tilespmem:v21+s13+$0x0], $0xffff  }
0x21d: {  	v33 =	vor.u32 v12, v20  }
0x21e: {  	v20 =	vor.u32 v16, v20;
	_ =	sdelay $0x1  }
0x21f: {  	[tilespmem:s29+$0x280] =	vst v22  }
0x220: {  	v19 =	vshll.u32 v19, v17;
	[tilespmem:s29+$0x290] =	vst v21  }
0x221: {  	v19 =	vbroadcast v19, $0xF;
	v21 =	vld.idx.msk [tilespmem:v33+s13+$0x0], $0xffff  }
0x222: {  	v20 =	vld.idx.msk [tilespmem:v20+s13+$0x0], $0xffff  }
0x223: {  	v34 =	vor.u32 v12, v19  }
0x224: {  	v19 =	vor.u32 v16, v19;
	_ =	sdelay $0x1  }
0x225: {  	[tilespmem:s29+$0x300] =	vst v21  }
0x226: {  	[tilespmem:s29+$0x310] =	vst v20  }
0x227: {  	v20 =	vld.idx.msk [tilespmem:v34+s13+$0x0], $0xffff  }
0x228: {  	v19 =	vld.idx.msk [tilespmem:v19+s13+$0x0], $0xffff;
	_ =	sdelay $0x3  }
0x229: {  	[tilespmem:s29+$0x380] =	vst v20  }
0x22a: {  	[tilespmem:s29+$0x390] =	vst v19  }
0x22b: {  	v19 =	vld.idx.msk [tilespmem:v18+s30+$0x3280 ss:$0x1], $0xffff;
	_ =	sdelay $0x4  }
0x22c: {  	v19 =	vadd.s32 $0x38, v19  }
0x22d: {  	v20 =	vshll.u32 v19, v0  }
0x22e: {  	v20 =	vbroadcast v20, $0x0;
	_ =	sdelay $0x1  }
0x22f: {  	v35 =	vor.u32 v12, v20  }
0x230: {  	v20 =	vor.u32 v16, v20;
	_ =	sdelay $0x2  }
0x231: {  	v36 =	vshll.u32 v19, v1  }
0x232: {  	v22 =	vbroadcast v36, $0x1;
	v21 =	vld.idx.msk [tilespmem:v35+s13+$0x0], $0xffff  }
0x233: {  	v20 =	vld.idx.msk [tilespmem:v20+s13+$0x0], $0xffff  }
0x234: {  	v37 =	vor.u32 v12, v22  }
0x235: {  	v22 =	vor.u32 v16, v22;
	_ =	sdelay $0x1  }
0x236: {  	[tilespmem:s29+$0xFFFFFC20] =	vst v21  }
0x237: {  	[tilespmem:s29+$0xFFFFFC30] =	vst v20;
	v20 =	vshll.u32 v19, v2  }
0x238: {  	v21 =	vld.idx.msk [tilespmem:v37+s13+$0x0], $0xffff;
	v20 =	vbroadcast v20, $0x2  }
0x239: {  	v22 =	vld.idx.msk [tilespmem:v22+s13+$0x0], $0xffff  }
0x23a: {  	v38 =	vor.u32 v12, v20  }
0x23b: {  	v20 =	vor.u32 v16, v20;
	_ =	sdelay $0x1  }
0x23c: {  	[tilespmem:s29+$0xFFFFFCA0] =	vst v21  }
0x23d: {  	v39 =	vshll.u32 v19, v3;
	[tilespmem:s29+$0xFFFFFCB0] =	vst v22  }
0x23e: {  	v21 =	vbroadcast v39, $0x3;
	v22 =	vld.idx.msk [tilespmem:v38+s13+$0x0], $0xffff  }
0x23f: {  	v20 =	vld.idx.msk [tilespmem:v20+s13+$0x0], $0xffff  }
0x240: {  	v40 =	vor.u32 v12, v21  }
0x241: {  	v21 =	vor.u32 v16, v21;
	_ =	sdelay $0x1  }
0x242: {  	[tilespmem:s29+$0xFFFFFD20] =	vst v22  }
0x243: {  	[tilespmem:s29+$0xFFFFFD30] =	vst v20;
	v20 =	vshll.u32 v19, v4  }
0x244: {  	v22 =	vld.idx.msk [tilespmem:v40+s13+$0x0], $0xffff;
	v20 =	vbroadcast v20, $0x4  }
0x245: {  	v21 =	vld.idx.msk [tilespmem:v21+s13+$0x0], $0xffff  }
0x246: {  	v41 =	vor.u32 v12, v20  }
0x247: {  	v20 =	vor.u32 v16, v20;
	_ =	sdelay $0x1  }
0x248: {  	[tilespmem:s29+$0xFFFFFDA0] =	vst v22  }
0x249: {  	v42 =	vshll.u32 v19, v5;
	[tilespmem:s29+$0xFFFFFDB0] =	vst v21  }
0x24a: {  	v21 =	vbroadcast v42, $0x5;
	v22 =	vld.idx.msk [tilespmem:v41+s13+$0x0], $0xffff  }
0x24b: {  	v20 =	vld.idx.msk [tilespmem:v20+s13+$0x0], $0xffff  }
0x24c: {  	v43 =	vor.u32 v12, v21  }
0x24d: {  	v21 =	vor.u32 v16, v21;
	_ =	sdelay $0x1  }
0x24e: {  	[tilespmem:s29+$0xFFFFFE20] =	vst v22  }
0x24f: {  	[tilespmem:s29+$0xFFFFFE30] =	vst v20;
	v20 =	vshll.u32 v19, v6  }
0x250: {  	v22 =	vld.idx.msk [tilespmem:v43+s13+$0x0], $0xffff;
	v20 =	vbroadcast v20, $0x6  }
0x251: {  	v21 =	vld.idx.msk [tilespmem:v21+s13+$0x0], $0xffff  }
0x252: {  	v44 =	vor.u32 v12, v20  }
0x253: {  	v20 =	vor.u32 v16, v20;
	_ =	sdelay $0x1  }
0x254: {  	[tilespmem:s29+$0xFFFFFEA0] =	vst v22  }
0x255: {  	v45 =	vshll.u32 v19, v7;
	[tilespmem:s29+$0xFFFFFEB0] =	vst v21  }
0x256: {  	v21 =	vbroadcast v45, $0x7;
	v22 =	vld.idx.msk [tilespmem:v44+s13+$0x0], $0xffff  }
0x257: {  	v20 =	vld.idx.msk [tilespmem:v20+s13+$0x0], $0xffff  }
0x258: {  	v46 =	vor.u32 v12, v21  }
0x259: {  	v21 =	vor.u32 v16, v21;
	_ =	sdelay $0x1  }
0x25a: {  	[tilespmem:s29+$0xFFFFFF20] =	vst v22  }
0x25b: {  	[tilespmem:s29+$0xFFFFFF30] =	vst v20;
	v20 =	vshll.u32 v19, v8  }
0x25c: {  	v22 =	vld.idx.msk [tilespmem:v46+s13+$0x0], $0xffff;
	v20 =	vbroadcast v20, $0x8  }
0x25d: {  	v21 =	vld.idx.msk [tilespmem:v21+s13+$0x0], $0xffff  }
0x25e: {  	v47 =	vor.u32 v12, v20  }
0x25f: {  	v20 =	vor.u32 v16, v20;
	_ =	sdelay $0x1  }
0x260: {  	[tilespmem:s29+$0xFFFFFFA0] =	vst v22  }
0x261: {  	v48 =	vshll.u32 v19, v9;
	[tilespmem:s29+$0xFFFFFFB0] =	vst v21  }
0x262: {  	v21 =	vbroadcast v48, $0x9;
	v22 =	vld.idx.msk [tilespmem:v47+s13+$0x0], $0xffff  }
0x263: {  	v20 =	vld.idx.msk [tilespmem:v20+s13+$0x0], $0xffff  }
0x264: {  	v49 =	vor.u32 v12, v21  }
0x265: {  	v21 =	vor.u32 v16, v21;
	_ =	sdelay $0x1  }
0x266: {  	[tilespmem:s29+$0x20] =	vst v22  }
0x267: {  	[tilespmem:s29+$0x30] =	vst v20;
	v20 =	vshll.u32 v19, v10  }
0x268: {  	v22 =	vld.idx.msk [tilespmem:v49+s13+$0x0], $0xffff;
	v20 =	vbroadcast v20, $0xA  }
0x269: {  	v21 =	vld.idx.msk [tilespmem:v21+s13+$0x0], $0xffff  }
0x26a: {  	v50 =	vor.u32 v12, v20  }
0x26b: {  	v20 =	vor.u32 v16, v20;
	_ =	sdelay $0x1  }
0x26c: {  	[tilespmem:s29+$0xA0] =	vst v22  }
0x26d: {  	v51 =	vshll.u32 v19, v11;
	[tilespmem:s29+$0xB0] =	vst v21  }
0x26e: {  	v21 =	vbroadcast v51, $0xB;
	v22 =	vld.idx.msk [tilespmem:v50+s13+$0x0], $0xffff  }
0x26f: {  	v20 =	vld.idx.msk [tilespmem:v20+s13+$0x0], $0xffff  }
0x270: {  	v52 =	vor.u32 v12, v21  }
0x271: {  	v21 =	vor.u32 v16, v21;
	_ =	sdelay $0x1  }
0x272: {  	[tilespmem:s29+$0x120] =	vst v22  }
0x273: {  	[tilespmem:s29+$0x130] =	vst v20;
	v20 =	vshll.u32 v19, v13  }
0x274: {  	v22 =	vld.idx.msk [tilespmem:v52+s13+$0x0], $0xffff;
	v20 =	vbroadcast v20, $0xC  }
0x275: {  	v21 =	vld.idx.msk [tilespmem:v21+s13+$0x0], $0xffff  }
0x276: {  	v53 =	vor.u32 v12, v20  }
0x277: {  	v20 =	vor.u32 v16, v20;
	_ =	sdelay $0x1  }
0x278: {  	[tilespmem:s29+$0x1A0] =	vst v22  }
0x279: {  	v54 =	vshll.u32 v19, v14;
	[tilespmem:s29+$0x1B0] =	vst v21  }
0x27a: {  	v21 =	vbroadcast v54, $0xD;
	v22 =	vld.idx.msk [tilespmem:v53+s13+$0x0], $0xffff  }
0x27b: {  	v20 =	vld.idx.msk [tilespmem:v20+s13+$0x0], $0xffff  }
0x27c: {  	v55 =	vor.u32 v12, v21  }
0x27d: {  	v21 =	vor.u32 v16, v21;
	_ =	sdelay $0x1  }
0x27e: {  	[tilespmem:s29+$0x220] =	vst v22  }
0x27f: {  	[tilespmem:s29+$0x230] =	vst v20;
	v20 =	vshll.u32 v19, v15  }
0x280: {  	v22 =	vld.idx.msk [tilespmem:v55+s13+$0x0], $0xffff;
	v20 =	vbroadcast v20, $0xE  }
0x281: {  	v21 =	vld.idx.msk [tilespmem:v21+s13+$0x0], $0xffff  }
0x282: {  	v56 =	vor.u32 v12, v20  }
0x283: {  	v20 =	vor.u32 v16, v20;
	_ =	sdelay $0x1  }
0x284: {  	[tilespmem:s29+$0x2A0] =	vst v22  }
0x285: {  	v19 =	vshll.u32 v19, v17;
	[tilespmem:s29+$0x2B0] =	vst v21  }
0x286: {  	v19 =	vbroadcast v19, $0xF;
	v21 =	vld.idx.msk [tilespmem:v56+s13+$0x0], $0xffff  }
0x287: {  	v20 =	vld.idx.msk [tilespmem:v20+s13+$0x0], $0xffff  }
0x288: {  	v57 =	vor.u32 v12, v19  }
0x289: {  	v19 =	vor.u32 v16, v19;
	_ =	sdelay $0x1  }
0x28a: {  	[tilespmem:s29+$0x320] =	vst v21  }
0x28b: {  	[tilespmem:s29+$0x330] =	vst v20  }
0x28c: {  	v20 =	vld.idx.msk [tilespmem:v57+s13+$0x0], $0xffff  }
0x28d: {  	v19 =	vld.idx.msk [tilespmem:v19+s13+$0x0], $0xffff;
	_ =	sdelay $0x3  }
0x28e: {  	[tilespmem:s29+$0x3A0] =	vst v20  }
0x28f: {  	[tilespmem:s29+$0x3B0] =	vst v19  }
0x290: {  	v19 =	vld.idx.msk [tilespmem:v18+s30+$0x4B80 ss:$0x1], $0xffff;
	_ =	sdelay $0x4  }
0x291: {  	v19 =	vadd.s32 $0x50, v19  }
0x292: {  	v20 =	vshll.u32 v19, v0  }
0x293: {  	v20 =	vbroadcast v20, $0x0;
	_ =	sdelay $0x1  }
0x294: {  	v58 =	vor.u32 v12, v20  }
0x295: {  	v20 =	vor.u32 v16, v20;
	_ =	sdelay $0x2  }
0x296: {  	v59 =	vshll.u32 v19, v1  }
0x297: {  	v22 =	vbroadcast v59, $0x1;
	v21 =	vld.idx.msk [tilespmem:v58+s13+$0x0], $0xffff  }
0x298: {  	v20 =	vld.idx.msk [tilespmem:v20+s13+$0x0], $0xffff  }
0x299: {  	v60 =	vor.u32 v12, v22  }
0x29a: {  	v22 =	vor.u32 v16, v22;
	_ =	sdelay $0x1  }
0x29b: {  	[tilespmem:s29+$0xFFFFFC40] =	vst v21  }
0x29c: {  	[tilespmem:s29+$0xFFFFFC50] =	vst v20;
	v20 =	vshll.u32 v19, v2  }
0x29d: {  	v21 =	vld.idx.msk [tilespmem:v60+s13+$0x0], $0xffff;
	v20 =	vbroadcast v20, $0x2  }
0x29e: {  	v22 =	vld.idx.msk [tilespmem:v22+s13+$0x0], $0xffff  }
0x29f: {  	v61 =	vor.u32 v12, v20  }
0x2a0: {  	v20 =	vor.u32 v16, v20;
	_ =	sdelay $0x1  }
0x2a1: {  	[tilespmem:s29+$0xFFFFFCC0] =	vst v21  }
0x2a2: {  	v62 =	vshll.u32 v19, v3;
	[tilespmem:s29+$0xFFFFFCD0] =	vst v22  }
0x2a3: {  	v21 =	vbroadcast v62, $0x3;
	v22 =	vld.idx.msk [tilespmem:v61+s13+$0x0], $0xffff  }
0x2a4: {  	v20 =	vld.idx.msk [tilespmem:v20+s13+$0x0], $0xffff  }
0x2a5: {  	v63 =	vor.u32 v12, v21  }
0x2a6: {  	v21 =	vor.u32 v16, v21;
	_ =	sdelay $0x1  }
0x2a7: {  	[tilespmem:s29+$0xFFFFFD40] =	vst v22  }
0x2a8: {  	[tilespmem:s29+$0xFFFFFD50] =	vst v20;
	v20 =	vshll.u32 v19, v4  }
0x2a9: {  	v22 =	vld.idx.msk [tilespmem:v63+s13+$0x0], $0xffff;
	v20 =	vbroadcast v20, $0x4  }
0x2aa: {  	v21 =	vld.idx.msk [tilespmem:v21+s13+$0x0], $0xffff  }
0x2ab: {  	v24 =	vor.u32 v12, v20  }
0x2ac: {  	v20 =	vor.u32 v16, v20;
	_ =	sdelay $0x1  }
0x2ad: {  	[tilespmem:s29+$0xFFFFFDC0] =	vst v22  }
0x2ae: {  	v25 =	vshll.u32 v19, v5;
	[tilespmem:s29+$0xFFFFFDD0] =	vst v21  }
0x2af: {  	v21 =	vbroadcast v25, $0x5;
	v22 =	vld.idx.msk [tilespmem:v24+s13+$0x0], $0xffff  }
0x2b0: {  	v20 =	vld.idx.msk [tilespmem:v20+s13+$0x0], $0xffff  }
0x2b1: {  	v26 =	vor.u32 v12, v21  }
0x2b2: {  	v21 =	vor.u32 v16, v21;
	_ =	sdelay $0x1  }
0x2b3: {  	[tilespmem:s29+$0xFFFFFE40] =	vst v22  }
0x2b4: {  	[tilespmem:s29+$0xFFFFFE50] =	vst v20;
	v20 =	vshll.u32 v19, v6  }
0x2b5: {  	v22 =	vld.idx.msk [tilespmem:v26+s13+$0x0], $0xffff;
	v20 =	vbroadcast v20, $0x6  }
0x2b6: {  	v21 =	vld.idx.msk [tilespmem:v21+s13+$0x0], $0xffff  }
0x2b7: {  	v27 =	vor.u32 v12, v20  }
0x2b8: {  	v20 =	vor.u32 v16, v20;
	_ =	sdelay $0x1  }
0x2b9: {  	[tilespmem:s29+$0xFFFFFEC0] =	vst v22  }
0x2ba: {  	v28 =	vshll.u32 v19, v7;
	[tilespmem:s29+$0xFFFFFED0] =	vst v21  }
0x2bb: {  	v21 =	vbroadcast v28, $0x7;
	v22 =	vld.idx.msk [tilespmem:v27+s13+$0x0], $0xffff  }
0x2bc: {  	v20 =	vld.idx.msk [tilespmem:v20+s13+$0x0], $0xffff  }
0x2bd: {  	v29 =	vor.u32 v12, v21  }
0x2be: {  	v21 =	vor.u32 v16, v21;
	_ =	sdelay $0x1  }
0x2bf: {  	[tilespmem:s29+$0xFFFFFF40] =	vst v22  }
0x2c0: {  	[tilespmem:s29+$0xFFFFFF50] =	vst v20;
	v20 =	vshll.u32 v19, v8  }
0x2c1: {  	v22 =	vld.idx.msk [tilespmem:v29+s13+$0x0], $0xffff;
	v20 =	vbroadcast v20, $0x8  }
0x2c2: {  	v21 =	vld.idx.msk [tilespmem:v21+s13+$0x0], $0xffff  }
0x2c3: {  	v30 =	vor.u32 v12, v20  }
0x2c4: {  	v20 =	vor.u32 v16, v20;
	_ =	sdelay $0x1  }
0x2c5: {  	[tilespmem:s29+$0xFFFFFFC0] =	vst v22  }
0x2c6: {  	v31 =	vshll.u32 v19, v9;
	[tilespmem:s29+$0xFFFFFFD0] =	vst v21  }
0x2c7: {  	v21 =	vbroadcast v31, $0x9;
	v22 =	vld.idx.msk [tilespmem:v30+s13+$0x0], $0xffff  }
0x2c8: {  	v20 =	vld.idx.msk [tilespmem:v20+s13+$0x0], $0xffff  }
0x2c9: {  	v32 =	vor.u32 v12, v21  }
0x2ca: {  	v21 =	vor.u32 v16, v21;
	_ =	sdelay $0x1  }
0x2cb: {  	[tilespmem:s29+$0x40] =	vst v22  }
0x2cc: {  	[tilespmem:s29+$0x50] =	vst v20;
	v20 =	vshll.u32 v19, v10  }
0x2cd: {  	v22 =	vld.idx.msk [tilespmem:v32+s13+$0x0], $0xffff;
	v20 =	vbroadcast v20, $0xA  }
0x2ce: {  	v21 =	vld.idx.msk [tilespmem:v21+s13+$0x0], $0xffff  }
0x2cf: {  	v33 =	vor.u32 v12, v20  }
0x2d0: {  	v20 =	vor.u32 v16, v20;
	_ =	sdelay $0x1  }
0x2d1: {  	[tilespmem:s29+$0xC0] =	vst v22  }
0x2d2: {  	v34 =	vshll.u32 v19, v11;
	[tilespmem:s29+$0xD0] =	vst v21  }
0x2d3: {  	v21 =	vbroadcast v34, $0xB;
	v22 =	vld.idx.msk [tilespmem:v33+s13+$0x0], $0xffff  }
0x2d4: {  	v20 =	vld.idx.msk [tilespmem:v20+s13+$0x0], $0xffff  }
0x2d5: {  	v35 =	vor.u32 v12, v21  }
0x2d6: {  	v21 =	vor.u32 v16, v21;
	_ =	sdelay $0x1  }
0x2d7: {  	[tilespmem:s29+$0x140] =	vst v22  }
0x2d8: {  	[tilespmem:s29+$0x150] =	vst v20;
	v20 =	vshll.u32 v19, v13  }
0x2d9: {  	v22 =	vld.idx.msk [tilespmem:v35+s13+$0x0], $0xffff;
	v20 =	vbroadcast v20, $0xC  }
0x2da: {  	v21 =	vld.idx.msk [tilespmem:v21+s13+$0x0], $0xffff  }
0x2db: {  	v36 =	vor.u32 v12, v20  }
0x2dc: {  	v20 =	vor.u32 v16, v20;
	_ =	sdelay $0x1  }
0x2dd: {  	[tilespmem:s29+$0x1C0] =	vst v22  }
0x2de: {  	v37 =	vshll.u32 v19, v14;
	[tilespmem:s29+$0x1D0] =	vst v21  }
0x2df: {  	v21 =	vbroadcast v37, $0xD;
	v22 =	vld.idx.msk [tilespmem:v36+s13+$0x0], $0xffff  }
0x2e0: {  	v20 =	vld.idx.msk [tilespmem:v20+s13+$0x0], $0xffff  }
0x2e1: {  	v38 =	vor.u32 v12, v21  }
0x2e2: {  	v21 =	vor.u32 v16, v21;
	_ =	sdelay $0x1  }
0x2e3: {  	[tilespmem:s29+$0x240] =	vst v22  }
0x2e4: {  	[tilespmem:s29+$0x250] =	vst v20;
	v20 =	vshll.u32 v19, v15  }
0x2e5: {  	v22 =	vld.idx.msk [tilespmem:v38+s13+$0x0], $0xffff;
	v20 =	vbroadcast v20, $0xE  }
0x2e6: {  	v21 =	vld.idx.msk [tilespmem:v21+s13+$0x0], $0xffff  }
0x2e7: {  	v39 =	vor.u32 v12, v20  }
0x2e8: {  	v20 =	vor.u32 v16, v20;
	_ =	sdelay $0x1  }
0x2e9: {  	[tilespmem:s29+$0x2C0] =	vst v22  }
0x2ea: {  	v19 =	vshll.u32 v19, v17;
	[tilespmem:s29+$0x2D0] =	vst v21  }
0x2eb: {  	v19 =	vbroadcast v19, $0xF;
	v21 =	vld.idx.msk [tilespmem:v39+s13+$0x0], $0xffff  }
0x2ec: {  	v20 =	vld.idx.msk [tilespmem:v20+s13+$0x0], $0xffff  }
0x2ed: {  	v40 =	vor.u32 v12, v19  }
0x2ee: {  	v19 =	vor.u32 v16, v19;
	_ =	sdelay $0x1  }
0x2ef: {  	[tilespmem:s29+$0x340] =	vst v21  }
0x2f0: {  	[tilespmem:s29+$0x350] =	vst v20  }
0x2f1: {  	v20 =	vld.idx.msk [tilespmem:v40+s13+$0x0], $0xffff  }
0x2f2: {  	v19 =	vld.idx.msk [tilespmem:v19+s13+$0x0], $0xffff;
	_ =	sdelay $0x3  }
0x2f3: {  	[tilespmem:s29+$0x3C0] =	vst v20  }
0x2f4: {  	[tilespmem:s29+$0x3D0] =	vst v19  }
0x2f5: {  	v19 =	vld.idx.msk [tilespmem:v18+s30+$0x6480 ss:$0x1], $0xffff;
	_ =	sdelay $0x4  }
0x2f6: {  	v19 =	vadd.s32 $0x80, v19  }
0x2f7: {  	v20 =	vshll.u32 v19, v0  }
0x2f8: {  	v20 =	vbroadcast v20, $0x0;
	_ =	sdelay $0x1  }
0x2f9: {  	v41 =	vor.u32 v12, v20  }
0x2fa: {  	v20 =	vor.u32 v16, v20;
	_ =	sdelay $0x2  }
0x2fb: {  	v42 =	vshll.u32 v19, v1  }
0x2fc: {  	v22 =	vbroadcast v42, $0x1;
	v21 =	vld.idx.msk [tilespmem:v41+s13+$0x0], $0xffff  }
0x2fd: {  	v20 =	vld.idx.msk [tilespmem:v20+s13+$0x0], $0xffff  }
0x2fe: {  	v43 =	vor.u32 v12, v22  }
0x2ff: {  	v22 =	vor.u32 v16, v22;
	_ =	sdelay $0x1  }
0x300: {  	[tilespmem:s29+$0xFFFFFC60] =	vst v21  }
0x301: {  	[tilespmem:s29+$0xFFFFFC70] =	vst v20;
	v20 =	vshll.u32 v19, v2  }
0x302: {  	v21 =	vld.idx.msk [tilespmem:v43+s13+$0x0], $0xffff;
	v20 =	vbroadcast v20, $0x2  }
0x303: {  	v22 =	vld.idx.msk [tilespmem:v22+s13+$0x0], $0xffff  }
0x304: {  	v44 =	vor.u32 v12, v20  }
0x305: {  	v20 =	vor.u32 v16, v20;
	_ =	sdelay $0x1  }
0x306: {  	[tilespmem:s29+$0xFFFFFCE0] =	vst v21  }
0x307: {  	v45 =	vshll.u32 v19, v3;
	[tilespmem:s29+$0xFFFFFCF0] =	vst v22  }
0x308: {  	v21 =	vbroadcast v45, $0x3;
	v22 =	vld.idx.msk [tilespmem:v44+s13+$0x0], $0xffff  }
0x309: {  	v20 =	vld.idx.msk [tilespmem:v20+s13+$0x0], $0xffff  }
0x30a: {  	v46 =	vor.u32 v12, v21  }
0x30b: {  	v21 =	vor.u32 v16, v21;
	_ =	sdelay $0x1  }
0x30c: {  	[tilespmem:s29+$0xFFFFFD60] =	vst v22  }
0x30d: {  	[tilespmem:s29+$0xFFFFFD70] =	vst v20;
	v20 =	vshll.u32 v19, v4  }
0x30e: {  	v22 =	vld.idx.msk [tilespmem:v46+s13+$0x0], $0xffff;
	v20 =	vbroadcast v20, $0x4  }
0x30f: {  	v21 =	vld.idx.msk [tilespmem:v21+s13+$0x0], $0xffff  }
0x310: {  	v47 =	vor.u32 v12, v20  }
0x311: {  	v20 =	vor.u32 v16, v20;
	_ =	sdelay $0x1  }
0x312: {  	[tilespmem:s29+$0xFFFFFDE0] =	vst v22  }
0x313: {  	v48 =	vshll.u32 v19, v5;
	[tilespmem:s29+$0xFFFFFDF0] =	vst v21  }
0x314: {  	v21 =	vbroadcast v48, $0x5;
	v22 =	vld.idx.msk [tilespmem:v47+s13+$0x0], $0xffff  }
0x315: {  	v20 =	vld.idx.msk [tilespmem:v20+s13+$0x0], $0xffff  }
0x316: {  	v49 =	vor.u32 v12, v21  }
0x317: {  	v21 =	vor.u32 v16, v21;
	_ =	sdelay $0x1  }
0x318: {  	[tilespmem:s29+$0xFFFFFE60] =	vst v22  }
0x319: {  	[tilespmem:s29+$0xFFFFFE70] =	vst v20;
	v20 =	vshll.u32 v19, v6  }
0x31a: {  	v22 =	vld.idx.msk [tilespmem:v49+s13+$0x0], $0xffff;
	v20 =	vbroadcast v20, $0x6  }
0x31b: {  	v21 =	vld.idx.msk [tilespmem:v21+s13+$0x0], $0xffff  }
0x31c: {  	v50 =	vor.u32 v12, v20  }
0x31d: {  	v20 =	vor.u32 v16, v20;
	_ =	sdelay $0x1  }
0x31e: {  	[tilespmem:s29+$0xFFFFFEE0] =	vst v22  }
0x31f: {  	v51 =	vshll.u32 v19, v7;
	[tilespmem:s29+$0xFFFFFEF0] =	vst v21  }
0x320: {  	v21 =	vbroadcast v51, $0x7;
	v22 =	vld.idx.msk [tilespmem:v50+s13+$0x0], $0xffff  }
0x321: {  	v20 =	vld.idx.msk [tilespmem:v20+s13+$0x0], $0xffff  }
0x322: {  	v52 =	vor.u32 v12, v21  }
0x323: {  	v21 =	vor.u32 v16, v21;
	_ =	sdelay $0x1  }
0x324: {  	[tilespmem:s29+$0xFFFFFF60] =	vst v22  }
0x325: {  	[tilespmem:s29+$0xFFFFFF70] =	vst v20;
	v20 =	vshll.u32 v19, v8  }
0x326: {  	v22 =	vld.idx.msk [tilespmem:v52+s13+$0x0], $0xffff;
	v20 =	vbroadcast v20, $0x8  }
0x327: {  	v21 =	vld.idx.msk [tilespmem:v21+s13+$0x0], $0xffff  }
0x328: {  	v53 =	vor.u32 v12, v20  }
0x329: {  	v20 =	vor.u32 v16, v20;
	_ =	sdelay $0x1  }
0x32a: {  	[tilespmem:s29+$0xFFFFFFE0] =	vst v22  }
0x32b: {  	v54 =	vshll.u32 v19, v9;
	[tilespmem:s29+$0xFFFFFFF0] =	vst v21  }
0x32c: {  	v21 =	vbroadcast v54, $0x9;
	v22 =	vld.idx.msk [tilespmem:v53+s13+$0x0], $0xffff  }
0x32d: {  	v20 =	vld.idx.msk [tilespmem:v20+s13+$0x0], $0xffff  }
0x32e: {  	v55 =	vor.u32 v12, v21  }
0x32f: {  	v21 =	vor.u32 v16, v21;
	_ =	sdelay $0x1  }
0x330: {  	[tilespmem:s29+$0x60] =	vst v22  }
0x331: {  	[tilespmem:s29+$0x70] =	vst v20;
	v20 =	vshll.u32 v19, v10  }
0x332: {  	v22 =	vld.idx.msk [tilespmem:v55+s13+$0x0], $0xffff;
	v20 =	vbroadcast v20, $0xA  }
0x333: {  	v21 =	vld.idx.msk [tilespmem:v21+s13+$0x0], $0xffff  }
0x334: {  	v56 =	vor.u32 v12, v20  }
0x335: {  	v20 =	vor.u32 v16, v20;
	_ =	sdelay $0x1  }
0x336: {  	[tilespmem:s29+$0xE0] =	vst v22  }
0x337: {  	v57 =	vshll.u32 v19, v11;
	[tilespmem:s29+$0xF0] =	vst v21  }
0x338: {  	v21 =	vbroadcast v57, $0xB;
	v22 =	vld.idx.msk [tilespmem:v56+s13+$0x0], $0xffff  }
0x339: {  	v20 =	vld.idx.msk [tilespmem:v20+s13+$0x0], $0xffff  }
0x33a: {  	v58 =	vor.u32 v12, v21  }
0x33b: {  	v21 =	vor.u32 v16, v21;
	_ =	sdelay $0x1  }
0x33c: {  	[tilespmem:s29+$0x160] =	vst v22  }
0x33d: {  	[tilespmem:s29+$0x170] =	vst v20;
	v20 =	vshll.u32 v19, v13  }
0x33e: {  	v22 =	vld.idx.msk [tilespmem:v58+s13+$0x0], $0xffff;
	v20 =	vbroadcast v20, $0xC  }
0x33f: {  	v21 =	vld.idx.msk [tilespmem:v21+s13+$0x0], $0xffff  }
0x340: {  	v59 =	vor.u32 v12, v20  }
0x341: {  	v20 =	vor.u32 v16, v20;
	_ =	sdelay $0x1  }
0x342: {  	[tilespmem:s29+$0x1E0] =	vst v22  }
0x343: {  	v60 =	vshll.u32 v19, v14;
	[tilespmem:s29+$0x1F0] =	vst v21  }
0x344: {  	v21 =	vbroadcast v60, $0xD;
	v22 =	vld.idx.msk [tilespmem:v59+s13+$0x0], $0xffff  }
0x345: {  	v20 =	vld.idx.msk [tilespmem:v20+s13+$0x0], $0xffff  }
0x346: {  	v61 =	vor.u32 v12, v21  }
0x347: {  	v21 =	vor.u32 v16, v21;
	_ =	sdelay $0x1  }
0x348: {  	[tilespmem:s29+$0x260] =	vst v22  }
0x349: {  	[tilespmem:s29+$0x270] =	vst v20;
	v20 =	vshll.u32 v19, v15  }
0x34a: {  	v22 =	vld.idx.msk [tilespmem:v61+s13+$0x0], $0xffff;
	v20 =	vbroadcast v20, $0xE  }
0x34b: {  	v21 =	vld.idx.msk [tilespmem:v21+s13+$0x0], $0xffff  }
0x34c: {  	v62 =	vor.u32 v12, v20  }
0x34d: {  	v20 =	vor.u32 v16, v20;
	_ =	sdelay $0x1  }
0x34e: {  	[tilespmem:s29+$0x2E0] =	vst v22  }
0x34f: {  	v19 =	vshll.u32 v19, v17;
	[tilespmem:s29+$0x2F0] =	vst v21  }
0x350: {  	v19 =	vbroadcast v19, $0xF;
	v21 =	vld.idx.msk [tilespmem:v62+s13+$0x0], $0xffff  }
0x351: {  	v20 =	vld.idx.msk [tilespmem:v20+s13+$0x0], $0xffff  }
0x352: {  	v63 =	vor.u32 v12, v19  }
0x353: {  	v19 =	vor.u32 v16, v19;
	_ =	sdelay $0x1  }
0x354: {  	[tilespmem:s29+$0x360] =	vst v21  }
0x355: {  	[tilespmem:s29+$0x370] =	vst v20  }
0x356: {  	v20 =	vld.idx.msk [tilespmem:v63+s13+$0x0], $0xffff  }
0x357: {  	p0 =	sne.s32 s28, $0x1C0;
	v19 =	vld.idx.msk [tilespmem:v19+s13+$0x0], $0xffff  }
.Ltmp1:
0x358: {  	_ = 	snop;
	(pc) =	sbr.rel @p0 .LBB2_5-.Ltmp1, $3  }
0x359: {  	_ =	sdelay $0x1  }
0x35a: {  	[tilespmem:s29+$0x3E0] =	vst v20  }
0x35b: {  	s28 =	sadd.s32 $0x40, s28;
	[tilespmem:s29+$0x3F0] =	vst v19;
	s29 =	sadd.s32 $0x800, s29  }
0x35c: {  	s26 =	sadd.s32 s6, s26;
	s25 =	sadd.s32 $0x1, s25  }
0x35d: {  	_ =	swait.ge [sflag:s16], $0x2000;
	s26 =	smul.u32 $0xC00, s26;
	p0 =	sne.s32 s25, $0x19  }
.Ltmp2:
0x35e: {  	[sflag:s16] =	ssyncset.done $0x0;
	(pc) =	sbr.rel @p0 .LBB2_2-.Ltmp2, $4  }
0x35f: {  	[sflag:s16] =	ssyncadd.s32 $0xFFFFE000;
	s28 =	sadd.s32 s2, s26  }
0x360: {  	[hbm4b:s28+s17] =	stream.strided.scatter [tilespmem:s20], [sflag:$0x2], $0x2000, s18, s17, $0x38;
	[tilespmem:$0x16700] =	vst v63  }
0x361: {  	s24 =	sadd.s32 $0x100, s24;
	s26 =	sadd.s32 s26, s8  }
0x362: {  	[hbm4b:s26+s14] =	stream.strided.scatter [tilespmem:s21], [sflag:$0x2], $0x4000, s18, s14, $0x38;
	[tilespmem:$0x16700] =	vst v63  }
0x363: {  	_ =	swait.ge [sflag:s22], $0x2000  }
0x364: {  	[sflag:s22] =	ssyncset.done $0x0  }
0x365: {  	[sflag:s22] =	ssyncadd.s32 $0xFFFFE000  }
0x366: {  	_ =	swait.ge [sflag:s22], $0x4000  }
0x367: {  	[sflag:s22] =	ssyncset.done $0x0  }
0x368: {  	s23 =	sadd.s32 $0x1, s23;
	[sflag:s22] =	ssyncadd.s32 $0xFFFFC000  }
0x369: {  	p0 =	sne.s32 s23, s9;
	_ =	swait.ge [sflag:s22], $0x2000  }
.Ltmp3:
0x36a: {  	[sflag:s22] =	ssyncset.done $0x0;
	(pc) =	sbr.rel @p0 .LBB2_1-.Ltmp3, $4  }
0x36b: {  	[sflag:s22] =	ssyncadd.s32 $0xFFFFE000  }
0x36c: {  	_ =	swait.ge [sflag:s22], $0x4000  }
0x36d: {  	[sflag:s22] =	ssyncset.done $0x0  }
0x36e: {  	[sflag:s22] =	ssyncadd.s32 $0xFFFFC000  }
0x36f: {  	_ =	sfence.sel $0x180000  }
0x370: {  	[bflag:$0x0] =	sbarrier.arrive $0xFFFF  }
0x371: {  	p0 =	sne.s32 s0, $0x0;
	_ =	strace $0x90000047  }
0x372: {  	s0 =	sadd.s32 @!p0 $0x100000, s1;
	[bflag:$0x2] =	sbarrier.arrive $0xFFFF  }
0x373: {  	[sflag:s0] =	ssyncadd.tile.s32 @!p0 $0x1;
	_ =	shalt  }
.Lfunc_end2:
_tile_overlayer_lowered:
.L_overlay_start_2:
0x374: {  	(tag) =	ssettag $0x2  }
0x375: {  	s0 =	rddreg [dreg:$0x0];
	s2 =	stileid.u32  }
0x376: {  	s1 =	rddreg [dreg:$0x1];
	p0 =	sne.s32 s2, $0x0  }
0x377: {  	s3 =	rddreg [dreg:$0x2];
	[bflag:$0x3] =	sbarrier.arrive $0xFFFF;
	s2 =	simm.s32 @!p0 $0x1C03  }
0x378: {  	[timem:s3], [sflag:s2] =	dma.local @!p0 [hbm:s0], s1  }
0x379: {  	s0 =	simm.s32 @!p0 $0x3  }
0x37a: {  	_ =	swait.ge @!p0 [sflag:s0], s1  }
0x37b: {  	s1 =	ssub.s32 @!p0 $0x0, s1;
	[sflag:s0] =	ssyncset.done @!p0 $0x0  }
0x37c: {  	[sflag:s0] =	ssyncadd.s32 @!p0 s1  }
0x37d: {  	[bflag:$0x3] =	sbarrier.arrive $0xFFFF  }
0x37e: {  	_ =	shalt  }

// kernel: sparse-core-data-format-call.cloned.1.call-start
scs
called_computation_lowered:
.L_overlay_start_0:
0x0: {  	s2 =	sld [smem:$0x3FD9]  }
0x1: {  	s3 =	sld [smem:$0x3FFE];
	_ =	sdelay $0x1  }
0x2: {  	s1 =	srdreg.scid  }
0x3: {  	s0 =	sand.u32 $0x1, s1  }
0x4: {  	s18 =	sshll.u32 s0, $0xA;
	s2 =	sadd.s32 s3, s2  }
0x5: {  	s2 =	sadd.s32 s2, s18  }
0x6: {  	[smem:$0x3FBE] =	sst s2  }
0x7: {  	_ = 	snop  }
0x8: {  	s2 =	sld [smem:$0x3FD0];
	(tm) =	ssettm $0x1  }
0x9: {  	s19 =	sld [smem:$0x3FFB];
	_ =	sdelay $0x3  }
0xa: {  	_ =	strace s19  }
0xb: {  	s3 =	sld [smem:$0x3FFC];
	_ =	sdelay $0x3  }
0xc: {  	_ =	strace s3  }
0xd: {  	s3 =	sld [smem:$0x3FFD];
	_ =	sdelay $0x3  }
0xe: {  	_ =	strace s3  }
0xf: {  	_ =	strace $0x8FFFFFFF  }
0x10: {  	s20 =	sld [smem:$0x3FDB];
	_ =	sdelay $0x1  }
0x11: {  	s4 =	simm.s32 $_scs_section_size  }
0x12: {  	s5 =	simm.s32 $_size__tile_overlayer_lowered;
	s6 =	simm.s32 $_tile_overlayer_lowered  }
0x13: {  	s23 =	simm.s32 $0x1BFF;
	s22 =	sshll.u32 s6, $0x1;
	s3 =	sadd.s32 s4, s20  }
0x14: {  	s7 =	simm.s32 $0x0;
	s21 =	sshll.u32 s5, $0x1;
	s5 =	sadd.s32 s22, s3  }
0x15: {  	[timem:s7], [sflag:s23] =	dma.local [hbm:s5], s21  }
0x16: {  	_ =	swait.ge [sflag:s23], s21  }
0x17: {  	s4 =	ssub.s32 $0x0, s21;
	[sflag:s23] =	ssyncset.done $0x0  }
0x18: {  	[sflag:s23] =	ssyncadd.s32 s4;
	_ =	sdelay $0x1  }
0x19: {  	s24 =	simm.s32 $0x1B8B  }
0x1a: {  	_ =	swait.ge [sflag:s24], $0x1  }
0x1b: {  	[sflag:s24] =	ssyncset.done $0x0  }
0x1c: {  	s26 =	simm.s32 $0x1B8E;
	s25 =	sld [smem:$0x3FFE];
	[sflag:s24] =	ssyncadd.s32 $0xFFFFFFFF  }
0x1d: {  	s27 =	simm.s32 $execute0_lowered;
	[smem:$0x3FD2] =	sst s26  }
0x1e: {  	s5 =	sshll.u32 s27, $0x1;
	_ =	strace $0x80000049;
	[dreg:$0x1] =	wrdreg $0xFFFFFFFF  }
0x1f: {  	s28 =	simm.s32 $_size_execute0_lowered;
	s3 =	sadd.s32 s3, s5;
	[dreg:$0x0] =	wrdreg $0x0  }
0x20: {  	s5 =	sshll.u32 s28, $0x1;
	[dreg:$0x2] =	wrdreg s3  }
0x21: {  	[dreg:$0x3] =	wrdreg s5  }
0x22: {  	[dreg:$0x4] =	wrdreg $0xC0  }
0x23: {  	_ =	task [dreg:s7], $0x5FFFF  }
0x24: {  	[dreg:$0x1] =	wrdreg $0xFFFFFFFF  }
0x25: {  	[dreg:$0x0] =	wrdreg $0x60  }
0x26: {  	[dreg:$0x2] =	wrdreg s25  }
0x27: {  	[dreg:$0x3] =	wrdreg s2  }
0x28: {  	[dreg:$0x4] =	wrdreg $0x9  }
0x29: {  	_ =	task.clear_ibuf [dreg:s7], $0x5FFFF;
	_ =	strace $0x90000049  }
0x2a: {  	s29 =	simm.s32 $0x9;
	_ =	strace $0x8000004B  }
0x2b: {  	_ =	swait.ge [sflag:s29], $0x1  }
0x2c: {  	[sflag:s29] =	ssyncadd.s32 $0xFFFFFFFF  }
0x2d: {  	_ =	strace $0x9000004B  }
0x2e: {  	_ =	sfence  }
0x2f: {  	s30 =	sld [smem:$0x0];
	_ =	sdelay $0x2  }
0x30: {  	s31 =	sshll.u32 s1, $0xD;
	s1 =	sshrl.u32 s1, $0x2  }
0x31: {  	s3 =	sand.u32 $0x4000, s31;
	s1 =	sadd.s32 s1, s30  }
0x32: {  	s0 =	sor.u32 s3, s0;
	s1 =	sshll.u32 s1, $0x11  }
0x33: {  	s0 =	sor.u32 s1, s0  }
0x34: {  	s0 =	sadd.s32 $0x8F2B, s0  }
0x35: {  	[sflag:s0] =	ssyncadd.remote.s32 $0x1  }
0x36: {  	_ =	sfence.sel $0xFFFF  }
0x37: {  	[dreg:$0x0] =	wrdreg $0xFFFFFFFF;
	(pc) =	sbr.abs _section_cstart, $3  }
0x38: {  	[dreg:$0x1] =	wrdreg $0xFFFFFFFF  }
0x39: {  	_ =	task.clear_ibuf [dreg:s7], $0x2FFFF;
	_ =	strace $0x9FFFFFFF  }
0x3a: {  	(tm) =	ssettm $0x7FFFFFFF  }
0x3b: {  	_ =	shalt  }
tec
execute0_lowered:
.L_overlay_start_1:
0x0: {  	(tag) =	ssettag $0x1  }
0x1: {  	s4 =	rddreg [dreg:$0x0]  }
0x2: {  	s0 =	stileid.u32;
	s2 =	rddreg [dreg:$0x1]  }
0x3: {  	s1 =	rddreg [dreg:$0x2];
	_ =	strace $0x8000004A;
	s10 =	srdreg.scid  }
0x4: {  	s31 =	simm.s32 $0x2;
	s18 =	simm.s32 $0x0;
	s11 =	simm.s32 $0x2000  }
0x5: {  	s19 =	simm.s32 $0x0;
	s20 =	simm.s32 $0x0;
	s12 =	simm.s32 $0x0  }
0x6: {  	s13 =	simm.s32 $0x0;
	s14 =	simm.s32 $0x0;
	s3 =	sshll.u32 s0, $0x7  }
0x7: {  	s17 =	simm.s32 $0x0;
	s4 =	sadd.s32 $0x1C00, s4;
	s3 =	sand.u32 $0x380, s3  }
0x8: {  	s5 =	sshrl.u32 s0, $0x3;
	s30 =	sshll.u32 s10, $0x7;
	s6 =	ssub.s32 $0x400, s3  }
0x9: {  	s8 =	ssub.s32 $0xC8, s5;
	s7 =	sshrl.u32 s6, $0xA;
	s6 =	sand.u32 $0x380, s6  }
0xa: {  	s9 =	sshrl.u32 s8, $0x1;
	p0 =	sne.s32 s6, $0x0;
	s6 =	simm.s32 $0x1  }
.Ltmp0:
0xb: {  	s8 =	sand.u32 $0x1, s8;
	s6 =	simm.s32 @!p0 $0x0;
	(pc) =	sbr.rel .LBB1_1-.Ltmp0, $4  }
0xc: {  	s15 =	smov.u32 s5;
	s8 =	sadd.s32 s8, s9;
	s7 =	sadd.s32 s6, s7  }
0xd: {  	s16 =	smov.u32 s3;
	s6 =	simm.s32 $0x1;
	s7 =	smul.u32 s8, s7  }
0xe: {  	p0 =	por $0x0, $0x0;
	s8 =	sand.u32 $0x80, s30;
	[sflag:s6] =	ssyncpa.u1 $0x0  }
0xf: {  	[sflag:s31] =	ssyncpa.u1 $0x0;
	s9 =	sshll.u32 s8, $0x3;
	s10 =	sadd.s32 $0x1, s7  }
.LBB1_4:
0x10: {  	s25 =	sshra.s32 s25, $0x2;
	s26 =	sshrl.u32 s14, $0x7;
	p1 =	sgt.s32 s14, $0x380  }
0x11: {  	s27 =	sshra.s32 s14, $0x1F;
	s29 =	smov.u32 s13;
	s31 =	sshra.s32 s13, $0x1F  }
0x12: {  	s24 =	sadd.s32 s25, s24;
	s30 =	sadd.s32 s26, s12;
	s26 =	smov.u32 s14  }
0x13: {  	v5 =	vld [tilespmem:s22+$0xFFFFFFD0];
	[tilespmem:s23+$0x2040 ss:$0x81] =	vst.msk $0xffff, v4;
	s27 =	sand.u32 s27, s14;
	s25 =	sand.u32 $0x3FFFFF, s30;
	s26 =	simm.s32 @!p1 $0x380  }
0x14: {  	v58 =	vld [tilespmem:s22+$0xFFFFFFE0];
	[tilespmem:s23+$0x2850 ss:$0x81] =	vst.msk $0xffff, v3;
	p1 =	sgt.s32 s13, $0xC7;
	s28 =	smulhi.u32 $0x1555556, s25;
	s26 =	ssub.s32 s26, s27  }
0x15: {  	v59 =	vld [tilespmem:s22+$0xFFFFFFF0];
	[tilespmem:s23+$0x3060 ss:$0x81] =	vst.msk $0xffff, v2;
	s29 =	simm.s32 @!p1 $0xC7;
	s27 =	sand.u32 s31, s13;
	p1 =	sgt.s32 s12, $0x40  }
0x16: {  	v60 =	vld [tilespmem:s22+$0x0];
	[tilespmem:s23+$0x0 ss:$0x81] =	vst.msk $0xffff, v1;
	s23 =	ssub.s32 s29, s27;
	s27 =	smov.u32 s12;
	s30 =	sadd.s32 $0xFFFFFC80, s26  }
0x17: {  	v61 =	vld [tilespmem:s22+$0x10];
	[tilespmem:s24+$0x3870 ss:$0x81] =	vst.msk $0xffff, v0;
	s26 =	ssub.s32 $0x400, s26;
	s27 =	simm.s32 @!p1 $0x40;
	p1 =	sgt.s32 s30, $0x7F  }
0x18: {  	v62 =	vld [tilespmem:s22+$0x20];
	s28 =	smul.u32 $0xC0, s28;
	[tilespmem:s24+$0x810 ss:$0x81] =	vst.msk $0xffff, v5;
	s27 =	ssub.s32 $0xC0, s27;
	s26 =	simm.s32 @p1 $0x0  }
0x19: {  	v63 =	vld [tilespmem:s22+$0xFFFFFFC0];
	s29 =	sand.u32 $0x7, s14;
	s31 =	sadd.s32 $0xFFFFFF39, s23;
	[tilespmem:s24+$0x1020 ss:$0x81] =	vst.msk $0xffff, v58;
	s26 =	smul.u32 s27, s26  }
0x1a: {  	s22 =	ssub.s32 $0xC8, s23;
	[tilespmem:s24+$0x1830 ss:$0x81] =	vst.msk $0xffff, v59;
	p1 =	sgt.s32 s31, $0x0;
	s27 =	smul.u32 $0x6000, s13  }
0x1b: {  	[tilespmem:s24+$0x2040 ss:$0x81] =	vst.msk $0xffff, v60;
	s22 =	simm.s32 @p1 $0x0;
	s25 =	ssub.s32 s25, s28;
	s28 =	sshrl.u32 s14, $0x3  }
0x1c: {  	[tilespmem:s24+$0x2850 ss:$0x81] =	vst.msk $0xffff, v61;
	s23 =	sand.u32 $0xF, s28;
	s22 =	smul.u32 s22, s26;
	s26 =	sadd.s32 s2, s27  }
0x1d: {  	[tilespmem:s24+$0x3060 ss:$0x81] =	vst.msk $0xffff, v62;
	s30 =	sshll.u32 s29, $0x12;
	s25 =	sshll.u32 s25, $0x7;
	s23 =	sadd.s32 s23, s26  }
0x1e: {  	[tilespmem:s24+$0x0 ss:$0x81] =	vst.msk $0xffff, v63;
	s31 =	sor.u32 $0x400, s30;
	s22 =	sand.u32 $0x3FFFFFFF, s22;
	s23 =	sadd.s32 s25, s23  }
0x1f: {  	[hbm4b:s23+s31] =	stream.strided.scatter [tilespmem:s21], [sflag:$0x2], s22, s11, s31, $0x20;
	[tilespmem:$0x10100] =	vst v63  }
.LBB1_5:
0x20: {  	p1 =	slt.u32 s17, $0x2;
	s21 =	smov.u32 s19  }
0x21: {  	s22 =	smov.u32 s20;
	p2 =	sgt.s32 @!p1 s19, $0xC7;
	p3 =	sgt.s32 @!p1 s20, $0x380  }
0x22: {  	s23 =	sshra.s32 @!p1 s20, $0x1F;
	p2 =	por !p2, p1;
	p3 =	por !p3, p1  }
0x23: {  	s20 =	sand.u32 @!p1 s23, s20;
	s21 =	simm.s32 @p2 $0xC7;
	s22 =	simm.s32 @p3 $0x380  }
0x24: {  	p2 =	sgt.s32 @!p1 s18, $0x40;
	s20 =	ssub.s32 @!p1 s22, s20;
	s22 =	sshra.s32 @!p1 s19, $0x1F  }
0x25: {  	p2 =	por !p2, p1;
	s19 =	sand.u32 @!p1 s22, s19;
	s22 =	sadd.s32 @!p1 $0xFFFFFC80, s20  }
0x26: {  	s18 =	simm.s32 @p2 $0x40;
	s19 =	ssub.s32 @!p1 s21, s19;
	p2 =	sgt.s32 @!p1 s22, $0x7F  }
0x27: {  	s20 =	ssub.s32 @!p1 $0x400, s20;
	s21 =	sadd.s32 @!p1 $0xFFFFFF39, s19;
	p2 =	por !p2, p1  }
0x28: {  	s18 =	ssub.s32 @!p1 $0xC0, s18;
	s20 =	simm.s32 @!p2 $0x0;
	p2 =	sgt.s32 @!p1 s21, $0x0  }
0x29: {  	s19 =	ssub.s32 @!p1 $0xC8, s19;
	p2 =	por !p2, p1;
	s18 =	smul.u32 @!p1 s18, s20  }
0x2a: {  	s23 =	smov.u32 s16;
	s21 =	sadd.s32 $0x2, s15;
	s19 =	simm.s32 @!p2 $0x0  }
0x2b: {  	p2 =	sgt.s32 s21, $0xC7;
	s18 =	smul.u32 @!p1 s19, s18;
	s19 =	sadd.s32 $0x400, s16  }
0x2c: {  	s25 =	sadd.s32 $0x1, s17;
	s23 =	smov.u32 @p2 s19  }
0x2d: {  	p0 =	por !p0, !p0;
	s21 =	smov.u32 @p2 s5;
	p2 =	sgt.s32 s23, $0x3FF  }
0x2e: {  	s22 =	simm.s32 @!p1 $0x2;
	s23 =	smov.u32 @p2 s3;
	p2 =	sne.s32 s17, s10  }
.Ltmp1:
0x2f: {  	s20 =	smov.u32 s14;
	s14 =	smov.u32 s16;
	(pc) =	sbr.rel @!p2 .LBB1_6-.Ltmp1, $4  }
0x30: {  	s19 =	smov.u32 s13;
	s13 =	smov.u32 s15;
	s18 =	sand.u32 @!p1 $0x3FFFFFFF, s18  }
0x31: {  	s15 =	smov.u32 s21;
	_ =	swait.ge @!p1 [sflag:s22], s18;
	s24 =	ssub.s32 @!p1 $0x0, s18  }
0x32: {  	s18 =	smov.u32 s12;
	s12 =	smov.u32 s8;
	[sflag:s22] =	ssyncset.done @!p1 $0x0  }
0x33: {  	s17 =	smov.u32 s25;
	s16 =	smov.u32 s23;
	[sflag:s22] =	ssyncadd.s32 @!p1 s24  }
.LBB1_1:
0x34: {  	p1 =	sge.u32 s17, s7  }
0x35: {  	s21 =	sshll.u32 @!p1 s15, $0x8  }
0x36: {  	s22 =	sshll.u32 @!p1 s15, $0x7;
	s21 =	sand.u32 @!p1 $0xFFFFF800, s21  }
0x37: {  	s22 =	sand.u32 @!p1 $0x300, s22;
	s21 =	sor.u32 @!p1 s9, s21  }
0x38: {  	s21 =	sor.u32 @!p1 s22, s21  }
0x39: {  	s21 =	sshrl.u32 @!p1 s21, $0x8  }
0x3a: {  	s22 =	smulhi.u32 @!p1 $0x147AE15, s21;
	_ =	sdelay $0x1  }
0x3b: {  	s22 =	smul.u32 @!p1 $0xC8, s22  }
0x3c: {  	s31 =	sadd.s32 $0xFFFFFFFF, s17;
	s23 =	smul.u32 @!p1 $0x1900, s16  }
0x3d: {  	s24 =	sxor.u32 @!p1 $0xFFFFFFFF, s17;
	s21 =	ssub.s32 @!p1 s21, s22;
	s22 =	sshll.u32 @!p1 s15, $0x4  }
0x3e: {  	s24 =	sshll.u32 @!p1 s24, $0xE;
	s23 =	sadd.s32 @!p1 s4, s23;
	s22 =	sand.u32 @!p1 $0x10, s22  }
0x3f: {  	s24 =	sand.u32 @!p1 $0x4000, s24;
	s21 =	sshll.u32 @!p1 s21, $0x5;
	s22 =	sadd.s32 @!p1 s22, s23  }
0x40: {  	s23 =	simm.s32 @!p1 $0xC800;
	s21 =	sadd.s32 @!p1 s21, s22;
	s22 =	simm.s32 @!p1 $0x80  }
0x41: {  	[tilespmem:s24], [sflag:$0x1] =	stream.strided.gather @!p1 [hbm4b:s21+s22], $0x4000, s23, s22, $0x38;
	[tilespmem:$0x10100] =	vst v63  }
0x42: {  	p1 =	sge.u32 s31, s7  }
.Ltmp2:
0x43: {  	_ = 	snop;
	(pc) =	sbr.rel @p1 .LBB1_5-.Ltmp2, $1  }
0x44: {  	_ =	sdelay $0x3  }
0x45: {  	s21 =	simm.s32 $0x1  }
0x46: {  	_ =	swait.ge [sflag:s6], $0x4000;
	s21 =	simm.s32 @!p0 $0x0  }
0x47: {  	[sflag:s6] =	ssyncset.done $0x0;
	s22 =	sshll.u32 s21, $0xE  }
0x48: {  	[sflag:s6] =	ssyncadd.s32 $0xFFFFC000;
	s22 =	sor.u32 $0x40, s22  }
0x49: {  	s21 =	smul.u32 $0x10200, s21;
	v0 =	vld [tilespmem:s22+$0x30]  }
0x4a: {  	v1 =	vld [tilespmem:s22+$0xFFFFFFD0]  }
0x4b: {  	s21 =	sshrl.u32 s21, $0x2;
	v5 =	vld [tilespmem:s22+$0xFFFFFFE0]  }
0x4c: {  	v6 =	vld [tilespmem:s22+$0xFFFFFFF0];
	s24 =	sor.u32 $0x8000, s21  }
0x4d: {  	s31 =	sand.u32 $0x1, s17;
	v4 =	vld [tilespmem:s22+$0x0];
	s23 =	sadd.s32 $0x0, s24  }
0x4e: {  	v3 =	vld [tilespmem:s22+$0x10];
	s21 =	smul.u32 $0x10200, s31;
	[tilespmem:s23+$0x3870 ss:$0x81] =	vst.msk $0xffff, v0  }
0x4f: {  	v2 =	vld [tilespmem:s22+$0x20];
	[tilespmem:s23+$0x810 ss:$0x81] =	vst.msk $0xffff, v1  }
0x50: {  	s21 =	sshrl.u32 s21, $0x2;
	v1 =	vld [tilespmem:s22+$0xFFFFFFC0];
	[tilespmem:s23+$0x1020 ss:$0x81] =	vst.msk $0xffff, v5;
	s22 =	sadd.s32 $0x80, s22  }
0x51: {  	s25 =	simm.s32 $0x4;
	s26 =	simm.s32 $0x8;
	s21 =	sor.u32 $0x8000, s21;
	[tilespmem:s23+$0x1830 ss:$0x81] =	vst.msk $0xffff, v6;
	v0 =	vld [tilespmem:s22+$0x30]  }
.LBB1_3:
0x52: {  	p1 =	sne.s32 s26, $0x1FC;
	v5 =	vld [tilespmem:s22+$0xFFFFFFD0];
	[tilespmem:s23+$0x2040 ss:$0x81] =	vst.msk $0xffff, v4  }
0x53: {  	v6 =	vld [tilespmem:s22+$0xFFFFFFE0];
	[tilespmem:s23+$0x2850 ss:$0x81] =	vst.msk $0xffff, v3  }
0x54: {  	s27 =	sshra.s32 s25, $0x2;
	s25 =	smov.u32 s26;
	v7 =	vld [tilespmem:s22+$0xFFFFFFF0];
	[tilespmem:s23+$0x3060 ss:$0x81] =	vst.msk $0xffff, v2  }
.Ltmp3:
0x55: {  	v4 =	vld [tilespmem:s22+$0x0];
	[tilespmem:s23+$0x0 ss:$0x81] =	vst.msk $0xffff, v1;
	s23 =	sadd.s32 s27, s24;
	(pc) =	sbr.rel @p1 .LBB1_3-.Ltmp3, $4  }
0x56: {  	v3 =	vld [tilespmem:s22+$0x10];
	[tilespmem:s23+$0x3870 ss:$0x81] =	vst.msk $0xffff, v0  }
0x57: {  	[tilespmem:s23+$0x810 ss:$0x81] =	vst.msk $0xffff, v5;
	v2 =	vld [tilespmem:s22+$0x20]  }
0x58: {  	v1 =	vld [tilespmem:s22+$0xFFFFFFC0];
	[tilespmem:s23+$0x1020 ss:$0x81] =	vst.msk $0xffff, v6;
	s22 =	sadd.s32 $0x80, s22  }
0x59: {  	s26 =	sadd.s32 $0x4, s26;
	v0 =	vld [tilespmem:s22+$0x30];
	[tilespmem:s23+$0x1830 ss:$0x81] =	vst.msk $0xffff, v7  }
.Ltmp4:
0x5a: {  	_ = 	snop;
	(pc) =	sbr.rel .LBB1_4-.Ltmp4, $1  }
0x5b: {  	_ =	sdelay $0x3  }
.LBB1_6:
0x5c: {  	_ =	sfence.sel $0x180000  }
0x5d: {  	s2 =	simm.s32 $0x1;
	[bflag:$0x0] =	sbarrier.arrive $0xFFFF  }
0x5e: {  	s31 =	simm.s32 $0x2;
	[sflag:s2] =	ssyncpa.u1 $0x1  }
0x5f: {  	[sflag:s31] =	ssyncpa.u1 $0x1  }
0x60: {  	p0 =	sne.s32 s0, $0x0;
	_ =	strace $0x9000004A  }
0x61: {  	s0 =	sadd.s32 @!p0 $0x100000, s1;
	[bflag:$0x2] =	sbarrier.arrive $0xFFFF  }
0x62: {  	[sflag:s0] =	ssyncadd.tile.s32 @!p0 $0x1;
	_ =	shalt  }
.Lfunc_end1:
_tile_overlayer_lowered:
.L_overlay_start_2:
0x63: {  	(tag) =	ssettag $0x2  }
0x64: {  	s0 =	rddreg [dreg:$0x0];
	s2 =	stileid.u32  }
0x65: {  	s1 =	rddreg [dreg:$0x1];
	p0 =	sne.s32 s2, $0x0  }
0x66: {  	s3 =	rddreg [dreg:$0x2];
	[bflag:$0x3] =	sbarrier.arrive $0xFFFF;
	s2 =	simm.s32 @!p0 $0x1C01  }
0x67: {  	[timem:s3], [sflag:s2] =	dma.local @!p0 [hbm:s0], s1  }
0x68: {  	s0 =	simm.s32 @!p0 $0x1  }
0x69: {  	_ =	swait.ge @!p0 [sflag:s0], s1  }
0x6a: {  	s1 =	ssub.s32 @!p0 $0x0, s1;
	[sflag:s0] =	ssyncset.done @!p0 $0x0  }
0x6b: {  	[sflag:s0] =	ssyncadd.s32 @!p0 s1  }
0x6c: {  	[bflag:$0x3] =	sbarrier.arrive $0xFFFF  }
0x6d: {  	_ =	shalt  }

</sc_bundles>
